<compile_context>
chip_gen: v7x
topology: tpu7x:2x2x1
jax: 0.10.2.dev20260603
libtpu: 0.0.44.dev20260713+nightly
codegen_flags: <defaults>
</compile_context>

<pallas_src>
import functools

import jax
import jax.numpy as jnp
from jax import lax
from jax.experimental import pallas as pl
from jax.experimental.pallas import tpu as pltpu
from jax.experimental.pallas import tpu_sc as plsc

N_NODES = 10000
N_EDGES = 320000
N_TYPES = 4
N_GRAPHS = 128
H = 128
D_FEAT = 128
PE_DIM = 16

NC, NS = 2, 16
NW = NC * NS
EC = 128
E_ROWS = 2560
E_PAD = E_ROWS * EC
ROWS_PT = E_ROWS // NW
IB = 4
N_CHUNK = ROWS_PT // IB
N_AGG = 10208
STRIPE = N_AGG // NS

BN = 400
NB = N_NODES // BN

_HIGH = jax.lax.Precision.HIGHEST



def _rid_body(src_ref, attr_ref, rid_ref):
    rid_ref[...] = attr_ref[...] * N_NODES + src_ref[...]


def _compute_rid(src_p, attr_p):
    return pl.pallas_call(
        _rid_body,
        out_shape=jax.ShapeDtypeStruct((E_ROWS, EC), jnp.int32),
        grid=(E_ROWS // 256,),
        in_specs=[pl.BlockSpec((256, EC), lambda i: (i, 0)),
                  pl.BlockSpec((256, EC), lambda i: (i, 0))],
        out_specs=pl.BlockSpec((256, EC), lambda i: (i, 0)),
    )(src_p, attr_p)



def _table_body(x_ref, emb_ref, out_ref):
    out_ref[...] = jnp.maximum(
        x_ref[...][None, :, :] + emb_ref[...][:, None, :], 0.0)


def _build_table(x, emb, din):
    t = pl.pallas_call(
        _table_body,
        out_shape=jax.ShapeDtypeStruct((N_TYPES, N_NODES, din), jnp.float32),
        grid=(NB,),
        in_specs=[pl.BlockSpec((BN, din), lambda i: (i, 0)),
                  pl.BlockSpec((N_TYPES, din), lambda i: (0, 0))],
        out_specs=pl.BlockSpec((N_TYPES, BN, din), lambda i: (0, i, 0)),
    )(x, emb)
    return t.reshape(N_TYPES * N_NODES, din)



@functools.lru_cache(maxsize=None)
def _make_sc_agg(widths):
    n_tab = len(widths)
    mesh = plsc.VectorSubcoreMesh(core_axis_name="c", subcore_axis_name="s",
                                  num_cores=NC, num_subcores=NS)
    scratch = [pltpu.VMEM((2, IB, EC), jnp.int32),
               pltpu.VMEM((2, IB, EC), jnp.int32)]
    scratch += [pltpu.VMEM((2, EC, d), jnp.float32) for d in widths]
    scratch += [pltpu.VMEM_SHARED((N_AGG, d), jnp.float32) for d in widths]
    scratch += [pltpu.SemaphoreType.DMA] * n_tab
    out_type = tuple(jax.ShapeDtypeStruct((NC, N_AGG, d), jnp.float32)
                     for d in widths)

    def body(*refs):
        tabs = refs[:n_tab]
        rid_hbm = refs[n_tab]
        dst_hbm = refs[n_tab + 1]
        outs = refs[n_tab + 2: 2 * n_tab + 2]
        rid_v = refs[2 * n_tab + 2]
        dst_v = refs[2 * n_tab + 3]
        rows = refs[2 * n_tab + 4: 3 * n_tab + 4]
        aggs = refs[3 * n_tab + 4: 4 * n_tab + 4]
        sems = refs[4 * n_tab + 4: 5 * n_tab + 4]

        c = lax.axis_index("c")
        s = lax.axis_index("s")
        wid = s * NC + c
        base = wid * ROWS_PT

        def refill(chunk):
            slot = lax.rem(chunk, 2)
            pltpu.sync_copy(rid_hbm.at[pl.ds(base + chunk * IB, IB)],
                            rid_v.at[slot])
            pltpu.sync_copy(dst_hbm.at[pl.ds(base + chunk * IB, IB)],
                            dst_v.at[slot])

        def idx_row(ref, t):
            return ref.at[lax.rem(t // IB, 2), lax.rem(t, IB)]

        for i, d in enumerate(widths):
            def zrow(r, _, i=i, d=d):
                for j in range(d // 16):
                    rows[i][0, r, pl.ds(j * 16, 16)] = jnp.zeros(
                        (16,), jnp.float32)
                return 0
            lax.fori_loop(0, EC, zrow, 0)
            for k in range(STRIPE // EC):
                pltpu.sync_copy(rows[i].at[0],
                                aggs[i].at[pl.ds(s * STRIPE + k * EC, EC)])
            rem = STRIPE % EC
            if rem:
                pltpu.sync_copy(
                    rows[i].at[0, pl.ds(0, rem)],
                    aggs[i].at[pl.ds(s * STRIPE + (STRIPE // EC) * EC, rem)])
        plsc.subcore_barrier()

        refill(0)
        for i in range(n_tab):
            pltpu.async_copy(tabs[i].at[idx_row(rid_v, 0)], rows[i].at[0],
                             sems[i])

        def step(g, _):
            b = lax.rem(g, 2)

            @pl.when(jnp.logical_and(lax.rem(g, IB) == 0,
                                     g // IB + 1 < N_CHUNK))
            def _():
                refill(g // IB + 1)

            for i in range(n_tab):
                pltpu.make_async_copy(tabs[i].at[idx_row(rid_v, g)],
                                      rows[i].at[b], sems[i]).wait()

            @pl.when(g + 1 < ROWS_PT)
            def _():
                for i in range(n_tab):
                    pltpu.async_copy(tabs[i].at[idx_row(rid_v, g + 1)],
                                     rows[i].at[1 - b], sems[i])

            for i in range(n_tab):
                pltpu.sync_copy(rows[i].at[b], aggs[i].at[idx_row(dst_v, g)],
                                add=True)
            return 0

        lax.fori_loop(0, ROWS_PT, step, 0)
        plsc.subcore_barrier()

        for i in range(n_tab):
            pltpu.sync_copy(aggs[i].at[pl.ds(s * STRIPE, STRIPE)],
                            outs[i].at[c, pl.ds(s * STRIPE, STRIPE)])

    return pl.kernel(body, out_type=out_type, mesh=mesh,
                     scratch_types=scratch,
                     compiler_params=pltpu.CompilerParams(
                         use_tc_tiling_on_sc=False))



def _mlp_body(residual, n_agg, x_ref, *refs):
    agg_refs = refs[:n_agg]
    eps_ref, w1_ref, b1_ref, w2_ref, b2_ref, out_ref = refs[n_agg:]
    e = eps_ref[0, 0]
    parts = [a[0] + a[1] for a in agg_refs]
    agg = parts[0] if n_agg == 1 else jnp.concatenate(parts, axis=1)
    z = (1.0 + e) * x_ref[...] + agg
    h = jnp.dot(z.astype(jnp.bfloat16), w1_ref[...].astype(jnp.bfloat16),
                preferred_element_type=jnp.float32) + b1_ref[...]
    h = jnp.maximum(h, 0.0)
    h = jnp.dot(h.astype(jnp.bfloat16), w2_ref[...].astype(jnp.bfloat16),
                preferred_element_type=jnp.float32) + b2_ref[...]
    if residual:
        h = h + x_ref[...]
    out_ref[...] = h


def _layer_mlp(x, aggs, widths, eps2d, w1, b1, w2, b2, residual):
    din = sum(widths)
    agg_specs = [pl.BlockSpec((NC, BN, d), lambda i: (0, i, 0))
                 for d in widths]
    return pl.pallas_call(
        functools.partial(_mlp_body, residual, len(widths)),
        out_shape=jax.ShapeDtypeStruct((N_NODES, H), jnp.float32),
        grid=(NB,),
        in_specs=[pl.BlockSpec((BN, din), lambda i: (i, 0))] + agg_specs + [
            pl.BlockSpec((1, 1), lambda i: (0, 0)),
            pl.BlockSpec((din, H), lambda i: (0, 0)),
            pl.BlockSpec((1, H), lambda i: (0, 0)),
            pl.BlockSpec((H, H), lambda i: (0, 0)),
            pl.BlockSpec((1, H), lambda i: (0, 0)),
        ],
        out_specs=pl.BlockSpec((BN, H), lambda i: (i, 0)),
    )(x, *aggs, eps2d, w1, b1.reshape(1, H), w2, b2.reshape(1, H))



def _head_body(x_ref, sn_ref, bt_ref, w1_ref, b1_ref, w2r_ref, b2_ref,
               out_ref, sums_ref, cnts_ref):
    i = pl.program_id(0)

    @pl.when(i == 0)
    def _():
        sums_ref[...] = jnp.zeros_like(sums_ref)
        cnts_ref[...] = jnp.zeros_like(cnts_ref)

    y = x_ref[...] * sn_ref[...]
    gids = jax.lax.broadcasted_iota(jnp.int32, (1, N_GRAPHS), 1)
    oh = (bt_ref[...] == gids).astype(jnp.float32)
    sums_ref[...] += jax.lax.dot_general(
        oh, y, (((0,), (0,)), ((), ())), precision=_HIGH,
        preferred_element_type=jnp.float32)
    cnts_ref[...] += jax.lax.dot_general(
        oh, jnp.ones((BN, 1), jnp.float32), (((0,), (0,)), ((), ())),
        precision=_HIGH, preferred_element_type=jnp.float32)

    @pl.when(i == NB - 1)
    def _():
        pooled = sums_ref[...] / jnp.maximum(cnts_ref[...], 1.0)
        h = jnp.dot(pooled.astype(jnp.bfloat16),
                    w1_ref[...].astype(jnp.bfloat16),
                    preferred_element_type=jnp.float32) + b1_ref[...]
        h = jnp.maximum(h, 0.0)
        hb = h.astype(jnp.bfloat16).astype(jnp.float32)
        wb = w2r_ref[...].astype(jnp.bfloat16).astype(jnp.float32)
        out_ref[...] = (jnp.sum(hb * wb, axis=1, keepdims=True)
                        + b2_ref[0, 0])


def _pool_head(x, snorm2d, batch2d, w1, b1, w2row, b2s):
    return pl.pallas_call(
        _head_body,
        out_shape=jax.ShapeDtypeStruct((N_GRAPHS, 1), jnp.float32),
        grid=(NB,),
        in_specs=[
            pl.BlockSpec((BN, H), lambda i: (i, 0)),
            pl.BlockSpec((BN, 1), lambda i: (i, 0)),
            pl.BlockSpec((BN, 1), lambda i: (i, 0)),
            pl.BlockSpec((H, H), lambda i: (0, 0)),
            pl.BlockSpec((1, H), lambda i: (0, 0)),
            pl.BlockSpec((1, H), lambda i: (0, 0)),
            pl.BlockSpec((1, 1), lambda i: (0, 0)),
        ],
        out_specs=pl.BlockSpec((N_GRAPHS, 1), lambda i: (0, 0)),
        scratch_shapes=[pltpu.VMEM((N_GRAPHS, H), jnp.float32),
                        pltpu.VMEM((N_GRAPHS, 1), jnp.float32)],
    )(x, snorm2d, batch2d, w1, b1, w2row, b2s)




def kernel(X_n, edge_index, edge_attr, PE, snorm, batch, params):
    src = edge_index[0].astype(jnp.int32)
    dst = edge_index[1].astype(jnp.int32)
    attr = edge_attr.astype(jnp.int32)

    perm = jnp.argsort(dst, stable=True)
    dst_s = dst[perm]
    src_s = src[perm]
    attr_s = attr[perm]
    epw = N_EDGES // NW
    starts = dst_s[jnp.arange(NW) * epw]
    cuts = jnp.searchsorted(dst_s, starts, side="left").astype(jnp.int32)
    eidx = jnp.arange(N_EDGES, dtype=jnp.int32)
    tile_of = (jnp.searchsorted(cuts, eidx, side="right") - 1).astype(
        jnp.int32)
    tpw = E_PAD // NW
    pos = tile_of * tpw + (eidx - cuts[tile_of])
    pi = jnp.arange(E_PAD, dtype=jnp.int32)
    src_p = (pi % N_NODES).at[pos].set(src_s).reshape(E_ROWS, EC)
    attr_p = (pi % N_TYPES).at[pos].set(attr_s).reshape(E_ROWS, EC)
    dst_p = (N_NODES + pi % (N_AGG - N_NODES)).at[pos].set(dst_s).reshape(
        E_ROWS, EC)
    rid = _compute_rid(src_p, attr_p)

    layers = params["layers"]

    lp = layers[0]
    emb = lp["edge_emb"]
    ta = _build_table(X_n, emb[:, :D_FEAT], D_FEAT)
    tb = _build_table(PE, emb[:, D_FEAT:], PE_DIM)
    agg_a, agg_b = _make_sc_agg((D_FEAT, PE_DIM))(ta, tb, rid, dst_p)
    x0 = jnp.concatenate([X_n, PE], axis=-1)
    eps2d = jnp.reshape(lp["eps"], (1, 1))
    x = _layer_mlp(x0, [agg_a, agg_b], (D_FEAT, PE_DIM), eps2d,
                   lp["W1"], lp["b1"], lp["W2"], lp["b2"], residual=False)

    for lp in layers[1:]:
        t = _build_table(x, lp["edge_emb"], H)
        (agg,) = _make_sc_agg((H,))(t, rid, dst_p)
        eps2d = jnp.reshape(lp["eps"], (1, 1))
        x = _layer_mlp(x, [agg], (H,), eps2d,
                       lp["W1"], lp["b1"], lp["W2"], lp["b2"], residual=True)

    hp = params["head"]
    y = _pool_head(x, snorm.reshape(N_NODES, 1),
                   batch.astype(jnp.int32).reshape(N_NODES, 1),
                   hp["W1"], hp["b1"].reshape(1, H),
                   hp["W2"].reshape(1, H), hp["b2"].reshape(1, 1))
    return y.reshape(N_GRAPHS)

# --- scband reference (transcript-rebuilt; emitter-appended) ---
"""Pipeline reference for scband-ginebase-model-44573170597948 (READ-ONLY COPY).

The authoritative reference and input builder live on the scoring server;
editing this copy changes nothing except your own understanding.
"""

import jax, jax.numpy as jnp
import numpy as np

N_NODES = 10000
N_EDGES = 320000
D_FEAT = 128
PE_DIM = 16
IN_DIMS = D_FEAT + PE_DIM
HIDDEN = 128
N_LAYERS = 3
N_EDGE_TYPES = 4
N_GRAPHS = 128


def _mlp_params(key, din, dhid, dout):
    k1, k2 = jax.random.split(key)
    return {
        "W1": jax.random.normal(k1, (din, dhid), dtype=jnp.float32) * 0.05,
        "b1": jnp.zeros((dhid,), dtype=jnp.float32),
        "W2": jax.random.normal(k2, (dhid, dout), dtype=jnp.float32) * 0.05,
        "b2": jnp.zeros((dout,), dtype=jnp.float32),
    }


def setup_inputs(seed: int = 0) -> dict:
    key = jax.random.key(seed)
    ks = jax.random.split(key, 16)
    X_n = jax.random.normal(ks[0], (N_NODES, D_FEAT), dtype=jnp.float32)
    edge_index = jax.random.randint(ks[1], (2, N_EDGES), 0, N_NODES, dtype=jnp.int64)
    edge_attr = jax.random.randint(ks[2], (N_EDGES,), 0, N_EDGE_TYPES, dtype=jnp.int64)
    PE = jax.random.normal(ks[3], (N_NODES, PE_DIM), dtype=jnp.float32)
    snorm = jax.random.uniform(ks[4], (N_NODES,), dtype=jnp.float32)
    batch = jnp.sort(jax.random.randint(ks[5], (N_NODES,), 0, N_GRAPHS, dtype=jnp.int64))
    dims = [(IN_DIMS, HIDDEN), (HIDDEN, HIDDEN), (HIDDEN, HIDDEN)]
    layers = []
    for i, (din, dout) in enumerate(dims):
        kk = jax.random.fold_in(ks[6], i)
        ke, km = jax.random.split(kk)
        lp = _mlp_params(km, din, HIDDEN, dout)
        lp["edge_emb"] = jax.random.normal(ke, (N_EDGE_TYPES, din), dtype=jnp.float32) * 0.05
        lp["eps"] = jnp.zeros((), dtype=jnp.float32)
        layers.append(lp)
    head = _mlp_params(ks[7], HIDDEN, HIDDEN, 1)
    params = {"layers": layers, "head": head}
    return {"X_n": X_n, "edge_index": edge_index, "edge_attr": edge_attr, "PE": PE, "snorm": snorm, "batch": batch, "params": params}


def _forward(X_n, PE, snorm, params, edge_index, edge_attr, batch):
    x = jnp.concatenate([X_n, PE], axis=-1)
    src = edge_index[0]
    dst = edge_index[1]
    for lp in params["layers"]:
        msg = jax.nn.relu(x[src] + lp["edge_emb"][edge_attr])
        agg = jax.ops.segment_sum(msg, dst, num_segments=x.shape[0])
        h = (1.0 + lp["eps"]) * x + agg
        h = jax.nn.relu(h @ lp["W1"] + lp["b1"]) @ lp["W2"] + lp["b2"]
        if h.shape == x.shape:
            h = h + x
        x = h
    x = x * snorm[:, None]
    sums = jax.ops.segment_sum(x, batch, num_segments=N_GRAPHS)
    cnts = jax.ops.segment_sum(jnp.ones((x.shape[0],), dtype=x.dtype), batch, num_segments=N_GRAPHS)
    pooled = sums / jnp.clip(cnts, 1.0)[:, None]
    hp = params["head"]
    y = jax.nn.relu(pooled @ hp["W1"] + hp["b1"]) @ hp["W2"] + hp["b2"]
    return jnp.squeeze(y, axis=1)


def reference(X_n, edge_index, edge_attr, PE, snorm, batch, params):
    return _forward(X_n, PE, snorm, params, edge_index, edge_attr, batch)

if __name__ == "__main__":
    import jax
    _d = setup_inputs()
    print(jax.jit(kernel)(*tuple(_d.values())))

</pallas_src>

<mosaic_0001>
#map = affine_map<(d0, d1) -> (0, 0)>
#map1 = affine_map<(d0, d1) -> (0, 0, 0)>
module attributes {stable_mosaic.version = 14 : i64} {
  func.func @body(%arg0: i32, %arg1: i32, %arg2: memref<40000x128xf32, #tpu.memory_space<hbm>>, %arg3: memref<40000x16xf32, #tpu.memory_space<hbm>>, %arg4: memref<2560x128xi32, #tpu.memory_space<hbm>>, %arg5: memref<2560x128xi32, #tpu.memory_space<hbm>>, %arg6: memref<2x10208x128xf32, #tpu.memory_space<hbm>>, %arg7: memref<2x10208x16xf32, #tpu.memory_space<hbm>>, %arg8: memref<2x4x128xi32, #tpu.memory_space<vmem>>, %arg9: memref<2x4x128xi32, #tpu.memory_space<vmem>>, %arg10: memref<2x128x128xf32, #tpu.memory_space<vmem>>, %arg11: memref<2x128x16xf32, #tpu.memory_space<vmem>>, %arg12: memref<10208x128xf32, #tpu.memory_space<vmem_shared>>, %arg13: memref<10208x16xf32, #tpu.memory_space<vmem_shared>>, %arg14: memref<!tpu.dma_semaphore, #tpu.memory_space<semaphore_mem>>, %arg15: memref<!tpu.dma_semaphore, #tpu.memory_space<semaphore_mem>>) attributes {dimension_semantics = [#tpu.dimension_semantics<core_parallel>, #tpu.dimension_semantics<subcore_parallel>], iteration_bounds = array<i64: 2, 16>, scalar_prefetch = 0 : i64, scratch_operands = 8 : i64, tpu.core_type = #tpu.core_type<sc_vector_subcore>, window_params = [{transform_indices = #map}, {transform_indices = #map}, {transform_indices = #map}, {transform_indices = #map}, {transform_indices = #map1}, {transform_indices = #map1}]} {
    %mul3A = arith.constant 2 : i32
    %mul3A_0 = arith.muli %arg1, %mul3A : i32
    %add3A = arith.addi %mul3A_0, %arg0 : i32
    %mul3A_1 = arith.constant 80 : i32
    %mul3A_2 = arith.muli %add3A, %mul3A_1 : i32
    %scan3A = arith.constant 0 : i32
    %scan3A_3 = arith.constant 0 : i32
    %scan3A_4 = arith.constant 128 : i32
    %scan3A_5 = arith.addi %scan3A_3, %scan3A_4 : i32
    %scan3A_6 = arith.constant 1 : i32
    %scan3A_7 = scf.for %scan3A_120 = %scan3A_3 to %scan3A_5 step %scan3A_6 iter_args(%scan3A_121 = %scan3A) -> (i32)  : i32 {
      %broadcast_in_dim3A = arith.constant 0.000000e+00 : f32
      %broadcast_in_dim3A_122 = vector.broadcast %broadcast_in_dim3A : f32 to vector<16xf32>
      %swap3A = arith.constant 0 : i32
      %swap3A_123 = arith.index_cast %swap3A : i32 to index
      %swap3A_124 = arith.index_cast %scan3A_120 : i32 to index
      %swap3A_125 = arith.constant 0 : index
      %swap3A_126 = tpu.vector_load %arg10[%swap3A_123, %swap3A_124, %swap3A_125] {strides = array<i32>} : memref<2x128x128xf32, #tpu.memory_space<vmem>>, vector<1x1x16xf32>,
      %swap3A_127 = vector.shape_cast %swap3A_126 : vector<1x1x16xf32> to vector<16xf32>
      %swap3A_128 = vector.shape_cast %broadcast_in_dim3A_122 : vector<16xf32> to vector<1x1x16xf32>
      tpu.vector_store %arg10[%swap3A_123, %swap3A_124, %swap3A_125], %swap3A_128 {strides = array<i32>} : memref<2x128x128xf32, #tpu.memory_space<vmem>>, vector<1x1x16xf32>,
      %broadcast_in_dim3A_129 = arith.constant 0.000000e+00 : f32
      %broadcast_in_dim3A_130 = vector.broadcast %broadcast_in_dim3A_129 : f32 to vector<16xf32>
      %swap3A_131 = arith.constant 0 : i32
      %swap3A_132 = arith.index_cast %swap3A_131 : i32 to index
      %swap3A_133 = arith.index_cast %scan3A_120 : i32 to index
      %swap3A_134 = arith.constant 16 : index
      %swap3A_135 = tpu.vector_load %arg10[%swap3A_132, %swap3A_133, %swap3A_134] {strides = array<i32>} : memref<2x128x128xf32, #tpu.memory_space<vmem>>, vector<1x1x16xf32>,
      %swap3A_136 = vector.shape_cast %swap3A_135 : vector<1x1x16xf32> to vector<16xf32>
      %swap3A_137 = vector.shape_cast %broadcast_in_dim3A_130 : vector<16xf32> to vector<1x1x16xf32>
      tpu.vector_store %arg10[%swap3A_132, %swap3A_133, %swap3A_134], %swap3A_137 {strides = array<i32>} : memref<2x128x128xf32, #tpu.memory_space<vmem>>, vector<1x1x16xf32>,
      %broadcast_in_dim3A_138 = arith.constant 0.000000e+00 : f32
      %broadcast_in_dim3A_139 = vector.broadcast %broadcast_in_dim3A_138 : f32 to vector<16xf32>
      %swap3A_140 = arith.constant 0 : i32
      %swap3A_141 = arith.index_cast %swap3A_140 : i32 to index
      %swap3A_142 = arith.index_cast %scan3A_120 : i32 to index
      %swap3A_143 = arith.constant 32 : index
      %swap3A_144 = tpu.vector_load %arg10[%swap3A_141, %swap3A_142, %swap3A_143] {strides = array<i32>} : memref<2x128x128xf32, #tpu.memory_space<vmem>>, vector<1x1x16xf32>,
      %swap3A_145 = vector.shape_cast %swap3A_144 : vector<1x1x16xf32> to vector<16xf32>
      %swap3A_146 = vector.shape_cast %broadcast_in_dim3A_139 : vector<16xf32> to vector<1x1x16xf32>
      tpu.vector_store %arg10[%swap3A_141, %swap3A_142, %swap3A_143], %swap3A_146 {strides = array<i32>} : memref<2x128x128xf32, #tpu.memory_space<vmem>>, vector<1x1x16xf32>,
      %broadcast_in_dim3A_147 = arith.constant 0.000000e+00 : f32
      %broadcast_in_dim3A_148 = vector.broadcast %broadcast_in_dim3A_147 : f32 to vector<16xf32>
      %swap3A_149 = arith.constant 0 : i32
      %swap3A_150 = arith.index_cast %swap3A_149 : i32 to index
      %swap3A_151 = arith.index_cast %scan3A_120 : i32 to index
      %swap3A_152 = arith.constant 48 : index
      %swap3A_153 = tpu.vector_load %arg10[%swap3A_150, %swap3A_151, %swap3A_152] {strides = array<i32>} : memref<2x128x128xf32, #tpu.memory_space<vmem>>, vector<1x1x16xf32>,
      %swap3A_154 = vector.shape_cast %swap3A_153 : vector<1x1x16xf32> to vector<16xf32>
      %swap3A_155 = vector.shape_cast %broadcast_in_dim3A_148 : vector<16xf32> to vector<1x1x16xf32>
      tpu.vector_store %arg10[%swap3A_150, %swap3A_151, %swap3A_152], %swap3A_155 {strides = array<i32>} : memref<2x128x128xf32, #tpu.memory_space<vmem>>, vector<1x1x16xf32>,
      %broadcast_in_dim3A_156 = arith.constant 0.000000e+00 : f32
      %broadcast_in_dim3A_157 = vector.broadcast %broadcast_in_dim3A_156 : f32 to vector<16xf32>
      %swap3A_158 = arith.constant 0 : i32
      %swap3A_159 = arith.index_cast %swap3A_158 : i32 to index
      %swap3A_160 = arith.index_cast %scan3A_120 : i32 to index
      %swap3A_161 = arith.constant 64 : index
      %swap3A_162 = tpu.vector_load %arg10[%swap3A_159, %swap3A_160, %swap3A_161] {strides = array<i32>} : memref<2x128x128xf32, #tpu.memory_space<vmem>>, vector<1x1x16xf32>,
      %swap3A_163 = vector.shape_cast %swap3A_162 : vector<1x1x16xf32> to vector<16xf32>
      %swap3A_164 = vector.shape_cast %broadcast_in_dim3A_157 : vector<16xf32> to vector<1x1x16xf32>
      tpu.vector_store %arg10[%swap3A_159, %swap3A_160, %swap3A_161], %swap3A_164 {strides = array<i32>} : memref<2x128x128xf32, #tpu.memory_space<vmem>>, vector<1x1x16xf32>,
      %broadcast_in_dim3A_165 = arith.constant 0.000000e+00 : f32
      %broadcast_in_dim3A_166 = vector.broadcast %broadcast_in_dim3A_165 : f32 to vector<16xf32>
      %swap3A_167 = arith.constant 0 : i32
      %swap3A_168 = arith.index_cast %swap3A_167 : i32 to index
      %swap3A_169 = arith.index_cast %scan3A_120 : i32 to index
      %swap3A_170 = arith.constant 80 : index
      %swap3A_171 = tpu.vector_load %arg10[%swap3A_168, %swap3A_169, %swap3A_170] {strides = array<i32>} : memref<2x128x128xf32, #tpu.memory_space<vmem>>, vector<1x1x16xf32>,
      %swap3A_172 = vector.shape_cast %swap3A_171 : vector<1x1x16xf32> to vector<16xf32>
      %swap3A_173 = vector.shape_cast %broadcast_in_dim3A_166 : vector<16xf32> to vector<1x1x16xf32>
      tpu.vector_store %arg10[%swap3A_168, %swap3A_169, %swap3A_170], %swap3A_173 {strides = array<i32>} : memref<2x128x128xf32, #tpu.memory_space<vmem>>, vector<1x1x16xf32>,
      %broadcast_in_dim3A_174 = arith.constant 0.000000e+00 : f32
      %broadcast_in_dim3A_175 = vector.broadcast %broadcast_in_dim3A_174 : f32 to vector<16xf32>
      %swap3A_176 = arith.constant 0 : i32
      %swap3A_177 = arith.index_cast %swap3A_176 : i32 to index
      %swap3A_178 = arith.index_cast %scan3A_120 : i32 to index
      %swap3A_179 = arith.constant 96 : index
      %swap3A_180 = tpu.vector_load %arg10[%swap3A_177, %swap3A_178, %swap3A_179] {strides = array<i32>} : memref<2x128x128xf32, #tpu.memory_space<vmem>>, vector<1x1x16xf32>,
      %swap3A_181 = vector.shape_cast %swap3A_180 : vector<1x1x16xf32> to vector<16xf32>
      %swap3A_182 = vector.shape_cast %broadcast_in_dim3A_175 : vector<16xf32> to vector<1x1x16xf32>
      tpu.vector_store %arg10[%swap3A_177, %swap3A_178, %swap3A_179], %swap3A_182 {strides = array<i32>} : memref<2x128x128xf32, #tpu.memory_space<vmem>>, vector<1x1x16xf32>,
      %broadcast_in_dim3A_183 = arith.constant 0.000000e+00 : f32
      %broadcast_in_dim3A_184 = vector.broadcast %broadcast_in_dim3A_183 : f32 to vector<16xf32>
      %swap3A_185 = arith.constant 0 : i32
      %swap3A_186 = arith.index_cast %swap3A_185 : i32 to index
      %swap3A_187 = arith.index_cast %scan3A_120 : i32 to index
      %swap3A_188 = arith.constant 112 : index
      %swap3A_189 = tpu.vector_load %arg10[%swap3A_186, %swap3A_187, %swap3A_188] {strides = array<i32>} : memref<2x128x128xf32, #tpu.memory_space<vmem>>, vector<1x1x16xf32>,
      %swap3A_190 = vector.shape_cast %swap3A_189 : vector<1x1x16xf32> to vector<16xf32>
      %swap3A_191 = vector.shape_cast %broadcast_in_dim3A_184 : vector<16xf32> to vector<1x1x16xf32>
      tpu.vector_store %arg10[%swap3A_186, %swap3A_187, %swap3A_188], %swap3A_191 {strides = array<i32>} : memref<2x128x128xf32, #tpu.memory_space<vmem>>, vector<1x1x16xf32>,
      %scan3A_192 = arith.constant 0 : i32
      scf.yield %scan3A_192 : i32
    }
    %scan3A_8 = arith.constant 128 : i32
    %mul3A_9 = arith.constant 638 : i32
    %mul3A_10 = arith.muli %arg1, %mul3A_9 : i32
    %add3A_11 = arith.constant 0 : i32
    %add3A_12 = arith.addi %mul3A_10, %add3A_11 : i32
    %run_scoped3A = arith.constant 0 : i32
    "tpu.region"() ({
      %run_scoped3A_120 = tpu.sem_alloc : memref<!tpu.dma_semaphore, #tpu.memory_space<semaphore_mem>>
      %dma_start3A_121 = arith.constant 0 : i32
      %dma_start3A_122 = arith.constant 0 : i32
      %dma_start3A_123 = tpu.memref_slice %arg10[%run_scoped3A, %dma_start3A_121, %dma_start3A_122] : memref<2x128x128xf32, #tpu.memory_space<vmem>> -> memref<1x128x128xf32, #tpu.memory_space<vmem>>
      %dma_start3A_124 = tpu.memref_squeeze %dma_start3A_123 : memref<1x128x128xf32, #tpu.memory_space<vmem>> -> memref<128x128xf32, #tpu.memory_space<vmem>>
      %dma_start3A_125 = arith.constant 0 : i32
      %dma_start3A_126 = tpu.memref_slice %arg12[%add3A_12, %dma_start3A_125] : memref<10208x128xf32, #tpu.memory_space<vmem_shared>> -> memref<128x128xf32, #tpu.memory_space<vmem_shared>>
      %dma_start3A_127 = arith.constant 0 : i32
      %dma_start3A_128 = tpu.memref_slice %arg12[%add3A_12, %dma_start3A_127] : memref<10208x128xf32, #tpu.memory_space<vmem_shared>> -> memref<128x128xf32, #tpu.memory_space<vmem_shared>>
      %dma_start3A_129 = arith.constant 0 : i32
      %dma_start3A_130 = arith.constant 0 : i32
      %dma_start3A_131 = tpu.memref_slice %arg10[%run_scoped3A, %dma_start3A_129, %dma_start3A_130] : memref<2x128x128xf32, #tpu.memory_space<vmem>> -> memref<1x128x128xf32, #tpu.memory_space<vmem>>
      %dma_start3A_132 = tpu.memref_squeeze %dma_start3A_131 : memref<1x128x128xf32, #tpu.memory_space<vmem>> -> memref<128x128xf32, #tpu.memory_space<vmem>>
      tpu.enqueue_dma source(%dma_start3A_132 : memref<128x128xf32, #tpu.memory_space<vmem>>) target(%dma_start3A_128 : memref<128x128xf32, #tpu.memory_space<vmem_shared>>) target_semaphore(%run_scoped3A_120 : memref<!tpu.dma_semaphore, #tpu.memory_space<semaphore_mem>>)
      %dma_wait3A = arith.constant 0 : i32
      %dma_wait3A_133 = arith.constant 0 : i32
      %dma_wait3A_134 = tpu.memref_slice %arg10[%run_scoped3A, %dma_wait3A, %dma_wait3A_133] : memref<2x128x128xf32, #tpu.memory_space<vmem>> -> memref<1x128x128xf32, #tpu.memory_space<vmem>>
      %dma_wait3A_135 = tpu.memref_squeeze %dma_wait3A_134 : memref<1x128x128xf32, #tpu.memory_space<vmem>> -> memref<128x128xf32, #tpu.memory_space<vmem>>
      %dma_wait3A_136 = arith.constant 0 : i32
      %dma_wait3A_137 = tpu.memref_slice %arg12[%add3A_12, %dma_wait3A_136] : memref<10208x128xf32, #tpu.memory_space<vmem_shared>> -> memref<128x128xf32, #tpu.memory_space<vmem_shared>>
      %dma_wait3A_138 = arith.constant 0 : i32
      %dma_wait3A_139 = tpu.memref_slice %arg12[%add3A_12, %dma_wait3A_138] : memref<10208x128xf32, #tpu.memory_space<vmem_shared>> -> memref<128x128xf32, #tpu.memory_space<vmem_shared>>
      %dma_wait3A_140 = arith.constant 0 : i32
      %dma_wait3A_141 = arith.constant 0 : i32
      %dma_wait3A_142 = tpu.memref_slice %arg10[%run_scoped3A, %dma_wait3A_140, %dma_wait3A_141] : memref<2x128x128xf32, #tpu.memory_space<vmem>> -> memref<1x128x128xf32, #tpu.memory_space<vmem>>
      %dma_wait3A_143 = tpu.memref_squeeze %dma_wait3A_142 : memref<1x128x128xf32, #tpu.memory_space<vmem>> -> memref<128x128xf32, #tpu.memory_space<vmem>>
      tpu.wait_dma2 semaphore(%run_scoped3A_120 : memref<!tpu.dma_semaphore, #tpu.memory_space<semaphore_mem>>) src(%dma_wait3A_143 : memref<128x128xf32, #tpu.memory_space<vmem>>) dst(%dma_wait3A_139 : memref<128x128xf32, #tpu.memory_space<vmem_shared>>)
      tpu.yield
    }) : () -> ()
    %mul3A_13 = arith.constant 638 : i32
    %mul3A_14 = arith.muli %arg1, %mul3A_13 : i32
    %add3A_15 = arith.constant 128 : i32
    %add3A_16 = arith.addi %mul3A_14, %add3A_15 : i32
    %run_scoped3A_17 = arith.constant 0 : i32
    "tpu.region"() ({
      %run_scoped3A_120 = tpu.sem_alloc : memref<!tpu.dma_semaphore, #tpu.memory_space<semaphore_mem>>
      %dma_start3A_121 = arith.constant 0 : i32
      %dma_start3A_122 = arith.constant 0 : i32
      %dma_start3A_123 = tpu.memref_slice %arg10[%run_scoped3A_17, %dma_start3A_121, %dma_start3A_122] : memref<2x128x128xf32, #tpu.memory_space<vmem>> -> memref<1x128x128xf32, #tpu.memory_space<vmem>>
      %dma_start3A_124 = tpu.memref_squeeze %dma_start3A_123 : memref<1x128x128xf32, #tpu.memory_space<vmem>> -> memref<128x128xf32, #tpu.memory_space<vmem>>
      %dma_start3A_125 = arith.constant 0 : i32
      %dma_start3A_126 = tpu.memref_slice %arg12[%add3A_16, %dma_start3A_125] : memref<10208x128xf32, #tpu.memory_space<vmem_shared>> -> memref<128x128xf32, #tpu.memory_space<vmem_shared>>
      %dma_start3A_127 = arith.constant 0 : i32
      %dma_start3A_128 = tpu.memref_slice %arg12[%add3A_16, %dma_start3A_127] : memref<10208x128xf32, #tpu.memory_space<vmem_shared>> -> memref<128x128xf32, #tpu.memory_space<vmem_shared>>
      %dma_start3A_129 = arith.constant 0 : i32
      %dma_start3A_130 = arith.constant 0 : i32
      %dma_start3A_131 = tpu.memref_slice %arg10[%run_scoped3A_17, %dma_start3A_129, %dma_start3A_130] : memref<2x128x128xf32, #tpu.memory_space<vmem>> -> memref<1x128x128xf32, #tpu.memory_space<vmem>>
      %dma_start3A_132 = tpu.memref_squeeze %dma_start3A_131 : memref<1x128x128xf32, #tpu.memory_space<vmem>> -> memref<128x128xf32, #tpu.memory_space<vmem>>
      tpu.enqueue_dma source(%dma_start3A_132 : memref<128x128xf32, #tpu.memory_space<vmem>>) target(%dma_start3A_128 : memref<128x128xf32, #tpu.memory_space<vmem_shared>>) target_semaphore(%run_scoped3A_120 : memref<!tpu.dma_semaphore, #tpu.memory_space<semaphore_mem>>)
      %dma_wait3A = arith.constant 0 : i32
      %dma_wait3A_133 = arith.constant 0 : i32
      %dma_wait3A_134 = tpu.memref_slice %arg10[%run_scoped3A_17, %dma_wait3A, %dma_wait3A_133] : memref<2x128x128xf32, #tpu.memory_space<vmem>> -> memref<1x128x128xf32, #tpu.memory_space<vmem>>
      %dma_wait3A_135 = tpu.memref_squeeze %dma_wait3A_134 : memref<1x128x128xf32, #tpu.memory_space<vmem>> -> memref<128x128xf32, #tpu.memory_space<vmem>>
      %dma_wait3A_136 = arith.constant 0 : i32
      %dma_wait3A_137 = tpu.memref_slice %arg12[%add3A_16, %dma_wait3A_136] : memref<10208x128xf32, #tpu.memory_space<vmem_shared>> -> memref<128x128xf32, #tpu.memory_space<vmem_shared>>
      %dma_wait3A_138 = arith.constant 0 : i32
      %dma_wait3A_139 = tpu.memref_slice %arg12[%add3A_16, %dma_wait3A_138] : memref<10208x128xf32, #tpu.memory_space<vmem_shared>> -> memref<128x128xf32, #tpu.memory_space<vmem_shared>>
      %dma_wait3A_140 = arith.constant 0 : i32
      %dma_wait3A_141 = arith.constant 0 : i32
      %dma_wait3A_142 = tpu.memref_slice %arg10[%run_scoped3A_17, %dma_wait3A_140, %dma_wait3A_141] : memref<2x128x128xf32, #tpu.memory_space<vmem>> -> memref<1x128x128xf32, #tpu.memory_space<vmem>>
      %dma_wait3A_143 = tpu.memref_squeeze %dma_wait3A_142 : memref<1x128x128xf32, #tpu.memory_space<vmem>> -> memref<128x128xf32, #tpu.memory_space<vmem>>
      tpu.wait_dma2 semaphore(%run_scoped3A_120 : memref<!tpu.dma_semaphore, #tpu.memory_space<semaphore_mem>>) src(%dma_wait3A_143 : memref<128x128xf32, #tpu.memory_space<vmem>>) dst(%dma_wait3A_139 : memref<128x128xf32, #tpu.memory_space<vmem_shared>>)
      tpu.yield
    }) : () -> ()
    %mul3A_18 = arith.constant 638 : i32
    %mul3A_19 = arith.muli %arg1, %mul3A_18 : i32
    %add3A_20 = arith.constant 256 : i32
    %add3A_21 = arith.addi %mul3A_19, %add3A_20 : i32
    %run_scoped3A_22 = arith.constant 0 : i32
    "tpu.region"() ({
      %run_scoped3A_120 = tpu.sem_alloc : memref<!tpu.dma_semaphore, #tpu.memory_space<semaphore_mem>>
      %dma_start3A_121 = arith.constant 0 : i32
      %dma_start3A_122 = arith.constant 0 : i32
      %dma_start3A_123 = tpu.memref_slice %arg10[%run_scoped3A_22, %dma_start3A_121, %dma_start3A_122] : memref<2x128x128xf32, #tpu.memory_space<vmem>> -> memref<1x128x128xf32, #tpu.memory_space<vmem>>
      %dma_start3A_124 = tpu.memref_squeeze %dma_start3A_123 : memref<1x128x128xf32, #tpu.memory_space<vmem>> -> memref<128x128xf32, #tpu.memory_space<vmem>>
      %dma_start3A_125 = arith.constant 0 : i32
      %dma_start3A_126 = tpu.memref_slice %arg12[%add3A_21, %dma_start3A_125] : memref<10208x128xf32, #tpu.memory_space<vmem_shared>> -> memref<128x128xf32, #tpu.memory_space<vmem_shared>>
      %dma_start3A_127 = arith.constant 0 : i32
      %dma_start3A_128 = tpu.memref_slice %arg12[%add3A_21, %dma_start3A_127] : memref<10208x128xf32, #tpu.memory_space<vmem_shared>> -> memref<128x128xf32, #tpu.memory_space<vmem_shared>>
      %dma_start3A_129 = arith.constant 0 : i32
      %dma_start3A_130 = arith.constant 0 : i32
      %dma_start3A_131 = tpu.memref_slice %arg10[%run_scoped3A_22, %dma_start3A_129, %dma_start3A_130] : memref<2x128x128xf32, #tpu.memory_space<vmem>> -> memref<1x128x128xf32, #tpu.memory_space<vmem>>
      %dma_start3A_132 = tpu.memref_squeeze %dma_start3A_131 : memref<1x128x128xf32, #tpu.memory_space<vmem>> -> memref<128x128xf32, #tpu.memory_space<vmem>>
      tpu.enqueue_dma source(%dma_start3A_132 : memref<128x128xf32, #tpu.memory_space<vmem>>) target(%dma_start3A_128 : memref<128x128xf32, #tpu.memory_space<vmem_shared>>) target_semaphore(%run_scoped3A_120 : memref<!tpu.dma_semaphore, #tpu.memory_space<semaphore_mem>>)
      %dma_wait3A = arith.constant 0 : i32
      %dma_wait3A_133 = arith.constant 0 : i32
      %dma_wait3A_134 = tpu.memref_slice %arg10[%run_scoped3A_22, %dma_wait3A, %dma_wait3A_133] : memref<2x128x128xf32, #tpu.memory_space<vmem>> -> memref<1x128x128xf32, #tpu.memory_space<vmem>>
      %dma_wait3A_135 = tpu.memref_squeeze %dma_wait3A_134 : memref<1x128x128xf32, #tpu.memory_space<vmem>> -> memref<128x128xf32, #tpu.memory_space<vmem>>
      %dma_wait3A_136 = arith.constant 0 : i32
      %dma_wait3A_137 = tpu.memref_slice %arg12[%add3A_21, %dma_wait3A_136] : memref<10208x128xf32, #tpu.memory_space<vmem_shared>> -> memref<128x128xf32, #tpu.memory_space<vmem_shared>>
      %dma_wait3A_138 = arith.constant 0 : i32
      %dma_wait3A_139 = tpu.memref_slice %arg12[%add3A_21, %dma_wait3A_138] : memref<10208x128xf32, #tpu.memory_space<vmem_shared>> -> memref<128x128xf32, #tpu.memory_space<vmem_shared>>
      %dma_wait3A_140 = arith.constant 0 : i32
      %dma_wait3A_141 = arith.constant 0 : i32
      %dma_wait3A_142 = tpu.memref_slice %arg10[%run_scoped3A_22, %dma_wait3A_140, %dma_wait3A_141] : memref<2x128x128xf32, #tpu.memory_space<vmem>> -> memref<1x128x128xf32, #tpu.memory_space<vmem>>
      %dma_wait3A_143 = tpu.memref_squeeze %dma_wait3A_142 : memref<1x128x128xf32, #tpu.memory_space<vmem>> -> memref<128x128xf32, #tpu.memory_space<vmem>>
      tpu.wait_dma2 semaphore(%run_scoped3A_120 : memref<!tpu.dma_semaphore, #tpu.memory_space<semaphore_mem>>) src(%dma_wait3A_143 : memref<128x128xf32, #tpu.memory_space<vmem>>) dst(%dma_wait3A_139 : memref<128x128xf32, #tpu.memory_space<vmem_shared>>)
      tpu.yield
    }) : () -> ()
    %mul3A_23 = arith.constant 638 : i32
    %mul3A_24 = arith.muli %arg1, %mul3A_23 : i32
    %add3A_25 = arith.constant 384 : i32
    %add3A_26 = arith.addi %mul3A_24, %add3A_25 : i32
    %run_scoped3A_27 = arith.constant 0 : i32
    "tpu.region"() ({
      %run_scoped3A_120 = tpu.sem_alloc : memref<!tpu.dma_semaphore, #tpu.memory_space<semaphore_mem>>
      %dma_start3A_121 = arith.constant 0 : i32
      %dma_start3A_122 = arith.constant 0 : i32
      %dma_start3A_123 = tpu.memref_slice %arg10[%run_scoped3A_27, %dma_start3A_121, %dma_start3A_122] : memref<2x128x128xf32, #tpu.memory_space<vmem>> -> memref<1x128x128xf32, #tpu.memory_space<vmem>>
      %dma_start3A_124 = tpu.memref_squeeze %dma_start3A_123 : memref<1x128x128xf32, #tpu.memory_space<vmem>> -> memref<128x128xf32, #tpu.memory_space<vmem>>
      %dma_start3A_125 = arith.constant 0 : i32
      %dma_start3A_126 = tpu.memref_slice %arg12[%add3A_26, %dma_start3A_125] : memref<10208x128xf32, #tpu.memory_space<vmem_shared>> -> memref<128x128xf32, #tpu.memory_space<vmem_shared>>
      %dma_start3A_127 = arith.constant 0 : i32
      %dma_start3A_128 = tpu.memref_slice %arg12[%add3A_26, %dma_start3A_127] : memref<10208x128xf32, #tpu.memory_space<vmem_shared>> -> memref<128x128xf32, #tpu.memory_space<vmem_shared>>
      %dma_start3A_129 = arith.constant 0 : i32
      %dma_start3A_130 = arith.constant 0 : i32
      %dma_start3A_131 = tpu.memref_slice %arg10[%run_scoped3A_27, %dma_start3A_129, %dma_start3A_130] : memref<2x128x128xf32, #tpu.memory_space<vmem>> -> memref<1x128x128xf32, #tpu.memory_space<vmem>>
      %dma_start3A_132 = tpu.memref_squeeze %dma_start3A_131 : memref<1x128x128xf32, #tpu.memory_space<vmem>> -> memref<128x128xf32, #tpu.memory_space<vmem>>
      tpu.enqueue_dma source(%dma_start3A_132 : memref<128x128xf32, #tpu.memory_space<vmem>>) target(%dma_start3A_128 : memref<128x128xf32, #tpu.memory_space<vmem_shared>>) target_semaphore(%run_scoped3A_120 : memref<!tpu.dma_semaphore, #tpu.memory_space<semaphore_mem>>)
      %dma_wait3A = arith.constant 0 : i32
      %dma_wait3A_133 = arith.constant 0 : i32
      %dma_wait3A_134 = tpu.memref_slice %arg10[%run_scoped3A_27, %dma_wait3A, %dma_wait3A_133] : memref<2x128x128xf32, #tpu.memory_space<vmem>> -> memref<1x128x128xf32, #tpu.memory_space<vmem>>
      %dma_wait3A_135 = tpu.memref_squeeze %dma_wait3A_134 : memref<1x128x128xf32, #tpu.memory_space<vmem>> -> memref<128x128xf32, #tpu.memory_space<vmem>>
      %dma_wait3A_136 = arith.constant 0 : i32
      %dma_wait3A_137 = tpu.memref_slice %arg12[%add3A_26, %dma_wait3A_136] : memref<10208x128xf32, #tpu.memory_space<vmem_shared>> -> memref<128x128xf32, #tpu.memory_space<vmem_shared>>
      %dma_wait3A_138 = arith.constant 0 : i32
      %dma_wait3A_139 = tpu.memref_slice %arg12[%add3A_26, %dma_wait3A_138] : memref<10208x128xf32, #tpu.memory_space<vmem_shared>> -> memref<128x128xf32, #tpu.memory_space<vmem_shared>>
      %dma_wait3A_140 = arith.constant 0 : i32
      %dma_wait3A_141 = arith.constant 0 : i32
      %dma_wait3A_142 = tpu.memref_slice %arg10[%run_scoped3A_27, %dma_wait3A_140, %dma_wait3A_141] : memref<2x128x128xf32, #tpu.memory_space<vmem>> -> memref<1x128x128xf32, #tpu.memory_space<vmem>>
      %dma_wait3A_143 = tpu.memref_squeeze %dma_wait3A_142 : memref<1x128x128xf32, #tpu.memory_space<vmem>> -> memref<128x128xf32, #tpu.memory_space<vmem>>
      tpu.wait_dma2 semaphore(%run_scoped3A_120 : memref<!tpu.dma_semaphore, #tpu.memory_space<semaphore_mem>>) src(%dma_wait3A_143 : memref<128x128xf32, #tpu.memory_space<vmem>>) dst(%dma_wait3A_139 : memref<128x128xf32, #tpu.memory_space<vmem_shared>>)
      tpu.yield
    }) : () -> ()
    %mul3A_28 = arith.constant 638 : i32
    %mul3A_29 = arith.muli %arg1, %mul3A_28 : i32
    %add3A_30 = arith.constant 512 : i32
    %add3A_31 = arith.addi %mul3A_29, %add3A_30 : i32
    %run_scoped3A_32 = arith.constant 0 : i32
    "tpu.region"() ({
      %run_scoped3A_120 = tpu.sem_alloc : memref<!tpu.dma_semaphore, #tpu.memory_space<semaphore_mem>>
      %dma_start3A_121 = arith.constant 0 : i32
      %dma_start3A_122 = arith.constant 0 : i32
      %dma_start3A_123 = tpu.memref_slice %arg10[%run_scoped3A_32, %dma_start3A_121, %dma_start3A_122] : memref<2x128x128xf32, #tpu.memory_space<vmem>> -> memref<1x126x128xf32, #tpu.memory_space<vmem>>
      %dma_start3A_124 = tpu.memref_squeeze %dma_start3A_123 : memref<1x126x128xf32, #tpu.memory_space<vmem>> -> memref<126x128xf32, #tpu.memory_space<vmem>>
      %dma_start3A_125 = arith.constant 0 : i32
      %dma_start3A_126 = tpu.memref_slice %arg12[%add3A_31, %dma_start3A_125] : memref<10208x128xf32, #tpu.memory_space<vmem_shared>> -> memref<126x128xf32, #tpu.memory_space<vmem_shared>>
      %dma_start3A_127 = arith.constant 0 : i32
      %dma_start3A_128 = tpu.memref_slice %arg12[%add3A_31, %dma_start3A_127] : memref<10208x128xf32, #tpu.memory_space<vmem_shared>> -> memref<126x128xf32, #tpu.memory_space<vmem_shared>>
      %dma_start3A_129 = arith.constant 0 : i32
      %dma_start3A_130 = arith.constant 0 : i32
      %dma_start3A_131 = tpu.memref_slice %arg10[%run_scoped3A_32, %dma_start3A_129, %dma_start3A_130] : memref<2x128x128xf32, #tpu.memory_space<vmem>> -> memref<1x126x128xf32, #tpu.memory_space<vmem>>
      %dma_start3A_132 = tpu.memref_squeeze %dma_start3A_131 : memref<1x126x128xf32, #tpu.memory_space<vmem>> -> memref<126x128xf32, #tpu.memory_space<vmem>>
      tpu.enqueue_dma source(%dma_start3A_132 : memref<126x128xf32, #tpu.memory_space<vmem>>) target(%dma_start3A_128 : memref<126x128xf32, #tpu.memory_space<vmem_shared>>) target_semaphore(%run_scoped3A_120 : memref<!tpu.dma_semaphore, #tpu.memory_space<semaphore_mem>>)
      %dma_wait3A = arith.constant 0 : i32
      %dma_wait3A_133 = arith.constant 0 : i32
      %dma_wait3A_134 = tpu.memref_slice %arg10[%run_scoped3A_32, %dma_wait3A, %dma_wait3A_133] : memref<2x128x128xf32, #tpu.memory_space<vmem>> -> memref<1x126x128xf32, #tpu.memory_space<vmem>>
      %dma_wait3A_135 = tpu.memref_squeeze %dma_wait3A_134 : memref<1x126x128xf32, #tpu.memory_space<vmem>> -> memref<126x128xf32, #tpu.memory_space<vmem>>
      %dma_wait3A_136 = arith.constant 0 : i32
      %dma_wait3A_137 = tpu.memref_slice %arg12[%add3A_31, %dma_wait3A_136] : memref<10208x128xf32, #tpu.memory_space<vmem_shared>> -> memref<126x128xf32, #tpu.memory_space<vmem_shared>>
      %dma_wait3A_138 = arith.constant 0 : i32
      %dma_wait3A_139 = tpu.memref_slice %arg12[%add3A_31, %dma_wait3A_138] : memref<10208x128xf32, #tpu.memory_space<vmem_shared>> -> memref<126x128xf32, #tpu.memory_space<vmem_shared>>
      %dma_wait3A_140 = arith.constant 0 : i32
      %dma_wait3A_141 = arith.constant 0 : i32
      %dma_wait3A_142 = tpu.memref_slice %arg10[%run_scoped3A_32, %dma_wait3A_140, %dma_wait3A_141] : memref<2x128x128xf32, #tpu.memory_space<vmem>> -> memref<1x126x128xf32, #tpu.memory_space<vmem>>
      %dma_wait3A_143 = tpu.memref_squeeze %dma_wait3A_142 : memref<1x126x128xf32, #tpu.memory_space<vmem>> -> memref<126x128xf32, #tpu.memory_space<vmem>>
      tpu.wait_dma2 semaphore(%run_scoped3A_120 : memref<!tpu.dma_semaphore, #tpu.memory_space<semaphore_mem>>) src(%dma_wait3A_143 : memref<126x128xf32, #tpu.memory_space<vmem>>) dst(%dma_wait3A_139 : memref<126x128xf32, #tpu.memory_space<vmem_shared>>)
      tpu.yield
    }) : () -> ()
    %scan3A_33 = arith.constant 0 : i32
    %scan3A_34 = arith.constant 0 : i32
    %scan3A_35 = arith.constant 128 : i32
    %scan3A_36 = arith.addi %scan3A_34, %scan3A_35 : i32
    %scan3A_37 = arith.constant 1 : i32
    %scan3A_38 = scf.for %scan3A_120 = %scan3A_34 to %scan3A_36 step %scan3A_37 iter_args(%scan3A_121 = %scan3A_33) -> (i32)  : i32 {
      %broadcast_in_dim3A = arith.constant 0.000000e+00 : f32
      %broadcast_in_dim3A_122 = vector.broadcast %broadcast_in_dim3A : f32 to vector<16xf32>
      %swap3A = arith.constant 0 : i32
      %swap3A_123 = arith.index_cast %swap3A : i32 to index
      %swap3A_124 = arith.index_cast %scan3A_120 : i32 to index
      %swap3A_125 = arith.constant 0 : index
      %swap3A_126 = tpu.vector_load %arg11[%swap3A_123, %swap3A_124, %swap3A_125] {strides = array<i32>} : memref<2x128x16xf32, #tpu.memory_space<vmem>>, vector<1x1x16xf32>,
      %swap3A_127 = vector.shape_cast %swap3A_126 : vector<1x1x16xf32> to vector<16xf32>
      %swap3A_128 = vector.shape_cast %broadcast_in_dim3A_122 : vector<16xf32> to vector<1x1x16xf32>
      tpu.vector_store %arg11[%swap3A_123, %swap3A_124, %swap3A_125], %swap3A_128 {strides = array<i32>} : memref<2x128x16xf32, #tpu.memory_space<vmem>>, vector<1x1x16xf32>,
      %scan3A_129 = arith.constant 0 : i32
      scf.yield %scan3A_129 : i32
    }
    %scan3A_39 = arith.constant 128 : i32
    %mul3A_40 = arith.constant 638 : i32
    %mul3A_41 = arith.muli %arg1, %mul3A_40 : i32
    %add3A_42 = arith.constant 0 : i32
    %add3A_43 = arith.addi %mul3A_41, %add3A_42 : i32
    %run_scoped3A_44 = arith.constant 0 : i32
    "tpu.region"() ({
      %run_scoped3A_120 = tpu.sem_alloc : memref<!tpu.dma_semaphore, #tpu.memory_space<semaphore_mem>>
      %dma_start3A_121 = arith.constant 0 : i32
      %dma_start3A_122 = arith.constant 0 : i32
      %dma_start3A_123 = tpu.memref_slice %arg11[%run_scoped3A_44, %dma_start3A_121, %dma_start3A_122] : memref<2x128x16xf32, #tpu.memory_space<vmem>> -> memref<1x128x16xf32, #tpu.memory_space<vmem>>
      %dma_start3A_124 = tpu.memref_squeeze %dma_start3A_123 : memref<1x128x16xf32, #tpu.memory_space<vmem>> -> memref<128x16xf32, #tpu.memory_space<vmem>>
      %dma_start3A_125 = arith.constant 0 : i32
      %dma_start3A_126 = tpu.memref_slice %arg13[%add3A_43, %dma_start3A_125] : memref<10208x16xf32, #tpu.memory_space<vmem_shared>> -> memref<128x16xf32, #tpu.memory_space<vmem_shared>>
      %dma_start3A_127 = arith.constant 0 : i32
      %dma_start3A_128 = tpu.memref_slice %arg13[%add3A_43, %dma_start3A_127] : memref<10208x16xf32, #tpu.memory_space<vmem_shared>> -> memref<128x16xf32, #tpu.memory_space<vmem_shared>>
      %dma_start3A_129 = arith.constant 0 : i32
      %dma_start3A_130 = arith.constant 0 : i32
      %dma_start3A_131 = tpu.memref_slice %arg11[%run_scoped3A_44, %dma_start3A_129, %dma_start3A_130] : memref<2x128x16xf32, #tpu.memory_space<vmem>> -> memref<1x128x16xf32, #tpu.memory_space<vmem>>
      %dma_start3A_132 = tpu.memref_squeeze %dma_start3A_131 : memref<1x128x16xf32, #tpu.memory_space<vmem>> -> memref<128x16xf32, #tpu.memory_space<vmem>>
      tpu.enqueue_dma source(%dma_start3A_132 : memref<128x16xf32, #tpu.memory_space<vmem>>) target(%dma_start3A_128 : memref<128x16xf32, #tpu.memory_space<vmem_shared>>) target_semaphore(%run_scoped3A_120 : memref<!tpu.dma_semaphore, #tpu.memory_space<semaphore_mem>>)
      %dma_wait3A = arith.constant 0 : i32
      %dma_wait3A_133 = arith.constant 0 : i32
      %dma_wait3A_134 = tpu.memref_slice %arg11[%run_scoped3A_44, %dma_wait3A, %dma_wait3A_133] : memref<2x128x16xf32, #tpu.memory_space<vmem>> -> memref<1x128x16xf32, #tpu.memory_space<vmem>>
      %dma_wait3A_135 = tpu.memref_squeeze %dma_wait3A_134 : memref<1x128x16xf32, #tpu.memory_space<vmem>> -> memref<128x16xf32, #tpu.memory_space<vmem>>
      %dma_wait3A_136 = arith.constant 0 : i32
      %dma_wait3A_137 = tpu.memref_slice %arg13[%add3A_43, %dma_wait3A_136] : memref<10208x16xf32, #tpu.memory_space<vmem_shared>> -> memref<128x16xf32, #tpu.memory_space<vmem_shared>>
      %dma_wait3A_138 = arith.constant 0 : i32
      %dma_wait3A_139 = tpu.memref_slice %arg13[%add3A_43, %dma_wait3A_138] : memref<10208x16xf32, #tpu.memory_space<vmem_shared>> -> memref<128x16xf32, #tpu.memory_space<vmem_shared>>
      %dma_wait3A_140 = arith.constant 0 : i32
      %dma_wait3A_141 = arith.constant 0 : i32
      %dma_wait3A_142 = tpu.memref_slice %arg11[%run_scoped3A_44, %dma_wait3A_140, %dma_wait3A_141] : memref<2x128x16xf32, #tpu.memory_space<vmem>> -> memref<1x128x16xf32, #tpu.memory_space<vmem>>
      %dma_wait3A_143 = tpu.memref_squeeze %dma_wait3A_142 : memref<1x128x16xf32, #tpu.memory_space<vmem>> -> memref<128x16xf32, #tpu.memory_space<vmem>>
      tpu.wait_dma2 semaphore(%run_scoped3A_120 : memref<!tpu.dma_semaphore, #tpu.memory_space<semaphore_mem>>) src(%dma_wait3A_143 : memref<128x16xf32, #tpu.memory_space<vmem>>) dst(%dma_wait3A_139 : memref<128x16xf32, #tpu.memory_space<vmem_shared>>)
      tpu.yield
    }) : () -> ()
    %mul3A_45 = arith.constant 638 : i32
    %mul3A_46 = arith.muli %arg1, %mul3A_45 : i32
    %add3A_47 = arith.constant 128 : i32
    %add3A_48 = arith.addi %mul3A_46, %add3A_47 : i32
    %run_scoped3A_49 = arith.constant 0 : i32
    "tpu.region"() ({
      %run_scoped3A_120 = tpu.sem_alloc : memref<!tpu.dma_semaphore, #tpu.memory_space<semaphore_mem>>
      %dma_start3A_121 = arith.constant 0 : i32
      %dma_start3A_122 = arith.constant 0 : i32
      %dma_start3A_123 = tpu.memref_slice %arg11[%run_scoped3A_49, %dma_start3A_121, %dma_start3A_122] : memref<2x128x16xf32, #tpu.memory_space<vmem>> -> memref<1x128x16xf32, #tpu.memory_space<vmem>>
      %dma_start3A_124 = tpu.memref_squeeze %dma_start3A_123 : memref<1x128x16xf32, #tpu.memory_space<vmem>> -> memref<128x16xf32, #tpu.memory_space<vmem>>
      %dma_start3A_125 = arith.constant 0 : i32
      %dma_start3A_126 = tpu.memref_slice %arg13[%add3A_48, %dma_start3A_125] : memref<10208x16xf32, #tpu.memory_space<vmem_shared>> -> memref<128x16xf32, #tpu.memory_space<vmem_shared>>
      %dma_start3A_127 = arith.constant 0 : i32
      %dma_start3A_128 = tpu.memref_slice %arg13[%add3A_48, %dma_start3A_127] : memref<10208x16xf32, #tpu.memory_space<vmem_shared>> -> memref<128x16xf32, #tpu.memory_space<vmem_shared>>
      %dma_start3A_129 = arith.constant 0 : i32
      %dma_start3A_130 = arith.constant 0 : i32
      %dma_start3A_131 = tpu.memref_slice %arg11[%run_scoped3A_49, %dma_start3A_129, %dma_start3A_130] : memref<2x128x16xf32, #tpu.memory_space<vmem>> -> memref<1x128x16xf32, #tpu.memory_space<vmem>>
      %dma_start3A_132 = tpu.memref_squeeze %dma_start3A_131 : memref<1x128x16xf32, #tpu.memory_space<vmem>> -> memref<128x16xf32, #tpu.memory_space<vmem>>
      tpu.enqueue_dma source(%dma_start3A_132 : memref<128x16xf32, #tpu.memory_space<vmem>>) target(%dma_start3A_128 : memref<128x16xf32, #tpu.memory_space<vmem_shared>>) target_semaphore(%run_scoped3A_120 : memref<!tpu.dma_semaphore, #tpu.memory_space<semaphore_mem>>)
      %dma_wait3A = arith.constant 0 : i32
      %dma_wait3A_133 = arith.constant 0 : i32
      %dma_wait3A_134 = tpu.memref_slice %arg11[%run_scoped3A_49, %dma_wait3A, %dma_wait3A_133] : memref<2x128x16xf32, #tpu.memory_space<vmem>> -> memref<1x128x16xf32, #tpu.memory_space<vmem>>
      %dma_wait3A_135 = tpu.memref_squeeze %dma_wait3A_134 : memref<1x128x16xf32, #tpu.memory_space<vmem>> -> memref<128x16xf32, #tpu.memory_space<vmem>>
      %dma_wait3A_136 = arith.constant 0 : i32
      %dma_wait3A_137 = tpu.memref_slice %arg13[%add3A_48, %dma_wait3A_136] : memref<10208x16xf32, #tpu.memory_space<vmem_shared>> -> memref<128x16xf32, #tpu.memory_space<vmem_shared>>
      %dma_wait3A_138 = arith.constant 0 : i32
      %dma_wait3A_139 = tpu.memref_slice %arg13[%add3A_48, %dma_wait3A_138] : memref<10208x16xf32, #tpu.memory_space<vmem_shared>> -> memref<128x16xf32, #tpu.memory_space<vmem_shared>>
      %dma_wait3A_140 = arith.constant 0 : i32
      %dma_wait3A_141 = arith.constant 0 : i32
      %dma_wait3A_142 = tpu.memref_slice %arg11[%run_scoped3A_49, %dma_wait3A_140, %dma_wait3A_141] : memref<2x128x16xf32, #tpu.memory_space<vmem>> -> memref<1x128x16xf32, #tpu.memory_space<vmem>>
      %dma_wait3A_143 = tpu.memref_squeeze %dma_wait3A_142 : memref<1x128x16xf32, #tpu.memory_space<vmem>> -> memref<128x16xf32, #tpu.memory_space<vmem>>
      tpu.wait_dma2 semaphore(%run_scoped3A_120 : memref<!tpu.dma_semaphore, #tpu.memory_space<semaphore_mem>>) src(%dma_wait3A_143 : memref<128x16xf32, #tpu.memory_space<vmem>>) dst(%dma_wait3A_139 : memref<128x16xf32, #tpu.memory_space<vmem_shared>>)
      tpu.yield
    }) : () -> ()
    %mul3A_50 = arith.constant 638 : i32
    %mul3A_51 = arith.muli %arg1, %mul3A_50 : i32
    %add3A_52 = arith.constant 256 : i32
    %add3A_53 = arith.addi %mul3A_51, %add3A_52 : i32
    %run_scoped3A_54 = arith.constant 0 : i32
    "tpu.region"() ({
      %run_scoped3A_120 = tpu.sem_alloc : memref<!tpu.dma_semaphore, #tpu.memory_space<semaphore_mem>>
      %dma_start3A_121 = arith.constant 0 : i32
      %dma_start3A_122 = arith.constant 0 : i32
      %dma_start3A_123 = tpu.memref_slice %arg11[%run_scoped3A_54, %dma_start3A_121, %dma_start3A_122] : memref<2x128x16xf32, #tpu.memory_space<vmem>> -> memref<1x128x16xf32, #tpu.memory_space<vmem>>
      %dma_start3A_124 = tpu.memref_squeeze %dma_start3A_123 : memref<1x128x16xf32, #tpu.memory_space<vmem>> -> memref<128x16xf32, #tpu.memory_space<vmem>>
      %dma_start3A_125 = arith.constant 0 : i32
      %dma_start3A_126 = tpu.memref_slice %arg13[%add3A_53, %dma_start3A_125] : memref<10208x16xf32, #tpu.memory_space<vmem_shared>> -> memref<128x16xf32, #tpu.memory_space<vmem_shared>>
      %dma_start3A_127 = arith.constant 0 : i32
      %dma_start3A_128 = tpu.memref_slice %arg13[%add3A_53, %dma_start3A_127] : memref<10208x16xf32, #tpu.memory_space<vmem_shared>> -> memref<128x16xf32, #tpu.memory_space<vmem_shared>>
      %dma_start3A_129 = arith.constant 0 : i32
      %dma_start3A_130 = arith.constant 0 : i32
      %dma_start3A_131 = tpu.memref_slice %arg11[%run_scoped3A_54, %dma_start3A_129, %dma_start3A_130] : memref<2x128x16xf32, #tpu.memory_space<vmem>> -> memref<1x128x16xf32, #tpu.memory_space<vmem>>
      %dma_start3A_132 = tpu.memref_squeeze %dma_start3A_131 : memref<1x128x16xf32, #tpu.memory_space<vmem>> -> memref<128x16xf32, #tpu.memory_space<vmem>>
      tpu.enqueue_dma source(%dma_start3A_132 : memref<128x16xf32, #tpu.memory_space<vmem>>) target(%dma_start3A_128 : memref<128x16xf32, #tpu.memory_space<vmem_shared>>) target_semaphore(%run_scoped3A_120 : memref<!tpu.dma_semaphore, #tpu.memory_space<semaphore_mem>>)
      %dma_wait3A = arith.constant 0 : i32
      %dma_wait3A_133 = arith.constant 0 : i32
      %dma_wait3A_134 = tpu.memref_slice %arg11[%run_scoped3A_54, %dma_wait3A, %dma_wait3A_133] : memref<2x128x16xf32, #tpu.memory_space<vmem>> -> memref<1x128x16xf32, #tpu.memory_space<vmem>>
      %dma_wait3A_135 = tpu.memref_squeeze %dma_wait3A_134 : memref<1x128x16xf32, #tpu.memory_space<vmem>> -> memref<128x16xf32, #tpu.memory_space<vmem>>
      %dma_wait3A_136 = arith.constant 0 : i32
      %dma_wait3A_137 = tpu.memref_slice %arg13[%add3A_53, %dma_wait3A_136] : memref<10208x16xf32, #tpu.memory_space<vmem_shared>> -> memref<128x16xf32, #tpu.memory_space<vmem_shared>>
      %dma_wait3A_138 = arith.constant 0 : i32
      %dma_wait3A_139 = tpu.memref_slice %arg13[%add3A_53, %dma_wait3A_138] : memref<10208x16xf32, #tpu.memory_space<vmem_shared>> -> memref<128x16xf32, #tpu.memory_space<vmem_shared>>
      %dma_wait3A_140 = arith.constant 0 : i32
      %dma_wait3A_141 = arith.constant 0 : i32
      %dma_wait3A_142 = tpu.memref_slice %arg11[%run_scoped3A_54, %dma_wait3A_140, %dma_wait3A_141] : memref<2x128x16xf32, #tpu.memory_space<vmem>> -> memref<1x128x16xf32, #tpu.memory_space<vmem>>
      %dma_wait3A_143 = tpu.memref_squeeze %dma_wait3A_142 : memref<1x128x16xf32, #tpu.memory_space<vmem>> -> memref<128x16xf32, #tpu.memory_space<vmem>>
      tpu.wait_dma2 semaphore(%run_scoped3A_120 : memref<!tpu.dma_semaphore, #tpu.memory_space<semaphore_mem>>) src(%dma_wait3A_143 : memref<128x16xf32, #tpu.memory_space<vmem>>) dst(%dma_wait3A_139 : memref<128x16xf32, #tpu.memory_space<vmem_shared>>)
      tpu.yield
    }) : () -> ()
    %mul3A_55 = arith.constant 638 : i32
    %mul3A_56 = arith.muli %arg1, %mul3A_55 : i32
    %add3A_57 = arith.constant 384 : i32
    %add3A_58 = arith.addi %mul3A_56, %add3A_57 : i32
    %run_scoped3A_59 = arith.constant 0 : i32
    "tpu.region"() ({
      %run_scoped3A_120 = tpu.sem_alloc : memref<!tpu.dma_semaphore, #tpu.memory_space<semaphore_mem>>
      %dma_start3A_121 = arith.constant 0 : i32
      %dma_start3A_122 = arith.constant 0 : i32
      %dma_start3A_123 = tpu.memref_slice %arg11[%run_scoped3A_59, %dma_start3A_121, %dma_start3A_122] : memref<2x128x16xf32, #tpu.memory_space<vmem>> -> memref<1x128x16xf32, #tpu.memory_space<vmem>>
      %dma_start3A_124 = tpu.memref_squeeze %dma_start3A_123 : memref<1x128x16xf32, #tpu.memory_space<vmem>> -> memref<128x16xf32, #tpu.memory_space<vmem>>
      %dma_start3A_125 = arith.constant 0 : i32
      %dma_start3A_126 = tpu.memref_slice %arg13[%add3A_58, %dma_start3A_125] : memref<10208x16xf32, #tpu.memory_space<vmem_shared>> -> memref<128x16xf32, #tpu.memory_space<vmem_shared>>
      %dma_start3A_127 = arith.constant 0 : i32
      %dma_start3A_128 = tpu.memref_slice %arg13[%add3A_58, %dma_start3A_127] : memref<10208x16xf32, #tpu.memory_space<vmem_shared>> -> memref<128x16xf32, #tpu.memory_space<vmem_shared>>
      %dma_start3A_129 = arith.constant 0 : i32
      %dma_start3A_130 = arith.constant 0 : i32
      %dma_start3A_131 = tpu.memref_slice %arg11[%run_scoped3A_59, %dma_start3A_129, %dma_start3A_130] : memref<2x128x16xf32, #tpu.memory_space<vmem>> -> memref<1x128x16xf32, #tpu.memory_space<vmem>>
      %dma_start3A_132 = tpu.memref_squeeze %dma_start3A_131 : memref<1x128x16xf32, #tpu.memory_space<vmem>> -> memref<128x16xf32, #tpu.memory_space<vmem>>
      tpu.enqueue_dma source(%dma_start3A_132 : memref<128x16xf32, #tpu.memory_space<vmem>>) target(%dma_start3A_128 : memref<128x16xf32, #tpu.memory_space<vmem_shared>>) target_semaphore(%run_scoped3A_120 : memref<!tpu.dma_semaphore, #tpu.memory_space<semaphore_mem>>)
      %dma_wait3A = arith.constant 0 : i32
      %dma_wait3A_133 = arith.constant 0 : i32
      %dma_wait3A_134 = tpu.memref_slice %arg11[%run_scoped3A_59, %dma_wait3A, %dma_wait3A_133] : memref<2x128x16xf32, #tpu.memory_space<vmem>> -> memref<1x128x16xf32, #tpu.memory_space<vmem>>
      %dma_wait3A_135 = tpu.memref_squeeze %dma_wait3A_134 : memref<1x128x16xf32, #tpu.memory_space<vmem>> -> memref<128x16xf32, #tpu.memory_space<vmem>>
      %dma_wait3A_136 = arith.constant 0 : i32
      %dma_wait3A_137 = tpu.memref_slice %arg13[%add3A_58, %dma_wait3A_136] : memref<10208x16xf32, #tpu.memory_space<vmem_shared>> -> memref<128x16xf32, #tpu.memory_space<vmem_shared>>
      %dma_wait3A_138 = arith.constant 0 : i32
      %dma_wait3A_139 = tpu.memref_slice %arg13[%add3A_58, %dma_wait3A_138] : memref<10208x16xf32, #tpu.memory_space<vmem_shared>> -> memref<128x16xf32, #tpu.memory_space<vmem_shared>>
      %dma_wait3A_140 = arith.constant 0 : i32
      %dma_wait3A_141 = arith.constant 0 : i32
      %dma_wait3A_142 = tpu.memref_slice %arg11[%run_scoped3A_59, %dma_wait3A_140, %dma_wait3A_141] : memref<2x128x16xf32, #tpu.memory_space<vmem>> -> memref<1x128x16xf32, #tpu.memory_space<vmem>>
      %dma_wait3A_143 = tpu.memref_squeeze %dma_wait3A_142 : memref<1x128x16xf32, #tpu.memory_space<vmem>> -> memref<128x16xf32, #tpu.memory_space<vmem>>
      tpu.wait_dma2 semaphore(%run_scoped3A_120 : memref<!tpu.dma_semaphore, #tpu.memory_space<semaphore_mem>>) src(%dma_wait3A_143 : memref<128x16xf32, #tpu.memory_space<vmem>>) dst(%dma_wait3A_139 : memref<128x16xf32, #tpu.memory_space<vmem_shared>>)
      tpu.yield
    }) : () -> ()
    %mul3A_60 = arith.constant 638 : i32
    %mul3A_61 = arith.muli %arg1, %mul3A_60 : i32
    %add3A_62 = arith.constant 512 : i32
    %add3A_63 = arith.addi %mul3A_61, %add3A_62 : i32
    %run_scoped3A_64 = arith.constant 0 : i32
    "tpu.region"() ({
      %run_scoped3A_120 = tpu.sem_alloc : memref<!tpu.dma_semaphore, #tpu.memory_space<semaphore_mem>>
      %dma_start3A_121 = arith.constant 0 : i32
      %dma_start3A_122 = arith.constant 0 : i32
      %dma_start3A_123 = tpu.memref_slice %arg11[%run_scoped3A_64, %dma_start3A_121, %dma_start3A_122] : memref<2x128x16xf32, #tpu.memory_space<vmem>> -> memref<1x126x16xf32, #tpu.memory_space<vmem>>
      %dma_start3A_124 = tpu.memref_squeeze %dma_start3A_123 : memref<1x126x16xf32, #tpu.memory_space<vmem>> -> memref<126x16xf32, #tpu.memory_space<vmem>>
      %dma_start3A_125 = arith.constant 0 : i32
      %dma_start3A_126 = tpu.memref_slice %arg13[%add3A_63, %dma_start3A_125] : memref<10208x16xf32, #tpu.memory_space<vmem_shared>> -> memref<126x16xf32, #tpu.memory_space<vmem_shared>>
      %dma_start3A_127 = arith.constant 0 : i32
      %dma_start3A_128 = tpu.memref_slice %arg13[%add3A_63, %dma_start3A_127] : memref<10208x16xf32, #tpu.memory_space<vmem_shared>> -> memref<126x16xf32, #tpu.memory_space<vmem_shared>>
      %dma_start3A_129 = arith.constant 0 : i32
      %dma_start3A_130 = arith.constant 0 : i32
      %dma_start3A_131 = tpu.memref_slice %arg11[%run_scoped3A_64, %dma_start3A_129, %dma_start3A_130] : memref<2x128x16xf32, #tpu.memory_space<vmem>> -> memref<1x126x16xf32, #tpu.memory_space<vmem>>
      %dma_start3A_132 = tpu.memref_squeeze %dma_start3A_131 : memref<1x126x16xf32, #tpu.memory_space<vmem>> -> memref<126x16xf32, #tpu.memory_space<vmem>>
      tpu.enqueue_dma source(%dma_start3A_132 : memref<126x16xf32, #tpu.memory_space<vmem>>) target(%dma_start3A_128 : memref<126x16xf32, #tpu.memory_space<vmem_shared>>) target_semaphore(%run_scoped3A_120 : memref<!tpu.dma_semaphore, #tpu.memory_space<semaphore_mem>>)
      %dma_wait3A = arith.constant 0 : i32
      %dma_wait3A_133 = arith.constant 0 : i32
      %dma_wait3A_134 = tpu.memref_slice %arg11[%run_scoped3A_64, %dma_wait3A, %dma_wait3A_133] : memref<2x128x16xf32, #tpu.memory_space<vmem>> -> memref<1x126x16xf32, #tpu.memory_space<vmem>>
      %dma_wait3A_135 = tpu.memref_squeeze %dma_wait3A_134 : memref<1x126x16xf32, #tpu.memory_space<vmem>> -> memref<126x16xf32, #tpu.memory_space<vmem>>
      %dma_wait3A_136 = arith.constant 0 : i32
      %dma_wait3A_137 = tpu.memref_slice %arg13[%add3A_63, %dma_wait3A_136] : memref<10208x16xf32, #tpu.memory_space<vmem_shared>> -> memref<126x16xf32, #tpu.memory_space<vmem_shared>>
      %dma_wait3A_138 = arith.constant 0 : i32
      %dma_wait3A_139 = tpu.memref_slice %arg13[%add3A_63, %dma_wait3A_138] : memref<10208x16xf32, #tpu.memory_space<vmem_shared>> -> memref<126x16xf32, #tpu.memory_space<vmem_shared>>
      %dma_wait3A_140 = arith.constant 0 : i32
      %dma_wait3A_141 = arith.constant 0 : i32
      %dma_wait3A_142 = tpu.memref_slice %arg11[%run_scoped3A_64, %dma_wait3A_140, %dma_wait3A_141] : memref<2x128x16xf32, #tpu.memory_space<vmem>> -> memref<1x126x16xf32, #tpu.memory_space<vmem>>
      %dma_wait3A_143 = tpu.memref_squeeze %dma_wait3A_142 : memref<1x126x16xf32, #tpu.memory_space<vmem>> -> memref<126x16xf32, #tpu.memory_space<vmem>>
      tpu.wait_dma2 semaphore(%run_scoped3A_120 : memref<!tpu.dma_semaphore, #tpu.memory_space<semaphore_mem>>) src(%dma_wait3A_143 : memref<126x16xf32, #tpu.memory_space<vmem>>) dst(%dma_wait3A_139 : memref<126x16xf32, #tpu.memory_space<vmem_shared>>)
      tpu.yield
    }) : () -> ()
    %barrier3A = arith.constant 0 : index
    tpu.barrier barrier_id(%barrier3A)
    %rem3A = arith.constant 0 : i32
    %rem3A_65 = arith.constant 2 : i32
    %rem3A_66 = arith.remsi %rem3A, %rem3A_65 : i32
    %add3A_67 = arith.constant 0 : i32
    %add3A_68 = arith.addi %mul3A_2, %add3A_67 : i32
    "tpu.region"() ({
      %run_scoped3A_120 = tpu.sem_alloc : memref<!tpu.dma_semaphore, #tpu.memory_space<semaphore_mem>>
      %dma_start3A_121 = arith.constant 0 : i32
      %dma_start3A_122 = arith.constant 0 : i32
      %dma_start3A_123 = tpu.memref_slice %arg8[%rem3A_66, %dma_start3A_121, %dma_start3A_122] : memref<2x4x128xi32, #tpu.memory_space<vmem>> -> memref<1x4x128xi32, #tpu.memory_space<vmem>>
      %dma_start3A_124 = tpu.memref_squeeze %dma_start3A_123 : memref<1x4x128xi32, #tpu.memory_space<vmem>> -> memref<4x128xi32, #tpu.memory_space<vmem>>
      %dma_start3A_125 = arith.constant 0 : i32
      %dma_start3A_126 = tpu.memref_slice %arg4[%add3A_68, %dma_start3A_125] : memref<2560x128xi32, #tpu.memory_space<hbm>> -> memref<4x128xi32, #tpu.memory_space<hbm>>
      %dma_start3A_127 = arith.constant 0 : i32
      %dma_start3A_128 = arith.constant 0 : i32
      %dma_start3A_129 = tpu.memref_slice %arg8[%rem3A_66, %dma_start3A_127, %dma_start3A_128] : memref<2x4x128xi32, #tpu.memory_space<vmem>> -> memref<1x4x128xi32, #tpu.memory_space<vmem>>
      %dma_start3A_130 = tpu.memref_squeeze %dma_start3A_129 : memref<1x4x128xi32, #tpu.memory_space<vmem>> -> memref<4x128xi32, #tpu.memory_space<vmem>>
      %dma_start3A_131 = arith.constant 0 : i32
      %dma_start3A_132 = tpu.memref_slice %arg4[%add3A_68, %dma_start3A_131] : memref<2560x128xi32, #tpu.memory_space<hbm>> -> memref<4x128xi32, #tpu.memory_space<hbm>>
      tpu.enqueue_dma source(%dma_start3A_132 : memref<4x128xi32, #tpu.memory_space<hbm>>) target(%dma_start3A_130 : memref<4x128xi32, #tpu.memory_space<vmem>>) target_semaphore(%run_scoped3A_120 : memref<!tpu.dma_semaphore, #tpu.memory_space<semaphore_mem>>)
      %dma_wait3A = arith.constant 0 : i32
      %dma_wait3A_133 = arith.constant 0 : i32
      %dma_wait3A_134 = tpu.memref_slice %arg8[%rem3A_66, %dma_wait3A, %dma_wait3A_133] : memref<2x4x128xi32, #tpu.memory_space<vmem>> -> memref<1x4x128xi32, #tpu.memory_space<vmem>>
      %dma_wait3A_135 = tpu.memref_squeeze %dma_wait3A_134 : memref<1x4x128xi32, #tpu.memory_space<vmem>> -> memref<4x128xi32, #tpu.memory_space<vmem>>
      %dma_wait3A_136 = arith.constant 0 : i32
      %dma_wait3A_137 = tpu.memref_slice %arg4[%add3A_68, %dma_wait3A_136] : memref<2560x128xi32, #tpu.memory_space<hbm>> -> memref<4x128xi32, #tpu.memory_space<hbm>>
      %dma_wait3A_138 = arith.constant 0 : i32
      %dma_wait3A_139 = arith.constant 0 : i32
      %dma_wait3A_140 = tpu.memref_slice %arg8[%rem3A_66, %dma_wait3A_138, %dma_wait3A_139] : memref<2x4x128xi32, #tpu.memory_space<vmem>> -> memref<1x4x128xi32, #tpu.memory_space<vmem>>
      %dma_wait3A_141 = tpu.memref_squeeze %dma_wait3A_140 : memref<1x4x128xi32, #tpu.memory_space<vmem>> -> memref<4x128xi32, #tpu.memory_space<vmem>>
      %dma_wait3A_142 = arith.constant 0 : i32
      %dma_wait3A_143 = tpu.memref_slice %arg4[%add3A_68, %dma_wait3A_142] : memref<2560x128xi32, #tpu.memory_space<hbm>> -> memref<4x128xi32, #tpu.memory_space<hbm>>
      tpu.wait_dma2 semaphore(%run_scoped3A_120 : memref<!tpu.dma_semaphore, #tpu.memory_space<semaphore_mem>>) src(%dma_wait3A_143 : memref<4x128xi32, #tpu.memory_space<hbm>>) dst(%dma_wait3A_141 : memref<4x128xi32, #tpu.memory_space<vmem>>)
      tpu.yield
    }) : () -> ()
    %add3A_69 = arith.constant 0 : i32
    %add3A_70 = arith.addi %mul3A_2, %add3A_69 : i32
    "tpu.region"() ({
      %run_scoped3A_120 = tpu.sem_alloc : memref<!tpu.dma_semaphore, #tpu.memory_space<semaphore_mem>>
      %dma_start3A_121 = arith.constant 0 : i32
      %dma_start3A_122 = arith.constant 0 : i32
      %dma_start3A_123 = tpu.memref_slice %arg9[%rem3A_66, %dma_start3A_121, %dma_start3A_122] : memref<2x4x128xi32, #tpu.memory_space<vmem>> -> memref<1x4x128xi32, #tpu.memory_space<vmem>>
      %dma_start3A_124 = tpu.memref_squeeze %dma_start3A_123 : memref<1x4x128xi32, #tpu.memory_space<vmem>> -> memref<4x128xi32, #tpu.memory_space<vmem>>
      %dma_start3A_125 = arith.constant 0 : i32
      %dma_start3A_126 = tpu.memref_slice %arg5[%add3A_70, %dma_start3A_125] : memref<2560x128xi32, #tpu.memory_space<hbm>> -> memref<4x128xi32, #tpu.memory_space<hbm>>
      %dma_start3A_127 = arith.constant 0 : i32
      %dma_start3A_128 = arith.constant 0 : i32
      %dma_start3A_129 = tpu.memref_slice %arg9[%rem3A_66, %dma_start3A_127, %dma_start3A_128] : memref<2x4x128xi32, #tpu.memory_space<vmem>> -> memref<1x4x128xi32, #tpu.memory_space<vmem>>
      %dma_start3A_130 = tpu.memref_squeeze %dma_start3A_129 : memref<1x4x128xi32, #tpu.memory_space<vmem>> -> memref<4x128xi32, #tpu.memory_space<vmem>>
      %dma_start3A_131 = arith.constant 0 : i32
      %dma_start3A_132 = tpu.memref_slice %arg5[%add3A_70, %dma_start3A_131] : memref<2560x128xi32, #tpu.memory_space<hbm>> -> memref<4x128xi32, #tpu.memory_space<hbm>>
      tpu.enqueue_dma source(%dma_start3A_132 : memref<4x128xi32, #tpu.memory_space<hbm>>) target(%dma_start3A_130 : memref<4x128xi32, #tpu.memory_space<vmem>>) target_semaphore(%run_scoped3A_120 : memref<!tpu.dma_semaphore, #tpu.memory_space<semaphore_mem>>)
      %dma_wait3A = arith.constant 0 : i32
      %dma_wait3A_133 = arith.constant 0 : i32
      %dma_wait3A_134 = tpu.memref_slice %arg9[%rem3A_66, %dma_wait3A, %dma_wait3A_133] : memref<2x4x128xi32, #tpu.memory_space<vmem>> -> memref<1x4x128xi32, #tpu.memory_space<vmem>>
      %dma_wait3A_135 = tpu.memref_squeeze %dma_wait3A_134 : memref<1x4x128xi32, #tpu.memory_space<vmem>> -> memref<4x128xi32, #tpu.memory_space<vmem>>
      %dma_wait3A_136 = arith.constant 0 : i32
      %dma_wait3A_137 = tpu.memref_slice %arg5[%add3A_70, %dma_wait3A_136] : memref<2560x128xi32, #tpu.memory_space<hbm>> -> memref<4x128xi32, #tpu.memory_space<hbm>>
      %dma_wait3A_138 = arith.constant 0 : i32
      %dma_wait3A_139 = arith.constant 0 : i32
      %dma_wait3A_140 = tpu.memref_slice %arg9[%rem3A_66, %dma_wait3A_138, %dma_wait3A_139] : memref<2x4x128xi32, #tpu.memory_space<vmem>> -> memref<1x4x128xi32, #tpu.memory_space<vmem>>
      %dma_wait3A_141 = tpu.memref_squeeze %dma_wait3A_140 : memref<1x4x128xi32, #tpu.memory_space<vmem>> -> memref<4x128xi32, #tpu.memory_space<vmem>>
      %dma_wait3A_142 = arith.constant 0 : i32
      %dma_wait3A_143 = tpu.memref_slice %arg5[%add3A_70, %dma_wait3A_142] : memref<2560x128xi32, #tpu.memory_space<hbm>> -> memref<4x128xi32, #tpu.memory_space<hbm>>
      tpu.wait_dma2 semaphore(%run_scoped3A_120 : memref<!tpu.dma_semaphore, #tpu.memory_space<semaphore_mem>>) src(%dma_wait3A_143 : memref<4x128xi32, #tpu.memory_space<hbm>>) dst(%dma_wait3A_141 : memref<4x128xi32, #tpu.memory_space<vmem>>)
      tpu.yield
    }) : () -> ()
    %rem3A_71 = arith.constant 0 : i32
    %rem3A_72 = arith.constant 2 : i32
    %rem3A_73 = arith.remsi %rem3A_71, %rem3A_72 : i32
    %rem3A_74 = arith.constant 0 : i32
    %rem3A_75 = arith.constant 4 : i32
    %rem3A_76 = arith.remsi %rem3A_74, %rem3A_75 : i32
    %dma_start3A = arith.constant 0 : i32
    %dma_start3A_77 = arith.constant 0 : i32
    %dma_start3A_78 = arith.constant 0 : i32
    %dma_start3A_79 = tpu.memref_slice %arg10[%dma_start3A, %dma_start3A_77, %dma_start3A_78] : memref<2x128x128xf32, #tpu.memory_space<vmem>> -> memref<1x128x128xf32, #tpu.memory_space<vmem>>
    %dma_start3A_80 = tpu.memref_squeeze %dma_start3A_79 : memref<1x128x128xf32, #tpu.memory_space<vmem>> -> memref<128x128xf32, #tpu.memory_space<vmem>>
    %dma_start3A_81 = arith.constant 0 : i32
    %dma_start3A_82 = tpu.memref_slice %arg8[%rem3A_73, %rem3A_76, %dma_start3A_81] : memref<2x4x128xi32, #tpu.memory_space<vmem>> -> memref<1x1x128xi32, #tpu.memory_space<vmem>>
    %dma_start3A_83 = tpu.memref_squeeze %dma_start3A_82 : memref<1x1x128xi32, #tpu.memory_space<vmem>> -> memref<128xi32, #tpu.memory_space<vmem>>
    %dma_start3A_84 = arith.constant 0 : i32
    %dma_start3A_85 = arith.constant 0 : i32
    %dma_start3A_86 = tpu.memref_slice %arg2[%dma_start3A_84, %dma_start3A_85] : memref<40000x128xf32, #tpu.memory_space<hbm>> -> memref<40000x128xf32, #tpu.memory_space<hbm>>
    tpu.enqueue_indirect_dma source(%dma_start3A_86 : memref<40000x128xf32, #tpu.memory_space<hbm>>) target(%dma_start3A_80 : memref<128x128xf32, #tpu.memory_space<vmem>>) offsets(%dma_start3A_83 : memref<128xi32, #tpu.memory_space<vmem>>) semaphore(%arg14 : memref<!tpu.dma_semaphore, #tpu.memory_space<semaphore_mem>>)
    %rem3A_87 = arith.constant 0 : i32
    %rem3A_88 = arith.constant 2 : i32
    %rem3A_89 = arith.remsi %rem3A_87, %rem3A_88 : i32
    %rem3A_90 = arith.constant 0 : i32
    %rem3A_91 = arith.constant 4 : i32
    %rem3A_92 = arith.remsi %rem3A_90, %rem3A_91 : i32
    %dma_start3A_93 = arith.constant 0 : i32
    %dma_start3A_94 = arith.constant 0 : i32
    %dma_start3A_95 = arith.constant 0 : i32
    %dma_start3A_96 = tpu.memref_slice %arg11[%dma_start3A_93, %dma_start3A_94, %dma_start3A_95] : memref<2x128x16xf32, #tpu.memory_space<vmem>> -> memref<1x128x16xf32, #tpu.memory_space<vmem>>
    %dma_start3A_97 = tpu.memref_squeeze %dma_start3A_96 : memref<1x128x16xf32, #tpu.memory_space<vmem>> -> memref<128x16xf32, #tpu.memory_space<vmem>>
    %dma_start3A_98 = arith.constant 0 : i32
    %dma_start3A_99 = tpu.memref_slice %arg8[%rem3A_89, %rem3A_92, %dma_start3A_98] : memref<2x4x128xi32, #tpu.memory_space<vmem>> -> memref<1x1x128xi32, #tpu.memory_space<vmem>>
    %dma_start3A_100 = tpu.memref_squeeze %dma_start3A_99 : memref<1x1x128xi32, #tpu.memory_space<vmem>> -> memref<128xi32, #tpu.memory_space<vmem>>
    %dma_start3A_101 = arith.constant 0 : i32
    %dma_start3A_102 = arith.constant 0 : i32
    %dma_start3A_103 = tpu.memref_slice %arg3[%dma_start3A_101, %dma_start3A_102] : memref<40000x16xf32, #tpu.memory_space<hbm>> -> memref<40000x16xf32, #tpu.memory_space<hbm>>
    tpu.enqueue_indirect_dma source(%dma_start3A_103 : memref<40000x16xf32, #tpu.memory_space<hbm>>) target(%dma_start3A_97 : memref<128x16xf32, #tpu.memory_space<vmem>>) offsets(%dma_start3A_100 : memref<128xi32, #tpu.memory_space<vmem>>) semaphore(%arg15 : memref<!tpu.dma_semaphore, #tpu.memory_space<semaphore_mem>>)
    %scan3A_104 = arith.constant 0 : i32
    %scan3A_105 = arith.constant 0 : i32
    %scan3A_106 = arith.constant 80 : i32
    %scan3A_107 = arith.addi %scan3A_105, %scan3A_106 : i32
    %scan3A_108 = arith.constant 1 : i32
    %scan3A_109 = scf.for %scan3A_120 = %scan3A_105 to %scan3A_107 step %scan3A_108 iter_args(%scan3A_121 = %scan3A_104) -> (i32)  : i32 {
      %rem3A_122 = arith.constant 2 : i32
      %rem3A_123 = arith.remsi %scan3A_120, %rem3A_122 : i32
      %rem3A_124 = arith.constant 4 : i32
      %rem3A_125 = arith.remsi %scan3A_120, %rem3A_124 : i32
      %eq3A = arith.constant 0 : i32
      %eq3A_126 = arith.cmpi eq, %rem3A_125, %eq3A : i32
      %jit3A = arith.constant 4 : i32
      %div3A = arith.divsi %scan3A_120, %jit3A : i32
      %sign3A = arith.constant 0 : i32
      %sign3A_127 = arith.cmpi sgt, %scan3A_120, %sign3A : i32
      %sign3A_128 = arith.extui %sign3A_127 : i1 to i32
      %sign3A_129 = arith.constant 0 : i32
      %sign3A_130 = arith.cmpi slt, %scan3A_120, %sign3A_129 : i32
      %sign3A_131 = arith.extui %sign3A_130 : i1 to i32
      %sign3A_132 = arith.subi %sign3A_128, %sign3A_131 : i32
      %sign3A_133 = arith.constant 0 : i32
      %sign3A_134 = arith.cmpi sgt, %jit3A, %sign3A_133 : i32
      %sign3A_135 = arith.extui %sign3A_134 : i1 to i32
      %sign3A_136 = arith.constant 0 : i32
      %sign3A_137 = arith.cmpi slt, %jit3A, %sign3A_136 : i32
      %sign3A_138 = arith.extui %sign3A_137 : i1 to i32
      %sign3A_139 = arith.subi %sign3A_135, %sign3A_138 : i32
      %ne3A = arith.cmpi ne, %sign3A_132, %sign3A_139 : i32
      %rem3A_140 = arith.remsi %scan3A_120, %jit3A : i32
      %ne3A_141 = arith.constant 0 : i32
      %ne3A_142 = arith.cmpi ne, %rem3A_140, %ne3A_141 : i32
      %and3A = arith.andi %ne3A, %ne3A_142 : i1
      %sub3A = arith.constant 1 : i32
      %sub3A_143 = arith.subi %div3A, %sub3A : i32
      %select_n3A = arith.select %and3A, %sub3A_143, %div3A : i32
      %add3A_144 = arith.constant 1 : i32
      %add3A_145 = arith.addi %select_n3A, %add3A_144 : i32
      %lt3A = arith.constant 20 : i32
      %lt3A_146 = arith.cmpi slt, %add3A_145, %lt3A : i32
      %and3A_147 = arith.andi %eq3A_126, %lt3A_146 : i1
      %convert_element_type3A = arith.extui %and3A_147 : i1 to i32
      %cond3A = arith.constant 0 : i32
      %cond3A_148 = arith.cmpi ne, %convert_element_type3A, %cond3A : i32
      scf.if %cond3A_148 {
        %jit3A_288 = arith.constant 4 : i32
        %div3A_289 = arith.divsi %scan3A_120, %jit3A_288 : i32
        %sign3A_290 = arith.constant 0 : i32
        %sign3A_291 = arith.cmpi sgt, %scan3A_120, %sign3A_290 : i32
        %sign3A_292 = arith.extui %sign3A_291 : i1 to i32
        %sign3A_293 = arith.constant 0 : i32
        %sign3A_294 = arith.cmpi slt, %scan3A_120, %sign3A_293 : i32
        %sign3A_295 = arith.extui %sign3A_294 : i1 to i32
        %sign3A_296 = arith.subi %sign3A_292, %sign3A_295 : i32
        %sign3A_297 = arith.constant 0 : i32
        %sign3A_298 = arith.cmpi sgt, %jit3A_288, %sign3A_297 : i32
        %sign3A_299 = arith.extui %sign3A_298 : i1 to i32
        %sign3A_300 = arith.constant 0 : i32
        %sign3A_301 = arith.cmpi slt, %jit3A_288, %sign3A_300 : i32
        %sign3A_302 = arith.extui %sign3A_301 : i1 to i32
        %sign3A_303 = arith.subi %sign3A_299, %sign3A_302 : i32
        %ne3A_304 = arith.cmpi ne, %sign3A_296, %sign3A_303 : i32
        %rem3A_305 = arith.remsi %scan3A_120, %jit3A_288 : i32
        %ne3A_306 = arith.constant 0 : i32
        %ne3A_307 = arith.cmpi ne, %rem3A_305, %ne3A_306 : i32
        %and3A_308 = arith.andi %ne3A_304, %ne3A_307 : i1
        %sub3A_309 = arith.constant 1 : i32
        %sub3A_310 = arith.subi %div3A_289, %sub3A_309 : i32
        %select_n3A_311 = arith.select %and3A_308, %sub3A_310, %div3A_289 : i32
        %add3A_312 = arith.constant 1 : i32
        %add3A_313 = arith.addi %select_n3A_311, %add3A_312 : i32
        %rem3A_314 = arith.constant 2 : i32
        %rem3A_315 = arith.remsi %add3A_313, %rem3A_314 : i32
        %mul3A_316 = arith.constant 4 : i32
        %mul3A_317 = arith.muli %add3A_313, %mul3A_316 : i32
        %add3A_318 = arith.addi %mul3A_2, %mul3A_317 : i32
        "tpu.region"() ({
          %run_scoped3A_322 = tpu.sem_alloc : memref<!tpu.dma_semaphore, #tpu.memory_space<semaphore_mem>>
          %dma_start3A_323 = arith.constant 0 : i32
          %dma_start3A_324 = arith.constant 0 : i32
          %dma_start3A_325 = tpu.memref_slice %arg8[%rem3A_315, %dma_start3A_323, %dma_start3A_324] : memref<2x4x128xi32, #tpu.memory_space<vmem>> -> memref<1x4x128xi32, #tpu.memory_space<vmem>>
          %dma_start3A_326 = tpu.memref_squeeze %dma_start3A_325 : memref<1x4x128xi32, #tpu.memory_space<vmem>> -> memref<4x128xi32, #tpu.memory_space<vmem>>
          %dma_start3A_327 = arith.constant 0 : i32
          %dma_start3A_328 = tpu.memref_slice %arg4[%add3A_318, %dma_start3A_327] : memref<2560x128xi32, #tpu.memory_space<hbm>> -> memref<4x128xi32, #tpu.memory_space<hbm>>
          %dma_start3A_329 = arith.constant 0 : i32
          %dma_start3A_330 = arith.constant 0 : i32
          %dma_start3A_331 = tpu.memref_slice %arg8[%rem3A_315, %dma_start3A_329, %dma_start3A_330] : memref<2x4x128xi32, #tpu.memory_space<vmem>> -> memref<1x4x128xi32, #tpu.memory_space<vmem>>
          %dma_start3A_332 = tpu.memref_squeeze %dma_start3A_331 : memref<1x4x128xi32, #tpu.memory_space<vmem>> -> memref<4x128xi32, #tpu.memory_space<vmem>>
          %dma_start3A_333 = arith.constant 0 : i32
          %dma_start3A_334 = tpu.memref_slice %arg4[%add3A_318, %dma_start3A_333] : memref<2560x128xi32, #tpu.memory_space<hbm>> -> memref<4x128xi32, #tpu.memory_space<hbm>>
          tpu.enqueue_dma source(%dma_start3A_334 : memref<4x128xi32, #tpu.memory_space<hbm>>) target(%dma_start3A_332 : memref<4x128xi32, #tpu.memory_space<vmem>>) target_semaphore(%run_scoped3A_322 : memref<!tpu.dma_semaphore, #tpu.memory_space<semaphore_mem>>)
          %dma_wait3A_335 = arith.constant 0 : i32
          %dma_wait3A_336 = arith.constant 0 : i32
          %dma_wait3A_337 = tpu.memref_slice %arg8[%rem3A_315, %dma_wait3A_335, %dma_wait3A_336] : memref<2x4x128xi32, #tpu.memory_space<vmem>> -> memref<1x4x128xi32, #tpu.memory_space<vmem>>
          %dma_wait3A_338 = tpu.memref_squeeze %dma_wait3A_337 : memref<1x4x128xi32, #tpu.memory_space<vmem>> -> memref<4x128xi32, #tpu.memory_space<vmem>>
          %dma_wait3A_339 = arith.constant 0 : i32
          %dma_wait3A_340 = tpu.memref_slice %arg4[%add3A_318, %dma_wait3A_339] : memref<2560x128xi32, #tpu.memory_space<hbm>> -> memref<4x128xi32, #tpu.memory_space<hbm>>
          %dma_wait3A_341 = arith.constant 0 : i32
          %dma_wait3A_342 = arith.constant 0 : i32
          %dma_wait3A_343 = tpu.memref_slice %arg8[%rem3A_315, %dma_wait3A_341, %dma_wait3A_342] : memref<2x4x128xi32, #tpu.memory_space<vmem>> -> memref<1x4x128xi32, #tpu.memory_space<vmem>>
          %dma_wait3A_344 = tpu.memref_squeeze %dma_wait3A_343 : memref<1x4x128xi32, #tpu.memory_space<vmem>> -> memref<4x128xi32, #tpu.memory_space<vmem>>
          %dma_wait3A_345 = arith.constant 0 : i32
          %dma_wait3A_346 = tpu.memref_slice %arg4[%add3A_318, %dma_wait3A_345] : memref<2560x128xi32, #tpu.memory_space<hbm>> -> memref<4x128xi32, #tpu.memory_space<hbm>>
          tpu.wait_dma2 semaphore(%run_scoped3A_322 : memref<!tpu.dma_semaphore, #tpu.memory_space<semaphore_mem>>) src(%dma_wait3A_346 : memref<4x128xi32, #tpu.memory_space<hbm>>) dst(%dma_wait3A_344 : memref<4x128xi32, #tpu.memory_space<vmem>>)
          tpu.yield
        }) : () -> ()
        %mul3A_319 = arith.constant 4 : i32
        %mul3A_320 = arith.muli %add3A_313, %mul3A_319 : i32
        %add3A_321 = arith.addi %mul3A_2, %mul3A_320 : i32
        "tpu.region"() ({
          %run_scoped3A_322 = tpu.sem_alloc : memref<!tpu.dma_semaphore, #tpu.memory_space<semaphore_mem>>
          %dma_start3A_323 = arith.constant 0 : i32
          %dma_start3A_324 = arith.constant 0 : i32
          %dma_start3A_325 = tpu.memref_slice %arg9[%rem3A_315, %dma_start3A_323, %dma_start3A_324] : memref<2x4x128xi32, #tpu.memory_space<vmem>> -> memref<1x4x128xi32, #tpu.memory_space<vmem>>
          %dma_start3A_326 = tpu.memref_squeeze %dma_start3A_325 : memref<1x4x128xi32, #tpu.memory_space<vmem>> -> memref<4x128xi32, #tpu.memory_space<vmem>>
          %dma_start3A_327 = arith.constant 0 : i32
          %dma_start3A_328 = tpu.memref_slice %arg5[%add3A_321, %dma_start3A_327] : memref<2560x128xi32, #tpu.memory_space<hbm>> -> memref<4x128xi32, #tpu.memory_space<hbm>>
          %dma_start3A_329 = arith.constant 0 : i32
          %dma_start3A_330 = arith.constant 0 : i32
          %dma_start3A_331 = tpu.memref_slice %arg9[%rem3A_315, %dma_start3A_329, %dma_start3A_330] : memref<2x4x128xi32, #tpu.memory_space<vmem>> -> memref<1x4x128xi32, #tpu.memory_space<vmem>>
          %dma_start3A_332 = tpu.memref_squeeze %dma_start3A_331 : memref<1x4x128xi32, #tpu.memory_space<vmem>> -> memref<4x128xi32, #tpu.memory_space<vmem>>
          %dma_start3A_333 = arith.constant 0 : i32
          %dma_start3A_334 = tpu.memref_slice %arg5[%add3A_321, %dma_start3A_333] : memref<2560x128xi32, #tpu.memory_space<hbm>> -> memref<4x128xi32, #tpu.memory_space<hbm>>
          tpu.enqueue_dma source(%dma_start3A_334 : memref<4x128xi32, #tpu.memory_space<hbm>>) target(%dma_start3A_332 : memref<4x128xi32, #tpu.memory_space<vmem>>) target_semaphore(%run_scoped3A_322 : memref<!tpu.dma_semaphore, #tpu.memory_space<semaphore_mem>>)
          %dma_wait3A_335 = arith.constant 0 : i32
          %dma_wait3A_336 = arith.constant 0 : i32
          %dma_wait3A_337 = tpu.memref_slice %arg9[%rem3A_315, %dma_wait3A_335, %dma_wait3A_336] : memref<2x4x128xi32, #tpu.memory_space<vmem>> -> memref<1x4x128xi32, #tpu.memory_space<vmem>>
          %dma_wait3A_338 = tpu.memref_squeeze %dma_wait3A_337 : memref<1x4x128xi32, #tpu.memory_space<vmem>> -> memref<4x128xi32, #tpu.memory_space<vmem>>
          %dma_wait3A_339 = arith.constant 0 : i32
          %dma_wait3A_340 = tpu.memref_slice %arg5[%add3A_321, %dma_wait3A_339] : memref<2560x128xi32, #tpu.memory_space<hbm>> -> memref<4x128xi32, #tpu.memory_space<hbm>>
          %dma_wait3A_341 = arith.constant 0 : i32
          %dma_wait3A_342 = arith.constant 0 : i32
          %dma_wait3A_343 = tpu.memref_slice %arg9[%rem3A_315, %dma_wait3A_341, %dma_wait3A_342] : memref<2x4x128xi32, #tpu.memory_space<vmem>> -> memref<1x4x128xi32, #tpu.memory_space<vmem>>
          %dma_wait3A_344 = tpu.memref_squeeze %dma_wait3A_343 : memref<1x4x128xi32, #tpu.memory_space<vmem>> -> memref<4x128xi32, #tpu.memory_space<vmem>>
          %dma_wait3A_345 = arith.constant 0 : i32
          %dma_wait3A_346 = tpu.memref_slice %arg5[%add3A_321, %dma_wait3A_345] : memref<2560x128xi32, #tpu.memory_space<hbm>> -> memref<4x128xi32, #tpu.memory_space<hbm>>
          tpu.wait_dma2 semaphore(%run_scoped3A_322 : memref<!tpu.dma_semaphore, #tpu.memory_space<semaphore_mem>>) src(%dma_wait3A_346 : memref<4x128xi32, #tpu.memory_space<hbm>>) dst(%dma_wait3A_344 : memref<4x128xi32, #tpu.memory_space<vmem>>)
          tpu.yield
        }) : () -> ()
      } else {
      }
      %jit3A_149 = arith.constant 4 : i32
      %div3A_150 = arith.divsi %scan3A_120, %jit3A_149 : i32
      %sign3A_151 = arith.constant 0 : i32
      %sign3A_152 = arith.cmpi sgt, %scan3A_120, %sign3A_151 : i32
      %sign3A_153 = arith.extui %sign3A_152 : i1 to i32
      %sign3A_154 = arith.constant 0 : i32
      %sign3A_155 = arith.cmpi slt, %scan3A_120, %sign3A_154 : i32
      %sign3A_156 = arith.extui %sign3A_155 : i1 to i32
      %sign3A_157 = arith.subi %sign3A_153, %sign3A_156 : i32
      %sign3A_158 = arith.constant 0 : i32
      %sign3A_159 = arith.cmpi sgt, %jit3A_149, %sign3A_158 : i32
      %sign3A_160 = arith.extui %sign3A_159 : i1 to i32
      %sign3A_161 = arith.constant 0 : i32
      %sign3A_162 = arith.cmpi slt, %jit3A_149, %sign3A_161 : i32
      %sign3A_163 = arith.extui %sign3A_162 : i1 to i32
      %sign3A_164 = arith.subi %sign3A_160, %sign3A_163 : i32
      %ne3A_165 = arith.cmpi ne, %sign3A_157, %sign3A_164 : i32
      %rem3A_166 = arith.remsi %scan3A_120, %jit3A_149 : i32
      %ne3A_167 = arith.constant 0 : i32
      %ne3A_168 = arith.cmpi ne, %rem3A_166, %ne3A_167 : i32
      %and3A_169 = arith.andi %ne3A_165, %ne3A_168 : i1
      %sub3A_170 = arith.constant 1 : i32
      %sub3A_171 = arith.subi %div3A_150, %sub3A_170 : i32
      %select_n3A_172 = arith.select %and3A_169, %sub3A_171, %div3A_150 : i32
      %rem3A_173 = arith.constant 2 : i32
      %rem3A_174 = arith.remsi %select_n3A_172, %rem3A_173 : i32
      %rem3A_175 = arith.constant 4 : i32
      %rem3A_176 = arith.remsi %scan3A_120, %rem3A_175 : i32
      %dma_wait3A = arith.constant 0 : i32
      %dma_wait3A_177 = arith.constant 0 : i32
      %dma_wait3A_178 = tpu.memref_slice %arg10[%rem3A_123, %dma_wait3A, %dma_wait3A_177] : memref<2x128x128xf32, #tpu.memory_space<vmem>> -> memref<1x128x128xf32, #tpu.memory_space<vmem>>
      %dma_wait3A_179 = tpu.memref_squeeze %dma_wait3A_178 : memref<1x128x128xf32, #tpu.memory_space<vmem>> -> memref<128x128xf32, #tpu.memory_space<vmem>>
      %dma_wait3A_180 = arith.constant 0 : i32
      %dma_wait3A_181 = tpu.memref_slice %arg8[%rem3A_174, %rem3A_176, %dma_wait3A_180] : memref<2x4x128xi32, #tpu.memory_space<vmem>> -> memref<1x1x128xi32, #tpu.memory_space<vmem>>
      %dma_wait3A_182 = tpu.memref_squeeze %dma_wait3A_181 : memref<1x1x128xi32, #tpu.memory_space<vmem>> -> memref<128xi32, #tpu.memory_space<vmem>>
      %dma_wait3A_183 = arith.constant 0 : i32
      %dma_wait3A_184 = arith.constant 0 : i32
      %dma_wait3A_185 = tpu.memref_slice %arg2[%dma_wait3A_183, %dma_wait3A_184] : memref<40000x128xf32, #tpu.memory_space<hbm>> -> memref<40000x128xf32, #tpu.memory_space<hbm>>
      tpu.wait_indirect_dma semaphore(%arg14 : memref<!tpu.dma_semaphore, #tpu.memory_space<semaphore_mem>>) src(%dma_wait3A_185 : memref<40000x128xf32, #tpu.memory_space<hbm>>) dst(%dma_wait3A_179 : memref<128x128xf32, #tpu.memory_space<vmem>>)
      %jit3A_186 = arith.constant 4 : i32
      %div3A_187 = arith.divsi %scan3A_120, %jit3A_186 : i32
      %sign3A_188 = arith.constant 0 : i32
      %sign3A_189 = arith.cmpi sgt, %scan3A_120, %sign3A_188 : i32
      %sign3A_190 = arith.extui %sign3A_189 : i1 to i32
      %sign3A_191 = arith.constant 0 : i32
      %sign3A_192 = arith.cmpi slt, %scan3A_120, %sign3A_191 : i32
      %sign3A_193 = arith.extui %sign3A_192 : i1 to i32
      %sign3A_194 = arith.subi %sign3A_190, %sign3A_193 : i32
      %sign3A_195 = arith.constant 0 : i32
      %sign3A_196 = arith.cmpi sgt, %jit3A_186, %sign3A_195 : i32
      %sign3A_197 = arith.extui %sign3A_196 : i1 to i32
      %sign3A_198 = arith.constant 0 : i32
      %sign3A_199 = arith.cmpi slt, %jit3A_186, %sign3A_198 : i32
      %sign3A_200 = arith.extui %sign3A_199 : i1 to i32
      %sign3A_201 = arith.subi %sign3A_197, %sign3A_200 : i32
      %ne3A_202 = arith.cmpi ne, %sign3A_194, %sign3A_201 : i32
      %rem3A_203 = arith.remsi %scan3A_120, %jit3A_186 : i32
      %ne3A_204 = arith.constant 0 : i32
      %ne3A_205 = arith.cmpi ne, %rem3A_203, %ne3A_204 : i32
      %and3A_206 = arith.andi %ne3A_202, %ne3A_205 : i1
      %sub3A_207 = arith.constant 1 : i32
      %sub3A_208 = arith.subi %div3A_187, %sub3A_207 : i32
      %select_n3A_209 = arith.select %and3A_206, %sub3A_208, %div3A_187 : i32
      %rem3A_210 = arith.constant 2 : i32
      %rem3A_211 = arith.remsi %select_n3A_209, %rem3A_210 : i32
      %rem3A_212 = arith.constant 4 : i32
      %rem3A_213 = arith.remsi %scan3A_120, %rem3A_212 : i32
      %dma_wait3A_214 = arith.constant 0 : i32
      %dma_wait3A_215 = arith.constant 0 : i32
      %dma_wait3A_216 = tpu.memref_slice %arg11[%rem3A_123, %dma_wait3A_214, %dma_wait3A_215] : memref<2x128x16xf32, #tpu.memory_space<vmem>> -> memref<1x128x16xf32, #tpu.memory_space<vmem>>
      %dma_wait3A_217 = tpu.memref_squeeze %dma_wait3A_216 : memref<1x128x16xf32, #tpu.memory_space<vmem>> -> memref<128x16xf32, #tpu.memory_space<vmem>>
      %dma_wait3A_218 = arith.constant 0 : i32
      %dma_wait3A_219 = tpu.memref_slice %arg8[%rem3A_211, %rem3A_213, %dma_wait3A_218] : memref<2x4x128xi32, #tpu.memory_space<vmem>> -> memref<1x1x128xi32, #tpu.memory_space<vmem>>
      %dma_wait3A_220 = tpu.memref_squeeze %dma_wait3A_219 : memref<1x1x128xi32, #tpu.memory_space<vmem>> -> memref<128xi32, #tpu.memory_space<vmem>>
      %dma_wait3A_221 = arith.constant 0 : i32
      %dma_wait3A_222 = arith.constant 0 : i32
      %dma_wait3A_223 = tpu.memref_slice %arg3[%dma_wait3A_221, %dma_wait3A_222] : memref<40000x16xf32, #tpu.memory_space<hbm>> -> memref<40000x16xf32, #tpu.memory_space<hbm>>
      tpu.wait_indirect_dma semaphore(%arg15 : memref<!tpu.dma_semaphore, #tpu.memory_space<semaphore_mem>>) src(%dma_wait3A_223 : memref<40000x16xf32, #tpu.memory_space<hbm>>) dst(%dma_wait3A_217 : memref<128x16xf32, #tpu.memory_space<vmem>>)
      %add3A_224 = arith.constant 1 : i32
      %add3A_225 = arith.addi %scan3A_120, %add3A_224 : i32
      %lt3A_226 = arith.constant 80 : i32
      %lt3A_227 = arith.cmpi slt, %add3A_225, %lt3A_226 : i32
      %convert_element_type3A_228 = arith.extui %lt3A_227 : i1 to i32
      %cond3A_229 = arith.constant 0 : i32
      %cond3A_230 = arith.cmpi ne, %convert_element_type3A_228, %cond3A_229 : i32
      scf.if %cond3A_230 {
        %add3A_288 = arith.constant 1 : i32
        %add3A_289 = arith.addi %scan3A_120, %add3A_288 : i32
        %jit3A_290 = arith.constant 4 : i32
        %div3A_291 = arith.divsi %add3A_289, %jit3A_290 : i32
        %sign3A_292 = arith.constant 0 : i32
        %sign3A_293 = arith.cmpi sgt, %add3A_289, %sign3A_292 : i32
        %sign3A_294 = arith.extui %sign3A_293 : i1 to i32
        %sign3A_295 = arith.constant 0 : i32
        %sign3A_296 = arith.cmpi slt, %add3A_289, %sign3A_295 : i32
        %sign3A_297 = arith.extui %sign3A_296 : i1 to i32
        %sign3A_298 = arith.subi %sign3A_294, %sign3A_297 : i32
        %sign3A_299 = arith.constant 0 : i32
        %sign3A_300 = arith.cmpi sgt, %jit3A_290, %sign3A_299 : i32
        %sign3A_301 = arith.extui %sign3A_300 : i1 to i32
        %sign3A_302 = arith.constant 0 : i32
        %sign3A_303 = arith.cmpi slt, %jit3A_290, %sign3A_302 : i32
        %sign3A_304 = arith.extui %sign3A_303 : i1 to i32
        %sign3A_305 = arith.subi %sign3A_301, %sign3A_304 : i32
        %ne3A_306 = arith.cmpi ne, %sign3A_298, %sign3A_305 : i32
        %rem3A_307 = arith.remsi %add3A_289, %jit3A_290 : i32
        %ne3A_308 = arith.constant 0 : i32
        %ne3A_309 = arith.cmpi ne, %rem3A_307, %ne3A_308 : i32
        %and3A_310 = arith.andi %ne3A_306, %ne3A_309 : i1
        %sub3A_311 = arith.constant 1 : i32
        %sub3A_312 = arith.subi %div3A_291, %sub3A_311 : i32
        %select_n3A_313 = arith.select %and3A_310, %sub3A_312, %div3A_291 : i32
        %rem3A_314 = arith.constant 2 : i32
        %rem3A_315 = arith.remsi %select_n3A_313, %rem3A_314 : i32
        %rem3A_316 = arith.constant 4 : i32
        %rem3A_317 = arith.remsi %add3A_289, %rem3A_316 : i32
        %sub3A_318 = arith.constant 1 : i32
        %sub3A_319 = arith.subi %sub3A_318, %rem3A_123 : i32
        %dma_start3A_320 = arith.constant 0 : i32
        %dma_start3A_321 = arith.constant 0 : i32
        %dma_start3A_322 = tpu.memref_slice %arg10[%sub3A_319, %dma_start3A_320, %dma_start3A_321] : memref<2x128x128xf32, #tpu.memory_space<vmem>> -> memref<1x128x128xf32, #tpu.memory_space<vmem>>
        %dma_start3A_323 = tpu.memref_squeeze %dma_start3A_322 : memref<1x128x128xf32, #tpu.memory_space<vmem>> -> memref<128x128xf32, #tpu.memory_space<vmem>>
        %dma_start3A_324 = arith.constant 0 : i32
        %dma_start3A_325 = tpu.memref_slice %arg8[%rem3A_315, %rem3A_317, %dma_start3A_324] : memref<2x4x128xi32, #tpu.memory_space<vmem>> -> memref<1x1x128xi32, #tpu.memory_space<vmem>>
        %dma_start3A_326 = tpu.memref_squeeze %dma_start3A_325 : memref<1x1x128xi32, #tpu.memory_space<vmem>> -> memref<128xi32, #tpu.memory_space<vmem>>
        %dma_start3A_327 = arith.constant 0 : i32
        %dma_start3A_328 = arith.constant 0 : i32
        %dma_start3A_329 = tpu.memref_slice %arg2[%dma_start3A_327, %dma_start3A_328] : memref<40000x128xf32, #tpu.memory_space<hbm>> -> memref<40000x128xf32, #tpu.memory_space<hbm>>
        tpu.enqueue_indirect_dma source(%dma_start3A_329 : memref<40000x128xf32, #tpu.memory_space<hbm>>) target(%dma_start3A_323 : memref<128x128xf32, #tpu.memory_space<vmem>>) offsets(%dma_start3A_326 : memref<128xi32, #tpu.memory_space<vmem>>) semaphore(%arg14 : memref<!tpu.dma_semaphore, #tpu.memory_space<semaphore_mem>>)
        %add3A_330 = arith.constant 1 : i32
        %add3A_331 = arith.addi %scan3A_120, %add3A_330 : i32
        %jit3A_332 = arith.constant 4 : i32
        %div3A_333 = arith.divsi %add3A_331, %jit3A_332 : i32
        %sign3A_334 = arith.constant 0 : i32
        %sign3A_335 = arith.cmpi sgt, %add3A_331, %sign3A_334 : i32
        %sign3A_336 = arith.extui %sign3A_335 : i1 to i32
        %sign3A_337 = arith.constant 0 : i32
        %sign3A_338 = arith.cmpi slt, %add3A_331, %sign3A_337 : i32
        %sign3A_339 = arith.extui %sign3A_338 : i1 to i32
        %sign3A_340 = arith.subi %sign3A_336, %sign3A_339 : i32
        %sign3A_341 = arith.constant 0 : i32
        %sign3A_342 = arith.cmpi sgt, %jit3A_332, %sign3A_341 : i32
        %sign3A_343 = arith.extui %sign3A_342 : i1 to i32
        %sign3A_344 = arith.constant 0 : i32
        %sign3A_345 = arith.cmpi slt, %jit3A_332, %sign3A_344 : i32
        %sign3A_346 = arith.extui %sign3A_345 : i1 to i32
        %sign3A_347 = arith.subi %sign3A_343, %sign3A_346 : i32
        %ne3A_348 = arith.cmpi ne, %sign3A_340, %sign3A_347 : i32
        %rem3A_349 = arith.remsi %add3A_331, %jit3A_332 : i32
        %ne3A_350 = arith.constant 0 : i32
        %ne3A_351 = arith.cmpi ne, %rem3A_349, %ne3A_350 : i32
        %and3A_352 = arith.andi %ne3A_348, %ne3A_351 : i1
        %sub3A_353 = arith.constant 1 : i32
        %sub3A_354 = arith.subi %div3A_333, %sub3A_353 : i32
        %select_n3A_355 = arith.select %and3A_352, %sub3A_354, %div3A_333 : i32
        %rem3A_356 = arith.constant 2 : i32
        %rem3A_357 = arith.remsi %select_n3A_355, %rem3A_356 : i32
        %rem3A_358 = arith.constant 4 : i32
        %rem3A_359 = arith.remsi %add3A_331, %rem3A_358 : i32
        %sub3A_360 = arith.constant 1 : i32
        %sub3A_361 = arith.subi %sub3A_360, %rem3A_123 : i32
        %dma_start3A_362 = arith.constant 0 : i32
        %dma_start3A_363 = arith.constant 0 : i32
        %dma_start3A_364 = tpu.memref_slice %arg11[%sub3A_361, %dma_start3A_362, %dma_start3A_363] : memref<2x128x16xf32, #tpu.memory_space<vmem>> -> memref<1x128x16xf32, #tpu.memory_space<vmem>>
        %dma_start3A_365 = tpu.memref_squeeze %dma_start3A_364 : memref<1x128x16xf32, #tpu.memory_space<vmem>> -> memref<128x16xf32, #tpu.memory_space<vmem>>
        %dma_start3A_366 = arith.constant 0 : i32
        %dma_start3A_367 = tpu.memref_slice %arg8[%rem3A_357, %rem3A_359, %dma_start3A_366] : memref<2x4x128xi32, #tpu.memory_space<vmem>> -> memref<1x1x128xi32, #tpu.memory_space<vmem>>
        %dma_start3A_368 = tpu.memref_squeeze %dma_start3A_367 : memref<1x1x128xi32, #tpu.memory_space<vmem>> -> memref<128xi32, #tpu.memory_space<vmem>>
        %dma_start3A_369 = arith.constant 0 : i32
        %dma_start3A_370 = arith.constant 0 : i32
        %dma_start3A_371 = tpu.memref_slice %arg3[%dma_start3A_369, %dma_start3A_370] : memref<40000x16xf32, #tpu.memory_space<hbm>> -> memref<40000x16xf32, #tpu.memory_space<hbm>>
        tpu.enqueue_indirect_dma source(%dma_start3A_371 : memref<40000x16xf32, #tpu.memory_space<hbm>>) target(%dma_start3A_365 : memref<128x16xf32, #tpu.memory_space<vmem>>) offsets(%dma_start3A_368 : memref<128xi32, #tpu.memory_space<vmem>>) semaphore(%arg15 : memref<!tpu.dma_semaphore, #tpu.memory_space<semaphore_mem>>)
      } else {
      }
      %jit3A_231 = arith.constant 4 : i32
      %div3A_232 = arith.divsi %scan3A_120, %jit3A_231 : i32
      %sign3A_233 = arith.constant 0 : i32
      %sign3A_234 = arith.cmpi sgt, %scan3A_120, %sign3A_233 : i32
      %sign3A_235 = arith.extui %sign3A_234 : i1 to i32
      %sign3A_236 = arith.constant 0 : i32
      %sign3A_237 = arith.cmpi slt, %scan3A_120, %sign3A_236 : i32
      %sign3A_238 = arith.extui %sign3A_237 : i1 to i32
      %sign3A_239 = arith.subi %sign3A_235, %sign3A_238 : i32
      %sign3A_240 = arith.constant 0 : i32
      %sign3A_241 = arith.cmpi sgt, %jit3A_231, %sign3A_240 : i32
      %sign3A_242 = arith.extui %sign3A_241 : i1 to i32
      %sign3A_243 = arith.constant 0 : i32
      %sign3A_244 = arith.cmpi slt, %jit3A_231, %sign3A_243 : i32
      %sign3A_245 = arith.extui %sign3A_244 : i1 to i32
      %sign3A_246 = arith.subi %sign3A_242, %sign3A_245 : i32
      %ne3A_247 = arith.cmpi ne, %sign3A_239, %sign3A_246 : i32
      %rem3A_248 = arith.remsi %scan3A_120, %jit3A_231 : i32
      %ne3A_249 = arith.constant 0 : i32
      %ne3A_250 = arith.cmpi ne, %rem3A_248, %ne3A_249 : i32
      %and3A_251 = arith.andi %ne3A_247, %ne3A_250 : i1
      %sub3A_252 = arith.constant 1 : i32
      %sub3A_253 = arith.subi %div3A_232, %sub3A_252 : i32
      %select_n3A_254 = arith.select %and3A_251, %sub3A_253, %div3A_232 : i32
      %rem3A_255 = arith.constant 2 : i32
      %rem3A_256 = arith.remsi %select_n3A_254, %rem3A_255 : i32
      %rem3A_257 = arith.constant 4 : i32
      %rem3A_258 = arith.remsi %scan3A_120, %rem3A_257 : i32
      "tpu.region"() ({
        %run_scoped3A_288 = tpu.sem_alloc : memref<!tpu.dma_semaphore, #tpu.memory_space<semaphore_mem>>
        %dma_start3A_289 = arith.constant 0 : i32
        %dma_start3A_290 = arith.constant 0 : i32
        %dma_start3A_291 = tpu.memref_slice %arg10[%rem3A_123, %dma_start3A_289, %dma_start3A_290] : memref<2x128x128xf32, #tpu.memory_space<vmem>> -> memref<1x128x128xf32, #tpu.memory_space<vmem>>
        %dma_start3A_292 = tpu.memref_squeeze %dma_start3A_291 : memref<1x128x128xf32, #tpu.memory_space<vmem>> -> memref<128x128xf32, #tpu.memory_space<vmem>>
        %dma_start3A_293 = arith.constant 0 : i32
        %dma_start3A_294 = tpu.memref_slice %arg9[%rem3A_256, %rem3A_258, %dma_start3A_293] : memref<2x4x128xi32, #tpu.memory_space<vmem>> -> memref<1x1x128xi32, #tpu.memory_space<vmem>>
        %dma_start3A_295 = tpu.memref_squeeze %dma_start3A_294 : memref<1x1x128xi32, #tpu.memory_space<vmem>> -> memref<128xi32, #tpu.memory_space<vmem>>
        %dma_start3A_296 = arith.constant 0 : i32
        %dma_start3A_297 = arith.constant 0 : i32
        %dma_start3A_298 = tpu.memref_slice %arg12[%dma_start3A_296, %dma_start3A_297] : memref<10208x128xf32, #tpu.memory_space<vmem_shared>> -> memref<10208x128xf32, #tpu.memory_space<vmem_shared>>
        tpu.enqueue_indirect_dma source(%dma_start3A_292 : memref<128x128xf32, #tpu.memory_space<vmem>>) target(%dma_start3A_298 : memref<10208x128xf32, #tpu.memory_space<vmem_shared>>) offsets(%dma_start3A_295 : memref<128xi32, #tpu.memory_space<vmem>>) semaphore(%run_scoped3A_288 : memref<!tpu.dma_semaphore, #tpu.memory_space<semaphore_mem>>) {add = true}
        %dma_wait3A_299 = arith.constant 0 : i32
        %dma_wait3A_300 = arith.constant 0 : i32
        %dma_wait3A_301 = tpu.memref_slice %arg10[%rem3A_123, %dma_wait3A_299, %dma_wait3A_300] : memref<2x128x128xf32, #tpu.memory_space<vmem>> -> memref<1x128x128xf32, #tpu.memory_space<vmem>>
        %dma_wait3A_302 = tpu.memref_squeeze %dma_wait3A_301 : memref<1x128x128xf32, #tpu.memory_space<vmem>> -> memref<128x128xf32, #tpu.memory_space<vmem>>
        %dma_wait3A_303 = arith.constant 0 : i32
        %dma_wait3A_304 = tpu.memref_slice %arg9[%rem3A_256, %rem3A_258, %dma_wait3A_303] : memref<2x4x128xi32, #tpu.memory_space<vmem>> -> memref<1x1x128xi32, #tpu.memory_space<vmem>>
        %dma_wait3A_305 = tpu.memref_squeeze %dma_wait3A_304 : memref<1x1x128xi32, #tpu.memory_space<vmem>> -> memref<128xi32, #tpu.memory_space<vmem>>
        %dma_wait3A_306 = arith.constant 0 : i32
        %dma_wait3A_307 = arith.constant 0 : i32
        %dma_wait3A_308 = tpu.memref_slice %arg12[%dma_wait3A_306, %dma_wait3A_307] : memref<10208x128xf32, #tpu.memory_space<vmem_shared>> -> memref<10208x128xf32, #tpu.memory_space<vmem_shared>>
        tpu.wait_indirect_dma semaphore(%run_scoped3A_288 : memref<!tpu.dma_semaphore, #tpu.memory_space<semaphore_mem>>) src(%dma_wait3A_302 : memref<128x128xf32, #tpu.memory_space<vmem>>) dst(%dma_wait3A_308 : memref<10208x128xf32, #tpu.memory_space<vmem_shared>>)
        tpu.yield
      }) : () -> ()
      %jit3A_259 = arith.constant 4 : i32
      %div3A_260 = arith.divsi %scan3A_120, %jit3A_259 : i32
      %sign3A_261 = arith.constant 0 : i32
      %sign3A_262 = arith.cmpi sgt, %scan3A_120, %sign3A_261 : i32
      %sign3A_263 = arith.extui %sign3A_262 : i1 to i32
      %sign3A_264 = arith.constant 0 : i32
      %sign3A_265 = arith.cmpi slt, %scan3A_120, %sign3A_264 : i32
      %sign3A_266 = arith.extui %sign3A_265 : i1 to i32
      %sign3A_267 = arith.subi %sign3A_263, %sign3A_266 : i32
      %sign3A_268 = arith.constant 0 : i32
      %sign3A_269 = arith.cmpi sgt, %jit3A_259, %sign3A_268 : i32
      %sign3A_270 = arith.extui %sign3A_269 : i1 to i32
      %sign3A_271 = arith.constant 0 : i32
      %sign3A_272 = arith.cmpi slt, %jit3A_259, %sign3A_271 : i32
      %sign3A_273 = arith.extui %sign3A_272 : i1 to i32
      %sign3A_274 = arith.subi %sign3A_270, %sign3A_273 : i32
      %ne3A_275 = arith.cmpi ne, %sign3A_267, %sign3A_274 : i32
      %rem3A_276 = arith.remsi %scan3A_120, %jit3A_259 : i32
      %ne3A_277 = arith.constant 0 : i32
      %ne3A_278 = arith.cmpi ne, %rem3A_276, %ne3A_277 : i32
      %and3A_279 = arith.andi %ne3A_275, %ne3A_278 : i1
      %sub3A_280 = arith.constant 1 : i32
      %sub3A_281 = arith.subi %div3A_260, %sub3A_280 : i32
      %select_n3A_282 = arith.select %and3A_279, %sub3A_281, %div3A_260 : i32
      %rem3A_283 = arith.constant 2 : i32
      %rem3A_284 = arith.remsi %select_n3A_282, %rem3A_283 : i32
      %rem3A_285 = arith.constant 4 : i32
      %rem3A_286 = arith.remsi %scan3A_120, %rem3A_285 : i32
      "tpu.region"() ({
        %run_scoped3A_288 = tpu.sem_alloc : memref<!tpu.dma_semaphore, #tpu.memory_space<semaphore_mem>>
        %dma_start3A_289 = arith.constant 0 : i32
        %dma_start3A_290 = arith.constant 0 : i32
        %dma_start3A_291 = tpu.memref_slice %arg11[%rem3A_123, %dma_start3A_289, %dma_start3A_290] : memref<2x128x16xf32, #tpu.memory_space<vmem>> -> memref<1x128x16xf32, #tpu.memory_space<vmem>>
        %dma_start3A_292 = tpu.memref_squeeze %dma_start3A_291 : memref<1x128x16xf32, #tpu.memory_space<vmem>> -> memref<128x16xf32, #tpu.memory_space<vmem>>
        %dma_start3A_293 = arith.constant 0 : i32
        %dma_start3A_294 = tpu.memref_slice %arg9[%rem3A_284, %rem3A_286, %dma_start3A_293] : memref<2x4x128xi32, #tpu.memory_space<vmem>> -> memref<1x1x128xi32, #tpu.memory_space<vmem>>
        %dma_start3A_295 = tpu.memref_squeeze %dma_start3A_294 : memref<1x1x128xi32, #tpu.memory_space<vmem>> -> memref<128xi32, #tpu.memory_space<vmem>>
        %dma_start3A_296 = arith.constant 0 : i32
        %dma_start3A_297 = arith.constant 0 : i32
        %dma_start3A_298 = tpu.memref_slice %arg13[%dma_start3A_296, %dma_start3A_297] : memref<10208x16xf32, #tpu.memory_space<vmem_shared>> -> memref<10208x16xf32, #tpu.memory_space<vmem_shared>>
        tpu.enqueue_indirect_dma source(%dma_start3A_292 : memref<128x16xf32, #tpu.memory_space<vmem>>) target(%dma_start3A_298 : memref<10208x16xf32, #tpu.memory_space<vmem_shared>>) offsets(%dma_start3A_295 : memref<128xi32, #tpu.memory_space<vmem>>) semaphore(%run_scoped3A_288 : memref<!tpu.dma_semaphore, #tpu.memory_space<semaphore_mem>>) {add = true}
        %dma_wait3A_299 = arith.constant 0 : i32
        %dma_wait3A_300 = arith.constant 0 : i32
        %dma_wait3A_301 = tpu.memref_slice %arg11[%rem3A_123, %dma_wait3A_299, %dma_wait3A_300] : memref<2x128x16xf32, #tpu.memory_space<vmem>> -> memref<1x128x16xf32, #tpu.memory_space<vmem>>
        %dma_wait3A_302 = tpu.memref_squeeze %dma_wait3A_301 : memref<1x128x16xf32, #tpu.memory_space<vmem>> -> memref<128x16xf32, #tpu.memory_space<vmem>>
        %dma_wait3A_303 = arith.constant 0 : i32
        %dma_wait3A_304 = tpu.memref_slice %arg9[%rem3A_284, %rem3A_286, %dma_wait3A_303] : memref<2x4x128xi32, #tpu.memory_space<vmem>> -> memref<1x1x128xi32, #tpu.memory_space<vmem>>
        %dma_wait3A_305 = tpu.memref_squeeze %dma_wait3A_304 : memref<1x1x128xi32, #tpu.memory_space<vmem>> -> memref<128xi32, #tpu.memory_space<vmem>>
        %dma_wait3A_306 = arith.constant 0 : i32
        %dma_wait3A_307 = arith.constant 0 : i32
        %dma_wait3A_308 = tpu.memref_slice %arg13[%dma_wait3A_306, %dma_wait3A_307] : memref<10208x16xf32, #tpu.memory_space<vmem_shared>> -> memref<10208x16xf32, #tpu.memory_space<vmem_shared>>
        tpu.wait_indirect_dma semaphore(%run_scoped3A_288 : memref<!tpu.dma_semaphore, #tpu.memory_space<semaphore_mem>>) src(%dma_wait3A_302 : memref<128x16xf32, #tpu.memory_space<vmem>>) dst(%dma_wait3A_308 : memref<10208x16xf32, #tpu.memory_space<vmem_shared>>)
        tpu.yield
      }) : () -> ()
      %scan3A_287 = arith.constant 0 : i32
      scf.yield %scan3A_287 : i32
    }
    %scan3A_110 = arith.constant 80 : i32
    %barrier3A_111 = arith.constant 0 : index
    tpu.barrier barrier_id(%barrier3A_111)
    %mul3A_112 = arith.constant 638 : i32
    %mul3A_113 = arith.muli %arg1, %mul3A_112 : i32
    %mul3A_114 = arith.constant 638 : i32
    %mul3A_115 = arith.muli %arg1, %mul3A_114 : i32
    "tpu.region"() ({
      %run_scoped3A_120 = tpu.sem_alloc : memref<!tpu.dma_semaphore, #tpu.memory_space<semaphore_mem>>
      %dma_start3A_121 = arith.constant 0 : i32
      %dma_start3A_122 = tpu.memref_slice %arg6[%arg0, %mul3A_115, %dma_start3A_121] : memref<2x10208x128xf32, #tpu.memory_space<hbm>> -> memref<1x638x128xf32, #tpu.memory_space<hbm>>
      %dma_start3A_123 = tpu.memref_squeeze %dma_start3A_122 : memref<1x638x128xf32, #tpu.memory_space<hbm>> -> memref<638x128xf32, #tpu.memory_space<hbm>>
      %dma_start3A_124 = arith.constant 0 : i32
      %dma_start3A_125 = tpu.memref_slice %arg12[%mul3A_113, %dma_start3A_124] : memref<10208x128xf32, #tpu.memory_space<vmem_shared>> -> memref<638x128xf32, #tpu.memory_space<vmem_shared>>
      tpu.enqueue_dma source(%dma_start3A_125 : memref<638x128xf32, #tpu.memory_space<vmem_shared>>) target(%dma_start3A_123 : memref<638x128xf32, #tpu.memory_space<hbm>>) target_semaphore(%run_scoped3A_120 : memref<!tpu.dma_semaphore, #tpu.memory_space<semaphore_mem>>)
      %dma_wait3A = arith.constant 0 : i32
      %dma_wait3A_126 = tpu.memref_slice %arg6[%arg0, %mul3A_115, %dma_wait3A] : memref<2x10208x128xf32, #tpu.memory_space<hbm>> -> memref<1x638x128xf32, #tpu.memory_space<hbm>>
      %dma_wait3A_127 = tpu.memref_squeeze %dma_wait3A_126 : memref<1x638x128xf32, #tpu.memory_space<hbm>> -> memref<638x128xf32, #tpu.memory_space<hbm>>
      %dma_wait3A_128 = arith.constant 0 : i32
      %dma_wait3A_129 = tpu.memref_slice %arg12[%mul3A_113, %dma_wait3A_128] : memref<10208x128xf32, #tpu.memory_space<vmem_shared>> -> memref<638x128xf32, #tpu.memory_space<vmem_shared>>
      tpu.wait_dma2 semaphore(%run_scoped3A_120 : memref<!tpu.dma_semaphore, #tpu.memory_space<semaphore_mem>>) src(%dma_wait3A_129 : memref<638x128xf32, #tpu.memory_space<vmem_shared>>) dst(%dma_wait3A_127 : memref<638x128xf32, #tpu.memory_space<hbm>>)
      tpu.yield
    }) : () -> ()
    %mul3A_116 = arith.constant 638 : i32
    %mul3A_117 = arith.muli %arg1, %mul3A_116 : i32
    %mul3A_118 = arith.constant 638 : i32
    %mul3A_119 = arith.muli %arg1, %mul3A_118 : i32
    "tpu.region"() ({
      %run_scoped3A_120 = tpu.sem_alloc : memref<!tpu.dma_semaphore, #tpu.memory_space<semaphore_mem>>
      %dma_start3A_121 = arith.constant 0 : i32
      %dma_start3A_122 = tpu.memref_slice %arg7[%arg0, %mul3A_119, %dma_start3A_121] : memref<2x10208x16xf32, #tpu.memory_space<hbm>> -> memref<1x638x16xf32, #tpu.memory_space<hbm>>
      %dma_start3A_123 = tpu.memref_squeeze %dma_start3A_122 : memref<1x638x16xf32, #tpu.memory_space<hbm>> -> memref<638x16xf32, #tpu.memory_space<hbm>>
      %dma_start3A_124 = arith.constant 0 : i32
      %dma_start3A_125 = tpu.memref_slice %arg13[%mul3A_117, %dma_start3A_124] : memref<10208x16xf32, #tpu.memory_space<vmem_shared>> -> memref<638x16xf32, #tpu.memory_space<vmem_shared>>
      tpu.enqueue_dma source(%dma_start3A_125 : memref<638x16xf32, #tpu.memory_space<vmem_shared>>) target(%dma_start3A_123 : memref<638x16xf32, #tpu.memory_space<hbm>>) target_semaphore(%run_scoped3A_120 : memref<!tpu.dma_semaphore, #tpu.memory_space<semaphore_mem>>)
      %dma_wait3A = arith.constant 0 : i32
      %dma_wait3A_126 = tpu.memref_slice %arg7[%arg0, %mul3A_119, %dma_wait3A] : memref<2x10208x16xf32, #tpu.memory_space<hbm>> -> memref<1x638x16xf32, #tpu.memory_space<hbm>>
      %dma_wait3A_127 = tpu.memref_squeeze %dma_wait3A_126 : memref<1x638x16xf32, #tpu.memory_space<hbm>> -> memref<638x16xf32, #tpu.memory_space<hbm>>
      %dma_wait3A_128 = arith.constant 0 : i32
      %dma_wait3A_129 = tpu.memref_slice %arg13[%mul3A_117, %dma_wait3A_128] : memref<10208x16xf32, #tpu.memory_space<vmem_shared>> -> memref<638x16xf32, #tpu.memory_space<vmem_shared>>
      tpu.wait_dma2 semaphore(%run_scoped3A_120 : memref<!tpu.dma_semaphore, #tpu.memory_space<semaphore_mem>>) src(%dma_wait3A_129 : memref<638x16xf32, #tpu.memory_space<vmem_shared>>) dst(%dma_wait3A_127 : memref<638x16xf32, #tpu.memory_space<hbm>>)
      tpu.yield
    }) : () -> ()
    return
  }
}

#map = affine_map<(d0, d1) -> (0, 0)>
#map1 = affine_map<(d0, d1) -> (0, 0, 0)>
module attributes {stable_mosaic.version = 14 : i64} {
  func.func @body(%arg0: i32, %arg1: i32, %arg2: memref<40000x128xf32, #tpu.memory_space<hbm>>, %arg3: memref<2560x128xi32, #tpu.memory_space<hbm>>, %arg4: memref<2560x128xi32, #tpu.memory_space<hbm>>, %arg5: memref<2x10208x128xf32, #tpu.memory_space<hbm>>, %arg6: memref<2x4x128xi32, #tpu.memory_space<vmem>>, %arg7: memref<2x4x128xi32, #tpu.memory_space<vmem>>, %arg8: memref<2x128x128xf32, #tpu.memory_space<vmem>>, %arg9: memref<10208x128xf32, #tpu.memory_space<vmem_shared>>, %arg10: memref<!tpu.dma_semaphore, #tpu.memory_space<semaphore_mem>>) attributes {dimension_semantics = [#tpu.dimension_semantics<core_parallel>, #tpu.dimension_semantics<subcore_parallel>], iteration_bounds = array<i64: 2, 16>, scalar_prefetch = 0 : i64, scratch_operands = 5 : i64, tpu.core_type = #tpu.core_type<sc_vector_subcore>, window_params = [{transform_indices = #map}, {transform_indices = #map}, {transform_indices = #map}, {transform_indices = #map1}]} {
    %mul3A = arith.constant 2 : i32
    %mul3A_0 = arith.muli %arg1, %mul3A : i32
    %add3A = arith.addi %mul3A_0, %arg0 : i32
    %mul3A_1 = arith.constant 80 : i32
    %mul3A_2 = arith.muli %add3A, %mul3A_1 : i32
    %scan3A = arith.constant 0 : i32
    %scan3A_3 = arith.constant 0 : i32
    %scan3A_4 = arith.constant 128 : i32
    %scan3A_5 = arith.addi %scan3A_3, %scan3A_4 : i32
    %scan3A_6 = arith.constant 1 : i32
    %scan3A_7 = scf.for %scan3A_67 = %scan3A_3 to %scan3A_5 step %scan3A_6 iter_args(%scan3A_68 = %scan3A) -> (i32)  : i32 {
      %broadcast_in_dim3A = arith.constant 0.000000e+00 : f32
      %broadcast_in_dim3A_69 = vector.broadcast %broadcast_in_dim3A : f32 to vector<16xf32>
      %swap3A = arith.constant 0 : i32
      %swap3A_70 = arith.index_cast %swap3A : i32 to index
      %swap3A_71 = arith.index_cast %scan3A_67 : i32 to index
      %swap3A_72 = arith.constant 0 : index
      %swap3A_73 = tpu.vector_load %arg8[%swap3A_70, %swap3A_71, %swap3A_72] {strides = array<i32>} : memref<2x128x128xf32, #tpu.memory_space<vmem>>, vector<1x1x16xf32>,
      %swap3A_74 = vector.shape_cast %swap3A_73 : vector<1x1x16xf32> to vector<16xf32>
      %swap3A_75 = vector.shape_cast %broadcast_in_dim3A_69 : vector<16xf32> to vector<1x1x16xf32>
      tpu.vector_store %arg8[%swap3A_70, %swap3A_71, %swap3A_72], %swap3A_75 {strides = array<i32>} : memref<2x128x128xf32, #tpu.memory_space<vmem>>, vector<1x1x16xf32>,
      %broadcast_in_dim3A_76 = arith.constant 0.000000e+00 : f32
      %broadcast_in_dim3A_77 = vector.broadcast %broadcast_in_dim3A_76 : f32 to vector<16xf32>
      %swap3A_78 = arith.constant 0 : i32
      %swap3A_79 = arith.index_cast %swap3A_78 : i32 to index
      %swap3A_80 = arith.index_cast %scan3A_67 : i32 to index
      %swap3A_81 = arith.constant 16 : index
      %swap3A_82 = tpu.vector_load %arg8[%swap3A_79, %swap3A_80, %swap3A_81] {strides = array<i32>} : memref<2x128x128xf32, #tpu.memory_space<vmem>>, vector<1x1x16xf32>,
      %swap3A_83 = vector.shape_cast %swap3A_82 : vector<1x1x16xf32> to vector<16xf32>
      %swap3A_84 = vector.shape_cast %broadcast_in_dim3A_77 : vector<16xf32> to vector<1x1x16xf32>
      tpu.vector_store %arg8[%swap3A_79, %swap3A_80, %swap3A_81], %swap3A_84 {strides = array<i32>} : memref<2x128x128xf32, #tpu.memory_space<vmem>>, vector<1x1x16xf32>,
      %broadcast_in_dim3A_85 = arith.constant 0.000000e+00 : f32
      %broadcast_in_dim3A_86 = vector.broadcast %broadcast_in_dim3A_85 : f32 to vector<16xf32>
      %swap3A_87 = arith.constant 0 : i32
      %swap3A_88 = arith.index_cast %swap3A_87 : i32 to index
      %swap3A_89 = arith.index_cast %scan3A_67 : i32 to index
      %swap3A_90 = arith.constant 32 : index
      %swap3A_91 = tpu.vector_load %arg8[%swap3A_88, %swap3A_89, %swap3A_90] {strides = array<i32>} : memref<2x128x128xf32, #tpu.memory_space<vmem>>, vector<1x1x16xf32>,
      %swap3A_92 = vector.shape_cast %swap3A_91 : vector<1x1x16xf32> to vector<16xf32>
      %swap3A_93 = vector.shape_cast %broadcast_in_dim3A_86 : vector<16xf32> to vector<1x1x16xf32>
      tpu.vector_store %arg8[%swap3A_88, %swap3A_89, %swap3A_90], %swap3A_93 {strides = array<i32>} : memref<2x128x128xf32, #tpu.memory_space<vmem>>, vector<1x1x16xf32>,
      %broadcast_in_dim3A_94 = arith.constant 0.000000e+00 : f32
      %broadcast_in_dim3A_95 = vector.broadcast %broadcast_in_dim3A_94 : f32 to vector<16xf32>
      %swap3A_96 = arith.constant 0 : i32
      %swap3A_97 = arith.index_cast %swap3A_96 : i32 to index
      %swap3A_98 = arith.index_cast %scan3A_67 : i32 to index
      %swap3A_99 = arith.constant 48 : index
      %swap3A_100 = tpu.vector_load %arg8[%swap3A_97, %swap3A_98, %swap3A_99] {strides = array<i32>} : memref<2x128x128xf32, #tpu.memory_space<vmem>>, vector<1x1x16xf32>,
      %swap3A_101 = vector.shape_cast %swap3A_100 : vector<1x1x16xf32> to vector<16xf32>
      %swap3A_102 = vector.shape_cast %broadcast_in_dim3A_95 : vector<16xf32> to vector<1x1x16xf32>
      tpu.vector_store %arg8[%swap3A_97, %swap3A_98, %swap3A_99], %swap3A_102 {strides = array<i32>} : memref<2x128x128xf32, #tpu.memory_space<vmem>>, vector<1x1x16xf32>,
      %broadcast_in_dim3A_103 = arith.constant 0.000000e+00 : f32
      %broadcast_in_dim3A_104 = vector.broadcast %broadcast_in_dim3A_103 : f32 to vector<16xf32>
      %swap3A_105 = arith.constant 0 : i32
      %swap3A_106 = arith.index_cast %swap3A_105 : i32 to index
      %swap3A_107 = arith.index_cast %scan3A_67 : i32 to index
      %swap3A_108 = arith.constant 64 : index
      %swap3A_109 = tpu.vector_load %arg8[%swap3A_106, %swap3A_107, %swap3A_108] {strides = array<i32>} : memref<2x128x128xf32, #tpu.memory_space<vmem>>, vector<1x1x16xf32>,
      %swap3A_110 = vector.shape_cast %swap3A_109 : vector<1x1x16xf32> to vector<16xf32>
      %swap3A_111 = vector.shape_cast %broadcast_in_dim3A_104 : vector<16xf32> to vector<1x1x16xf32>
      tpu.vector_store %arg8[%swap3A_106, %swap3A_107, %swap3A_108], %swap3A_111 {strides = array<i32>} : memref<2x128x128xf32, #tpu.memory_space<vmem>>, vector<1x1x16xf32>,
      %broadcast_in_dim3A_112 = arith.constant 0.000000e+00 : f32
      %broadcast_in_dim3A_113 = vector.broadcast %broadcast_in_dim3A_112 : f32 to vector<16xf32>
      %swap3A_114 = arith.constant 0 : i32
      %swap3A_115 = arith.index_cast %swap3A_114 : i32 to index
      %swap3A_116 = arith.index_cast %scan3A_67 : i32 to index
      %swap3A_117 = arith.constant 80 : index
      %swap3A_118 = tpu.vector_load %arg8[%swap3A_115, %swap3A_116, %swap3A_117] {strides = array<i32>} : memref<2x128x128xf32, #tpu.memory_space<vmem>>, vector<1x1x16xf32>,
      %swap3A_119 = vector.shape_cast %swap3A_118 : vector<1x1x16xf32> to vector<16xf32>
      %swap3A_120 = vector.shape_cast %broadcast_in_dim3A_113 : vector<16xf32> to vector<1x1x16xf32>
      tpu.vector_store %arg8[%swap3A_115, %swap3A_116, %swap3A_117], %swap3A_120 {strides = array<i32>} : memref<2x128x128xf32, #tpu.memory_space<vmem>>, vector<1x1x16xf32>,
      %broadcast_in_dim3A_121 = arith.constant 0.000000e+00 : f32
      %broadcast_in_dim3A_122 = vector.broadcast %broadcast_in_dim3A_121 : f32 to vector<16xf32>
      %swap3A_123 = arith.constant 0 : i32
      %swap3A_124 = arith.index_cast %swap3A_123 : i32 to index
      %swap3A_125 = arith.index_cast %scan3A_67 : i32 to index
      %swap3A_126 = arith.constant 96 : index
      %swap3A_127 = tpu.vector_load %arg8[%swap3A_124, %swap3A_125, %swap3A_126] {strides = array<i32>} : memref<2x128x128xf32, #tpu.memory_space<vmem>>, vector<1x1x16xf32>,
      %swap3A_128 = vector.shape_cast %swap3A_127 : vector<1x1x16xf32> to vector<16xf32>
      %swap3A_129 = vector.shape_cast %broadcast_in_dim3A_122 : vector<16xf32> to vector<1x1x16xf32>
      tpu.vector_store %arg8[%swap3A_124, %swap3A_125, %swap3A_126], %swap3A_129 {strides = array<i32>} : memref<2x128x128xf32, #tpu.memory_space<vmem>>, vector<1x1x16xf32>,
      %broadcast_in_dim3A_130 = arith.constant 0.000000e+00 : f32
      %broadcast_in_dim3A_131 = vector.broadcast %broadcast_in_dim3A_130 : f32 to vector<16xf32>
      %swap3A_132 = arith.constant 0 : i32
      %swap3A_133 = arith.index_cast %swap3A_132 : i32 to index
      %swap3A_134 = arith.index_cast %scan3A_67 : i32 to index
      %swap3A_135 = arith.constant 112 : index
      %swap3A_136 = tpu.vector_load %arg8[%swap3A_133, %swap3A_134, %swap3A_135] {strides = array<i32>} : memref<2x128x128xf32, #tpu.memory_space<vmem>>, vector<1x1x16xf32>,
      %swap3A_137 = vector.shape_cast %swap3A_136 : vector<1x1x16xf32> to vector<16xf32>
      %swap3A_138 = vector.shape_cast %broadcast_in_dim3A_131 : vector<16xf32> to vector<1x1x16xf32>
      tpu.vector_store %arg8[%swap3A_133, %swap3A_134, %swap3A_135], %swap3A_138 {strides = array<i32>} : memref<2x128x128xf32, #tpu.memory_space<vmem>>, vector<1x1x16xf32>,
      %scan3A_139 = arith.constant 0 : i32
      scf.yield %scan3A_139 : i32
    }
    %scan3A_8 = arith.constant 128 : i32
    %mul3A_9 = arith.constant 638 : i32
    %mul3A_10 = arith.muli %arg1, %mul3A_9 : i32
    %add3A_11 = arith.constant 0 : i32
    %add3A_12 = arith.addi %mul3A_10, %add3A_11 : i32
    %run_scoped3A = arith.constant 0 : i32
    "tpu.region"() ({
      %run_scoped3A_67 = tpu.sem_alloc : memref<!tpu.dma_semaphore, #tpu.memory_space<semaphore_mem>>
      %dma_start3A_68 = arith.constant 0 : i32
      %dma_start3A_69 = arith.constant 0 : i32
      %dma_start3A_70 = tpu.memref_slice %arg8[%run_scoped3A, %dma_start3A_68, %dma_start3A_69] : memref<2x128x128xf32, #tpu.memory_space<vmem>> -> memref<1x128x128xf32, #tpu.memory_space<vmem>>
      %dma_start3A_71 = tpu.memref_squeeze %dma_start3A_70 : memref<1x128x128xf32, #tpu.memory_space<vmem>> -> memref<128x128xf32, #tpu.memory_space<vmem>>
      %dma_start3A_72 = arith.constant 0 : i32
      %dma_start3A_73 = tpu.memref_slice %arg9[%add3A_12, %dma_start3A_72] : memref<10208x128xf32, #tpu.memory_space<vmem_shared>> -> memref<128x128xf32, #tpu.memory_space<vmem_shared>>
      %dma_start3A_74 = arith.constant 0 : i32
      %dma_start3A_75 = tpu.memref_slice %arg9[%add3A_12, %dma_start3A_74] : memref<10208x128xf32, #tpu.memory_space<vmem_shared>> -> memref<128x128xf32, #tpu.memory_space<vmem_shared>>
      %dma_start3A_76 = arith.constant 0 : i32
      %dma_start3A_77 = arith.constant 0 : i32
      %dma_start3A_78 = tpu.memref_slice %arg8[%run_scoped3A, %dma_start3A_76, %dma_start3A_77] : memref<2x128x128xf32, #tpu.memory_space<vmem>> -> memref<1x128x128xf32, #tpu.memory_space<vmem>>
      %dma_start3A_79 = tpu.memref_squeeze %dma_start3A_78 : memref<1x128x128xf32, #tpu.memory_space<vmem>> -> memref<128x128xf32, #tpu.memory_space<vmem>>
      tpu.enqueue_dma source(%dma_start3A_79 : memref<128x128xf32, #tpu.memory_space<vmem>>) target(%dma_start3A_75 : memref<128x128xf32, #tpu.memory_space<vmem_shared>>) target_semaphore(%run_scoped3A_67 : memref<!tpu.dma_semaphore, #tpu.memory_space<semaphore_mem>>)
      %dma_wait3A = arith.constant 0 : i32
      %dma_wait3A_80 = arith.constant 0 : i32
      %dma_wait3A_81 = tpu.memref_slice %arg8[%run_scoped3A, %dma_wait3A, %dma_wait3A_80] : memref<2x128x128xf32, #tpu.memory_space<vmem>> -> memref<1x128x128xf32, #tpu.memory_space<vmem>>
      %dma_wait3A_82 = tpu.memref_squeeze %dma_wait3A_81 : memref<1x128x128xf32, #tpu.memory_space<vmem>> -> memref<128x128xf32, #tpu.memory_space<vmem>>
      %dma_wait3A_83 = arith.constant 0 : i32
      %dma_wait3A_84 = tpu.memref_slice %arg9[%add3A_12, %dma_wait3A_83] : memref<10208x128xf32, #tpu.memory_space<vmem_shared>> -> memref<128x128xf32, #tpu.memory_space<vmem_shared>>
      %dma_wait3A_85 = arith.constant 0 : i32
      %dma_wait3A_86 = tpu.memref_slice %arg9[%add3A_12, %dma_wait3A_85] : memref<10208x128xf32, #tpu.memory_space<vmem_shared>> -> memref<128x128xf32, #tpu.memory_space<vmem_shared>>
      %dma_wait3A_87 = arith.constant 0 : i32
      %dma_wait3A_88 = arith.constant 0 : i32
      %dma_wait3A_89 = tpu.memref_slice %arg8[%run_scoped3A, %dma_wait3A_87, %dma_wait3A_88] : memref<2x128x128xf32, #tpu.memory_space<vmem>> -> memref<1x128x128xf32, #tpu.memory_space<vmem>>
      %dma_wait3A_90 = tpu.memref_squeeze %dma_wait3A_89 : memref<1x128x128xf32, #tpu.memory_space<vmem>> -> memref<128x128xf32, #tpu.memory_space<vmem>>
      tpu.wait_dma2 semaphore(%run_scoped3A_67 : memref<!tpu.dma_semaphore, #tpu.memory_space<semaphore_mem>>) src(%dma_wait3A_90 : memref<128x128xf32, #tpu.memory_space<vmem>>) dst(%dma_wait3A_86 : memref<128x128xf32, #tpu.memory_space<vmem_shared>>)
      tpu.yield
    }) : () -> ()
    %mul3A_13 = arith.constant 638 : i32
    %mul3A_14 = arith.muli %arg1, %mul3A_13 : i32
    %add3A_15 = arith.constant 128 : i32
    %add3A_16 = arith.addi %mul3A_14, %add3A_15 : i32
    %run_scoped3A_17 = arith.constant 0 : i32
    "tpu.region"() ({
      %run_scoped3A_67 = tpu.sem_alloc : memref<!tpu.dma_semaphore, #tpu.memory_space<semaphore_mem>>
      %dma_start3A_68 = arith.constant 0 : i32
      %dma_start3A_69 = arith.constant 0 : i32
      %dma_start3A_70 = tpu.memref_slice %arg8[%run_scoped3A_17, %dma_start3A_68, %dma_start3A_69] : memref<2x128x128xf32, #tpu.memory_space<vmem>> -> memref<1x128x128xf32, #tpu.memory_space<vmem>>
      %dma_start3A_71 = tpu.memref_squeeze %dma_start3A_70 : memref<1x128x128xf32, #tpu.memory_space<vmem>> -> memref<128x128xf32, #tpu.memory_space<vmem>>
      %dma_start3A_72 = arith.constant 0 : i32
      %dma_start3A_73 = tpu.memref_slice %arg9[%add3A_16, %dma_start3A_72] : memref<10208x128xf32, #tpu.memory_space<vmem_shared>> -> memref<128x128xf32, #tpu.memory_space<vmem_shared>>
      %dma_start3A_74 = arith.constant 0 : i32
      %dma_start3A_75 = tpu.memref_slice %arg9[%add3A_16, %dma_start3A_74] : memref<10208x128xf32, #tpu.memory_space<vmem_shared>> -> memref<128x128xf32, #tpu.memory_space<vmem_shared>>
      %dma_start3A_76 = arith.constant 0 : i32
      %dma_start3A_77 = arith.constant 0 : i32
      %dma_start3A_78 = tpu.memref_slice %arg8[%run_scoped3A_17, %dma_start3A_76, %dma_start3A_77] : memref<2x128x128xf32, #tpu.memory_space<vmem>> -> memref<1x128x128xf32, #tpu.memory_space<vmem>>
      %dma_start3A_79 = tpu.memref_squeeze %dma_start3A_78 : memref<1x128x128xf32, #tpu.memory_space<vmem>> -> memref<128x128xf32, #tpu.memory_space<vmem>>
      tpu.enqueue_dma source(%dma_start3A_79 : memref<128x128xf32, #tpu.memory_space<vmem>>) target(%dma_start3A_75 : memref<128x128xf32, #tpu.memory_space<vmem_shared>>) target_semaphore(%run_scoped3A_67 : memref<!tpu.dma_semaphore, #tpu.memory_space<semaphore_mem>>)
      %dma_wait3A = arith.constant 0 : i32
      %dma_wait3A_80 = arith.constant 0 : i32
      %dma_wait3A_81 = tpu.memref_slice %arg8[%run_scoped3A_17, %dma_wait3A, %dma_wait3A_80] : memref<2x128x128xf32, #tpu.memory_space<vmem>> -> memref<1x128x128xf32, #tpu.memory_space<vmem>>
      %dma_wait3A_82 = tpu.memref_squeeze %dma_wait3A_81 : memref<1x128x128xf32, #tpu.memory_space<vmem>> -> memref<128x128xf32, #tpu.memory_space<vmem>>
      %dma_wait3A_83 = arith.constant 0 : i32
      %dma_wait3A_84 = tpu.memref_slice %arg9[%add3A_16, %dma_wait3A_83] : memref<10208x128xf32, #tpu.memory_space<vmem_shared>> -> memref<128x128xf32, #tpu.memory_space<vmem_shared>>
      %dma_wait3A_85 = arith.constant 0 : i32
      %dma_wait3A_86 = tpu.memref_slice %arg9[%add3A_16, %dma_wait3A_85] : memref<10208x128xf32, #tpu.memory_space<vmem_shared>> -> memref<128x128xf32, #tpu.memory_space<vmem_shared>>
      %dma_wait3A_87 = arith.constant 0 : i32
      %dma_wait3A_88 = arith.constant 0 : i32
      %dma_wait3A_89 = tpu.memref_slice %arg8[%run_scoped3A_17, %dma_wait3A_87, %dma_wait3A_88] : memref<2x128x128xf32, #tpu.memory_space<vmem>> -> memref<1x128x128xf32, #tpu.memory_space<vmem>>
      %dma_wait3A_90 = tpu.memref_squeeze %dma_wait3A_89 : memref<1x128x128xf32, #tpu.memory_space<vmem>> -> memref<128x128xf32, #tpu.memory_space<vmem>>
      tpu.wait_dma2 semaphore(%run_scoped3A_67 : memref<!tpu.dma_semaphore, #tpu.memory_space<semaphore_mem>>) src(%dma_wait3A_90 : memref<128x128xf32, #tpu.memory_space<vmem>>) dst(%dma_wait3A_86 : memref<128x128xf32, #tpu.memory_space<vmem_shared>>)
      tpu.yield
    }) : () -> ()
    %mul3A_18 = arith.constant 638 : i32
    %mul3A_19 = arith.muli %arg1, %mul3A_18 : i32
    %add3A_20 = arith.constant 256 : i32
    %add3A_21 = arith.addi %mul3A_19, %add3A_20 : i32
    %run_scoped3A_22 = arith.constant 0 : i32
    "tpu.region"() ({
      %run_scoped3A_67 = tpu.sem_alloc : memref<!tpu.dma_semaphore, #tpu.memory_space<semaphore_mem>>
      %dma_start3A_68 = arith.constant 0 : i32
      %dma_start3A_69 = arith.constant 0 : i32
      %dma_start3A_70 = tpu.memref_slice %arg8[%run_scoped3A_22, %dma_start3A_68, %dma_start3A_69] : memref<2x128x128xf32, #tpu.memory_space<vmem>> -> memref<1x128x128xf32, #tpu.memory_space<vmem>>
      %dma_start3A_71 = tpu.memref_squeeze %dma_start3A_70 : memref<1x128x128xf32, #tpu.memory_space<vmem>> -> memref<128x128xf32, #tpu.memory_space<vmem>>
      %dma_start3A_72 = arith.constant 0 : i32
      %dma_start3A_73 = tpu.memref_slice %arg9[%add3A_21, %dma_start3A_72] : memref<10208x128xf32, #tpu.memory_space<vmem_shared>> -> memref<128x128xf32, #tpu.memory_space<vmem_shared>>
      %dma_start3A_74 = arith.constant 0 : i32
      %dma_start3A_75 = tpu.memref_slice %arg9[%add3A_21, %dma_start3A_74] : memref<10208x128xf32, #tpu.memory_space<vmem_shared>> -> memref<128x128xf32, #tpu.memory_space<vmem_shared>>
      %dma_start3A_76 = arith.constant 0 : i32
      %dma_start3A_77 = arith.constant 0 : i32
      %dma_start3A_78 = tpu.memref_slice %arg8[%run_scoped3A_22, %dma_start3A_76, %dma_start3A_77] : memref<2x128x128xf32, #tpu.memory_space<vmem>> -> memref<1x128x128xf32, #tpu.memory_space<vmem>>
      %dma_start3A_79 = tpu.memref_squeeze %dma_start3A_78 : memref<1x128x128xf32, #tpu.memory_space<vmem>> -> memref<128x128xf32, #tpu.memory_space<vmem>>
      tpu.enqueue_dma source(%dma_start3A_79 : memref<128x128xf32, #tpu.memory_space<vmem>>) target(%dma_start3A_75 : memref<128x128xf32, #tpu.memory_space<vmem_shared>>) target_semaphore(%run_scoped3A_67 : memref<!tpu.dma_semaphore, #tpu.memory_space<semaphore_mem>>)
      %dma_wait3A = arith.constant 0 : i32
      %dma_wait3A_80 = arith.constant 0 : i32
      %dma_wait3A_81 = tpu.memref_slice %arg8[%run_scoped3A_22, %dma_wait3A, %dma_wait3A_80] : memref<2x128x128xf32, #tpu.memory_space<vmem>> -> memref<1x128x128xf32, #tpu.memory_space<vmem>>
      %dma_wait3A_82 = tpu.memref_squeeze %dma_wait3A_81 : memref<1x128x128xf32, #tpu.memory_space<vmem>> -> memref<128x128xf32, #tpu.memory_space<vmem>>
      %dma_wait3A_83 = arith.constant 0 : i32
      %dma_wait3A_84 = tpu.memref_slice %arg9[%add3A_21, %dma_wait3A_83] : memref<10208x128xf32, #tpu.memory_space<vmem_shared>> -> memref<128x128xf32, #tpu.memory_space<vmem_shared>>
      %dma_wait3A_85 = arith.constant 0 : i32
      %dma_wait3A_86 = tpu.memref_slice %arg9[%add3A_21, %dma_wait3A_85] : memref<10208x128xf32, #tpu.memory_space<vmem_shared>> -> memref<128x128xf32, #tpu.memory_space<vmem_shared>>
      %dma_wait3A_87 = arith.constant 0 : i32
      %dma_wait3A_88 = arith.constant 0 : i32
      %dma_wait3A_89 = tpu.memref_slice %arg8[%run_scoped3A_22, %dma_wait3A_87, %dma_wait3A_88] : memref<2x128x128xf32, #tpu.memory_space<vmem>> -> memref<1x128x128xf32, #tpu.memory_space<vmem>>
      %dma_wait3A_90 = tpu.memref_squeeze %dma_wait3A_89 : memref<1x128x128xf32, #tpu.memory_space<vmem>> -> memref<128x128xf32, #tpu.memory_space<vmem>>
      tpu.wait_dma2 semaphore(%run_scoped3A_67 : memref<!tpu.dma_semaphore, #tpu.memory_space<semaphore_mem>>) src(%dma_wait3A_90 : memref<128x128xf32, #tpu.memory_space<vmem>>) dst(%dma_wait3A_86 : memref<128x128xf32, #tpu.memory_space<vmem_shared>>)
      tpu.yield
    }) : () -> ()
    %mul3A_23 = arith.constant 638 : i32
    %mul3A_24 = arith.muli %arg1, %mul3A_23 : i32
    %add3A_25 = arith.constant 384 : i32
    %add3A_26 = arith.addi %mul3A_24, %add3A_25 : i32
    %run_scoped3A_27 = arith.constant 0 : i32
    "tpu.region"() ({
      %run_scoped3A_67 = tpu.sem_alloc : memref<!tpu.dma_semaphore, #tpu.memory_space<semaphore_mem>>
      %dma_start3A_68 = arith.constant 0 : i32
      %dma_start3A_69 = arith.constant 0 : i32
      %dma_start3A_70 = tpu.memref_slice %arg8[%run_scoped3A_27, %dma_start3A_68, %dma_start3A_69] : memref<2x128x128xf32, #tpu.memory_space<vmem>> -> memref<1x128x128xf32, #tpu.memory_space<vmem>>
      %dma_start3A_71 = tpu.memref_squeeze %dma_start3A_70 : memref<1x128x128xf32, #tpu.memory_space<vmem>> -> memref<128x128xf32, #tpu.memory_space<vmem>>
      %dma_start3A_72 = arith.constant 0 : i32
      %dma_start3A_73 = tpu.memref_slice %arg9[%add3A_26, %dma_start3A_72] : memref<10208x128xf32, #tpu.memory_space<vmem_shared>> -> memref<128x128xf32, #tpu.memory_space<vmem_shared>>
      %dma_start3A_74 = arith.constant 0 : i32
      %dma_start3A_75 = tpu.memref_slice %arg9[%add3A_26, %dma_start3A_74] : memref<10208x128xf32, #tpu.memory_space<vmem_shared>> -> memref<128x128xf32, #tpu.memory_space<vmem_shared>>
      %dma_start3A_76 = arith.constant 0 : i32
      %dma_start3A_77 = arith.constant 0 : i32
      %dma_start3A_78 = tpu.memref_slice %arg8[%run_scoped3A_27, %dma_start3A_76, %dma_start3A_77] : memref<2x128x128xf32, #tpu.memory_space<vmem>> -> memref<1x128x128xf32, #tpu.memory_space<vmem>>
      %dma_start3A_79 = tpu.memref_squeeze %dma_start3A_78 : memref<1x128x128xf32, #tpu.memory_space<vmem>> -> memref<128x128xf32, #tpu.memory_space<vmem>>
      tpu.enqueue_dma source(%dma_start3A_79 : memref<128x128xf32, #tpu.memory_space<vmem>>) target(%dma_start3A_75 : memref<128x128xf32, #tpu.memory_space<vmem_shared>>) target_semaphore(%run_scoped3A_67 : memref<!tpu.dma_semaphore, #tpu.memory_space<semaphore_mem>>)
      %dma_wait3A = arith.constant 0 : i32
      %dma_wait3A_80 = arith.constant 0 : i32
      %dma_wait3A_81 = tpu.memref_slice %arg8[%run_scoped3A_27, %dma_wait3A, %dma_wait3A_80] : memref<2x128x128xf32, #tpu.memory_space<vmem>> -> memref<1x128x128xf32, #tpu.memory_space<vmem>>
      %dma_wait3A_82 = tpu.memref_squeeze %dma_wait3A_81 : memref<1x128x128xf32, #tpu.memory_space<vmem>> -> memref<128x128xf32, #tpu.memory_space<vmem>>
      %dma_wait3A_83 = arith.constant 0 : i32
      %dma_wait3A_84 = tpu.memref_slice %arg9[%add3A_26, %dma_wait3A_83] : memref<10208x128xf32, #tpu.memory_space<vmem_shared>> -> memref<128x128xf32, #tpu.memory_space<vmem_shared>>
      %dma_wait3A_85 = arith.constant 0 : i32
      %dma_wait3A_86 = tpu.memref_slice %arg9[%add3A_26, %dma_wait3A_85] : memref<10208x128xf32, #tpu.memory_space<vmem_shared>> -> memref<128x128xf32, #tpu.memory_space<vmem_shared>>
      %dma_wait3A_87 = arith.constant 0 : i32
      %dma_wait3A_88 = arith.constant 0 : i32
      %dma_wait3A_89 = tpu.memref_slice %arg8[%run_scoped3A_27, %dma_wait3A_87, %dma_wait3A_88] : memref<2x128x128xf32, #tpu.memory_space<vmem>> -> memref<1x128x128xf32, #tpu.memory_space<vmem>>
      %dma_wait3A_90 = tpu.memref_squeeze %dma_wait3A_89 : memref<1x128x128xf32, #tpu.memory_space<vmem>> -> memref<128x128xf32, #tpu.memory_space<vmem>>
      tpu.wait_dma2 semaphore(%run_scoped3A_67 : memref<!tpu.dma_semaphore, #tpu.memory_space<semaphore_mem>>) src(%dma_wait3A_90 : memref<128x128xf32, #tpu.memory_space<vmem>>) dst(%dma_wait3A_86 : memref<128x128xf32, #tpu.memory_space<vmem_shared>>)
      tpu.yield
    }) : () -> ()
    %mul3A_28 = arith.constant 638 : i32
    %mul3A_29 = arith.muli %arg1, %mul3A_28 : i32
    %add3A_30 = arith.constant 512 : i32
    %add3A_31 = arith.addi %mul3A_29, %add3A_30 : i32
    %run_scoped3A_32 = arith.constant 0 : i32
    "tpu.region"() ({
      %run_scoped3A_67 = tpu.sem_alloc : memref<!tpu.dma_semaphore, #tpu.memory_space<semaphore_mem>>
      %dma_start3A_68 = arith.constant 0 : i32
      %dma_start3A_69 = arith.constant 0 : i32
      %dma_start3A_70 = tpu.memref_slice %arg8[%run_scoped3A_32, %dma_start3A_68, %dma_start3A_69] : memref<2x128x128xf32, #tpu.memory_space<vmem>> -> memref<1x126x128xf32, #tpu.memory_space<vmem>>
      %dma_start3A_71 = tpu.memref_squeeze %dma_start3A_70 : memref<1x126x128xf32, #tpu.memory_space<vmem>> -> memref<126x128xf32, #tpu.memory_space<vmem>>
      %dma_start3A_72 = arith.constant 0 : i32
      %dma_start3A_73 = tpu.memref_slice %arg9[%add3A_31, %dma_start3A_72] : memref<10208x128xf32, #tpu.memory_space<vmem_shared>> -> memref<126x128xf32, #tpu.memory_space<vmem_shared>>
      %dma_start3A_74 = arith.constant 0 : i32
      %dma_start3A_75 = tpu.memref_slice %arg9[%add3A_31, %dma_start3A_74] : memref<10208x128xf32, #tpu.memory_space<vmem_shared>> -> memref<126x128xf32, #tpu.memory_space<vmem_shared>>
      %dma_start3A_76 = arith.constant 0 : i32
      %dma_start3A_77 = arith.constant 0 : i32
      %dma_start3A_78 = tpu.memref_slice %arg8[%run_scoped3A_32, %dma_start3A_76, %dma_start3A_77] : memref<2x128x128xf32, #tpu.memory_space<vmem>> -> memref<1x126x128xf32, #tpu.memory_space<vmem>>
      %dma_start3A_79 = tpu.memref_squeeze %dma_start3A_78 : memref<1x126x128xf32, #tpu.memory_space<vmem>> -> memref<126x128xf32, #tpu.memory_space<vmem>>
      tpu.enqueue_dma source(%dma_start3A_79 : memref<126x128xf32, #tpu.memory_space<vmem>>) target(%dma_start3A_75 : memref<126x128xf32, #tpu.memory_space<vmem_shared>>) target_semaphore(%run_scoped3A_67 : memref<!tpu.dma_semaphore, #tpu.memory_space<semaphore_mem>>)
      %dma_wait3A = arith.constant 0 : i32
      %dma_wait3A_80 = arith.constant 0 : i32
      %dma_wait3A_81 = tpu.memref_slice %arg8[%run_scoped3A_32, %dma_wait3A, %dma_wait3A_80] : memref<2x128x128xf32, #tpu.memory_space<vmem>> -> memref<1x126x128xf32, #tpu.memory_space<vmem>>
      %dma_wait3A_82 = tpu.memref_squeeze %dma_wait3A_81 : memref<1x126x128xf32, #tpu.memory_space<vmem>> -> memref<126x128xf32, #tpu.memory_space<vmem>>
      %dma_wait3A_83 = arith.constant 0 : i32
      %dma_wait3A_84 = tpu.memref_slice %arg9[%add3A_31, %dma_wait3A_83] : memref<10208x128xf32, #tpu.memory_space<vmem_shared>> -> memref<126x128xf32, #tpu.memory_space<vmem_shared>>
      %dma_wait3A_85 = arith.constant 0 : i32
      %dma_wait3A_86 = tpu.memref_slice %arg9[%add3A_31, %dma_wait3A_85] : memref<10208x128xf32, #tpu.memory_space<vmem_shared>> -> memref<126x128xf32, #tpu.memory_space<vmem_shared>>
      %dma_wait3A_87 = arith.constant 0 : i32
      %dma_wait3A_88 = arith.constant 0 : i32
      %dma_wait3A_89 = tpu.memref_slice %arg8[%run_scoped3A_32, %dma_wait3A_87, %dma_wait3A_88] : memref<2x128x128xf32, #tpu.memory_space<vmem>> -> memref<1x126x128xf32, #tpu.memory_space<vmem>>
      %dma_wait3A_90 = tpu.memref_squeeze %dma_wait3A_89 : memref<1x126x128xf32, #tpu.memory_space<vmem>> -> memref<126x128xf32, #tpu.memory_space<vmem>>
      tpu.wait_dma2 semaphore(%run_scoped3A_67 : memref<!tpu.dma_semaphore, #tpu.memory_space<semaphore_mem>>) src(%dma_wait3A_90 : memref<126x128xf32, #tpu.memory_space<vmem>>) dst(%dma_wait3A_86 : memref<126x128xf32, #tpu.memory_space<vmem_shared>>)
      tpu.yield
    }) : () -> ()
    %barrier3A = arith.constant 0 : index
    tpu.barrier barrier_id(%barrier3A)
    %rem3A = arith.constant 0 : i32
    %rem3A_33 = arith.constant 2 : i32
    %rem3A_34 = arith.remsi %rem3A, %rem3A_33 : i32
    %add3A_35 = arith.constant 0 : i32
    %add3A_36 = arith.addi %mul3A_2, %add3A_35 : i32
    "tpu.region"() ({
      %run_scoped3A_67 = tpu.sem_alloc : memref<!tpu.dma_semaphore, #tpu.memory_space<semaphore_mem>>
      %dma_start3A_68 = arith.constant 0 : i32
      %dma_start3A_69 = arith.constant 0 : i32
      %dma_start3A_70 = tpu.memref_slice %arg6[%rem3A_34, %dma_start3A_68, %dma_start3A_69] : memref<2x4x128xi32, #tpu.memory_space<vmem>> -> memref<1x4x128xi32, #tpu.memory_space<vmem>>
      %dma_start3A_71 = tpu.memref_squeeze %dma_start3A_70 : memref<1x4x128xi32, #tpu.memory_space<vmem>> -> memref<4x128xi32, #tpu.memory_space<vmem>>
      %dma_start3A_72 = arith.constant 0 : i32
      %dma_start3A_73 = tpu.memref_slice %arg3[%add3A_36, %dma_start3A_72] : memref<2560x128xi32, #tpu.memory_space<hbm>> -> memref<4x128xi32, #tpu.memory_space<hbm>>
      %dma_start3A_74 = arith.constant 0 : i32
      %dma_start3A_75 = arith.constant 0 : i32
      %dma_start3A_76 = tpu.memref_slice %arg6[%rem3A_34, %dma_start3A_74, %dma_start3A_75] : memref<2x4x128xi32, #tpu.memory_space<vmem>> -> memref<1x4x128xi32, #tpu.memory_space<vmem>>
      %dma_start3A_77 = tpu.memref_squeeze %dma_start3A_76 : memref<1x4x128xi32, #tpu.memory_space<vmem>> -> memref<4x128xi32, #tpu.memory_space<vmem>>
      %dma_start3A_78 = arith.constant 0 : i32
      %dma_start3A_79 = tpu.memref_slice %arg3[%add3A_36, %dma_start3A_78] : memref<2560x128xi32, #tpu.memory_space<hbm>> -> memref<4x128xi32, #tpu.memory_space<hbm>>
      tpu.enqueue_dma source(%dma_start3A_79 : memref<4x128xi32, #tpu.memory_space<hbm>>) target(%dma_start3A_77 : memref<4x128xi32, #tpu.memory_space<vmem>>) target_semaphore(%run_scoped3A_67 : memref<!tpu.dma_semaphore, #tpu.memory_space<semaphore_mem>>)
      %dma_wait3A = arith.constant 0 : i32
      %dma_wait3A_80 = arith.constant 0 : i32
      %dma_wait3A_81 = tpu.memref_slice %arg6[%rem3A_34, %dma_wait3A, %dma_wait3A_80] : memref<2x4x128xi32, #tpu.memory_space<vmem>> -> memref<1x4x128xi32, #tpu.memory_space<vmem>>
      %dma_wait3A_82 = tpu.memref_squeeze %dma_wait3A_81 : memref<1x4x128xi32, #tpu.memory_space<vmem>> -> memref<4x128xi32, #tpu.memory_space<vmem>>
      %dma_wait3A_83 = arith.constant 0 : i32
      %dma_wait3A_84 = tpu.memref_slice %arg3[%add3A_36, %dma_wait3A_83] : memref<2560x128xi32, #tpu.memory_space<hbm>> -> memref<4x128xi32, #tpu.memory_space<hbm>>
      %dma_wait3A_85 = arith.constant 0 : i32
      %dma_wait3A_86 = arith.constant 0 : i32
      %dma_wait3A_87 = tpu.memref_slice %arg6[%rem3A_34, %dma_wait3A_85, %dma_wait3A_86] : memref<2x4x128xi32, #tpu.memory_space<vmem>> -> memref<1x4x128xi32, #tpu.memory_space<vmem>>
      %dma_wait3A_88 = tpu.memref_squeeze %dma_wait3A_87 : memref<1x4x128xi32, #tpu.memory_space<vmem>> -> memref<4x128xi32, #tpu.memory_space<vmem>>
      %dma_wait3A_89 = arith.constant 0 : i32
      %dma_wait3A_90 = tpu.memref_slice %arg3[%add3A_36, %dma_wait3A_89] : memref<2560x128xi32, #tpu.memory_space<hbm>> -> memref<4x128xi32, #tpu.memory_space<hbm>>
      tpu.wait_dma2 semaphore(%run_scoped3A_67 : memref<!tpu.dma_semaphore, #tpu.memory_space<semaphore_mem>>) src(%dma_wait3A_90 : memref<4x128xi32, #tpu.memory_space<hbm>>) dst(%dma_wait3A_88 : memref<4x128xi32, #tpu.memory_space<vmem>>)
      tpu.yield
    }) : () -> ()
    %add3A_37 = arith.constant 0 : i32
    %add3A_38 = arith.addi %mul3A_2, %add3A_37 : i32
    "tpu.region"() ({
      %run_scoped3A_67 = tpu.sem_alloc : memref<!tpu.dma_semaphore, #tpu.memory_space<semaphore_mem>>
      %dma_start3A_68 = arith.constant 0 : i32
      %dma_start3A_69 = arith.constant 0 : i32
      %dma_start3A_70 = tpu.memref_slice %arg7[%rem3A_34, %dma_start3A_68, %dma_start3A_69] : memref<2x4x128xi32, #tpu.memory_space<vmem>> -> memref<1x4x128xi32, #tpu.memory_space<vmem>>
      %dma_start3A_71 = tpu.memref_squeeze %dma_start3A_70 : memref<1x4x128xi32, #tpu.memory_space<vmem>> -> memref<4x128xi32, #tpu.memory_space<vmem>>
      %dma_start3A_72 = arith.constant 0 : i32
      %dma_start3A_73 = tpu.memref_slice %arg4[%add3A_38, %dma_start3A_72] : memref<2560x128xi32, #tpu.memory_space<hbm>> -> memref<4x128xi32, #tpu.memory_space<hbm>>
      %dma_start3A_74 = arith.constant 0 : i32
      %dma_start3A_75 = arith.constant 0 : i32
      %dma_start3A_76 = tpu.memref_slice %arg7[%rem3A_34, %dma_start3A_74, %dma_start3A_75] : memref<2x4x128xi32, #tpu.memory_space<vmem>> -> memref<1x4x128xi32, #tpu.memory_space<vmem>>
      %dma_start3A_77 = tpu.memref_squeeze %dma_start3A_76 : memref<1x4x128xi32, #tpu.memory_space<vmem>> -> memref<4x128xi32, #tpu.memory_space<vmem>>
      %dma_start3A_78 = arith.constant 0 : i32
      %dma_start3A_79 = tpu.memref_slice %arg4[%add3A_38, %dma_start3A_78] : memref<2560x128xi32, #tpu.memory_space<hbm>> -> memref<4x128xi32, #tpu.memory_space<hbm>>
      tpu.enqueue_dma source(%dma_start3A_79 : memref<4x128xi32, #tpu.memory_space<hbm>>) target(%dma_start3A_77 : memref<4x128xi32, #tpu.memory_space<vmem>>) target_semaphore(%run_scoped3A_67 : memref<!tpu.dma_semaphore, #tpu.memory_space<semaphore_mem>>)
      %dma_wait3A = arith.constant 0 : i32
      %dma_wait3A_80 = arith.constant 0 : i32
      %dma_wait3A_81 = tpu.memref_slice %arg7[%rem3A_34, %dma_wait3A, %dma_wait3A_80] : memref<2x4x128xi32, #tpu.memory_space<vmem>> -> memref<1x4x128xi32, #tpu.memory_space<vmem>>
      %dma_wait3A_82 = tpu.memref_squeeze %dma_wait3A_81 : memref<1x4x128xi32, #tpu.memory_space<vmem>> -> memref<4x128xi32, #tpu.memory_space<vmem>>
      %dma_wait3A_83 = arith.constant 0 : i32
      %dma_wait3A_84 = tpu.memref_slice %arg4[%add3A_38, %dma_wait3A_83] : memref<2560x128xi32, #tpu.memory_space<hbm>> -> memref<4x128xi32, #tpu.memory_space<hbm>>
      %dma_wait3A_85 = arith.constant 0 : i32
      %dma_wait3A_86 = arith.constant 0 : i32
      %dma_wait3A_87 = tpu.memref_slice %arg7[%rem3A_34, %dma_wait3A_85, %dma_wait3A_86] : memref<2x4x128xi32, #tpu.memory_space<vmem>> -> memref<1x4x128xi32, #tpu.memory_space<vmem>>
      %dma_wait3A_88 = tpu.memref_squeeze %dma_wait3A_87 : memref<1x4x128xi32, #tpu.memory_space<vmem>> -> memref<4x128xi32, #tpu.memory_space<vmem>>
      %dma_wait3A_89 = arith.constant 0 : i32
      %dma_wait3A_90 = tpu.memref_slice %arg4[%add3A_38, %dma_wait3A_89] : memref<2560x128xi32, #tpu.memory_space<hbm>> -> memref<4x128xi32, #tpu.memory_space<hbm>>
      tpu.wait_dma2 semaphore(%run_scoped3A_67 : memref<!tpu.dma_semaphore, #tpu.memory_space<semaphore_mem>>) src(%dma_wait3A_90 : memref<4x128xi32, #tpu.memory_space<hbm>>) dst(%dma_wait3A_88 : memref<4x128xi32, #tpu.memory_space<vmem>>)
      tpu.yield
    }) : () -> ()
    %rem3A_39 = arith.constant 0 : i32
    %rem3A_40 = arith.constant 2 : i32
    %rem3A_41 = arith.remsi %rem3A_39, %rem3A_40 : i32
    %rem3A_42 = arith.constant 0 : i32
    %rem3A_43 = arith.constant 4 : i32
    %rem3A_44 = arith.remsi %rem3A_42, %rem3A_43 : i32
    %dma_start3A = arith.constant 0 : i32
    %dma_start3A_45 = arith.constant 0 : i32
    %dma_start3A_46 = arith.constant 0 : i32
    %dma_start3A_47 = tpu.memref_slice %arg8[%dma_start3A, %dma_start3A_45, %dma_start3A_46] : memref<2x128x128xf32, #tpu.memory_space<vmem>> -> memref<1x128x128xf32, #tpu.memory_space<vmem>>
    %dma_start3A_48 = tpu.memref_squeeze %dma_start3A_47 : memref<1x128x128xf32, #tpu.memory_space<vmem>> -> memref<128x128xf32, #tpu.memory_space<vmem>>
    %dma_start3A_49 = arith.constant 0 : i32
    %dma_start3A_50 = tpu.memref_slice %arg6[%rem3A_41, %rem3A_44, %dma_start3A_49] : memref<2x4x128xi32, #tpu.memory_space<vmem>> -> memref<1x1x128xi32, #tpu.memory_space<vmem>>
    %dma_start3A_51 = tpu.memref_squeeze %dma_start3A_50 : memref<1x1x128xi32, #tpu.memory_space<vmem>> -> memref<128xi32, #tpu.memory_space<vmem>>
    %dma_start3A_52 = arith.constant 0 : i32
    %dma_start3A_53 = arith.constant 0 : i32
    %dma_start3A_54 = tpu.memref_slice %arg2[%dma_start3A_52, %dma_start3A_53] : memref<40000x128xf32, #tpu.memory_space<hbm>> -> memref<40000x128xf32, #tpu.memory_space<hbm>>
    tpu.enqueue_indirect_dma source(%dma_start3A_54 : memref<40000x128xf32, #tpu.memory_space<hbm>>) target(%dma_start3A_48 : memref<128x128xf32, #tpu.memory_space<vmem>>) offsets(%dma_start3A_51 : memref<128xi32, #tpu.memory_space<vmem>>) semaphore(%arg10 : memref<!tpu.dma_semaphore, #tpu.memory_space<semaphore_mem>>)
    %scan3A_55 = arith.constant 0 : i32
    %scan3A_56 = arith.constant 0 : i32
    %scan3A_57 = arith.constant 80 : i32
    %scan3A_58 = arith.addi %scan3A_56, %scan3A_57 : i32
    %scan3A_59 = arith.constant 1 : i32
    %scan3A_60 = scf.for %scan3A_67 = %scan3A_56 to %scan3A_58 step %scan3A_59 iter_args(%scan3A_68 = %scan3A_55) -> (i32)  : i32 {
      %rem3A_69 = arith.constant 2 : i32
      %rem3A_70 = arith.remsi %scan3A_67, %rem3A_69 : i32
      %rem3A_71 = arith.constant 4 : i32
      %rem3A_72 = arith.remsi %scan3A_67, %rem3A_71 : i32
      %eq3A = arith.constant 0 : i32
      %eq3A_73 = arith.cmpi eq, %rem3A_72, %eq3A : i32
      %jit3A = arith.constant 4 : i32
      %div3A = arith.divsi %scan3A_67, %jit3A : i32
      %sign3A = arith.constant 0 : i32
      %sign3A_74 = arith.cmpi sgt, %scan3A_67, %sign3A : i32
      %sign3A_75 = arith.extui %sign3A_74 : i1 to i32
      %sign3A_76 = arith.constant 0 : i32
      %sign3A_77 = arith.cmpi slt, %scan3A_67, %sign3A_76 : i32
      %sign3A_78 = arith.extui %sign3A_77 : i1 to i32
      %sign3A_79 = arith.subi %sign3A_75, %sign3A_78 : i32
      %sign3A_80 = arith.constant 0 : i32
      %sign3A_81 = arith.cmpi sgt, %jit3A, %sign3A_80 : i32
      %sign3A_82 = arith.extui %sign3A_81 : i1 to i32
      %sign3A_83 = arith.constant 0 : i32
      %sign3A_84 = arith.cmpi slt, %jit3A, %sign3A_83 : i32
      %sign3A_85 = arith.extui %sign3A_84 : i1 to i32
      %sign3A_86 = arith.subi %sign3A_82, %sign3A_85 : i32
      %ne3A = arith.cmpi ne, %sign3A_79, %sign3A_86 : i32
      %rem3A_87 = arith.remsi %scan3A_67, %jit3A : i32
      %ne3A_88 = arith.constant 0 : i32
      %ne3A_89 = arith.cmpi ne, %rem3A_87, %ne3A_88 : i32
      %and3A = arith.andi %ne3A, %ne3A_89 : i1
      %sub3A = arith.constant 1 : i32
      %sub3A_90 = arith.subi %div3A, %sub3A : i32
      %select_n3A = arith.select %and3A, %sub3A_90, %div3A : i32
      %add3A_91 = arith.constant 1 : i32
      %add3A_92 = arith.addi %select_n3A, %add3A_91 : i32
      %lt3A = arith.constant 20 : i32
      %lt3A_93 = arith.cmpi slt, %add3A_92, %lt3A : i32
      %and3A_94 = arith.andi %eq3A_73, %lt3A_93 : i1
      %convert_element_type3A = arith.extui %and3A_94 : i1 to i32
      %cond3A = arith.constant 0 : i32
      %cond3A_95 = arith.cmpi ne, %convert_element_type3A, %cond3A : i32
      scf.if %cond3A_95 {
        %jit3A_169 = arith.constant 4 : i32
        %div3A_170 = arith.divsi %scan3A_67, %jit3A_169 : i32
        %sign3A_171 = arith.constant 0 : i32
        %sign3A_172 = arith.cmpi sgt, %scan3A_67, %sign3A_171 : i32
        %sign3A_173 = arith.extui %sign3A_172 : i1 to i32
        %sign3A_174 = arith.constant 0 : i32
        %sign3A_175 = arith.cmpi slt, %scan3A_67, %sign3A_174 : i32
        %sign3A_176 = arith.extui %sign3A_175 : i1 to i32
        %sign3A_177 = arith.subi %sign3A_173, %sign3A_176 : i32
        %sign3A_178 = arith.constant 0 : i32
        %sign3A_179 = arith.cmpi sgt, %jit3A_169, %sign3A_178 : i32
        %sign3A_180 = arith.extui %sign3A_179 : i1 to i32
        %sign3A_181 = arith.constant 0 : i32
        %sign3A_182 = arith.cmpi slt, %jit3A_169, %sign3A_181 : i32
        %sign3A_183 = arith.extui %sign3A_182 : i1 to i32
        %sign3A_184 = arith.subi %sign3A_180, %sign3A_183 : i32
        %ne3A_185 = arith.cmpi ne, %sign3A_177, %sign3A_184 : i32
        %rem3A_186 = arith.remsi %scan3A_67, %jit3A_169 : i32
        %ne3A_187 = arith.constant 0 : i32
        %ne3A_188 = arith.cmpi ne, %rem3A_186, %ne3A_187 : i32
        %and3A_189 = arith.andi %ne3A_185, %ne3A_188 : i1
        %sub3A_190 = arith.constant 1 : i32
        %sub3A_191 = arith.subi %div3A_170, %sub3A_190 : i32
        %select_n3A_192 = arith.select %and3A_189, %sub3A_191, %div3A_170 : i32
        %add3A_193 = arith.constant 1 : i32
        %add3A_194 = arith.addi %select_n3A_192, %add3A_193 : i32
        %rem3A_195 = arith.constant 2 : i32
        %rem3A_196 = arith.remsi %add3A_194, %rem3A_195 : i32
        %mul3A_197 = arith.constant 4 : i32
        %mul3A_198 = arith.muli %add3A_194, %mul3A_197 : i32
        %add3A_199 = arith.addi %mul3A_2, %mul3A_198 : i32
        "tpu.region"() ({
          %run_scoped3A_203 = tpu.sem_alloc : memref<!tpu.dma_semaphore, #tpu.memory_space<semaphore_mem>>
          %dma_start3A_204 = arith.constant 0 : i32
          %dma_start3A_205 = arith.constant 0 : i32
          %dma_start3A_206 = tpu.memref_slice %arg6[%rem3A_196, %dma_start3A_204, %dma_start3A_205] : memref<2x4x128xi32, #tpu.memory_space<vmem>> -> memref<1x4x128xi32, #tpu.memory_space<vmem>>
          %dma_start3A_207 = tpu.memref_squeeze %dma_start3A_206 : memref<1x4x128xi32, #tpu.memory_space<vmem>> -> memref<4x128xi32, #tpu.memory_space<vmem>>
          %dma_start3A_208 = arith.constant 0 : i32
          %dma_start3A_209 = tpu.memref_slice %arg3[%add3A_199, %dma_start3A_208] : memref<2560x128xi32, #tpu.memory_space<hbm>> -> memref<4x128xi32, #tpu.memory_space<hbm>>
          %dma_start3A_210 = arith.constant 0 : i32
          %dma_start3A_211 = arith.constant 0 : i32
          %dma_start3A_212 = tpu.memref_slice %arg6[%rem3A_196, %dma_start3A_210, %dma_start3A_211] : memref<2x4x128xi32, #tpu.memory_space<vmem>> -> memref<1x4x128xi32, #tpu.memory_space<vmem>>
          %dma_start3A_213 = tpu.memref_squeeze %dma_start3A_212 : memref<1x4x128xi32, #tpu.memory_space<vmem>> -> memref<4x128xi32, #tpu.memory_space<vmem>>
          %dma_start3A_214 = arith.constant 0 : i32
          %dma_start3A_215 = tpu.memref_slice %arg3[%add3A_199, %dma_start3A_214] : memref<2560x128xi32, #tpu.memory_space<hbm>> -> memref<4x128xi32, #tpu.memory_space<hbm>>
          tpu.enqueue_dma source(%dma_start3A_215 : memref<4x128xi32, #tpu.memory_space<hbm>>) target(%dma_start3A_213 : memref<4x128xi32, #tpu.memory_space<vmem>>) target_semaphore(%run_scoped3A_203 : memref<!tpu.dma_semaphore, #tpu.memory_space<semaphore_mem>>)
          %dma_wait3A_216 = arith.constant 0 : i32
          %dma_wait3A_217 = arith.constant 0 : i32
          %dma_wait3A_218 = tpu.memref_slice %arg6[%rem3A_196, %dma_wait3A_216, %dma_wait3A_217] : memref<2x4x128xi32, #tpu.memory_space<vmem>> -> memref<1x4x128xi32, #tpu.memory_space<vmem>>
          %dma_wait3A_219 = tpu.memref_squeeze %dma_wait3A_218 : memref<1x4x128xi32, #tpu.memory_space<vmem>> -> memref<4x128xi32, #tpu.memory_space<vmem>>
          %dma_wait3A_220 = arith.constant 0 : i32
          %dma_wait3A_221 = tpu.memref_slice %arg3[%add3A_199, %dma_wait3A_220] : memref<2560x128xi32, #tpu.memory_space<hbm>> -> memref<4x128xi32, #tpu.memory_space<hbm>>
          %dma_wait3A_222 = arith.constant 0 : i32
          %dma_wait3A_223 = arith.constant 0 : i32
          %dma_wait3A_224 = tpu.memref_slice %arg6[%rem3A_196, %dma_wait3A_222, %dma_wait3A_223] : memref<2x4x128xi32, #tpu.memory_space<vmem>> -> memref<1x4x128xi32, #tpu.memory_space<vmem>>
          %dma_wait3A_225 = tpu.memref_squeeze %dma_wait3A_224 : memref<1x4x128xi32, #tpu.memory_space<vmem>> -> memref<4x128xi32, #tpu.memory_space<vmem>>
          %dma_wait3A_226 = arith.constant 0 : i32
          %dma_wait3A_227 = tpu.memref_slice %arg3[%add3A_199, %dma_wait3A_226] : memref<2560x128xi32, #tpu.memory_space<hbm>> -> memref<4x128xi32, #tpu.memory_space<hbm>>
          tpu.wait_dma2 semaphore(%run_scoped3A_203 : memref<!tpu.dma_semaphore, #tpu.memory_space<semaphore_mem>>) src(%dma_wait3A_227 : memref<4x128xi32, #tpu.memory_space<hbm>>) dst(%dma_wait3A_225 : memref<4x128xi32, #tpu.memory_space<vmem>>)
          tpu.yield
        }) : () -> ()
        %mul3A_200 = arith.constant 4 : i32
        %mul3A_201 = arith.muli %add3A_194, %mul3A_200 : i32
        %add3A_202 = arith.addi %mul3A_2, %mul3A_201 : i32
        "tpu.region"() ({
          %run_scoped3A_203 = tpu.sem_alloc : memref<!tpu.dma_semaphore, #tpu.memory_space<semaphore_mem>>
          %dma_start3A_204 = arith.constant 0 : i32
          %dma_start3A_205 = arith.constant 0 : i32
          %dma_start3A_206 = tpu.memref_slice %arg7[%rem3A_196, %dma_start3A_204, %dma_start3A_205] : memref<2x4x128xi32, #tpu.memory_space<vmem>> -> memref<1x4x128xi32, #tpu.memory_space<vmem>>
          %dma_start3A_207 = tpu.memref_squeeze %dma_start3A_206 : memref<1x4x128xi32, #tpu.memory_space<vmem>> -> memref<4x128xi32, #tpu.memory_space<vmem>>
          %dma_start3A_208 = arith.constant 0 : i32
          %dma_start3A_209 = tpu.memref_slice %arg4[%add3A_202, %dma_start3A_208] : memref<2560x128xi32, #tpu.memory_space<hbm>> -> memref<4x128xi32, #tpu.memory_space<hbm>>
          %dma_start3A_210 = arith.constant 0 : i32
          %dma_start3A_211 = arith.constant 0 : i32
          %dma_start3A_212 = tpu.memref_slice %arg7[%rem3A_196, %dma_start3A_210, %dma_start3A_211] : memref<2x4x128xi32, #tpu.memory_space<vmem>> -> memref<1x4x128xi32, #tpu.memory_space<vmem>>
          %dma_start3A_213 = tpu.memref_squeeze %dma_start3A_212 : memref<1x4x128xi32, #tpu.memory_space<vmem>> -> memref<4x128xi32, #tpu.memory_space<vmem>>
          %dma_start3A_214 = arith.constant 0 : i32
          %dma_start3A_215 = tpu.memref_slice %arg4[%add3A_202, %dma_start3A_214] : memref<2560x128xi32, #tpu.memory_space<hbm>> -> memref<4x128xi32, #tpu.memory_space<hbm>>
          tpu.enqueue_dma source(%dma_start3A_215 : memref<4x128xi32, #tpu.memory_space<hbm>>) target(%dma_start3A_213 : memref<4x128xi32, #tpu.memory_space<vmem>>) target_semaphore(%run_scoped3A_203 : memref<!tpu.dma_semaphore, #tpu.memory_space<semaphore_mem>>)
          %dma_wait3A_216 = arith.constant 0 : i32
          %dma_wait3A_217 = arith.constant 0 : i32
          %dma_wait3A_218 = tpu.memref_slice %arg7[%rem3A_196, %dma_wait3A_216, %dma_wait3A_217] : memref<2x4x128xi32, #tpu.memory_space<vmem>> -> memref<1x4x128xi32, #tpu.memory_space<vmem>>
          %dma_wait3A_219 = tpu.memref_squeeze %dma_wait3A_218 : memref<1x4x128xi32, #tpu.memory_space<vmem>> -> memref<4x128xi32, #tpu.memory_space<vmem>>
          %dma_wait3A_220 = arith.constant 0 : i32
          %dma_wait3A_221 = tpu.memref_slice %arg4[%add3A_202, %dma_wait3A_220] : memref<2560x128xi32, #tpu.memory_space<hbm>> -> memref<4x128xi32, #tpu.memory_space<hbm>>
          %dma_wait3A_222 = arith.constant 0 : i32
          %dma_wait3A_223 = arith.constant 0 : i32
          %dma_wait3A_224 = tpu.memref_slice %arg7[%rem3A_196, %dma_wait3A_222, %dma_wait3A_223] : memref<2x4x128xi32, #tpu.memory_space<vmem>> -> memref<1x4x128xi32, #tpu.memory_space<vmem>>
          %dma_wait3A_225 = tpu.memref_squeeze %dma_wait3A_224 : memref<1x4x128xi32, #tpu.memory_space<vmem>> -> memref<4x128xi32, #tpu.memory_space<vmem>>
          %dma_wait3A_226 = arith.constant 0 : i32
          %dma_wait3A_227 = tpu.memref_slice %arg4[%add3A_202, %dma_wait3A_226] : memref<2560x128xi32, #tpu.memory_space<hbm>> -> memref<4x128xi32, #tpu.memory_space<hbm>>
          tpu.wait_dma2 semaphore(%run_scoped3A_203 : memref<!tpu.dma_semaphore, #tpu.memory_space<semaphore_mem>>) src(%dma_wait3A_227 : memref<4x128xi32, #tpu.memory_space<hbm>>) dst(%dma_wait3A_225 : memref<4x128xi32, #tpu.memory_space<vmem>>)
          tpu.yield
        }) : () -> ()
      } else {
      }
      %jit3A_96 = arith.constant 4 : i32
      %div3A_97 = arith.divsi %scan3A_67, %jit3A_96 : i32
      %sign3A_98 = arith.constant 0 : i32
      %sign3A_99 = arith.cmpi sgt, %scan3A_67, %sign3A_98 : i32
      %sign3A_100 = arith.extui %sign3A_99 : i1 to i32
      %sign3A_101 = arith.constant 0 : i32
      %sign3A_102 = arith.cmpi slt, %scan3A_67, %sign3A_101 : i32
      %sign3A_103 = arith.extui %sign3A_102 : i1 to i32
      %sign3A_104 = arith.subi %sign3A_100, %sign3A_103 : i32
      %sign3A_105 = arith.constant 0 : i32
      %sign3A_106 = arith.cmpi sgt, %jit3A_96, %sign3A_105 : i32
      %sign3A_107 = arith.extui %sign3A_106 : i1 to i32
      %sign3A_108 = arith.constant 0 : i32
      %sign3A_109 = arith.cmpi slt, %jit3A_96, %sign3A_108 : i32
      %sign3A_110 = arith.extui %sign3A_109 : i1 to i32
      %sign3A_111 = arith.subi %sign3A_107, %sign3A_110 : i32
      %ne3A_112 = arith.cmpi ne, %sign3A_104, %sign3A_111 : i32
      %rem3A_113 = arith.remsi %scan3A_67, %jit3A_96 : i32
      %ne3A_114 = arith.constant 0 : i32
      %ne3A_115 = arith.cmpi ne, %rem3A_113, %ne3A_114 : i32
      %and3A_116 = arith.andi %ne3A_112, %ne3A_115 : i1
      %sub3A_117 = arith.constant 1 : i32
      %sub3A_118 = arith.subi %div3A_97, %sub3A_117 : i32
      %select_n3A_119 = arith.select %and3A_116, %sub3A_118, %div3A_97 : i32
      %rem3A_120 = arith.constant 2 : i32
      %rem3A_121 = arith.remsi %select_n3A_119, %rem3A_120 : i32
      %rem3A_122 = arith.constant 4 : i32
      %rem3A_123 = arith.remsi %scan3A_67, %rem3A_122 : i32
      %dma_wait3A = arith.constant 0 : i32
      %dma_wait3A_124 = arith.constant 0 : i32
      %dma_wait3A_125 = tpu.memref_slice %arg8[%rem3A_70, %dma_wait3A, %dma_wait3A_124] : memref<2x128x128xf32, #tpu.memory_space<vmem>> -> memref<1x128x128xf32, #tpu.memory_space<vmem>>
      %dma_wait3A_126 = tpu.memref_squeeze %dma_wait3A_125 : memref<1x128x128xf32, #tpu.memory_space<vmem>> -> memref<128x128xf32, #tpu.memory_space<vmem>>
      %dma_wait3A_127 = arith.constant 0 : i32
      %dma_wait3A_128 = tpu.memref_slice %arg6[%rem3A_121, %rem3A_123, %dma_wait3A_127] : memref<2x4x128xi32, #tpu.memory_space<vmem>> -> memref<1x1x128xi32, #tpu.memory_space<vmem>>
      %dma_wait3A_129 = tpu.memref_squeeze %dma_wait3A_128 : memref<1x1x128xi32, #tpu.memory_space<vmem>> -> memref<128xi32, #tpu.memory_space<vmem>>
      %dma_wait3A_130 = arith.constant 0 : i32
      %dma_wait3A_131 = arith.constant 0 : i32
      %dma_wait3A_132 = tpu.memref_slice %arg2[%dma_wait3A_130, %dma_wait3A_131] : memref<40000x128xf32, #tpu.memory_space<hbm>> -> memref<40000x128xf32, #tpu.memory_space<hbm>>
      tpu.wait_indirect_dma semaphore(%arg10 : memref<!tpu.dma_semaphore, #tpu.memory_space<semaphore_mem>>) src(%dma_wait3A_132 : memref<40000x128xf32, #tpu.memory_space<hbm>>) dst(%dma_wait3A_126 : memref<128x128xf32, #tpu.memory_space<vmem>>)
      %add3A_133 = arith.constant 1 : i32
      %add3A_134 = arith.addi %scan3A_67, %add3A_133 : i32
      %lt3A_135 = arith.constant 80 : i32
      %lt3A_136 = arith.cmpi slt, %add3A_134, %lt3A_135 : i32
      %convert_element_type3A_137 = arith.extui %lt3A_136 : i1 to i32
      %cond3A_138 = arith.constant 0 : i32
      %cond3A_139 = arith.cmpi ne, %convert_element_type3A_137, %cond3A_138 : i32
      scf.if %cond3A_139 {
        %add3A_169 = arith.constant 1 : i32
        %add3A_170 = arith.addi %scan3A_67, %add3A_169 : i32
        %jit3A_171 = arith.constant 4 : i32
        %div3A_172 = arith.divsi %add3A_170, %jit3A_171 : i32
        %sign3A_173 = arith.constant 0 : i32
        %sign3A_174 = arith.cmpi sgt, %add3A_170, %sign3A_173 : i32
        %sign3A_175 = arith.extui %sign3A_174 : i1 to i32
        %sign3A_176 = arith.constant 0 : i32
        %sign3A_177 = arith.cmpi slt, %add3A_170, %sign3A_176 : i32
        %sign3A_178 = arith.extui %sign3A_177 : i1 to i32
        %sign3A_179 = arith.subi %sign3A_175, %sign3A_178 : i32
        %sign3A_180 = arith.constant 0 : i32
        %sign3A_181 = arith.cmpi sgt, %jit3A_171, %sign3A_180 : i32
        %sign3A_182 = arith.extui %sign3A_181 : i1 to i32
        %sign3A_183 = arith.constant 0 : i32
        %sign3A_184 = arith.cmpi slt, %jit3A_171, %sign3A_183 : i32
        %sign3A_185 = arith.extui %sign3A_184 : i1 to i32
        %sign3A_186 = arith.subi %sign3A_182, %sign3A_185 : i32
        %ne3A_187 = arith.cmpi ne, %sign3A_179, %sign3A_186 : i32
        %rem3A_188 = arith.remsi %add3A_170, %jit3A_171 : i32
        %ne3A_189 = arith.constant 0 : i32
        %ne3A_190 = arith.cmpi ne, %rem3A_188, %ne3A_189 : i32
        %and3A_191 = arith.andi %ne3A_187, %ne3A_190 : i1
        %sub3A_192 = arith.constant 1 : i32
        %sub3A_193 = arith.subi %div3A_172, %sub3A_192 : i32
        %select_n3A_194 = arith.select %and3A_191, %sub3A_193, %div3A_172 : i32
        %rem3A_195 = arith.constant 2 : i32
        %rem3A_196 = arith.remsi %select_n3A_194, %rem3A_195 : i32
        %rem3A_197 = arith.constant 4 : i32
        %rem3A_198 = arith.remsi %add3A_170, %rem3A_197 : i32
        %sub3A_199 = arith.constant 1 : i32
        %sub3A_200 = arith.subi %sub3A_199, %rem3A_70 : i32
        %dma_start3A_201 = arith.constant 0 : i32
        %dma_start3A_202 = arith.constant 0 : i32
        %dma_start3A_203 = tpu.memref_slice %arg8[%sub3A_200, %dma_start3A_201, %dma_start3A_202] : memref<2x128x128xf32, #tpu.memory_space<vmem>> -> memref<1x128x128xf32, #tpu.memory_space<vmem>>
        %dma_start3A_204 = tpu.memref_squeeze %dma_start3A_203 : memref<1x128x128xf32, #tpu.memory_space<vmem>> -> memref<128x128xf32, #tpu.memory_space<vmem>>
        %dma_start3A_205 = arith.constant 0 : i32
        %dma_start3A_206 = tpu.memref_slice %arg6[%rem3A_196, %rem3A_198, %dma_start3A_205] : memref<2x4x128xi32, #tpu.memory_space<vmem>> -> memref<1x1x128xi32, #tpu.memory_space<vmem>>
        %dma_start3A_207 = tpu.memref_squeeze %dma_start3A_206 : memref<1x1x128xi32, #tpu.memory_space<vmem>> -> memref<128xi32, #tpu.memory_space<vmem>>
        %dma_start3A_208 = arith.constant 0 : i32
        %dma_start3A_209 = arith.constant 0 : i32
        %dma_start3A_210 = tpu.memref_slice %arg2[%dma_start3A_208, %dma_start3A_209] : memref<40000x128xf32, #tpu.memory_space<hbm>> -> memref<40000x128xf32, #tpu.memory_space<hbm>>
        tpu.enqueue_indirect_dma source(%dma_start3A_210 : memref<40000x128xf32, #tpu.memory_space<hbm>>) target(%dma_start3A_204 : memref<128x128xf32, #tpu.memory_space<vmem>>) offsets(%dma_start3A_207 : memref<128xi32, #tpu.memory_space<vmem>>) semaphore(%arg10 : memref<!tpu.dma_semaphore, #tpu.memory_space<semaphore_mem>>)
      } else {
      }
      %jit3A_140 = arith.constant 4 : i32
      %div3A_141 = arith.divsi %scan3A_67, %jit3A_140 : i32
      %sign3A_142 = arith.constant 0 : i32
      %sign3A_143 = arith.cmpi sgt, %scan3A_67, %sign3A_142 : i32
      %sign3A_144 = arith.extui %sign3A_143 : i1 to i32
      %sign3A_145 = arith.constant 0 : i32
      %sign3A_146 = arith.cmpi slt, %scan3A_67, %sign3A_145 : i32
      %sign3A_147 = arith.extui %sign3A_146 : i1 to i32
      %sign3A_148 = arith.subi %sign3A_144, %sign3A_147 : i32
      %sign3A_149 = arith.constant 0 : i32
      %sign3A_150 = arith.cmpi sgt, %jit3A_140, %sign3A_149 : i32
      %sign3A_151 = arith.extui %sign3A_150 : i1 to i32
      %sign3A_152 = arith.constant 0 : i32
      %sign3A_153 = arith.cmpi slt, %jit3A_140, %sign3A_152 : i32
      %sign3A_154 = arith.extui %sign3A_153 : i1 to i32
      %sign3A_155 = arith.subi %sign3A_151, %sign3A_154 : i32
      %ne3A_156 = arith.cmpi ne, %sign3A_148, %sign3A_155 : i32
      %rem3A_157 = arith.remsi %scan3A_67, %jit3A_140 : i32
      %ne3A_158 = arith.constant 0 : i32
      %ne3A_159 = arith.cmpi ne, %rem3A_157, %ne3A_158 : i32
      %and3A_160 = arith.andi %ne3A_156, %ne3A_159 : i1
      %sub3A_161 = arith.constant 1 : i32
      %sub3A_162 = arith.subi %div3A_141, %sub3A_161 : i32
      %select_n3A_163 = arith.select %and3A_160, %sub3A_162, %div3A_141 : i32
      %rem3A_164 = arith.constant 2 : i32
      %rem3A_165 = arith.remsi %select_n3A_163, %rem3A_164 : i32
      %rem3A_166 = arith.constant 4 : i32
      %rem3A_167 = arith.remsi %scan3A_67, %rem3A_166 : i32
      "tpu.region"() ({
        %run_scoped3A_169 = tpu.sem_alloc : memref<!tpu.dma_semaphore, #tpu.memory_space<semaphore_mem>>
        %dma_start3A_170 = arith.constant 0 : i32
        %dma_start3A_171 = arith.constant 0 : i32
        %dma_start3A_172 = tpu.memref_slice %arg8[%rem3A_70, %dma_start3A_170, %dma_start3A_171] : memref<2x128x128xf32, #tpu.memory_space<vmem>> -> memref<1x128x128xf32, #tpu.memory_space<vmem>>
        %dma_start3A_173 = tpu.memref_squeeze %dma_start3A_172 : memref<1x128x128xf32, #tpu.memory_space<vmem>> -> memref<128x128xf32, #tpu.memory_space<vmem>>
        %dma_start3A_174 = arith.constant 0 : i32
        %dma_start3A_175 = tpu.memref_slice %arg7[%rem3A_165, %rem3A_167, %dma_start3A_174] : memref<2x4x128xi32, #tpu.memory_space<vmem>> -> memref<1x1x128xi32, #tpu.memory_space<vmem>>
        %dma_start3A_176 = tpu.memref_squeeze %dma_start3A_175 : memref<1x1x128xi32, #tpu.memory_space<vmem>> -> memref<128xi32, #tpu.memory_space<vmem>>
        %dma_start3A_177 = arith.constant 0 : i32
        %dma_start3A_178 = arith.constant 0 : i32
        %dma_start3A_179 = tpu.memref_slice %arg9[%dma_start3A_177, %dma_start3A_178] : memref<10208x128xf32, #tpu.memory_space<vmem_shared>> -> memref<10208x128xf32, #tpu.memory_space<vmem_shared>>
        tpu.enqueue_indirect_dma source(%dma_start3A_173 : memref<128x128xf32, #tpu.memory_space<vmem>>) target(%dma_start3A_179 : memref<10208x128xf32, #tpu.memory_space<vmem_shared>>) offsets(%dma_start3A_176 : memref<128xi32, #tpu.memory_space<vmem>>) semaphore(%run_scoped3A_169 : memref<!tpu.dma_semaphore, #tpu.memory_space<semaphore_mem>>) {add = true}
        %dma_wait3A_180 = arith.constant 0 : i32
        %dma_wait3A_181 = arith.constant 0 : i32
        %dma_wait3A_182 = tpu.memref_slice %arg8[%rem3A_70, %dma_wait3A_180, %dma_wait3A_181] : memref<2x128x128xf32, #tpu.memory_space<vmem>> -> memref<1x128x128xf32, #tpu.memory_space<vmem>>
        %dma_wait3A_183 = tpu.memref_squeeze %dma_wait3A_182 : memref<1x128x128xf32, #tpu.memory_space<vmem>> -> memref<128x128xf32, #tpu.memory_space<vmem>>
        %dma_wait3A_184 = arith.constant 0 : i32
        %dma_wait3A_185 = tpu.memref_slice %arg7[%rem3A_165, %rem3A_167, %dma_wait3A_184] : memref<2x4x128xi32, #tpu.memory_space<vmem>> -> memref<1x1x128xi32, #tpu.memory_space<vmem>>
        %dma_wait3A_186 = tpu.memref_squeeze %dma_wait3A_185 : memref<1x1x128xi32, #tpu.memory_space<vmem>> -> memref<128xi32, #tpu.memory_space<vmem>>
        %dma_wait3A_187 = arith.constant 0 : i32
        %dma_wait3A_188 = arith.constant 0 : i32
        %dma_wait3A_189 = tpu.memref_slice %arg9[%dma_wait3A_187, %dma_wait3A_188] : memref<10208x128xf32, #tpu.memory_space<vmem_shared>> -> memref<10208x128xf32, #tpu.memory_space<vmem_shared>>
        tpu.wait_indirect_dma semaphore(%run_scoped3A_169 : memref<!tpu.dma_semaphore, #tpu.memory_space<semaphore_mem>>) src(%dma_wait3A_183 : memref<128x128xf32, #tpu.memory_space<vmem>>) dst(%dma_wait3A_189 : memref<10208x128xf32, #tpu.memory_space<vmem_shared>>)
        tpu.yield
      }) : () -> ()
      %scan3A_168 = arith.constant 0 : i32
      scf.yield %scan3A_168 : i32
    }
    %scan3A_61 = arith.constant 80 : i32
    %barrier3A_62 = arith.constant 0 : index
    tpu.barrier barrier_id(%barrier3A_62)
    %mul3A_63 = arith.constant 638 : i32
    %mul3A_64 = arith.muli %arg1, %mul3A_63 : i32
    %mul3A_65 = arith.constant 638 : i32
    %mul3A_66 = arith.muli %arg1, %mul3A_65 : i32
    "tpu.region"() ({
      %run_scoped3A_67 = tpu.sem_alloc : memref<!tpu.dma_semaphore, #tpu.memory_space<semaphore_mem>>
      %dma_start3A_68 = arith.constant 0 : i32
      %dma_start3A_69 = tpu.memref_slice %arg5[%arg0, %mul3A_66, %dma_start3A_68] : memref<2x10208x128xf32, #tpu.memory_space<hbm>> -> memref<1x638x128xf32, #tpu.memory_space<hbm>>
      %dma_start3A_70 = tpu.memref_squeeze %dma_start3A_69 : memref<1x638x128xf32, #tpu.memory_space<hbm>> -> memref<638x128xf32, #tpu.memory_space<hbm>>
      %dma_start3A_71 = arith.constant 0 : i32
      %dma_start3A_72 = tpu.memref_slice %arg9[%mul3A_64, %dma_start3A_71] : memref<10208x128xf32, #tpu.memory_space<vmem_shared>> -> memref<638x128xf32, #tpu.memory_space<vmem_shared>>
      tpu.enqueue_dma source(%dma_start3A_72 : memref<638x128xf32, #tpu.memory_space<vmem_shared>>) target(%dma_start3A_70 : memref<638x128xf32, #tpu.memory_space<hbm>>) target_semaphore(%run_scoped3A_67 : memref<!tpu.dma_semaphore, #tpu.memory_space<semaphore_mem>>)
      %dma_wait3A = arith.constant 0 : i32
      %dma_wait3A_73 = tpu.memref_slice %arg5[%arg0, %mul3A_66, %dma_wait3A] : memref<2x10208x128xf32, #tpu.memory_space<hbm>> -> memref<1x638x128xf32, #tpu.memory_space<hbm>>
      %dma_wait3A_74 = tpu.memref_squeeze %dma_wait3A_73 : memref<1x638x128xf32, #tpu.memory_space<hbm>> -> memref<638x128xf32, #tpu.memory_space<hbm>>
      %dma_wait3A_75 = arith.constant 0 : i32
      %dma_wait3A_76 = tpu.memref_slice %arg9[%mul3A_64, %dma_wait3A_75] : memref<10208x128xf32, #tpu.memory_space<vmem_shared>> -> memref<638x128xf32, #tpu.memory_space<vmem_shared>>
      tpu.wait_dma2 semaphore(%run_scoped3A_67 : memref<!tpu.dma_semaphore, #tpu.memory_space<semaphore_mem>>) src(%dma_wait3A_76 : memref<638x128xf32, #tpu.memory_space<vmem_shared>>) dst(%dma_wait3A_74 : memref<638x128xf32, #tpu.memory_space<hbm>>)
      tpu.yield
    }) : () -> ()
    return
  }
}

#map = affine_map<(d0, d1) -> (0, 0)>
#map1 = affine_map<(d0, d1) -> (0, 0, 0)>
module attributes {stable_mosaic.version = 14 : i64} {
  func.func @body(%arg0: i32, %arg1: i32, %arg2: memref<40000x128xf32, #tpu.memory_space<hbm>>, %arg3: memref<2560x128xi32, #tpu.memory_space<hbm>>, %arg4: memref<2560x128xi32, #tpu.memory_space<hbm>>, %arg5: memref<2x10208x128xf32, #tpu.memory_space<hbm>>, %arg6: memref<2x4x128xi32, #tpu.memory_space<vmem>>, %arg7: memref<2x4x128xi32, #tpu.memory_space<vmem>>, %arg8: memref<2x128x128xf32, #tpu.memory_space<vmem>>, %arg9: memref<10208x128xf32, #tpu.memory_space<vmem_shared>>, %arg10: memref<!tpu.dma_semaphore, #tpu.memory_space<semaphore_mem>>) attributes {dimension_semantics = [#tpu.dimension_semantics<core_parallel>, #tpu.dimension_semantics<subcore_parallel>], iteration_bounds = array<i64: 2, 16>, scalar_prefetch = 0 : i64, scratch_operands = 5 : i64, tpu.core_type = #tpu.core_type<sc_vector_subcore>, window_params = [{transform_indices = #map}, {transform_indices = #map}, {transform_indices = #map}, {transform_indices = #map1}]} {
    %mul3A = arith.constant 2 : i32
    %mul3A_0 = arith.muli %arg1, %mul3A : i32
    %add3A = arith.addi %mul3A_0, %arg0 : i32
    %mul3A_1 = arith.constant 80 : i32
    %mul3A_2 = arith.muli %add3A, %mul3A_1 : i32
    %scan3A = arith.constant 0 : i32
    %scan3A_3 = arith.constant 0 : i32
    %scan3A_4 = arith.constant 128 : i32
    %scan3A_5 = arith.addi %scan3A_3, %scan3A_4 : i32
    %scan3A_6 = arith.constant 1 : i32
    %scan3A_7 = scf.for %scan3A_67 = %scan3A_3 to %scan3A_5 step %scan3A_6 iter_args(%scan3A_68 = %scan3A) -> (i32)  : i32 {
      %broadcast_in_dim3A = arith.constant 0.000000e+00 : f32
      %broadcast_in_dim3A_69 = vector.broadcast %broadcast_in_dim3A : f32 to vector<16xf32>
      %swap3A = arith.constant 0 : i32
      %swap3A_70 = arith.index_cast %swap3A : i32 to index
      %swap3A_71 = arith.index_cast %scan3A_67 : i32 to index
      %swap3A_72 = arith.constant 0 : index
      %swap3A_73 = tpu.vector_load %arg8[%swap3A_70, %swap3A_71, %swap3A_72] {strides = array<i32>} : memref<2x128x128xf32, #tpu.memory_space<vmem>>, vector<1x1x16xf32>,
      %swap3A_74 = vector.shape_cast %swap3A_73 : vector<1x1x16xf32> to vector<16xf32>
      %swap3A_75 = vector.shape_cast %broadcast_in_dim3A_69 : vector<16xf32> to vector<1x1x16xf32>
      tpu.vector_store %arg8[%swap3A_70, %swap3A_71, %swap3A_72], %swap3A_75 {strides = array<i32>} : memref<2x128x128xf32, #tpu.memory_space<vmem>>, vector<1x1x16xf32>,
      %broadcast_in_dim3A_76 = arith.constant 0.000000e+00 : f32
      %broadcast_in_dim3A_77 = vector.broadcast %broadcast_in_dim3A_76 : f32 to vector<16xf32>
      %swap3A_78 = arith.constant 0 : i32
      %swap3A_79 = arith.index_cast %swap3A_78 : i32 to index
      %swap3A_80 = arith.index_cast %scan3A_67 : i32 to index
      %swap3A_81 = arith.constant 16 : index
      %swap3A_82 = tpu.vector_load %arg8[%swap3A_79, %swap3A_80, %swap3A_81] {strides = array<i32>} : memref<2x128x128xf32, #tpu.memory_space<vmem>>, vector<1x1x16xf32>,
      %swap3A_83 = vector.shape_cast %swap3A_82 : vector<1x1x16xf32> to vector<16xf32>
      %swap3A_84 = vector.shape_cast %broadcast_in_dim3A_77 : vector<16xf32> to vector<1x1x16xf32>
      tpu.vector_store %arg8[%swap3A_79, %swap3A_80, %swap3A_81], %swap3A_84 {strides = array<i32>} : memref<2x128x128xf32, #tpu.memory_space<vmem>>, vector<1x1x16xf32>,
      %broadcast_in_dim3A_85 = arith.constant 0.000000e+00 : f32
      %broadcast_in_dim3A_86 = vector.broadcast %broadcast_in_dim3A_85 : f32 to vector<16xf32>
      %swap3A_87 = arith.constant 0 : i32
      %swap3A_88 = arith.index_cast %swap3A_87 : i32 to index
      %swap3A_89 = arith.index_cast %scan3A_67 : i32 to index
      %swap3A_90 = arith.constant 32 : index
      %swap3A_91 = tpu.vector_load %arg8[%swap3A_88, %swap3A_89, %swap3A_90] {strides = array<i32>} : memref<2x128x128xf32, #tpu.memory_space<vmem>>, vector<1x1x16xf32>,
      %swap3A_92 = vector.shape_cast %swap3A_91 : vector<1x1x16xf32> to vector<16xf32>
      %swap3A_93 = vector.shape_cast %broadcast_in_dim3A_86 : vector<16xf32> to vector<1x1x16xf32>
      tpu.vector_store %arg8[%swap3A_88, %swap3A_89, %swap3A_90], %swap3A_93 {strides = array<i32>} : memref<2x128x128xf32, #tpu.memory_space<vmem>>, vector<1x1x16xf32>,
      %broadcast_in_dim3A_94 = arith.constant 0.000000e+00 : f32
      %broadcast_in_dim3A_95 = vector.broadcast %broadcast_in_dim3A_94 : f32 to vector<16xf32>
      %swap3A_96 = arith.constant 0 : i32
      %swap3A_97 = arith.index_cast %swap3A_96 : i32 to index
      %swap3A_98 = arith.index_cast %scan3A_67 : i32 to index
      %swap3A_99 = arith.constant 48 : index
      %swap3A_100 = tpu.vector_load %arg8[%swap3A_97, %swap3A_98, %swap3A_99] {strides = array<i32>} : memref<2x128x128xf32, #tpu.memory_space<vmem>>, vector<1x1x16xf32>,
      %swap3A_101 = vector.shape_cast %swap3A_100 : vector<1x1x16xf32> to vector<16xf32>
      %swap3A_102 = vector.shape_cast %broadcast_in_dim3A_95 : vector<16xf32> to vector<1x1x16xf32>
      tpu.vector_store %arg8[%swap3A_97, %swap3A_98, %swap3A_99], %swap3A_102 {strides = array<i32>} : memref<2x128x128xf32, #tpu.memory_space<vmem>>, vector<1x1x16xf32>,
      %broadcast_in_dim3A_103 = arith.constant 0.000000e+00 : f32
      %broadcast_in_dim3A_104 = vector.broadcast %broadcast_in_dim3A_103 : f32 to vector<16xf32>
      %swap3A_105 = arith.constant 0 : i32
      %swap3A_106 = arith.index_cast %swap3A_105 : i32 to index
      %swap3A_107 = arith.index_cast %scan3A_67 : i32 to index
      %swap3A_108 = arith.constant 64 : index
      %swap3A_109 = tpu.vector_load %arg8[%swap3A_106, %swap3A_107, %swap3A_108] {strides = array<i32>} : memref<2x128x128xf32, #tpu.memory_space<vmem>>, vector<1x1x16xf32>,
      %swap3A_110 = vector.shape_cast %swap3A_109 : vector<1x1x16xf32> to vector<16xf32>
      %swap3A_111 = vector.shape_cast %broadcast_in_dim3A_104 : vector<16xf32> to vector<1x1x16xf32>
      tpu.vector_store %arg8[%swap3A_106, %swap3A_107, %swap3A_108], %swap3A_111 {strides = array<i32>} : memref<2x128x128xf32, #tpu.memory_space<vmem>>, vector<1x1x16xf32>,
      %broadcast_in_dim3A_112 = arith.constant 0.000000e+00 : f32
      %broadcast_in_dim3A_113 = vector.broadcast %broadcast_in_dim3A_112 : f32 to vector<16xf32>
      %swap3A_114 = arith.constant 0 : i32
      %swap3A_115 = arith.index_cast %swap3A_114 : i32 to index
      %swap3A_116 = arith.index_cast %scan3A_67 : i32 to index
      %swap3A_117 = arith.constant 80 : index
      %swap3A_118 = tpu.vector_load %arg8[%swap3A_115, %swap3A_116, %swap3A_117] {strides = array<i32>} : memref<2x128x128xf32, #tpu.memory_space<vmem>>, vector<1x1x16xf32>,
      %swap3A_119 = vector.shape_cast %swap3A_118 : vector<1x1x16xf32> to vector<16xf32>
      %swap3A_120 = vector.shape_cast %broadcast_in_dim3A_113 : vector<16xf32> to vector<1x1x16xf32>
      tpu.vector_store %arg8[%swap3A_115, %swap3A_116, %swap3A_117], %swap3A_120 {strides = array<i32>} : memref<2x128x128xf32, #tpu.memory_space<vmem>>, vector<1x1x16xf32>,
      %broadcast_in_dim3A_121 = arith.constant 0.000000e+00 : f32
      %broadcast_in_dim3A_122 = vector.broadcast %broadcast_in_dim3A_121 : f32 to vector<16xf32>
      %swap3A_123 = arith.constant 0 : i32
      %swap3A_124 = arith.index_cast %swap3A_123 : i32 to index
      %swap3A_125 = arith.index_cast %scan3A_67 : i32 to index
      %swap3A_126 = arith.constant 96 : index
      %swap3A_127 = tpu.vector_load %arg8[%swap3A_124, %swap3A_125, %swap3A_126] {strides = array<i32>} : memref<2x128x128xf32, #tpu.memory_space<vmem>>, vector<1x1x16xf32>,
      %swap3A_128 = vector.shape_cast %swap3A_127 : vector<1x1x16xf32> to vector<16xf32>
      %swap3A_129 = vector.shape_cast %broadcast_in_dim3A_122 : vector<16xf32> to vector<1x1x16xf32>
      tpu.vector_store %arg8[%swap3A_124, %swap3A_125, %swap3A_126], %swap3A_129 {strides = array<i32>} : memref<2x128x128xf32, #tpu.memory_space<vmem>>, vector<1x1x16xf32>,
      %broadcast_in_dim3A_130 = arith.constant 0.000000e+00 : f32
      %broadcast_in_dim3A_131 = vector.broadcast %broadcast_in_dim3A_130 : f32 to vector<16xf32>
      %swap3A_132 = arith.constant 0 : i32
      %swap3A_133 = arith.index_cast %swap3A_132 : i32 to index
      %swap3A_134 = arith.index_cast %scan3A_67 : i32 to index
      %swap3A_135 = arith.constant 112 : index
      %swap3A_136 = tpu.vector_load %arg8[%swap3A_133, %swap3A_134, %swap3A_135] {strides = array<i32>} : memref<2x128x128xf32, #tpu.memory_space<vmem>>, vector<1x1x16xf32>,
      %swap3A_137 = vector.shape_cast %swap3A_136 : vector<1x1x16xf32> to vector<16xf32>
      %swap3A_138 = vector.shape_cast %broadcast_in_dim3A_131 : vector<16xf32> to vector<1x1x16xf32>
      tpu.vector_store %arg8[%swap3A_133, %swap3A_134, %swap3A_135], %swap3A_138 {strides = array<i32>} : memref<2x128x128xf32, #tpu.memory_space<vmem>>, vector<1x1x16xf32>,
      %scan3A_139 = arith.constant 0 : i32
      scf.yield %scan3A_139 : i32
    }
    %scan3A_8 = arith.constant 128 : i32
    %mul3A_9 = arith.constant 638 : i32
    %mul3A_10 = arith.muli %arg1, %mul3A_9 : i32
    %add3A_11 = arith.constant 0 : i32
    %add3A_12 = arith.addi %mul3A_10, %add3A_11 : i32
    %run_scoped3A = arith.constant 0 : i32
    "tpu.region"() ({
      %run_scoped3A_67 = tpu.sem_alloc : memref<!tpu.dma_semaphore, #tpu.memory_space<semaphore_mem>>
      %dma_start3A_68 = arith.constant 0 : i32
      %dma_start3A_69 = arith.constant 0 : i32
      %dma_start3A_70 = tpu.memref_slice %arg8[%run_scoped3A, %dma_start3A_68, %dma_start3A_69] : memref<2x128x128xf32, #tpu.memory_space<vmem>> -> memref<1x128x128xf32, #tpu.memory_space<vmem>>
      %dma_start3A_71 = tpu.memref_squeeze %dma_start3A_70 : memref<1x128x128xf32, #tpu.memory_space<vmem>> -> memref<128x128xf32, #tpu.memory_space<vmem>>
      %dma_start3A_72 = arith.constant 0 : i32
      %dma_start3A_73 = tpu.memref_slice %arg9[%add3A_12, %dma_start3A_72] : memref<10208x128xf32, #tpu.memory_space<vmem_shared>> -> memref<128x128xf32, #tpu.memory_space<vmem_shared>>
      %dma_start3A_74 = arith.constant 0 : i32
      %dma_start3A_75 = tpu.memref_slice %arg9[%add3A_12, %dma_start3A_74] : memref<10208x128xf32, #tpu.memory_space<vmem_shared>> -> memref<128x128xf32, #tpu.memory_space<vmem_shared>>
      %dma_start3A_76 = arith.constant 0 : i32
      %dma_start3A_77 = arith.constant 0 : i32
      %dma_start3A_78 = tpu.memref_slice %arg8[%run_scoped3A, %dma_start3A_76, %dma_start3A_77] : memref<2x128x128xf32, #tpu.memory_space<vmem>> -> memref<1x128x128xf32, #tpu.memory_space<vmem>>
      %dma_start3A_79 = tpu.memref_squeeze %dma_start3A_78 : memref<1x128x128xf32, #tpu.memory_space<vmem>> -> memref<128x128xf32, #tpu.memory_space<vmem>>
      tpu.enqueue_dma source(%dma_start3A_79 : memref<128x128xf32, #tpu.memory_space<vmem>>) target(%dma_start3A_75 : memref<128x128xf32, #tpu.memory_space<vmem_shared>>) target_semaphore(%run_scoped3A_67 : memref<!tpu.dma_semaphore, #tpu.memory_space<semaphore_mem>>)
      %dma_wait3A = arith.constant 0 : i32
      %dma_wait3A_80 = arith.constant 0 : i32
      %dma_wait3A_81 = tpu.memref_slice %arg8[%run_scoped3A, %dma_wait3A, %dma_wait3A_80] : memref<2x128x128xf32, #tpu.memory_space<vmem>> -> memref<1x128x128xf32, #tpu.memory_space<vmem>>
      %dma_wait3A_82 = tpu.memref_squeeze %dma_wait3A_81 : memref<1x128x128xf32, #tpu.memory_space<vmem>> -> memref<128x128xf32, #tpu.memory_space<vmem>>
      %dma_wait3A_83 = arith.constant 0 : i32
      %dma_wait3A_84 = tpu.memref_slice %arg9[%add3A_12, %dma_wait3A_83] : memref<10208x128xf32, #tpu.memory_space<vmem_shared>> -> memref<128x128xf32, #tpu.memory_space<vmem_shared>>
      %dma_wait3A_85 = arith.constant 0 : i32
      %dma_wait3A_86 = tpu.memref_slice %arg9[%add3A_12, %dma_wait3A_85] : memref<10208x128xf32, #tpu.memory_space<vmem_shared>> -> memref<128x128xf32, #tpu.memory_space<vmem_shared>>
      %dma_wait3A_87 = arith.constant 0 : i32
      %dma_wait3A_88 = arith.constant 0 : i32
      %dma_wait3A_89 = tpu.memref_slice %arg8[%run_scoped3A, %dma_wait3A_87, %dma_wait3A_88] : memref<2x128x128xf32, #tpu.memory_space<vmem>> -> memref<1x128x128xf32, #tpu.memory_space<vmem>>
      %dma_wait3A_90 = tpu.memref_squeeze %dma_wait3A_89 : memref<1x128x128xf32, #tpu.memory_space<vmem>> -> memref<128x128xf32, #tpu.memory_space<vmem>>
      tpu.wait_dma2 semaphore(%run_scoped3A_67 : memref<!tpu.dma_semaphore, #tpu.memory_space<semaphore_mem>>) src(%dma_wait3A_90 : memref<128x128xf32, #tpu.memory_space<vmem>>) dst(%dma_wait3A_86 : memref<128x128xf32, #tpu.memory_space<vmem_shared>>)
      tpu.yield
    }) : () -> ()
    %mul3A_13 = arith.constant 638 : i32
    %mul3A_14 = arith.muli %arg1, %mul3A_13 : i32
    %add3A_15 = arith.constant 128 : i32
    %add3A_16 = arith.addi %mul3A_14, %add3A_15 : i32
    %run_scoped3A_17 = arith.constant 0 : i32
    "tpu.region"() ({
      %run_scoped3A_67 = tpu.sem_alloc : memref<!tpu.dma_semaphore, #tpu.memory_space<semaphore_mem>>
      %dma_start3A_68 = arith.constant 0 : i32
      %dma_start3A_69 = arith.constant 0 : i32
      %dma_start3A_70 = tpu.memref_slice %arg8[%run_scoped3A_17, %dma_start3A_68, %dma_start3A_69] : memref<2x128x128xf32, #tpu.memory_space<vmem>> -> memref<1x128x128xf32, #tpu.memory_space<vmem>>
      %dma_start3A_71 = tpu.memref_squeeze %dma_start3A_70 : memref<1x128x128xf32, #tpu.memory_space<vmem>> -> memref<128x128xf32, #tpu.memory_space<vmem>>
      %dma_start3A_72 = arith.constant 0 : i32
      %dma_start3A_73 = tpu.memref_slice %arg9[%add3A_16, %dma_start3A_72] : memref<10208x128xf32, #tpu.memory_space<vmem_shared>> -> memref<128x128xf32, #tpu.memory_space<vmem_shared>>
      %dma_start3A_74 = arith.constant 0 : i32
      %dma_start3A_75 = tpu.memref_slice %arg9[%add3A_16, %dma_start3A_74] : memref<10208x128xf32, #tpu.memory_space<vmem_shared>> -> memref<128x128xf32, #tpu.memory_space<vmem_shared>>
      %dma_start3A_76 = arith.constant 0 : i32
      %dma_start3A_77 = arith.constant 0 : i32
      %dma_start3A_78 = tpu.memref_slice %arg8[%run_scoped3A_17, %dma_start3A_76, %dma_start3A_77] : memref<2x128x128xf32, #tpu.memory_space<vmem>> -> memref<1x128x128xf32, #tpu.memory_space<vmem>>
      %dma_start3A_79 = tpu.memref_squeeze %dma_start3A_78 : memref<1x128x128xf32, #tpu.memory_space<vmem>> -> memref<128x128xf32, #tpu.memory_space<vmem>>
      tpu.enqueue_dma source(%dma_start3A_79 : memref<128x128xf32, #tpu.memory_space<vmem>>) target(%dma_start3A_75 : memref<128x128xf32, #tpu.memory_space<vmem_shared>>) target_semaphore(%run_scoped3A_67 : memref<!tpu.dma_semaphore, #tpu.memory_space<semaphore_mem>>)
      %dma_wait3A = arith.constant 0 : i32
      %dma_wait3A_80 = arith.constant 0 : i32
      %dma_wait3A_81 = tpu.memref_slice %arg8[%run_scoped3A_17, %dma_wait3A, %dma_wait3A_80] : memref<2x128x128xf32, #tpu.memory_space<vmem>> -> memref<1x128x128xf32, #tpu.memory_space<vmem>>
      %dma_wait3A_82 = tpu.memref_squeeze %dma_wait3A_81 : memref<1x128x128xf32, #tpu.memory_space<vmem>> -> memref<128x128xf32, #tpu.memory_space<vmem>>
      %dma_wait3A_83 = arith.constant 0 : i32
      %dma_wait3A_84 = tpu.memref_slice %arg9[%add3A_16, %dma_wait3A_83] : memref<10208x128xf32, #tpu.memory_space<vmem_shared>> -> memref<128x128xf32, #tpu.memory_space<vmem_shared>>
      %dma_wait3A_85 = arith.constant 0 : i32
      %dma_wait3A_86 = tpu.memref_slice %arg9[%add3A_16, %dma_wait3A_85] : memref<10208x128xf32, #tpu.memory_space<vmem_shared>> -> memref<128x128xf32, #tpu.memory_space<vmem_shared>>
      %dma_wait3A_87 = arith.constant 0 : i32
      %dma_wait3A_88 = arith.constant 0 : i32
      %dma_wait3A_89 = tpu.memref_slice %arg8[%run_scoped3A_17, %dma_wait3A_87, %dma_wait3A_88] : memref<2x128x128xf32, #tpu.memory_space<vmem>> -> memref<1x128x128xf32, #tpu.memory_space<vmem>>
      %dma_wait3A_90 = tpu.memref_squeeze %dma_wait3A_89 : memref<1x128x128xf32, #tpu.memory_space<vmem>> -> memref<128x128xf32, #tpu.memory_space<vmem>>
      tpu.wait_dma2 semaphore(%run_scoped3A_67 : memref<!tpu.dma_semaphore, #tpu.memory_space<semaphore_mem>>) src(%dma_wait3A_90 : memref<128x128xf32, #tpu.memory_space<vmem>>) dst(%dma_wait3A_86 : memref<128x128xf32, #tpu.memory_space<vmem_shared>>)
      tpu.yield
    }) : () -> ()
    %mul3A_18 = arith.constant 638 : i32
    %mul3A_19 = arith.muli %arg1, %mul3A_18 : i32
    %add3A_20 = arith.constant 256 : i32
    %add3A_21 = arith.addi %mul3A_19, %add3A_20 : i32
    %run_scoped3A_22 = arith.constant 0 : i32
    "tpu.region"() ({
      %run_scoped3A_67 = tpu.sem_alloc : memref<!tpu.dma_semaphore, #tpu.memory_space<semaphore_mem>>
      %dma_start3A_68 = arith.constant 0 : i32
      %dma_start3A_69 = arith.constant 0 : i32
      %dma_start3A_70 = tpu.memref_slice %arg8[%run_scoped3A_22, %dma_start3A_68, %dma_start3A_69] : memref<2x128x128xf32, #tpu.memory_space<vmem>> -> memref<1x128x128xf32, #tpu.memory_space<vmem>>
      %dma_start3A_71 = tpu.memref_squeeze %dma_start3A_70 : memref<1x128x128xf32, #tpu.memory_space<vmem>> -> memref<128x128xf32, #tpu.memory_space<vmem>>
      %dma_start3A_72 = arith.constant 0 : i32
      %dma_start3A_73 = tpu.memref_slice %arg9[%add3A_21, %dma_start3A_72] : memref<10208x128xf32, #tpu.memory_space<vmem_shared>> -> memref<128x128xf32, #tpu.memory_space<vmem_shared>>
      %dma_start3A_74 = arith.constant 0 : i32
      %dma_start3A_75 = tpu.memref_slice %arg9[%add3A_21, %dma_start3A_74] : memref<10208x128xf32, #tpu.memory_space<vmem_shared>> -> memref<128x128xf32, #tpu.memory_space<vmem_shared>>
      %dma_start3A_76 = arith.constant 0 : i32
      %dma_start3A_77 = arith.constant 0 : i32
      %dma_start3A_78 = tpu.memref_slice %arg8[%run_scoped3A_22, %dma_start3A_76, %dma_start3A_77] : memref<2x128x128xf32, #tpu.memory_space<vmem>> -> memref<1x128x128xf32, #tpu.memory_space<vmem>>
      %dma_start3A_79 = tpu.memref_squeeze %dma_start3A_78 : memref<1x128x128xf32, #tpu.memory_space<vmem>> -> memref<128x128xf32, #tpu.memory_space<vmem>>
      tpu.enqueue_dma source(%dma_start3A_79 : memref<128x128xf32, #tpu.memory_space<vmem>>) target(%dma_start3A_75 : memref<128x128xf32, #tpu.memory_space<vmem_shared>>) target_semaphore(%run_scoped3A_67 : memref<!tpu.dma_semaphore, #tpu.memory_space<semaphore_mem>>)
      %dma_wait3A = arith.constant 0 : i32
      %dma_wait3A_80 = arith.constant 0 : i32
      %dma_wait3A_81 = tpu.memref_slice %arg8[%run_scoped3A_22, %dma_wait3A, %dma_wait3A_80] : memref<2x128x128xf32, #tpu.memory_space<vmem>> -> memref<1x128x128xf32, #tpu.memory_space<vmem>>
      %dma_wait3A_82 = tpu.memref_squeeze %dma_wait3A_81 : memref<1x128x128xf32, #tpu.memory_space<vmem>> -> memref<128x128xf32, #tpu.memory_space<vmem>>
      %dma_wait3A_83 = arith.constant 0 : i32
      %dma_wait3A_84 = tpu.memref_slice %arg9[%add3A_21, %dma_wait3A_83] : memref<10208x128xf32, #tpu.memory_space<vmem_shared>> -> memref<128x128xf32, #tpu.memory_space<vmem_shared>>
      %dma_wait3A_85 = arith.constant 0 : i32
      %dma_wait3A_86 = tpu.memref_slice %arg9[%add3A_21, %dma_wait3A_85] : memref<10208x128xf32, #tpu.memory_space<vmem_shared>> -> memref<128x128xf32, #tpu.memory_space<vmem_shared>>
      %dma_wait3A_87 = arith.constant 0 : i32
      %dma_wait3A_88 = arith.constant 0 : i32
      %dma_wait3A_89 = tpu.memref_slice %arg8[%run_scoped3A_22, %dma_wait3A_87, %dma_wait3A_88] : memref<2x128x128xf32, #tpu.memory_space<vmem>> -> memref<1x128x128xf32, #tpu.memory_space<vmem>>
      %dma_wait3A_90 = tpu.memref_squeeze %dma_wait3A_89 : memref<1x128x128xf32, #tpu.memory_space<vmem>> -> memref<128x128xf32, #tpu.memory_space<vmem>>
      tpu.wait_dma2 semaphore(%run_scoped3A_67 : memref<!tpu.dma_semaphore, #tpu.memory_space<semaphore_mem>>) src(%dma_wait3A_90 : memref<128x128xf32, #tpu.memory_space<vmem>>) dst(%dma_wait3A_86 : memref<128x128xf32, #tpu.memory_space<vmem_shared>>)
      tpu.yield
    }) : () -> ()
    %mul3A_23 = arith.constant 638 : i32
    %mul3A_24 = arith.muli %arg1, %mul3A_23 : i32
    %add3A_25 = arith.constant 384 : i32
    %add3A_26 = arith.addi %mul3A_24, %add3A_25 : i32
    %run_scoped3A_27 = arith.constant 0 : i32
    "tpu.region"() ({
      %run_scoped3A_67 = tpu.sem_alloc : memref<!tpu.dma_semaphore, #tpu.memory_space<semaphore_mem>>
      %dma_start3A_68 = arith.constant 0 : i32
      %dma_start3A_69 = arith.constant 0 : i32
      %dma_start3A_70 = tpu.memref_slice %arg8[%run_scoped3A_27, %dma_start3A_68, %dma_start3A_69] : memref<2x128x128xf32, #tpu.memory_space<vmem>> -> memref<1x128x128xf32, #tpu.memory_space<vmem>>
      %dma_start3A_71 = tpu.memref_squeeze %dma_start3A_70 : memref<1x128x128xf32, #tpu.memory_space<vmem>> -> memref<128x128xf32, #tpu.memory_space<vmem>>
      %dma_start3A_72 = arith.constant 0 : i32
      %dma_start3A_73 = tpu.memref_slice %arg9[%add3A_26, %dma_start3A_72] : memref<10208x128xf32, #tpu.memory_space<vmem_shared>> -> memref<128x128xf32, #tpu.memory_space<vmem_shared>>
      %dma_start3A_74 = arith.constant 0 : i32
      %dma_start3A_75 = tpu.memref_slice %arg9[%add3A_26, %dma_start3A_74] : memref<10208x128xf32, #tpu.memory_space<vmem_shared>> -> memref<128x128xf32, #tpu.memory_space<vmem_shared>>
      %dma_start3A_76 = arith.constant 0 : i32
      %dma_start3A_77 = arith.constant 0 : i32
      %dma_start3A_78 = tpu.memref_slice %arg8[%run_scoped3A_27, %dma_start3A_76, %dma_start3A_77] : memref<2x128x128xf32, #tpu.memory_space<vmem>> -> memref<1x128x128xf32, #tpu.memory_space<vmem>>
      %dma_start3A_79 = tpu.memref_squeeze %dma_start3A_78 : memref<1x128x128xf32, #tpu.memory_space<vmem>> -> memref<128x128xf32, #tpu.memory_space<vmem>>
      tpu.enqueue_dma source(%dma_start3A_79 : memref<128x128xf32, #tpu.memory_space<vmem>>) target(%dma_start3A_75 : memref<128x128xf32, #tpu.memory_space<vmem_shared>>) target_semaphore(%run_scoped3A_67 : memref<!tpu.dma_semaphore, #tpu.memory_space<semaphore_mem>>)
      %dma_wait3A = arith.constant 0 : i32
      %dma_wait3A_80 = arith.constant 0 : i32
      %dma_wait3A_81 = tpu.memref_slice %arg8[%run_scoped3A_27, %dma_wait3A, %dma_wait3A_80] : memref<2x128x128xf32, #tpu.memory_space<vmem>> -> memref<1x128x128xf32, #tpu.memory_space<vmem>>
      %dma_wait3A_82 = tpu.memref_squeeze %dma_wait3A_81 : memref<1x128x128xf32, #tpu.memory_space<vmem>> -> memref<128x128xf32, #tpu.memory_space<vmem>>
      %dma_wait3A_83 = arith.constant 0 : i32
      %dma_wait3A_84 = tpu.memref_slice %arg9[%add3A_26, %dma_wait3A_83] : memref<10208x128xf32, #tpu.memory_space<vmem_shared>> -> memref<128x128xf32, #tpu.memory_space<vmem_shared>>
      %dma_wait3A_85 = arith.constant 0 : i32
      %dma_wait3A_86 = tpu.memref_slice %arg9[%add3A_26, %dma_wait3A_85] : memref<10208x128xf32, #tpu.memory_space<vmem_shared>> -> memref<128x128xf32, #tpu.memory_space<vmem_shared>>
      %dma_wait3A_87 = arith.constant 0 : i32
      %dma_wait3A_88 = arith.constant 0 : i32
      %dma_wait3A_89 = tpu.memref_slice %arg8[%run_scoped3A_27, %dma_wait3A_87, %dma_wait3A_88] : memref<2x128x128xf32, #tpu.memory_space<vmem>> -> memref<1x128x128xf32, #tpu.memory_space<vmem>>
      %dma_wait3A_90 = tpu.memref_squeeze %dma_wait3A_89 : memref<1x128x128xf32, #tpu.memory_space<vmem>> -> memref<128x128xf32, #tpu.memory_space<vmem>>
      tpu.wait_dma2 semaphore(%run_scoped3A_67 : memref<!tpu.dma_semaphore, #tpu.memory_space<semaphore_mem>>) src(%dma_wait3A_90 : memref<128x128xf32, #tpu.memory_space<vmem>>) dst(%dma_wait3A_86 : memref<128x128xf32, #tpu.memory_space<vmem_shared>>)
      tpu.yield
    }) : () -> ()
    %mul3A_28 = arith.constant 638 : i32
    %mul3A_29 = arith.muli %arg1, %mul3A_28 : i32
    %add3A_30 = arith.constant 512 : i32
    %add3A_31 = arith.addi %mul3A_29, %add3A_30 : i32
    %run_scoped3A_32 = arith.constant 0 : i32
    "tpu.region"() ({
      %run_scoped3A_67 = tpu.sem_alloc : memref<!tpu.dma_semaphore, #tpu.memory_space<semaphore_mem>>
      %dma_start3A_68 = arith.constant 0 : i32
      %dma_start3A_69 = arith.constant 0 : i32
      %dma_start3A_70 = tpu.memref_slice %arg8[%run_scoped3A_32, %dma_start3A_68, %dma_start3A_69] : memref<2x128x128xf32, #tpu.memory_space<vmem>> -> memref<1x126x128xf32, #tpu.memory_space<vmem>>
      %dma_start3A_71 = tpu.memref_squeeze %dma_start3A_70 : memref<1x126x128xf32, #tpu.memory_space<vmem>> -> memref<126x128xf32, #tpu.memory_space<vmem>>
      %dma_start3A_72 = arith.constant 0 : i32
      %dma_start3A_73 = tpu.memref_slice %arg9[%add3A_31, %dma_start3A_72] : memref<10208x128xf32, #tpu.memory_space<vmem_shared>> -> memref<126x128xf32, #tpu.memory_space<vmem_shared>>
      %dma_start3A_74 = arith.constant 0 : i32
      %dma_start3A_75 = tpu.memref_slice %arg9[%add3A_31, %dma_start3A_74] : memref<10208x128xf32, #tpu.memory_space<vmem_shared>> -> memref<126x128xf32, #tpu.memory_space<vmem_shared>>
      %dma_start3A_76 = arith.constant 0 : i32
      %dma_start3A_77 = arith.constant 0 : i32
      %dma_start3A_78 = tpu.memref_slice %arg8[%run_scoped3A_32, %dma_start3A_76, %dma_start3A_77] : memref<2x128x128xf32, #tpu.memory_space<vmem>> -> memref<1x126x128xf32, #tpu.memory_space<vmem>>
      %dma_start3A_79 = tpu.memref_squeeze %dma_start3A_78 : memref<1x126x128xf32, #tpu.memory_space<vmem>> -> memref<126x128xf32, #tpu.memory_space<vmem>>
      tpu.enqueue_dma source(%dma_start3A_79 : memref<126x128xf32, #tpu.memory_space<vmem>>) target(%dma_start3A_75 : memref<126x128xf32, #tpu.memory_space<vmem_shared>>) target_semaphore(%run_scoped3A_67 : memref<!tpu.dma_semaphore, #tpu.memory_space<semaphore_mem>>)
      %dma_wait3A = arith.constant 0 : i32
      %dma_wait3A_80 = arith.constant 0 : i32
      %dma_wait3A_81 = tpu.memref_slice %arg8[%run_scoped3A_32, %dma_wait3A, %dma_wait3A_80] : memref<2x128x128xf32, #tpu.memory_space<vmem>> -> memref<1x126x128xf32, #tpu.memory_space<vmem>>
      %dma_wait3A_82 = tpu.memref_squeeze %dma_wait3A_81 : memref<1x126x128xf32, #tpu.memory_space<vmem>> -> memref<126x128xf32, #tpu.memory_space<vmem>>
      %dma_wait3A_83 = arith.constant 0 : i32
      %dma_wait3A_84 = tpu.memref_slice %arg9[%add3A_31, %dma_wait3A_83] : memref<10208x128xf32, #tpu.memory_space<vmem_shared>> -> memref<126x128xf32, #tpu.memory_space<vmem_shared>>
      %dma_wait3A_85 = arith.constant 0 : i32
      %dma_wait3A_86 = tpu.memref_slice %arg9[%add3A_31, %dma_wait3A_85] : memref<10208x128xf32, #tpu.memory_space<vmem_shared>> -> memref<126x128xf32, #tpu.memory_space<vmem_shared>>
      %dma_wait3A_87 = arith.constant 0 : i32
      %dma_wait3A_88 = arith.constant 0 : i32
      %dma_wait3A_89 = tpu.memref_slice %arg8[%run_scoped3A_32, %dma_wait3A_87, %dma_wait3A_88] : memref<2x128x128xf32, #tpu.memory_space<vmem>> -> memref<1x126x128xf32, #tpu.memory_space<vmem>>
      %dma_wait3A_90 = tpu.memref_squeeze %dma_wait3A_89 : memref<1x126x128xf32, #tpu.memory_space<vmem>> -> memref<126x128xf32, #tpu.memory_space<vmem>>
      tpu.wait_dma2 semaphore(%run_scoped3A_67 : memref<!tpu.dma_semaphore, #tpu.memory_space<semaphore_mem>>) src(%dma_wait3A_90 : memref<126x128xf32, #tpu.memory_space<vmem>>) dst(%dma_wait3A_86 : memref<126x128xf32, #tpu.memory_space<vmem_shared>>)
      tpu.yield
    }) : () -> ()
    %barrier3A = arith.constant 0 : index
    tpu.barrier barrier_id(%barrier3A)
    %rem3A = arith.constant 0 : i32
    %rem3A_33 = arith.constant 2 : i32
    %rem3A_34 = arith.remsi %rem3A, %rem3A_33 : i32
    %add3A_35 = arith.constant 0 : i32
    %add3A_36 = arith.addi %mul3A_2, %add3A_35 : i32
    "tpu.region"() ({
      %run_scoped3A_67 = tpu.sem_alloc : memref<!tpu.dma_semaphore, #tpu.memory_space<semaphore_mem>>
      %dma_start3A_68 = arith.constant 0 : i32
      %dma_start3A_69 = arith.constant 0 : i32
      %dma_start3A_70 = tpu.memref_slice %arg6[%rem3A_34, %dma_start3A_68, %dma_start3A_69] : memref<2x4x128xi32, #tpu.memory_space<vmem>> -> memref<1x4x128xi32, #tpu.memory_space<vmem>>
      %dma_start3A_71 = tpu.memref_squeeze %dma_start3A_70 : memref<1x4x128xi32, #tpu.memory_space<vmem>> -> memref<4x128xi32, #tpu.memory_space<vmem>>
      %dma_start3A_72 = arith.constant 0 : i32
      %dma_start3A_73 = tpu.memref_slice %arg3[%add3A_36, %dma_start3A_72] : memref<2560x128xi32, #tpu.memory_space<hbm>> -> memref<4x128xi32, #tpu.memory_space<hbm>>
      %dma_start3A_74 = arith.constant 0 : i32
      %dma_start3A_75 = arith.constant 0 : i32
      %dma_start3A_76 = tpu.memref_slice %arg6[%rem3A_34, %dma_start3A_74, %dma_start3A_75] : memref<2x4x128xi32, #tpu.memory_space<vmem>> -> memref<1x4x128xi32, #tpu.memory_space<vmem>>
      %dma_start3A_77 = tpu.memref_squeeze %dma_start3A_76 : memref<1x4x128xi32, #tpu.memory_space<vmem>> -> memref<4x128xi32, #tpu.memory_space<vmem>>
      %dma_start3A_78 = arith.constant 0 : i32
      %dma_start3A_79 = tpu.memref_slice %arg3[%add3A_36, %dma_start3A_78] : memref<2560x128xi32, #tpu.memory_space<hbm>> -> memref<4x128xi32, #tpu.memory_space<hbm>>
      tpu.enqueue_dma source(%dma_start3A_79 : memref<4x128xi32, #tpu.memory_space<hbm>>) target(%dma_start3A_77 : memref<4x128xi32, #tpu.memory_space<vmem>>) target_semaphore(%run_scoped3A_67 : memref<!tpu.dma_semaphore, #tpu.memory_space<semaphore_mem>>)
      %dma_wait3A = arith.constant 0 : i32
      %dma_wait3A_80 = arith.constant 0 : i32
      %dma_wait3A_81 = tpu.memref_slice %arg6[%rem3A_34, %dma_wait3A, %dma_wait3A_80] : memref<2x4x128xi32, #tpu.memory_space<vmem>> -> memref<1x4x128xi32, #tpu.memory_space<vmem>>
      %dma_wait3A_82 = tpu.memref_squeeze %dma_wait3A_81 : memref<1x4x128xi32, #tpu.memory_space<vmem>> -> memref<4x128xi32, #tpu.memory_space<vmem>>
      %dma_wait3A_83 = arith.constant 0 : i32
      %dma_wait3A_84 = tpu.memref_slice %arg3[%add3A_36, %dma_wait3A_83] : memref<2560x128xi32, #tpu.memory_space<hbm>> -> memref<4x128xi32, #tpu.memory_space<hbm>>
      %dma_wait3A_85 = arith.constant 0 : i32
      %dma_wait3A_86 = arith.constant 0 : i32
      %dma_wait3A_87 = tpu.memref_slice %arg6[%rem3A_34, %dma_wait3A_85, %dma_wait3A_86] : memref<2x4x128xi32, #tpu.memory_space<vmem>> -> memref<1x4x128xi32, #tpu.memory_space<vmem>>
      %dma_wait3A_88 = tpu.memref_squeeze %dma_wait3A_87 : memref<1x4x128xi32, #tpu.memory_space<vmem>> -> memref<4x128xi32, #tpu.memory_space<vmem>>
      %dma_wait3A_89 = arith.constant 0 : i32
      %dma_wait3A_90 = tpu.memref_slice %arg3[%add3A_36, %dma_wait3A_89] : memref<2560x128xi32, #tpu.memory_space<hbm>> -> memref<4x128xi32, #tpu.memory_space<hbm>>
      tpu.wait_dma2 semaphore(%run_scoped3A_67 : memref<!tpu.dma_semaphore, #tpu.memory_space<semaphore_mem>>) src(%dma_wait3A_90 : memref<4x128xi32, #tpu.memory_space<hbm>>) dst(%dma_wait3A_88 : memref<4x128xi32, #tpu.memory_space<vmem>>)
      tpu.yield
    }) : () -> ()
    %add3A_37 = arith.constant 0 : i32
    %add3A_38 = arith.addi %mul3A_2, %add3A_37 : i32
    "tpu.region"() ({
      %run_scoped3A_67 = tpu.sem_alloc : memref<!tpu.dma_semaphore, #tpu.memory_space<semaphore_mem>>
      %dma_start3A_68 = arith.constant 0 : i32
      %dma_start3A_69 = arith.constant 0 : i32
      %dma_start3A_70 = tpu.memref_slice %arg7[%rem3A_34, %dma_start3A_68, %dma_start3A_69] : memref<2x4x128xi32, #tpu.memory_space<vmem>> -> memref<1x4x128xi32, #tpu.memory_space<vmem>>
      %dma_start3A_71 = tpu.memref_squeeze %dma_start3A_70 : memref<1x4x128xi32, #tpu.memory_space<vmem>> -> memref<4x128xi32, #tpu.memory_space<vmem>>
      %dma_start3A_72 = arith.constant 0 : i32
      %dma_start3A_73 = tpu.memref_slice %arg4[%add3A_38, %dma_start3A_72] : memref<2560x128xi32, #tpu.memory_space<hbm>> -> memref<4x128xi32, #tpu.memory_space<hbm>>
      %dma_start3A_74 = arith.constant 0 : i32
      %dma_start3A_75 = arith.constant 0 : i32
      %dma_start3A_76 = tpu.memref_slice %arg7[%rem3A_34, %dma_start3A_74, %dma_start3A_75] : memref<2x4x128xi32, #tpu.memory_space<vmem>> -> memref<1x4x128xi32, #tpu.memory_space<vmem>>
      %dma_start3A_77 = tpu.memref_squeeze %dma_start3A_76 : memref<1x4x128xi32, #tpu.memory_space<vmem>> -> memref<4x128xi32, #tpu.memory_space<vmem>>
      %dma_start3A_78 = arith.constant 0 : i32
      %dma_start3A_79 = tpu.memref_slice %arg4[%add3A_38, %dma_start3A_78] : memref<2560x128xi32, #tpu.memory_space<hbm>> -> memref<4x128xi32, #tpu.memory_space<hbm>>
      tpu.enqueue_dma source(%dma_start3A_79 : memref<4x128xi32, #tpu.memory_space<hbm>>) target(%dma_start3A_77 : memref<4x128xi32, #tpu.memory_space<vmem>>) target_semaphore(%run_scoped3A_67 : memref<!tpu.dma_semaphore, #tpu.memory_space<semaphore_mem>>)
      %dma_wait3A = arith.constant 0 : i32
      %dma_wait3A_80 = arith.constant 0 : i32
      %dma_wait3A_81 = tpu.memref_slice %arg7[%rem3A_34, %dma_wait3A, %dma_wait3A_80] : memref<2x4x128xi32, #tpu.memory_space<vmem>> -> memref<1x4x128xi32, #tpu.memory_space<vmem>>
      %dma_wait3A_82 = tpu.memref_squeeze %dma_wait3A_81 : memref<1x4x128xi32, #tpu.memory_space<vmem>> -> memref<4x128xi32, #tpu.memory_space<vmem>>
      %dma_wait3A_83 = arith.constant 0 : i32
      %dma_wait3A_84 = tpu.memref_slice %arg4[%add3A_38, %dma_wait3A_83] : memref<2560x128xi32, #tpu.memory_space<hbm>> -> memref<4x128xi32, #tpu.memory_space<hbm>>
      %dma_wait3A_85 = arith.constant 0 : i32
      %dma_wait3A_86 = arith.constant 0 : i32
      %dma_wait3A_87 = tpu.memref_slice %arg7[%rem3A_34, %dma_wait3A_85, %dma_wait3A_86] : memref<2x4x128xi32, #tpu.memory_space<vmem>> -> memref<1x4x128xi32, #tpu.memory_space<vmem>>
      %dma_wait3A_88 = tpu.memref_squeeze %dma_wait3A_87 : memref<1x4x128xi32, #tpu.memory_space<vmem>> -> memref<4x128xi32, #tpu.memory_space<vmem>>
      %dma_wait3A_89 = arith.constant 0 : i32
      %dma_wait3A_90 = tpu.memref_slice %arg4[%add3A_38, %dma_wait3A_89] : memref<2560x128xi32, #tpu.memory_space<hbm>> -> memref<4x128xi32, #tpu.memory_space<hbm>>
      tpu.wait_dma2 semaphore(%run_scoped3A_67 : memref<!tpu.dma_semaphore, #tpu.memory_space<semaphore_mem>>) src(%dma_wait3A_90 : memref<4x128xi32, #tpu.memory_space<hbm>>) dst(%dma_wait3A_88 : memref<4x128xi32, #tpu.memory_space<vmem>>)
      tpu.yield
    }) : () -> ()
    %rem3A_39 = arith.constant 0 : i32
    %rem3A_40 = arith.constant 2 : i32
    %rem3A_41 = arith.remsi %rem3A_39, %rem3A_40 : i32
    %rem3A_42 = arith.constant 0 : i32
    %rem3A_43 = arith.constant 4 : i32
    %rem3A_44 = arith.remsi %rem3A_42, %rem3A_43 : i32
    %dma_start3A = arith.constant 0 : i32
    %dma_start3A_45 = arith.constant 0 : i32
    %dma_start3A_46 = arith.constant 0 : i32
    %dma_start3A_47 = tpu.memref_slice %arg8[%dma_start3A, %dma_start3A_45, %dma_start3A_46] : memref<2x128x128xf32, #tpu.memory_space<vmem>> -> memref<1x128x128xf32, #tpu.memory_space<vmem>>
    %dma_start3A_48 = tpu.memref_squeeze %dma_start3A_47 : memref<1x128x128xf32, #tpu.memory_space<vmem>> -> memref<128x128xf32, #tpu.memory_space<vmem>>
    %dma_start3A_49 = arith.constant 0 : i32
    %dma_start3A_50 = tpu.memref_slice %arg6[%rem3A_41, %rem3A_44, %dma_start3A_49] : memref<2x4x128xi32, #tpu.memory_space<vmem>> -> memref<1x1x128xi32, #tpu.memory_space<vmem>>
    %dma_start3A_51 = tpu.memref_squeeze %dma_start3A_50 : memref<1x1x128xi32, #tpu.memory_space<vmem>> -> memref<128xi32, #tpu.memory_space<vmem>>
    %dma_start3A_52 = arith.constant 0 : i32
    %dma_start3A_53 = arith.constant 0 : i32
    %dma_start3A_54 = tpu.memref_slice %arg2[%dma_start3A_52, %dma_start3A_53] : memref<40000x128xf32, #tpu.memory_space<hbm>> -> memref<40000x128xf32, #tpu.memory_space<hbm>>
    tpu.enqueue_indirect_dma source(%dma_start3A_54 : memref<40000x128xf32, #tpu.memory_space<hbm>>) target(%dma_start3A_48 : memref<128x128xf32, #tpu.memory_space<vmem>>) offsets(%dma_start3A_51 : memref<128xi32, #tpu.memory_space<vmem>>) semaphore(%arg10 : memref<!tpu.dma_semaphore, #tpu.memory_space<semaphore_mem>>)
    %scan3A_55 = arith.constant 0 : i32
    %scan3A_56 = arith.constant 0 : i32
    %scan3A_57 = arith.constant 80 : i32
    %scan3A_58 = arith.addi %scan3A_56, %scan3A_57 : i32
    %scan3A_59 = arith.constant 1 : i32
    %scan3A_60 = scf.for %scan3A_67 = %scan3A_56 to %scan3A_58 step %scan3A_59 iter_args(%scan3A_68 = %scan3A_55) -> (i32)  : i32 {
      %rem3A_69 = arith.constant 2 : i32
      %rem3A_70 = arith.remsi %scan3A_67, %rem3A_69 : i32
      %rem3A_71 = arith.constant 4 : i32
      %rem3A_72 = arith.remsi %scan3A_67, %rem3A_71 : i32
      %eq3A = arith.constant 0 : i32
      %eq3A_73 = arith.cmpi eq, %rem3A_72, %eq3A : i32
      %jit3A = arith.constant 4 : i32
      %div3A = arith.divsi %scan3A_67, %jit3A : i32
      %sign3A = arith.constant 0 : i32
      %sign3A_74 = arith.cmpi sgt, %scan3A_67, %sign3A : i32
      %sign3A_75 = arith.extui %sign3A_74 : i1 to i32
      %sign3A_76 = arith.constant 0 : i32
      %sign3A_77 = arith.cmpi slt, %scan3A_67, %sign3A_76 : i32
      %sign3A_78 = arith.extui %sign3A_77 : i1 to i32
      %sign3A_79 = arith.subi %sign3A_75, %sign3A_78 : i32
      %sign3A_80 = arith.constant 0 : i32
      %sign3A_81 = arith.cmpi sgt, %jit3A, %sign3A_80 : i32
      %sign3A_82 = arith.extui %sign3A_81 : i1 to i32
      %sign3A_83 = arith.constant 0 : i32
      %sign3A_84 = arith.cmpi slt, %jit3A, %sign3A_83 : i32
      %sign3A_85 = arith.extui %sign3A_84 : i1 to i32
      %sign3A_86 = arith.subi %sign3A_82, %sign3A_85 : i32
      %ne3A = arith.cmpi ne, %sign3A_79, %sign3A_86 : i32
      %rem3A_87 = arith.remsi %scan3A_67, %jit3A : i32
      %ne3A_88 = arith.constant 0 : i32
      %ne3A_89 = arith.cmpi ne, %rem3A_87, %ne3A_88 : i32
      %and3A = arith.andi %ne3A, %ne3A_89 : i1
      %sub3A = arith.constant 1 : i32
      %sub3A_90 = arith.subi %div3A, %sub3A : i32
      %select_n3A = arith.select %and3A, %sub3A_90, %div3A : i32
      %add3A_91 = arith.constant 1 : i32
      %add3A_92 = arith.addi %select_n3A, %add3A_91 : i32
      %lt3A = arith.constant 20 : i32
      %lt3A_93 = arith.cmpi slt, %add3A_92, %lt3A : i32
      %and3A_94 = arith.andi %eq3A_73, %lt3A_93 : i1
      %convert_element_type3A = arith.extui %and3A_94 : i1 to i32
      %cond3A = arith.constant 0 : i32
      %cond3A_95 = arith.cmpi ne, %convert_element_type3A, %cond3A : i32
      scf.if %cond3A_95 {
        %jit3A_169 = arith.constant 4 : i32
        %div3A_170 = arith.divsi %scan3A_67, %jit3A_169 : i32
        %sign3A_171 = arith.constant 0 : i32
        %sign3A_172 = arith.cmpi sgt, %scan3A_67, %sign3A_171 : i32
        %sign3A_173 = arith.extui %sign3A_172 : i1 to i32
        %sign3A_174 = arith.constant 0 : i32
        %sign3A_175 = arith.cmpi slt, %scan3A_67, %sign3A_174 : i32
        %sign3A_176 = arith.extui %sign3A_175 : i1 to i32
        %sign3A_177 = arith.subi %sign3A_173, %sign3A_176 : i32
        %sign3A_178 = arith.constant 0 : i32
        %sign3A_179 = arith.cmpi sgt, %jit3A_169, %sign3A_178 : i32
        %sign3A_180 = arith.extui %sign3A_179 : i1 to i32
        %sign3A_181 = arith.constant 0 : i32
        %sign3A_182 = arith.cmpi slt, %jit3A_169, %sign3A_181 : i32
        %sign3A_183 = arith.extui %sign3A_182 : i1 to i32
        %sign3A_184 = arith.subi %sign3A_180, %sign3A_183 : i32
        %ne3A_185 = arith.cmpi ne, %sign3A_177, %sign3A_184 : i32
        %rem3A_186 = arith.remsi %scan3A_67, %jit3A_169 : i32
        %ne3A_187 = arith.constant 0 : i32
        %ne3A_188 = arith.cmpi ne, %rem3A_186, %ne3A_187 : i32
        %and3A_189 = arith.andi %ne3A_185, %ne3A_188 : i1
        %sub3A_190 = arith.constant 1 : i32
        %sub3A_191 = arith.subi %div3A_170, %sub3A_190 : i32
        %select_n3A_192 = arith.select %and3A_189, %sub3A_191, %div3A_170 : i32
        %add3A_193 = arith.constant 1 : i32
        %add3A_194 = arith.addi %select_n3A_192, %add3A_193 : i32
        %rem3A_195 = arith.constant 2 : i32
        %rem3A_196 = arith.remsi %add3A_194, %rem3A_195 : i32
        %mul3A_197 = arith.constant 4 : i32
        %mul3A_198 = arith.muli %add3A_194, %mul3A_197 : i32
        %add3A_199 = arith.addi %mul3A_2, %mul3A_198 : i32
        "tpu.region"() ({
          %run_scoped3A_203 = tpu.sem_alloc : memref<!tpu.dma_semaphore, #tpu.memory_space<semaphore_mem>>
          %dma_start3A_204 = arith.constant 0 : i32
          %dma_start3A_205 = arith.constant 0 : i32
          %dma_start3A_206 = tpu.memref_slice %arg6[%rem3A_196, %dma_start3A_204, %dma_start3A_205] : memref<2x4x128xi32, #tpu.memory_space<vmem>> -> memref<1x4x128xi32, #tpu.memory_space<vmem>>
          %dma_start3A_207 = tpu.memref_squeeze %dma_start3A_206 : memref<1x4x128xi32, #tpu.memory_space<vmem>> -> memref<4x128xi32, #tpu.memory_space<vmem>>
          %dma_start3A_208 = arith.constant 0 : i32
          %dma_start3A_209 = tpu.memref_slice %arg3[%add3A_199, %dma_start3A_208] : memref<2560x128xi32, #tpu.memory_space<hbm>> -> memref<4x128xi32, #tpu.memory_space<hbm>>
          %dma_start3A_210 = arith.constant 0 : i32
          %dma_start3A_211 = arith.constant 0 : i32
          %dma_start3A_212 = tpu.memref_slice %arg6[%rem3A_196, %dma_start3A_210, %dma_start3A_211] : memref<2x4x128xi32, #tpu.memory_space<vmem>> -> memref<1x4x128xi32, #tpu.memory_space<vmem>>
          %dma_start3A_213 = tpu.memref_squeeze %dma_start3A_212 : memref<1x4x128xi32, #tpu.memory_space<vmem>> -> memref<4x128xi32, #tpu.memory_space<vmem>>
          %dma_start3A_214 = arith.constant 0 : i32
          %dma_start3A_215 = tpu.memref_slice %arg3[%add3A_199, %dma_start3A_214] : memref<2560x128xi32, #tpu.memory_space<hbm>> -> memref<4x128xi32, #tpu.memory_space<hbm>>
          tpu.enqueue_dma source(%dma_start3A_215 : memref<4x128xi32, #tpu.memory_space<hbm>>) target(%dma_start3A_213 : memref<4x128xi32, #tpu.memory_space<vmem>>) target_semaphore(%run_scoped3A_203 : memref<!tpu.dma_semaphore, #tpu.memory_space<semaphore_mem>>)
          %dma_wait3A_216 = arith.constant 0 : i32
          %dma_wait3A_217 = arith.constant 0 : i32
          %dma_wait3A_218 = tpu.memref_slice %arg6[%rem3A_196, %dma_wait3A_216, %dma_wait3A_217] : memref<2x4x128xi32, #tpu.memory_space<vmem>> -> memref<1x4x128xi32, #tpu.memory_space<vmem>>
          %dma_wait3A_219 = tpu.memref_squeeze %dma_wait3A_218 : memref<1x4x128xi32, #tpu.memory_space<vmem>> -> memref<4x128xi32, #tpu.memory_space<vmem>>
          %dma_wait3A_220 = arith.constant 0 : i32
          %dma_wait3A_221 = tpu.memref_slice %arg3[%add3A_199, %dma_wait3A_220] : memref<2560x128xi32, #tpu.memory_space<hbm>> -> memref<4x128xi32, #tpu.memory_space<hbm>>
          %dma_wait3A_222 = arith.constant 0 : i32
          %dma_wait3A_223 = arith.constant 0 : i32
          %dma_wait3A_224 = tpu.memref_slice %arg6[%rem3A_196, %dma_wait3A_222, %dma_wait3A_223] : memref<2x4x128xi32, #tpu.memory_space<vmem>> -> memref<1x4x128xi32, #tpu.memory_space<vmem>>
          %dma_wait3A_225 = tpu.memref_squeeze %dma_wait3A_224 : memref<1x4x128xi32, #tpu.memory_space<vmem>> -> memref<4x128xi32, #tpu.memory_space<vmem>>
          %dma_wait3A_226 = arith.constant 0 : i32
          %dma_wait3A_227 = tpu.memref_slice %arg3[%add3A_199, %dma_wait3A_226] : memref<2560x128xi32, #tpu.memory_space<hbm>> -> memref<4x128xi32, #tpu.memory_space<hbm>>
          tpu.wait_dma2 semaphore(%run_scoped3A_203 : memref<!tpu.dma_semaphore, #tpu.memory_space<semaphore_mem>>) src(%dma_wait3A_227 : memref<4x128xi32, #tpu.memory_space<hbm>>) dst(%dma_wait3A_225 : memref<4x128xi32, #tpu.memory_space<vmem>>)
          tpu.yield
        }) : () -> ()
        %mul3A_200 = arith.constant 4 : i32
        %mul3A_201 = arith.muli %add3A_194, %mul3A_200 : i32
        %add3A_202 = arith.addi %mul3A_2, %mul3A_201 : i32
        "tpu.region"() ({
          %run_scoped3A_203 = tpu.sem_alloc : memref<!tpu.dma_semaphore, #tpu.memory_space<semaphore_mem>>
          %dma_start3A_204 = arith.constant 0 : i32
          %dma_start3A_205 = arith.constant 0 : i32
          %dma_start3A_206 = tpu.memref_slice %arg7[%rem3A_196, %dma_start3A_204, %dma_start3A_205] : memref<2x4x128xi32, #tpu.memory_space<vmem>> -> memref<1x4x128xi32, #tpu.memory_space<vmem>>
          %dma_start3A_207 = tpu.memref_squeeze %dma_start3A_206 : memref<1x4x128xi32, #tpu.memory_space<vmem>> -> memref<4x128xi32, #tpu.memory_space<vmem>>
          %dma_start3A_208 = arith.constant 0 : i32
          %dma_start3A_209 = tpu.memref_slice %arg4[%add3A_202, %dma_start3A_208] : memref<2560x128xi32, #tpu.memory_space<hbm>> -> memref<4x128xi32, #tpu.memory_space<hbm>>
          %dma_start3A_210 = arith.constant 0 : i32
          %dma_start3A_211 = arith.constant 0 : i32
          %dma_start3A_212 = tpu.memref_slice %arg7[%rem3A_196, %dma_start3A_210, %dma_start3A_211] : memref<2x4x128xi32, #tpu.memory_space<vmem>> -> memref<1x4x128xi32, #tpu.memory_space<vmem>>
          %dma_start3A_213 = tpu.memref_squeeze %dma_start3A_212 : memref<1x4x128xi32, #tpu.memory_space<vmem>> -> memref<4x128xi32, #tpu.memory_space<vmem>>
          %dma_start3A_214 = arith.constant 0 : i32
          %dma_start3A_215 = tpu.memref_slice %arg4[%add3A_202, %dma_start3A_214] : memref<2560x128xi32, #tpu.memory_space<hbm>> -> memref<4x128xi32, #tpu.memory_space<hbm>>
          tpu.enqueue_dma source(%dma_start3A_215 : memref<4x128xi32, #tpu.memory_space<hbm>>) target(%dma_start3A_213 : memref<4x128xi32, #tpu.memory_space<vmem>>) target_semaphore(%run_scoped3A_203 : memref<!tpu.dma_semaphore, #tpu.memory_space<semaphore_mem>>)
          %dma_wait3A_216 = arith.constant 0 : i32
          %dma_wait3A_217 = arith.constant 0 : i32
          %dma_wait3A_218 = tpu.memref_slice %arg7[%rem3A_196, %dma_wait3A_216, %dma_wait3A_217] : memref<2x4x128xi32, #tpu.memory_space<vmem>> -> memref<1x4x128xi32, #tpu.memory_space<vmem>>
          %dma_wait3A_219 = tpu.memref_squeeze %dma_wait3A_218 : memref<1x4x128xi32, #tpu.memory_space<vmem>> -> memref<4x128xi32, #tpu.memory_space<vmem>>
          %dma_wait3A_220 = arith.constant 0 : i32
          %dma_wait3A_221 = tpu.memref_slice %arg4[%add3A_202, %dma_wait3A_220] : memref<2560x128xi32, #tpu.memory_space<hbm>> -> memref<4x128xi32, #tpu.memory_space<hbm>>
          %dma_wait3A_222 = arith.constant 0 : i32
          %dma_wait3A_223 = arith.constant 0 : i32
          %dma_wait3A_224 = tpu.memref_slice %arg7[%rem3A_196, %dma_wait3A_222, %dma_wait3A_223] : memref<2x4x128xi32, #tpu.memory_space<vmem>> -> memref<1x4x128xi32, #tpu.memory_space<vmem>>
          %dma_wait3A_225 = tpu.memref_squeeze %dma_wait3A_224 : memref<1x4x128xi32, #tpu.memory_space<vmem>> -> memref<4x128xi32, #tpu.memory_space<vmem>>
          %dma_wait3A_226 = arith.constant 0 : i32
          %dma_wait3A_227 = tpu.memref_slice %arg4[%add3A_202, %dma_wait3A_226] : memref<2560x128xi32, #tpu.memory_space<hbm>> -> memref<4x128xi32, #tpu.memory_space<hbm>>
          tpu.wait_dma2 semaphore(%run_scoped3A_203 : memref<!tpu.dma_semaphore, #tpu.memory_space<semaphore_mem>>) src(%dma_wait3A_227 : memref<4x128xi32, #tpu.memory_space<hbm>>) dst(%dma_wait3A_225 : memref<4x128xi32, #tpu.memory_space<vmem>>)
          tpu.yield
        }) : () -> ()
      } else {
      }
      %jit3A_96 = arith.constant 4 : i32
      %div3A_97 = arith.divsi %scan3A_67, %jit3A_96 : i32
      %sign3A_98 = arith.constant 0 : i32
      %sign3A_99 = arith.cmpi sgt, %scan3A_67, %sign3A_98 : i32
      %sign3A_100 = arith.extui %sign3A_99 : i1 to i32
      %sign3A_101 = arith.constant 0 : i32
      %sign3A_102 = arith.cmpi slt, %scan3A_67, %sign3A_101 : i32
      %sign3A_103 = arith.extui %sign3A_102 : i1 to i32
      %sign3A_104 = arith.subi %sign3A_100, %sign3A_103 : i32
      %sign3A_105 = arith.constant 0 : i32
      %sign3A_106 = arith.cmpi sgt, %jit3A_96, %sign3A_105 : i32
      %sign3A_107 = arith.extui %sign3A_106 : i1 to i32
      %sign3A_108 = arith.constant 0 : i32
      %sign3A_109 = arith.cmpi slt, %jit3A_96, %sign3A_108 : i32
      %sign3A_110 = arith.extui %sign3A_109 : i1 to i32
      %sign3A_111 = arith.subi %sign3A_107, %sign3A_110 : i32
      %ne3A_112 = arith.cmpi ne, %sign3A_104, %sign3A_111 : i32
      %rem3A_113 = arith.remsi %scan3A_67, %jit3A_96 : i32
      %ne3A_114 = arith.constant 0 : i32
      %ne3A_115 = arith.cmpi ne, %rem3A_113, %ne3A_114 : i32
      %and3A_116 = arith.andi %ne3A_112, %ne3A_115 : i1
      %sub3A_117 = arith.constant 1 : i32
      %sub3A_118 = arith.subi %div3A_97, %sub3A_117 : i32
      %select_n3A_119 = arith.select %and3A_116, %sub3A_118, %div3A_97 : i32
      %rem3A_120 = arith.constant 2 : i32
      %rem3A_121 = arith.remsi %select_n3A_119, %rem3A_120 : i32
      %rem3A_122 = arith.constant 4 : i32
      %rem3A_123 = arith.remsi %scan3A_67, %rem3A_122 : i32
      %dma_wait3A = arith.constant 0 : i32
      %dma_wait3A_124 = arith.constant 0 : i32
      %dma_wait3A_125 = tpu.memref_slice %arg8[%rem3A_70, %dma_wait3A, %dma_wait3A_124] : memref<2x128x128xf32, #tpu.memory_space<vmem>> -> memref<1x128x128xf32, #tpu.memory_space<vmem>>
      %dma_wait3A_126 = tpu.memref_squeeze %dma_wait3A_125 : memref<1x128x128xf32, #tpu.memory_space<vmem>> -> memref<128x128xf32, #tpu.memory_space<vmem>>
      %dma_wait3A_127 = arith.constant 0 : i32
      %dma_wait3A_128 = tpu.memref_slice %arg6[%rem3A_121, %rem3A_123, %dma_wait3A_127] : memref<2x4x128xi32, #tpu.memory_space<vmem>> -> memref<1x1x128xi32, #tpu.memory_space<vmem>>
      %dma_wait3A_129 = tpu.memref_squeeze %dma_wait3A_128 : memref<1x1x128xi32, #tpu.memory_space<vmem>> -> memref<128xi32, #tpu.memory_space<vmem>>
      %dma_wait3A_130 = arith.constant 0 : i32
      %dma_wait3A_131 = arith.constant 0 : i32
      %dma_wait3A_132 = tpu.memref_slice %arg2[%dma_wait3A_130, %dma_wait3A_131] : memref<40000x128xf32, #tpu.memory_space<hbm>> -> memref<40000x128xf32, #tpu.memory_space<hbm>>
      tpu.wait_indirect_dma semaphore(%arg10 : memref<!tpu.dma_semaphore, #tpu.memory_space<semaphore_mem>>) src(%dma_wait3A_132 : memref<40000x128xf32, #tpu.memory_space<hbm>>) dst(%dma_wait3A_126 : memref<128x128xf32, #tpu.memory_space<vmem>>)
      %add3A_133 = arith.constant 1 : i32
      %add3A_134 = arith.addi %scan3A_67, %add3A_133 : i32
      %lt3A_135 = arith.constant 80 : i32
      %lt3A_136 = arith.cmpi slt, %add3A_134, %lt3A_135 : i32
      %convert_element_type3A_137 = arith.extui %lt3A_136 : i1 to i32
      %cond3A_138 = arith.constant 0 : i32
      %cond3A_139 = arith.cmpi ne, %convert_element_type3A_137, %cond3A_138 : i32
      scf.if %cond3A_139 {
        %add3A_169 = arith.constant 1 : i32
        %add3A_170 = arith.addi %scan3A_67, %add3A_169 : i32
        %jit3A_171 = arith.constant 4 : i32
        %div3A_172 = arith.divsi %add3A_170, %jit3A_171 : i32
        %sign3A_173 = arith.constant 0 : i32
        %sign3A_174 = arith.cmpi sgt, %add3A_170, %sign3A_173 : i32
        %sign3A_175 = arith.extui %sign3A_174 : i1 to i32
        %sign3A_176 = arith.constant 0 : i32
        %sign3A_177 = arith.cmpi slt, %add3A_170, %sign3A_176 : i32
        %sign3A_178 = arith.extui %sign3A_177 : i1 to i32
        %sign3A_179 = arith.subi %sign3A_175, %sign3A_178 : i32
        %sign3A_180 = arith.constant 0 : i32
        %sign3A_181 = arith.cmpi sgt, %jit3A_171, %sign3A_180 : i32
        %sign3A_182 = arith.extui %sign3A_181 : i1 to i32
        %sign3A_183 = arith.constant 0 : i32
        %sign3A_184 = arith.cmpi slt, %jit3A_171, %sign3A_183 : i32
        %sign3A_185 = arith.extui %sign3A_184 : i1 to i32
        %sign3A_186 = arith.subi %sign3A_182, %sign3A_185 : i32
        %ne3A_187 = arith.cmpi ne, %sign3A_179, %sign3A_186 : i32
        %rem3A_188 = arith.remsi %add3A_170, %jit3A_171 : i32
        %ne3A_189 = arith.constant 0 : i32
        %ne3A_190 = arith.cmpi ne, %rem3A_188, %ne3A_189 : i32
        %and3A_191 = arith.andi %ne3A_187, %ne3A_190 : i1
        %sub3A_192 = arith.constant 1 : i32
        %sub3A_193 = arith.subi %div3A_172, %sub3A_192 : i32
        %select_n3A_194 = arith.select %and3A_191, %sub3A_193, %div3A_172 : i32
        %rem3A_195 = arith.constant 2 : i32
        %rem3A_196 = arith.remsi %select_n3A_194, %rem3A_195 : i32
        %rem3A_197 = arith.constant 4 : i32
        %rem3A_198 = arith.remsi %add3A_170, %rem3A_197 : i32
        %sub3A_199 = arith.constant 1 : i32
        %sub3A_200 = arith.subi %sub3A_199, %rem3A_70 : i32
        %dma_start3A_201 = arith.constant 0 : i32
        %dma_start3A_202 = arith.constant 0 : i32
        %dma_start3A_203 = tpu.memref_slice %arg8[%sub3A_200, %dma_start3A_201, %dma_start3A_202] : memref<2x128x128xf32, #tpu.memory_space<vmem>> -> memref<1x128x128xf32, #tpu.memory_space<vmem>>
        %dma_start3A_204 = tpu.memref_squeeze %dma_start3A_203 : memref<1x128x128xf32, #tpu.memory_space<vmem>> -> memref<128x128xf32, #tpu.memory_space<vmem>>
        %dma_start3A_205 = arith.constant 0 : i32
        %dma_start3A_206 = tpu.memref_slice %arg6[%rem3A_196, %rem3A_198, %dma_start3A_205] : memref<2x4x128xi32, #tpu.memory_space<vmem>> -> memref<1x1x128xi32, #tpu.memory_space<vmem>>
        %dma_start3A_207 = tpu.memref_squeeze %dma_start3A_206 : memref<1x1x128xi32, #tpu.memory_space<vmem>> -> memref<128xi32, #tpu.memory_space<vmem>>
        %dma_start3A_208 = arith.constant 0 : i32
        %dma_start3A_209 = arith.constant 0 : i32
        %dma_start3A_210 = tpu.memref_slice %arg2[%dma_start3A_208, %dma_start3A_209] : memref<40000x128xf32, #tpu.memory_space<hbm>> -> memref<40000x128xf32, #tpu.memory_space<hbm>>
        tpu.enqueue_indirect_dma source(%dma_start3A_210 : memref<40000x128xf32, #tpu.memory_space<hbm>>) target(%dma_start3A_204 : memref<128x128xf32, #tpu.memory_space<vmem>>) offsets(%dma_start3A_207 : memref<128xi32, #tpu.memory_space<vmem>>) semaphore(%arg10 : memref<!tpu.dma_semaphore, #tpu.memory_space<semaphore_mem>>)
      } else {
      }
      %jit3A_140 = arith.constant 4 : i32
      %div3A_141 = arith.divsi %scan3A_67, %jit3A_140 : i32
      %sign3A_142 = arith.constant 0 : i32
      %sign3A_143 = arith.cmpi sgt, %scan3A_67, %sign3A_142 : i32
      %sign3A_144 = arith.extui %sign3A_143 : i1 to i32
      %sign3A_145 = arith.constant 0 : i32
      %sign3A_146 = arith.cmpi slt, %scan3A_67, %sign3A_145 : i32
      %sign3A_147 = arith.extui %sign3A_146 : i1 to i32
      %sign3A_148 = arith.subi %sign3A_144, %sign3A_147 : i32
      %sign3A_149 = arith.constant 0 : i32
      %sign3A_150 = arith.cmpi sgt, %jit3A_140, %sign3A_149 : i32
      %sign3A_151 = arith.extui %sign3A_150 : i1 to i32
      %sign3A_152 = arith.constant 0 : i32
      %sign3A_153 = arith.cmpi slt, %jit3A_140, %sign3A_152 : i32
      %sign3A_154 = arith.extui %sign3A_153 : i1 to i32
      %sign3A_155 = arith.subi %sign3A_151, %sign3A_154 : i32
      %ne3A_156 = arith.cmpi ne, %sign3A_148, %sign3A_155 : i32
      %rem3A_157 = arith.remsi %scan3A_67, %jit3A_140 : i32
      %ne3A_158 = arith.constant 0 : i32
      %ne3A_159 = arith.cmpi ne, %rem3A_157, %ne3A_158 : i32
      %and3A_160 = arith.andi %ne3A_156, %ne3A_159 : i1
      %sub3A_161 = arith.constant 1 : i32
      %sub3A_162 = arith.subi %div3A_141, %sub3A_161 : i32
      %select_n3A_163 = arith.select %and3A_160, %sub3A_162, %div3A_141 : i32
      %rem3A_164 = arith.constant 2 : i32
      %rem3A_165 = arith.remsi %select_n3A_163, %rem3A_164 : i32
      %rem3A_166 = arith.constant 4 : i32
      %rem3A_167 = arith.remsi %scan3A_67, %rem3A_166 : i32
      "tpu.region"() ({
        %run_scoped3A_169 = tpu.sem_alloc : memref<!tpu.dma_semaphore, #tpu.memory_space<semaphore_mem>>
        %dma_start3A_170 = arith.constant 0 : i32
        %dma_start3A_171 = arith.constant 0 : i32
        %dma_start3A_172 = tpu.memref_slice %arg8[%rem3A_70, %dma_start3A_170, %dma_start3A_171] : memref<2x128x128xf32, #tpu.memory_space<vmem>> -> memref<1x128x128xf32, #tpu.memory_space<vmem>>
        %dma_start3A_173 = tpu.memref_squeeze %dma_start3A_172 : memref<1x128x128xf32, #tpu.memory_space<vmem>> -> memref<128x128xf32, #tpu.memory_space<vmem>>
        %dma_start3A_174 = arith.constant 0 : i32
        %dma_start3A_175 = tpu.memref_slice %arg7[%rem3A_165, %rem3A_167, %dma_start3A_174] : memref<2x4x128xi32, #tpu.memory_space<vmem>> -> memref<1x1x128xi32, #tpu.memory_space<vmem>>
        %dma_start3A_176 = tpu.memref_squeeze %dma_start3A_175 : memref<1x1x128xi32, #tpu.memory_space<vmem>> -> memref<128xi32, #tpu.memory_space<vmem>>
        %dma_start3A_177 = arith.constant 0 : i32
        %dma_start3A_178 = arith.constant 0 : i32
        %dma_start3A_179 = tpu.memref_slice %arg9[%dma_start3A_177, %dma_start3A_178] : memref<10208x128xf32, #tpu.memory_space<vmem_shared>> -> memref<10208x128xf32, #tpu.memory_space<vmem_shared>>
        tpu.enqueue_indirect_dma source(%dma_start3A_173 : memref<128x128xf32, #tpu.memory_space<vmem>>) target(%dma_start3A_179 : memref<10208x128xf32, #tpu.memory_space<vmem_shared>>) offsets(%dma_start3A_176 : memref<128xi32, #tpu.memory_space<vmem>>) semaphore(%run_scoped3A_169 : memref<!tpu.dma_semaphore, #tpu.memory_space<semaphore_mem>>) {add = true}
        %dma_wait3A_180 = arith.constant 0 : i32
        %dma_wait3A_181 = arith.constant 0 : i32
        %dma_wait3A_182 = tpu.memref_slice %arg8[%rem3A_70, %dma_wait3A_180, %dma_wait3A_181] : memref<2x128x128xf32, #tpu.memory_space<vmem>> -> memref<1x128x128xf32, #tpu.memory_space<vmem>>
        %dma_wait3A_183 = tpu.memref_squeeze %dma_wait3A_182 : memref<1x128x128xf32, #tpu.memory_space<vmem>> -> memref<128x128xf32, #tpu.memory_space<vmem>>
        %dma_wait3A_184 = arith.constant 0 : i32
        %dma_wait3A_185 = tpu.memref_slice %arg7[%rem3A_165, %rem3A_167, %dma_wait3A_184] : memref<2x4x128xi32, #tpu.memory_space<vmem>> -> memref<1x1x128xi32, #tpu.memory_space<vmem>>
        %dma_wait3A_186 = tpu.memref_squeeze %dma_wait3A_185 : memref<1x1x128xi32, #tpu.memory_space<vmem>> -> memref<128xi32, #tpu.memory_space<vmem>>
        %dma_wait3A_187 = arith.constant 0 : i32
        %dma_wait3A_188 = arith.constant 0 : i32
        %dma_wait3A_189 = tpu.memref_slice %arg9[%dma_wait3A_187, %dma_wait3A_188] : memref<10208x128xf32, #tpu.memory_space<vmem_shared>> -> memref<10208x128xf32, #tpu.memory_space<vmem_shared>>
        tpu.wait_indirect_dma semaphore(%run_scoped3A_169 : memref<!tpu.dma_semaphore, #tpu.memory_space<semaphore_mem>>) src(%dma_wait3A_183 : memref<128x128xf32, #tpu.memory_space<vmem>>) dst(%dma_wait3A_189 : memref<10208x128xf32, #tpu.memory_space<vmem_shared>>)
        tpu.yield
      }) : () -> ()
      %scan3A_168 = arith.constant 0 : i32
      scf.yield %scan3A_168 : i32
    }
    %scan3A_61 = arith.constant 80 : i32
    %barrier3A_62 = arith.constant 0 : index
    tpu.barrier barrier_id(%barrier3A_62)
    %mul3A_63 = arith.constant 638 : i32
    %mul3A_64 = arith.muli %arg1, %mul3A_63 : i32
    %mul3A_65 = arith.constant 638 : i32
    %mul3A_66 = arith.muli %arg1, %mul3A_65 : i32
    "tpu.region"() ({
      %run_scoped3A_67 = tpu.sem_alloc : memref<!tpu.dma_semaphore, #tpu.memory_space<semaphore_mem>>
      %dma_start3A_68 = arith.constant 0 : i32
      %dma_start3A_69 = tpu.memref_slice %arg5[%arg0, %mul3A_66, %dma_start3A_68] : memref<2x10208x128xf32, #tpu.memory_space<hbm>> -> memref<1x638x128xf32, #tpu.memory_space<hbm>>
      %dma_start3A_70 = tpu.memref_squeeze %dma_start3A_69 : memref<1x638x128xf32, #tpu.memory_space<hbm>> -> memref<638x128xf32, #tpu.memory_space<hbm>>
      %dma_start3A_71 = arith.constant 0 : i32
      %dma_start3A_72 = tpu.memref_slice %arg9[%mul3A_64, %dma_start3A_71] : memref<10208x128xf32, #tpu.memory_space<vmem_shared>> -> memref<638x128xf32, #tpu.memory_space<vmem_shared>>
      tpu.enqueue_dma source(%dma_start3A_72 : memref<638x128xf32, #tpu.memory_space<vmem_shared>>) target(%dma_start3A_70 : memref<638x128xf32, #tpu.memory_space<hbm>>) target_semaphore(%run_scoped3A_67 : memref<!tpu.dma_semaphore, #tpu.memory_space<semaphore_mem>>)
      %dma_wait3A = arith.constant 0 : i32
      %dma_wait3A_73 = tpu.memref_slice %arg5[%arg0, %mul3A_66, %dma_wait3A] : memref<2x10208x128xf32, #tpu.memory_space<hbm>> -> memref<1x638x128xf32, #tpu.memory_space<hbm>>
      %dma_wait3A_74 = tpu.memref_squeeze %dma_wait3A_73 : memref<1x638x128xf32, #tpu.memory_space<hbm>> -> memref<638x128xf32, #tpu.memory_space<hbm>>
      %dma_wait3A_75 = arith.constant 0 : i32
      %dma_wait3A_76 = tpu.memref_slice %arg9[%mul3A_64, %dma_wait3A_75] : memref<10208x128xf32, #tpu.memory_space<vmem_shared>> -> memref<638x128xf32, #tpu.memory_space<vmem_shared>>
      tpu.wait_dma2 semaphore(%run_scoped3A_67 : memref<!tpu.dma_semaphore, #tpu.memory_space<semaphore_mem>>) src(%dma_wait3A_76 : memref<638x128xf32, #tpu.memory_space<vmem_shared>>) dst(%dma_wait3A_74 : memref<638x128xf32, #tpu.memory_space<hbm>>)
      tpu.yield
    }) : () -> ()
    return
  }
}

module attributes {stable_mosaic.version = 14 : i64} {
  func.func @_table_body(%arg0: i32, %arg1: memref<400x16xf32, #tpu.memory_space<vmem>>, %arg2: memref<4x16xf32, #tpu.memory_space<vmem>>, %arg3: memref<4x400x16xf32, #tpu.memory_space<vmem>>) attributes {dimension_semantics = [#tpu.dimension_semantics<arbitrary>], iteration_bounds = array<i64: 25>, scalar_prefetch = 0 : i64, scratch_operands = 0 : i64, tpu.core_type = #tpu.core_type<tc>, window_params = [{transform_indices = @transform_0, window_bounds = array<i64: 400, 16>}, {pipeline_mode = #tpu.pipeline_mode<synchronous>, transform_indices = @transform_1, window_bounds = array<i64: 4, 16>}, {transform_indices = @transform_2, window_bounds = array<i64: 4, 400, 16>}]} {
    %get3A = arith.constant 0 : index
    %get3A_0 = arith.constant 0 : index
    %get3A_1 = vector.load %arg1[%get3A, %get3A_0] : memref<400x16xf32, #tpu.memory_space<vmem>>, vector<400x16xf32>
    %broadcast_in_dim3A = vector.shape_cast %get3A_1 : vector<400x16xf32> to vector<1x400x16xf32>
    %get3A_2 = arith.constant 0 : index
    %get3A_3 = arith.constant 0 : index
    %get3A_4 = vector.load %arg2[%get3A_2, %get3A_3] : memref<4x16xf32, #tpu.memory_space<vmem>>, vector<4x16xf32>
    %broadcast_in_dim3A_5 = vector.shape_cast %get3A_4 : vector<4x16xf32> to vector<4x1x16xf32>
    %add3A = vector.broadcast %broadcast_in_dim3A : vector<1x400x16xf32> to vector<4x400x16xf32>
    %add3A_6 = vector.broadcast %broadcast_in_dim3A_5 : vector<4x1x16xf32> to vector<4x400x16xf32>
    %add3A_7 = arith.addf %add3A, %add3A_6 : vector<4x400x16xf32>
    %max3A = arith.constant 0.000000e+00 : f32
    %max3A_8 = vector.broadcast %max3A : f32 to vector<4x400x16xf32>
    %max3A_9 = arith.maximumf %add3A_7, %max3A_8 : vector<4x400x16xf32>
    %swap3A = arith.constant 0 : index
    %swap3A_10 = arith.constant 0 : index
    %swap3A_11 = arith.constant 0 : index
    %swap3A_12 = vector.load %arg3[%swap3A, %swap3A_10, %swap3A_11] : memref<4x400x16xf32, #tpu.memory_space<vmem>>, vector<4x400x16xf32>
    tpu.vector_store %arg3[%swap3A, %swap3A_10, %swap3A_11], %max3A_9 {strides = array<i32>} : memref<4x400x16xf32, #tpu.memory_space<vmem>>, vector<4x400x16xf32>,
    return
  }
  func.func @transform_0(%arg0: i32) -> (i32, i32) {
    %c0_i32 = arith.constant 0 : i32
    %c0_i32_0 = arith.constant 0 : i32
    return %arg0, %c0_i32 : i32, i32
  }
  func.func @transform_1(%arg0: i32) -> (i32, i32) {
    %c0_i32 = arith.constant 0 : i32
    %c0_i32_0 = arith.constant 0 : i32
    %c0_i32_1 = arith.constant 0 : i32
    return %c0_i32, %c0_i32_0 : i32, i32
  }
  func.func @transform_2(%arg0: i32) -> (i32, i32, i32) {
    %c0_i32 = arith.constant 0 : i32
    %c0_i32_0 = arith.constant 0 : i32
    %c0_i32_1 = arith.constant 0 : i32
    return %c0_i32, %arg0, %c0_i32_0 : i32, i32, i32
  }
}

module attributes {stable_mosaic.version = 14 : i64} {
  func.func @_table_body(%arg0: i32, %arg1: memref<400x128xf32, #tpu.memory_space<vmem>>, %arg2: memref<4x128xf32, #tpu.memory_space<vmem>>, %arg3: memref<4x400x128xf32, #tpu.memory_space<vmem>>) attributes {dimension_semantics = [#tpu.dimension_semantics<arbitrary>], iteration_bounds = array<i64: 25>, scalar_prefetch = 0 : i64, scratch_operands = 0 : i64, tpu.core_type = #tpu.core_type<tc>, window_params = [{transform_indices = @transform_0, window_bounds = array<i64: 400, 128>}, {pipeline_mode = #tpu.pipeline_mode<synchronous>, transform_indices = @transform_1, window_bounds = array<i64: 4, 128>}, {transform_indices = @transform_2, window_bounds = array<i64: 4, 400, 128>}]} {
    %get3A = arith.constant 0 : index
    %get3A_0 = arith.constant 0 : index
    %get3A_1 = vector.load %arg1[%get3A, %get3A_0] : memref<400x128xf32, #tpu.memory_space<vmem>>, vector<400x128xf32>
    %broadcast_in_dim3A = vector.shape_cast %get3A_1 : vector<400x128xf32> to vector<1x400x128xf32>
    %get3A_2 = arith.constant 0 : index
    %get3A_3 = arith.constant 0 : index
    %get3A_4 = vector.load %arg2[%get3A_2, %get3A_3] : memref<4x128xf32, #tpu.memory_space<vmem>>, vector<4x128xf32>
    %broadcast_in_dim3A_5 = vector.shape_cast %get3A_4 : vector<4x128xf32> to vector<4x1x128xf32>
    %add3A = vector.broadcast %broadcast_in_dim3A : vector<1x400x128xf32> to vector<4x400x128xf32>
    %add3A_6 = vector.broadcast %broadcast_in_dim3A_5 : vector<4x1x128xf32> to vector<4x400x128xf32>
    %add3A_7 = arith.addf %add3A, %add3A_6 : vector<4x400x128xf32>
    %max3A = arith.constant 0.000000e+00 : f32
    %max3A_8 = vector.broadcast %max3A : f32 to vector<4x400x128xf32>
    %max3A_9 = arith.maximumf %add3A_7, %max3A_8 : vector<4x400x128xf32>
    %swap3A = arith.constant 0 : index
    %swap3A_10 = arith.constant 0 : index
    %swap3A_11 = arith.constant 0 : index
    %swap3A_12 = vector.load %arg3[%swap3A, %swap3A_10, %swap3A_11] : memref<4x400x128xf32, #tpu.memory_space<vmem>>, vector<4x400x128xf32>
    tpu.vector_store %arg3[%swap3A, %swap3A_10, %swap3A_11], %max3A_9 {strides = array<i32>} : memref<4x400x128xf32, #tpu.memory_space<vmem>>, vector<4x400x128xf32>,
    return
  }
  func.func @transform_0(%arg0: i32) -> (i32, i32) {
    %c0_i32 = arith.constant 0 : i32
    %c0_i32_0 = arith.constant 0 : i32
    return %arg0, %c0_i32 : i32, i32
  }
  func.func @transform_1(%arg0: i32) -> (i32, i32) {
    %c0_i32 = arith.constant 0 : i32
    %c0_i32_0 = arith.constant 0 : i32
    %c0_i32_1 = arith.constant 0 : i32
    return %c0_i32, %c0_i32_0 : i32, i32
  }
  func.func @transform_2(%arg0: i32) -> (i32, i32, i32) {
    %c0_i32 = arith.constant 0 : i32
    %c0_i32_0 = arith.constant 0 : i32
    %c0_i32_1 = arith.constant 0 : i32
    return %c0_i32, %arg0, %c0_i32_0 : i32, i32, i32
  }
}

module attributes {stable_mosaic.version = 14 : i64} {
  func.func @_rid_body(%arg0: i32, %arg1: memref<256x128xi32, #tpu.memory_space<vmem>>, %arg2: memref<256x128xi32, #tpu.memory_space<vmem>>, %arg3: memref<256x128xi32, #tpu.memory_space<vmem>>) attributes {dimension_semantics = [#tpu.dimension_semantics<arbitrary>], iteration_bounds = array<i64: 10>, scalar_prefetch = 0 : i64, scratch_operands = 0 : i64, tpu.core_type = #tpu.core_type<tc>, window_params = [{transform_indices = @transform_0, window_bounds = array<i64: 256, 128>}, {transform_indices = @transform_1, window_bounds = array<i64: 256, 128>}, {transform_indices = @transform_2, window_bounds = array<i64: 256, 128>}]} {
    %get3A = arith.constant 0 : index
    %get3A_0 = arith.constant 0 : index
    %get3A_1 = vector.load %arg2[%get3A, %get3A_0] : memref<256x128xi32, #tpu.memory_space<vmem>>, vector<256x128xi32>
    %mul3A = arith.constant 10000 : i32
    %mul3A_2 = vector.broadcast %mul3A : i32 to vector<256x128xi32>
    %mul3A_3 = arith.muli %get3A_1, %mul3A_2 : vector<256x128xi32>
    %get3A_4 = arith.constant 0 : index
    %get3A_5 = arith.constant 0 : index
    %get3A_6 = vector.load %arg1[%get3A_4, %get3A_5] : memref<256x128xi32, #tpu.memory_space<vmem>>, vector<256x128xi32>
    %add3A = arith.addi %mul3A_3, %get3A_6 : vector<256x128xi32>
    %swap3A = arith.constant 0 : index
    %swap3A_7 = arith.constant 0 : index
    %swap3A_8 = vector.load %arg3[%swap3A, %swap3A_7] : memref<256x128xi32, #tpu.memory_space<vmem>>, vector<256x128xi32>
    tpu.vector_store %arg3[%swap3A, %swap3A_7], %add3A {strides = array<i32>} : memref<256x128xi32, #tpu.memory_space<vmem>>, vector<256x128xi32>,
    return
  }
  func.func @transform_0(%arg0: i32) -> (i32, i32) {
    %c0_i32 = arith.constant 0 : i32
    %c0_i32_0 = arith.constant 0 : i32
    return %arg0, %c0_i32 : i32, i32
  }
  func.func @transform_1(%arg0: i32) -> (i32, i32) {
    %c0_i32 = arith.constant 0 : i32
    %c0_i32_0 = arith.constant 0 : i32
    return %arg0, %c0_i32 : i32, i32
  }
  func.func @transform_2(%arg0: i32) -> (i32, i32) {
    %c0_i32 = arith.constant 0 : i32
    %c0_i32_0 = arith.constant 0 : i32
    return %arg0, %c0_i32 : i32, i32
  }
}

module attributes {stable_mosaic.version = 14 : i64} {
  func.func @_mlp_body(%arg0: i32, %arg1: memref<400x144xf32, #tpu.memory_space<vmem>>, %arg2: memref<2x400x128xf32, #tpu.memory_space<vmem>>, %arg3: memref<2x400x16xf32, #tpu.memory_space<vmem>>, %arg4: memref<1x1xf32, #tpu.memory_space<vmem>>, %arg5: memref<144x128xf32, #tpu.memory_space<vmem>>, %arg6: memref<1x128xf32, #tpu.memory_space<vmem>>, %arg7: memref<128x128xf32, #tpu.memory_space<vmem>>, %arg8: memref<1x128xf32, #tpu.memory_space<vmem>>, %arg9: memref<400x128xf32, #tpu.memory_space<vmem>>) attributes {dimension_semantics = [#tpu.dimension_semantics<arbitrary>], iteration_bounds = array<i64: 25>, scalar_prefetch = 0 : i64, scratch_operands = 0 : i64, tpu.core_type = #tpu.core_type<tc>, window_params = [{transform_indices = @transform_0, window_bounds = array<i64: 400, 144>}, {transform_indices = @transform_1, window_bounds = array<i64: 2, 400, 128>}, {transform_indices = @transform_2, window_bounds = array<i64: 2, 400, 16>}, {pipeline_mode = #tpu.pipeline_mode<synchronous>, transform_indices = @transform_3, window_bounds = array<i64: 1, 1>}, {pipeline_mode = #tpu.pipeline_mode<synchronous>, transform_indices = @transform_4, window_bounds = array<i64: 144, 128>}, {pipeline_mode = #tpu.pipeline_mode<synchronous>, transform_indices = @transform_5, window_bounds = array<i64: 1, 128>}, {pipeline_mode = #tpu.pipeline_mode<synchronous>, transform_indices = @transform_6, window_bounds = array<i64: 128, 128>}, {pipeline_mode = #tpu.pipeline_mode<synchronous>, transform_indices = @transform_7, window_bounds = array<i64: 1, 128>}, {transform_indices = @transform_8, window_bounds = array<i64: 400, 128>}]} {
    %get3A = arith.constant 0 : index
    %get3A_0 = arith.constant 0 : index
    %get3A_1 = vector.load %arg4[%get3A, %get3A_0] : memref<1x1xf32, #tpu.memory_space<vmem>>, vector<1x1xf32>
    %get3A_2 = vector.extract %get3A_1[0, 0] : f32 from vector<1x1xf32>
    %get3A_3 = arith.constant 0 : index
    %get3A_4 = arith.constant 0 : index
    %get3A_5 = arith.constant 0 : index
    %get3A_6 = vector.load %arg2[%get3A_3, %get3A_4, %get3A_5] : memref<2x400x128xf32, #tpu.memory_space<vmem>>, vector<1x400x128xf32>
    %get3A_7 = vector.shape_cast %get3A_6 : vector<1x400x128xf32> to vector<400x128xf32>
    %get3A_8 = arith.constant 1 : index
    %get3A_9 = arith.constant 0 : index
    %get3A_10 = arith.constant 0 : index
    %get3A_11 = vector.load %arg2[%get3A_8, %get3A_9, %get3A_10] : memref<2x400x128xf32, #tpu.memory_space<vmem>>, vector<1x400x128xf32>
    %get3A_12 = vector.shape_cast %get3A_11 : vector<1x400x128xf32> to vector<400x128xf32>
    %add3A = arith.addf %get3A_7, %get3A_12 : vector<400x128xf32>
    %get3A_13 = arith.constant 0 : index
    %get3A_14 = arith.constant 0 : index
    %get3A_15 = arith.constant 0 : index
    %get3A_16 = vector.load %arg3[%get3A_13, %get3A_14, %get3A_15] : memref<2x400x16xf32, #tpu.memory_space<vmem>>, vector<1x400x16xf32>
    %get3A_17 = vector.shape_cast %get3A_16 : vector<1x400x16xf32> to vector<400x16xf32>
    %get3A_18 = arith.constant 1 : index
    %get3A_19 = arith.constant 0 : index
    %get3A_20 = arith.constant 0 : index
    %get3A_21 = vector.load %arg3[%get3A_18, %get3A_19, %get3A_20] : memref<2x400x16xf32, #tpu.memory_space<vmem>>, vector<1x400x16xf32>
    %get3A_22 = vector.shape_cast %get3A_21 : vector<1x400x16xf32> to vector<400x16xf32>
    %add3A_23 = arith.addf %get3A_17, %get3A_22 : vector<400x16xf32>
    %concatenate3A = tpu.concatenate %add3A, %add3A_23 in 1 : vector<400x128xf32>, vector<400x16xf32> -> vector<400x144xf32>
    %add3A_24 = arith.constant 1.000000e+00 : f32
    %add3A_25 = arith.addf %add3A_24, %get3A_2 : f32
    %get3A_26 = arith.constant 0 : index
    %get3A_27 = arith.constant 0 : index
    %get3A_28 = vector.load %arg1[%get3A_26, %get3A_27] : memref<400x144xf32, #tpu.memory_space<vmem>>, vector<400x144xf32>
    %mul3A = vector.broadcast %add3A_25 : f32 to vector<400x144xf32>
    %mul3A_29 = arith.mulf %mul3A, %get3A_28 : vector<400x144xf32>
    %add3A_30 = arith.addf %mul3A_29, %concatenate3A : vector<400x144xf32>
    %convert_element_type3A = arith.truncf %add3A_30 : vector<400x144xf32> to vector<400x144xbf16>
    %get3A_31 = arith.constant 0 : index
    %get3A_32 = arith.constant 0 : index
    %get3A_33 = vector.load %arg5[%get3A_31, %get3A_32] : memref<144x128xf32, #tpu.memory_space<vmem>>, vector<144x128xf32>
    %convert_element_type3A_34 = arith.truncf %get3A_33 : vector<144x128xf32> to vector<144x128xbf16>
    %dot_general3A = arith.constant dense<0.000000e+00> : vector<400x128xf32>
    %dot_general3A_35 = tpu.matmul %convert_element_type3A, %convert_element_type3A_34, %dot_general3A {dimension_numbers = #tpu.dot_dimension_numbers<[1], [0], [0], [1], [0, 0, 1, 1], [], []>, transpose_lhs_hint = false} : vector<400x144xbf16>, vector<144x128xbf16>, vector<400x128xf32> -> vector<400x128xf32>
    %get3A_36 = arith.constant 0 : index
    %get3A_37 = arith.constant 0 : index
    %get3A_38 = vector.load %arg6[%get3A_36, %get3A_37] : memref<1x128xf32, #tpu.memory_space<vmem>>, vector<1x128xf32>
    %add3A_39 = vector.broadcast %get3A_38 : vector<1x128xf32> to vector<400x128xf32>
    %add3A_40 = arith.addf %dot_general3A_35, %add3A_39 : vector<400x128xf32>
    %max3A = arith.constant 0.000000e+00 : f32
    %max3A_41 = vector.broadcast %max3A : f32 to vector<400x128xf32>
    %max3A_42 = arith.maximumf %add3A_40, %max3A_41 : vector<400x128xf32>
    %convert_element_type3A_43 = arith.truncf %max3A_42 : vector<400x128xf32> to vector<400x128xbf16>
    %get3A_44 = arith.constant 0 : index
    %get3A_45 = arith.constant 0 : index
    %get3A_46 = vector.load %arg7[%get3A_44, %get3A_45] : memref<128x128xf32, #tpu.memory_space<vmem>>, vector<128x128xf32>
    %convert_element_type3A_47 = arith.truncf %get3A_46 : vector<128x128xf32> to vector<128x128xbf16>
    %dot_general3A_48 = arith.constant dense<0.000000e+00> : vector<400x128xf32>
    %dot_general3A_49 = tpu.matmul %convert_element_type3A_43, %convert_element_type3A_47, %dot_general3A_48 {dimension_numbers = #tpu.dot_dimension_numbers<[1], [0], [0], [1], [0, 0, 1, 1], [], []>, transpose_lhs_hint = false} : vector<400x128xbf16>, vector<128x128xbf16>, vector<400x128xf32> -> vector<400x128xf32>
    %get3A_50 = arith.constant 0 : index
    %get3A_51 = arith.constant 0 : index
    %get3A_52 = vector.load %arg8[%get3A_50, %get3A_51] : memref<1x128xf32, #tpu.memory_space<vmem>>, vector<1x128xf32>
    %add3A_53 = vector.broadcast %get3A_52 : vector<1x128xf32> to vector<400x128xf32>
    %add3A_54 = arith.addf %dot_general3A_49, %add3A_53 : vector<400x128xf32>
    %swap3A = arith.constant 0 : index
    %swap3A_55 = arith.constant 0 : index
    %swap3A_56 = vector.load %arg9[%swap3A, %swap3A_55] : memref<400x128xf32, #tpu.memory_space<vmem>>, vector<400x128xf32>
    tpu.vector_store %arg9[%swap3A, %swap3A_55], %add3A_54 {strides = array<i32>} : memref<400x128xf32, #tpu.memory_space<vmem>>, vector<400x128xf32>,
    return
  }
  func.func @transform_0(%arg0: i32) -> (i32, i32) {
    %c0_i32 = arith.constant 0 : i32
    %c0_i32_0 = arith.constant 0 : i32
    return %arg0, %c0_i32 : i32, i32
  }
  func.func @transform_1(%arg0: i32) -> (i32, i32, i32) {
    %c0_i32 = arith.constant 0 : i32
    %c0_i32_0 = arith.constant 0 : i32
    %c0_i32_1 = arith.constant 0 : i32
    return %c0_i32, %arg0, %c0_i32_0 : i32, i32, i32
  }
  func.func @transform_2(%arg0: i32) -> (i32, i32, i32) {
    %c0_i32 = arith.constant 0 : i32
    %c0_i32_0 = arith.constant 0 : i32
    %c0_i32_1 = arith.constant 0 : i32
    return %c0_i32, %arg0, %c0_i32_0 : i32, i32, i32
  }
  func.func @transform_3(%arg0: i32) -> (i32, i32) {
    %c0_i32 = arith.constant 0 : i32
    %c0_i32_0 = arith.constant 0 : i32
    %c0_i32_1 = arith.constant 0 : i32
    return %c0_i32, %c0_i32_0 : i32, i32
  }
  func.func @transform_4(%arg0: i32) -> (i32, i32) {
    %c0_i32 = arith.constant 0 : i32
    %c0_i32_0 = arith.constant 0 : i32
    %c0_i32_1 = arith.constant 0 : i32
    return %c0_i32, %c0_i32_0 : i32, i32
  }
  func.func @transform_5(%arg0: i32) -> (i32, i32) {
    %c0_i32 = arith.constant 0 : i32
    %c0_i32_0 = arith.constant 0 : i32
    %c0_i32_1 = arith.constant 0 : i32
    return %c0_i32, %c0_i32_0 : i32, i32
  }
  func.func @transform_6(%arg0: i32) -> (i32, i32) {
    %c0_i32 = arith.constant 0 : i32
    %c0_i32_0 = arith.constant 0 : i32
    %c0_i32_1 = arith.constant 0 : i32
    return %c0_i32, %c0_i32_0 : i32, i32
  }
  func.func @transform_7(%arg0: i32) -> (i32, i32) {
    %c0_i32 = arith.constant 0 : i32
    %c0_i32_0 = arith.constant 0 : i32
    %c0_i32_1 = arith.constant 0 : i32
    return %c0_i32, %c0_i32_0 : i32, i32
  }
  func.func @transform_8(%arg0: i32) -> (i32, i32) {
    %c0_i32 = arith.constant 0 : i32
    %c0_i32_0 = arith.constant 0 : i32
    return %arg0, %c0_i32 : i32, i32
  }
}

module attributes {stable_mosaic.version = 14 : i64} {
  func.func @_mlp_body(%arg0: i32, %arg1: memref<400x128xf32, #tpu.memory_space<vmem>>, %arg2: memref<2x400x128xf32, #tpu.memory_space<vmem>>, %arg3: memref<1x1xf32, #tpu.memory_space<vmem>>, %arg4: memref<128x128xf32, #tpu.memory_space<vmem>>, %arg5: memref<1x128xf32, #tpu.memory_space<vmem>>, %arg6: memref<128x128xf32, #tpu.memory_space<vmem>>, %arg7: memref<1x128xf32, #tpu.memory_space<vmem>>, %arg8: memref<400x128xf32, #tpu.memory_space<vmem>>) attributes {dimension_semantics = [#tpu.dimension_semantics<arbitrary>], iteration_bounds = array<i64: 25>, scalar_prefetch = 0 : i64, scratch_operands = 0 : i64, tpu.core_type = #tpu.core_type<tc>, window_params = [{transform_indices = @transform_0, window_bounds = array<i64: 400, 128>}, {transform_indices = @transform_1, window_bounds = array<i64: 2, 400, 128>}, {pipeline_mode = #tpu.pipeline_mode<synchronous>, transform_indices = @transform_2, window_bounds = array<i64: 1, 1>}, {pipeline_mode = #tpu.pipeline_mode<synchronous>, transform_indices = @transform_3, window_bounds = array<i64: 128, 128>}, {pipeline_mode = #tpu.pipeline_mode<synchronous>, transform_indices = @transform_4, window_bounds = array<i64: 1, 128>}, {pipeline_mode = #tpu.pipeline_mode<synchronous>, transform_indices = @transform_5, window_bounds = array<i64: 128, 128>}, {pipeline_mode = #tpu.pipeline_mode<synchronous>, transform_indices = @transform_6, window_bounds = array<i64: 1, 128>}, {transform_indices = @transform_7, window_bounds = array<i64: 400, 128>}]} {
    %get3A = arith.constant 0 : index
    %get3A_0 = arith.constant 0 : index
    %get3A_1 = vector.load %arg3[%get3A, %get3A_0] : memref<1x1xf32, #tpu.memory_space<vmem>>, vector<1x1xf32>
    %get3A_2 = vector.extract %get3A_1[0, 0] : f32 from vector<1x1xf32>
    %get3A_3 = arith.constant 0 : index
    %get3A_4 = arith.constant 0 : index
    %get3A_5 = arith.constant 0 : index
    %get3A_6 = vector.load %arg2[%get3A_3, %get3A_4, %get3A_5] : memref<2x400x128xf32, #tpu.memory_space<vmem>>, vector<1x400x128xf32>
    %get3A_7 = vector.shape_cast %get3A_6 : vector<1x400x128xf32> to vector<400x128xf32>
    %get3A_8 = arith.constant 1 : index
    %get3A_9 = arith.constant 0 : index
    %get3A_10 = arith.constant 0 : index
    %get3A_11 = vector.load %arg2[%get3A_8, %get3A_9, %get3A_10] : memref<2x400x128xf32, #tpu.memory_space<vmem>>, vector<1x400x128xf32>
    %get3A_12 = vector.shape_cast %get3A_11 : vector<1x400x128xf32> to vector<400x128xf32>
    %add3A = arith.addf %get3A_7, %get3A_12 : vector<400x128xf32>
    %add3A_13 = arith.constant 1.000000e+00 : f32
    %add3A_14 = arith.addf %add3A_13, %get3A_2 : f32
    %get3A_15 = arith.constant 0 : index
    %get3A_16 = arith.constant 0 : index
    %get3A_17 = vector.load %arg1[%get3A_15, %get3A_16] : memref<400x128xf32, #tpu.memory_space<vmem>>, vector<400x128xf32>
    %mul3A = vector.broadcast %add3A_14 : f32 to vector<400x128xf32>
    %mul3A_18 = arith.mulf %mul3A, %get3A_17 : vector<400x128xf32>
    %add3A_19 = arith.addf %mul3A_18, %add3A : vector<400x128xf32>
    %convert_element_type3A = arith.truncf %add3A_19 : vector<400x128xf32> to vector<400x128xbf16>
    %get3A_20 = arith.constant 0 : index
    %get3A_21 = arith.constant 0 : index
    %get3A_22 = vector.load %arg4[%get3A_20, %get3A_21] : memref<128x128xf32, #tpu.memory_space<vmem>>, vector<128x128xf32>
    %convert_element_type3A_23 = arith.truncf %get3A_22 : vector<128x128xf32> to vector<128x128xbf16>
    %dot_general3A = arith.constant dense<0.000000e+00> : vector<400x128xf32>
    %dot_general3A_24 = tpu.matmul %convert_element_type3A, %convert_element_type3A_23, %dot_general3A {dimension_numbers = #tpu.dot_dimension_numbers<[1], [0], [0], [1], [0, 0, 1, 1], [], []>, transpose_lhs_hint = false} : vector<400x128xbf16>, vector<128x128xbf16>, vector<400x128xf32> -> vector<400x128xf32>
    %get3A_25 = arith.constant 0 : index
    %get3A_26 = arith.constant 0 : index
    %get3A_27 = vector.load %arg5[%get3A_25, %get3A_26] : memref<1x128xf32, #tpu.memory_space<vmem>>, vector<1x128xf32>
    %add3A_28 = vector.broadcast %get3A_27 : vector<1x128xf32> to vector<400x128xf32>
    %add3A_29 = arith.addf %dot_general3A_24, %add3A_28 : vector<400x128xf32>
    %max3A = arith.constant 0.000000e+00 : f32
    %max3A_30 = vector.broadcast %max3A : f32 to vector<400x128xf32>
    %max3A_31 = arith.maximumf %add3A_29, %max3A_30 : vector<400x128xf32>
    %convert_element_type3A_32 = arith.truncf %max3A_31 : vector<400x128xf32> to vector<400x128xbf16>
    %get3A_33 = arith.constant 0 : index
    %get3A_34 = arith.constant 0 : index
    %get3A_35 = vector.load %arg6[%get3A_33, %get3A_34] : memref<128x128xf32, #tpu.memory_space<vmem>>, vector<128x128xf32>
    %convert_element_type3A_36 = arith.truncf %get3A_35 : vector<128x128xf32> to vector<128x128xbf16>
    %dot_general3A_37 = arith.constant dense<0.000000e+00> : vector<400x128xf32>
    %dot_general3A_38 = tpu.matmul %convert_element_type3A_32, %convert_element_type3A_36, %dot_general3A_37 {dimension_numbers = #tpu.dot_dimension_numbers<[1], [0], [0], [1], [0, 0, 1, 1], [], []>, transpose_lhs_hint = false} : vector<400x128xbf16>, vector<128x128xbf16>, vector<400x128xf32> -> vector<400x128xf32>
    %get3A_39 = arith.constant 0 : index
    %get3A_40 = arith.constant 0 : index
    %get3A_41 = vector.load %arg7[%get3A_39, %get3A_40] : memref<1x128xf32, #tpu.memory_space<vmem>>, vector<1x128xf32>
    %add3A_42 = vector.broadcast %get3A_41 : vector<1x128xf32> to vector<400x128xf32>
    %add3A_43 = arith.addf %dot_general3A_38, %add3A_42 : vector<400x128xf32>
    %get3A_44 = arith.constant 0 : index
    %get3A_45 = arith.constant 0 : index
    %get3A_46 = vector.load %arg1[%get3A_44, %get3A_45] : memref<400x128xf32, #tpu.memory_space<vmem>>, vector<400x128xf32>
    %add3A_47 = arith.addf %add3A_43, %get3A_46 : vector<400x128xf32>
    %swap3A = arith.constant 0 : index
    %swap3A_48 = arith.constant 0 : index
    %swap3A_49 = vector.load %arg8[%swap3A, %swap3A_48] : memref<400x128xf32, #tpu.memory_space<vmem>>, vector<400x128xf32>
    tpu.vector_store %arg8[%swap3A, %swap3A_48], %add3A_47 {strides = array<i32>} : memref<400x128xf32, #tpu.memory_space<vmem>>, vector<400x128xf32>,
    return
  }
  func.func @transform_0(%arg0: i32) -> (i32, i32) {
    %c0_i32 = arith.constant 0 : i32
    %c0_i32_0 = arith.constant 0 : i32
    return %arg0, %c0_i32 : i32, i32
  }
  func.func @transform_1(%arg0: i32) -> (i32, i32, i32) {
    %c0_i32 = arith.constant 0 : i32
    %c0_i32_0 = arith.constant 0 : i32
    %c0_i32_1 = arith.constant 0 : i32
    return %c0_i32, %arg0, %c0_i32_0 : i32, i32, i32
  }
  func.func @transform_2(%arg0: i32) -> (i32, i32) {
    %c0_i32 = arith.constant 0 : i32
    %c0_i32_0 = arith.constant 0 : i32
    %c0_i32_1 = arith.constant 0 : i32
    return %c0_i32, %c0_i32_0 : i32, i32
  }
  func.func @transform_3(%arg0: i32) -> (i32, i32) {
    %c0_i32 = arith.constant 0 : i32
    %c0_i32_0 = arith.constant 0 : i32
    %c0_i32_1 = arith.constant 0 : i32
    return %c0_i32, %c0_i32_0 : i32, i32
  }
  func.func @transform_4(%arg0: i32) -> (i32, i32) {
    %c0_i32 = arith.constant 0 : i32
    %c0_i32_0 = arith.constant 0 : i32
    %c0_i32_1 = arith.constant 0 : i32
    return %c0_i32, %c0_i32_0 : i32, i32
  }
  func.func @transform_5(%arg0: i32) -> (i32, i32) {
    %c0_i32 = arith.constant 0 : i32
    %c0_i32_0 = arith.constant 0 : i32
    %c0_i32_1 = arith.constant 0 : i32
    return %c0_i32, %c0_i32_0 : i32, i32
  }
  func.func @transform_6(%arg0: i32) -> (i32, i32) {
    %c0_i32 = arith.constant 0 : i32
    %c0_i32_0 = arith.constant 0 : i32
    %c0_i32_1 = arith.constant 0 : i32
    return %c0_i32, %c0_i32_0 : i32, i32
  }
  func.func @transform_7(%arg0: i32) -> (i32, i32) {
    %c0_i32 = arith.constant 0 : i32
    %c0_i32_0 = arith.constant 0 : i32
    return %arg0, %c0_i32 : i32, i32
  }
}

module attributes {stable_mosaic.version = 14 : i64} {
  func.func @_head_body(%arg0: i32, %arg1: memref<400x128xf32, #tpu.memory_space<vmem>>, %arg2: memref<400x1xf32, #tpu.memory_space<vmem>>, %arg3: memref<400x1xi32, #tpu.memory_space<vmem>>, %arg4: memref<128x128xf32, #tpu.memory_space<vmem>>, %arg5: memref<1x128xf32, #tpu.memory_space<vmem>>, %arg6: memref<1x128xf32, #tpu.memory_space<vmem>>, %arg7: memref<1x1xf32, #tpu.memory_space<vmem>>, %arg8: memref<128x1xf32, #tpu.memory_space<vmem>>, %arg9: memref<128x128xf32, #tpu.memory_space<vmem>>, %arg10: memref<128x1xf32, #tpu.memory_space<vmem>>) attributes {dimension_semantics = [#tpu.dimension_semantics<arbitrary>], iteration_bounds = array<i64: 25>, scalar_prefetch = 0 : i64, scratch_operands = 2 : i64, tpu.core_type = #tpu.core_type<tc>, window_params = [{transform_indices = @transform_0, window_bounds = array<i64: 400, 128>}, {transform_indices = @transform_1, window_bounds = array<i64: 400, 1>}, {transform_indices = @transform_2, window_bounds = array<i64: 400, 1>}, {pipeline_mode = #tpu.pipeline_mode<synchronous>, transform_indices = @transform_3, window_bounds = array<i64: 128, 128>}, {pipeline_mode = #tpu.pipeline_mode<synchronous>, transform_indices = @transform_4, window_bounds = array<i64: 1, 128>}, {pipeline_mode = #tpu.pipeline_mode<synchronous>, transform_indices = @transform_5, window_bounds = array<i64: 1, 128>}, {pipeline_mode = #tpu.pipeline_mode<synchronous>, transform_indices = @transform_6, window_bounds = array<i64: 1, 1>}, {pipeline_mode = #tpu.pipeline_mode<synchronous>, transform_indices = @transform_7, window_bounds = array<i64: 128, 1>}]} {
    %eq3A = arith.constant 0 : i32
    %eq3A_0 = arith.cmpi eq, %arg0, %eq3A : i32
    %convert_element_type3A = arith.extui %eq3A_0 : i1 to i32
    %cond3A = arith.constant 0 : i32
    %cond3A_1 = arith.cmpi ne, %convert_element_type3A, %cond3A : i32
    scf.if %cond3A_1 {
      %broadcast_in_dim3A_37 = arith.constant 0.000000e+00 : f32
      %broadcast_in_dim3A_38 = vector.broadcast %broadcast_in_dim3A_37 : f32 to vector<128x128xf32>
      %swap3A_39 = arith.constant 0 : index
      %swap3A_40 = arith.constant 0 : index
      %swap3A_41 = vector.load %arg9[%swap3A_39, %swap3A_40] : memref<128x128xf32, #tpu.memory_space<vmem>>, vector<128x128xf32>
      tpu.vector_store %arg9[%swap3A_39, %swap3A_40], %broadcast_in_dim3A_38 {strides = array<i32>} : memref<128x128xf32, #tpu.memory_space<vmem>>, vector<128x128xf32>,
      %broadcast_in_dim3A_42 = arith.constant 0.000000e+00 : f32
      %broadcast_in_dim3A_43 = vector.broadcast %broadcast_in_dim3A_42 : f32 to vector<128x1xf32>
      %swap3A_44 = arith.constant 0 : index
      %swap3A_45 = arith.constant 0 : index
      %swap3A_46 = vector.load %arg10[%swap3A_44, %swap3A_45] : memref<128x1xf32, #tpu.memory_space<vmem>>, vector<128x1xf32>
      tpu.vector_store %arg10[%swap3A_44, %swap3A_45], %broadcast_in_dim3A_43 {strides = array<i32>} : memref<128x1xf32, #tpu.memory_space<vmem>>, vector<128x1xf32>,
    } else {
    }
    %get3A = arith.constant 0 : index
    %get3A_2 = arith.constant 0 : index
    %get3A_3 = vector.load %arg1[%get3A, %get3A_2] : memref<400x128xf32, #tpu.memory_space<vmem>>, vector<400x128xf32>
    %get3A_4 = arith.constant 0 : index
    %get3A_5 = arith.constant 0 : index
    %get3A_6 = vector.load %arg2[%get3A_4, %get3A_5] : memref<400x1xf32, #tpu.memory_space<vmem>>, vector<400x1xf32>
    %mul3A = vector.broadcast %get3A_6 : vector<400x1xf32> to vector<400x128xf32>
    %mul3A_7 = arith.mulf %get3A_3, %mul3A : vector<400x128xf32>
    %iota3A = tpu.iota {dimensions = array<i32: 1>} : vector<1x128xi32>
    %get3A_8 = arith.constant 0 : index
    %get3A_9 = arith.constant 0 : index
    %get3A_10 = vector.load %arg3[%get3A_8, %get3A_9] : memref<400x1xi32, #tpu.memory_space<vmem>>, vector<400x1xi32>
    %eq3A_11 = vector.broadcast %get3A_10 : vector<400x1xi32> to vector<400x128xi32>
    %eq3A_12 = vector.broadcast %iota3A : vector<1x128xi32> to vector<400x128xi32>
    %eq3A_13 = arith.cmpi eq, %eq3A_11, %eq3A_12 : vector<400x128xi32>
    %convert_element_type3A_14 = arith.extui %eq3A_13 : vector<400x128xi1> to vector<400x128xi32>
    %convert_element_type3A_15 = arith.sitofp %convert_element_type3A_14 : vector<400x128xi32> to vector<400x128xf32>
    %get3A_16 = arith.constant 0 : index
    %get3A_17 = arith.constant 0 : index
    %get3A_18 = vector.load %arg9[%get3A_16, %get3A_17] : memref<128x128xf32, #tpu.memory_space<vmem>>, vector<128x128xf32>
    %dot_general3A = arith.constant dense<0.000000e+00> : vector<128x128xf32>
    %dot_general3A_19 = tpu.matmul %convert_element_type3A_15, %mul3A_7, %dot_general3A {dimension_numbers = #tpu.dot_dimension_numbers<[0], [0], [1], [1], [0, 1, 1, 1], [], []>, precision = #tpu.contract_precision<fp32>, transpose_lhs_hint = false} : vector<400x128xf32>, vector<400x128xf32>, vector<128x128xf32> -> vector<128x128xf32>
    %add3A = arith.addf %get3A_18, %dot_general3A_19 : vector<128x128xf32>
    %swap3A = arith.constant 0 : index
    %swap3A_20 = arith.constant 0 : index
    %swap3A_21 = vector.load %arg9[%swap3A, %swap3A_20] : memref<128x128xf32, #tpu.memory_space<vmem>>, vector<128x128xf32>
    tpu.vector_store %arg9[%swap3A, %swap3A_20], %add3A {strides = array<i32>} : memref<128x128xf32, #tpu.memory_space<vmem>>, vector<128x128xf32>,
    %get3A_22 = arith.constant 0 : index
    %get3A_23 = arith.constant 0 : index
    %get3A_24 = vector.load %arg10[%get3A_22, %get3A_23] : memref<128x1xf32, #tpu.memory_space<vmem>>, vector<128x1xf32>
    %broadcast_in_dim3A = arith.constant 1.000000e+00 : f32
    %broadcast_in_dim3A_25 = vector.broadcast %broadcast_in_dim3A : f32 to vector<400x1xf32>
    %dot_general3A_26 = arith.constant dense<0.000000e+00> : vector<128x1xf32>
    %dot_general3A_27 = tpu.matmul %convert_element_type3A_15, %broadcast_in_dim3A_25, %dot_general3A_26 {dimension_numbers = #tpu.dot_dimension_numbers<[0], [0], [1], [1], [0, 1, 1, 1], [], []>, precision = #tpu.contract_precision<fp32>, transpose_lhs_hint = false} : vector<400x128xf32>, vector<400x1xf32>, vector<128x1xf32> -> vector<128x1xf32>
    %add3A_28 = arith.addf %get3A_24, %dot_general3A_27 : vector<128x1xf32>
    %swap3A_29 = arith.constant 0 : index
    %swap3A_30 = arith.constant 0 : index
    %swap3A_31 = vector.load %arg10[%swap3A_29, %swap3A_30] : memref<128x1xf32, #tpu.memory_space<vmem>>, vector<128x1xf32>
    tpu.vector_store %arg10[%swap3A_29, %swap3A_30], %add3A_28 {strides = array<i32>} : memref<128x1xf32, #tpu.memory_space<vmem>>, vector<128x1xf32>,
    %eq3A_32 = arith.constant 24 : i32
    %eq3A_33 = arith.cmpi eq, %arg0, %eq3A_32 : i32
    %convert_element_type3A_34 = arith.extui %eq3A_33 : i1 to i32
    %cond3A_35 = arith.constant 0 : i32
    %cond3A_36 = arith.cmpi ne, %convert_element_type3A_34, %cond3A_35 : i32
    scf.if %cond3A_36 {
      %get3A_37 = arith.constant 0 : index
      %get3A_38 = arith.constant 0 : index
      %get3A_39 = vector.load %arg9[%get3A_37, %get3A_38] : memref<128x128xf32, #tpu.memory_space<vmem>>, vector<128x128xf32>
      %get3A_40 = arith.constant 0 : index
      %get3A_41 = arith.constant 0 : index
      %get3A_42 = vector.load %arg10[%get3A_40, %get3A_41] : memref<128x1xf32, #tpu.memory_space<vmem>>, vector<128x1xf32>
      %max3A = arith.constant 1.000000e+00 : f32
      %max3A_43 = vector.broadcast %max3A : f32 to vector<128x1xf32>
      %max3A_44 = arith.maximumf %get3A_42, %max3A_43 : vector<128x1xf32>
      %div3A = vector.broadcast %max3A_44 : vector<128x1xf32> to vector<128x128xf32>
      %div3A_45 = arith.divf %get3A_39, %div3A : vector<128x128xf32>
      %convert_element_type3A_46 = arith.truncf %div3A_45 : vector<128x128xf32> to vector<128x128xbf16>
      %get3A_47 = arith.constant 0 : index
      %get3A_48 = arith.constant 0 : index
      %get3A_49 = vector.load %arg4[%get3A_47, %get3A_48] : memref<128x128xf32, #tpu.memory_space<vmem>>, vector<128x128xf32>
      %convert_element_type3A_50 = arith.truncf %get3A_49 : vector<128x128xf32> to vector<128x128xbf16>
      %dot_general3A_51 = arith.constant dense<0.000000e+00> : vector<128x128xf32>
      %dot_general3A_52 = tpu.matmul %convert_element_type3A_46, %convert_element_type3A_50, %dot_general3A_51 {dimension_numbers = #tpu.dot_dimension_numbers<[1], [0], [0], [1], [0, 0, 1, 1], [], []>, transpose_lhs_hint = false} : vector<128x128xbf16>, vector<128x128xbf16>, vector<128x128xf32> -> vector<128x128xf32>
      %get3A_53 = arith.constant 0 : index
      %get3A_54 = arith.constant 0 : index
      %get3A_55 = vector.load %arg5[%get3A_53, %get3A_54] : memref<1x128xf32, #tpu.memory_space<vmem>>, vector<1x128xf32>
      %add3A_56 = vector.broadcast %get3A_55 : vector<1x128xf32> to vector<128x128xf32>
      %add3A_57 = arith.addf %dot_general3A_52, %add3A_56 : vector<128x128xf32>
      %max3A_58 = arith.constant 0.000000e+00 : f32
      %max3A_59 = vector.broadcast %max3A_58 : f32 to vector<128x128xf32>
      %max3A_60 = arith.maximumf %add3A_57, %max3A_59 : vector<128x128xf32>
      %convert_element_type3A_61 = arith.truncf %max3A_60 : vector<128x128xf32> to vector<128x128xbf16>
      %convert_element_type3A_62 = arith.extf %convert_element_type3A_61 : vector<128x128xbf16> to vector<128x128xf32>
      %get3A_63 = arith.constant 0 : index
      %get3A_64 = arith.constant 0 : index
      %get3A_65 = vector.load %arg6[%get3A_63, %get3A_64] : memref<1x128xf32, #tpu.memory_space<vmem>>, vector<1x128xf32>
      %convert_element_type3A_66 = arith.truncf %get3A_65 : vector<1x128xf32> to vector<1x128xbf16>
      %convert_element_type3A_67 = arith.extf %convert_element_type3A_66 : vector<1x128xbf16> to vector<1x128xf32>
      %mul3A_68 = vector.broadcast %convert_element_type3A_67 : vector<1x128xf32> to vector<128x128xf32>
      %mul3A_69 = arith.mulf %convert_element_type3A_62, %mul3A_68 : vector<128x128xf32>
      %reduce_sum3A = arith.constant dense<0.000000e+00> : vector<128xf32>
      %reduce_sum3A_70 = vector.multi_reduction <add>, %mul3A_69, %reduce_sum3A [1] : vector<128x128xf32> to vector<128xf32>
      %broadcast_in_dim3A_71 = vector.shape_cast %reduce_sum3A_70 : vector<128xf32> to vector<128x1xf32>
      %get3A_72 = arith.constant 0 : index
      %get3A_73 = arith.constant 0 : index
      %get3A_74 = vector.load %arg7[%get3A_72, %get3A_73] : memref<1x1xf32, #tpu.memory_space<vmem>>, vector<1x1xf32>
      %get3A_75 = vector.extract %get3A_74[0, 0] : f32 from vector<1x1xf32>
      %add3A_76 = vector.broadcast %get3A_75 : f32 to vector<128x1xf32>
      %add3A_77 = arith.addf %broadcast_in_dim3A_71, %add3A_76 : vector<128x1xf32>
      %swap3A_78 = arith.constant 0 : index
      %swap3A_79 = arith.constant 0 : index
      %swap3A_80 = vector.load %arg8[%swap3A_78, %swap3A_79] : memref<128x1xf32, #tpu.memory_space<vmem>>, vector<128x1xf32>
      tpu.vector_store %arg8[%swap3A_78, %swap3A_79], %add3A_77 {strides = array<i32>} : memref<128x1xf32, #tpu.memory_space<vmem>>, vector<128x1xf32>,
    } else {
    }
    return
  }
  func.func @transform_0(%arg0: i32) -> (i32, i32) {
    %c0_i32 = arith.constant 0 : i32
    %c0_i32_0 = arith.constant 0 : i32
    return %arg0, %c0_i32 : i32, i32
  }
  func.func @transform_1(%arg0: i32) -> (i32, i32) {
    %c0_i32 = arith.constant 0 : i32
    %c0_i32_0 = arith.constant 0 : i32
    return %arg0, %c0_i32 : i32, i32
  }
  func.func @transform_2(%arg0: i32) -> (i32, i32) {
    %c0_i32 = arith.constant 0 : i32
    %c0_i32_0 = arith.constant 0 : i32
    return %arg0, %c0_i32 : i32, i32
  }
  func.func @transform_3(%arg0: i32) -> (i32, i32) {
    %c0_i32 = arith.constant 0 : i32
    %c0_i32_0 = arith.constant 0 : i32
    %c0_i32_1 = arith.constant 0 : i32
    return %c0_i32, %c0_i32_0 : i32, i32
  }
  func.func @transform_4(%arg0: i32) -> (i32, i32) {
    %c0_i32 = arith.constant 0 : i32
    %c0_i32_0 = arith.constant 0 : i32
    %c0_i32_1 = arith.constant 0 : i32
    return %c0_i32, %c0_i32_0 : i32, i32
  }
  func.func @transform_5(%arg0: i32) -> (i32, i32) {
    %c0_i32 = arith.constant 0 : i32
    %c0_i32_0 = arith.constant 0 : i32
    %c0_i32_1 = arith.constant 0 : i32
    return %c0_i32, %c0_i32_0 : i32, i32
  }
  func.func @transform_6(%arg0: i32) -> (i32, i32) {
    %c0_i32 = arith.constant 0 : i32
    %c0_i32_0 = arith.constant 0 : i32
    %c0_i32_1 = arith.constant 0 : i32
    return %c0_i32, %c0_i32_0 : i32, i32
  }
  func.func @transform_7(%arg0: i32) -> (i32, i32) {
    %c0_i32 = arith.constant 0 : i32
    %c0_i32_0 = arith.constant 0 : i32
    %c0_i32_1 = arith.constant 0 : i32
    return %c0_i32, %c0_i32_0 : i32, i32
  }
}

</mosaic_0001>

<sc_bundles>
// kernel: gather_offload_async_start.1
scs
__scs_entry_jumppad:
0x0: {  	(pc) =	sbr.rel $0x88, $3  }
0x1: {  	(tag) =	ssettag $0x0;
	lr =	simm.s32 $0x1  }
0x2: {  	[smem:$0x3F85] =	sst lr;
	_ =	strace $0xD0000000  }
0x3: {  	_ = 	snop  }
0x4: {  	_ = 	snop  }
0x5: {  	_ = 	snop  }
0x6: {  	_ = 	snop  }
0x7: {  	_ = 	snop  }
__scs_overlays_trampoline_lowered:
0x8: {  	[smem:$0x3F94] =	sst s0  }
0x9: {  	[smem:$0x3F95] =	sst s1  }
0xa: {  	[smem:$0x3F96] =	sst s2  }
0xb: {  	[smem:$0x3F97] =	sst s3  }
0xc: {  	[smem:$0x3F98] =	sst s4  }
0xd: {  	[smem:$0x3F99] =	sst s5  }
0xe: {  	[smem:$0x3F9A] =	sst s6  }
0xf: {  	[smem:$0x3F9B] =	sst s7  }
0x10: {  	[smem:$0x3F9C] =	sst s8  }
0x11: {  	[smem:$0x3F9D] =	sst s9;
	s0 =	simm.s32 @!p0 $0x0  }
0x12: {  	s1 =	sld [smem:$0x3F83];
	s0 =	simm.s32 @p0 $0x1  }
0x13: {  	[smem:$0x3F9E] =	sst s0;
	s0 =	simm.s32 @!p1 $0x0  }
0x14: {  	s2 =	sld [smem:$0x3F82];
	s0 =	simm.s32 @p1 $0x1  }
0x15: {  	[smem:$0x3F9F] =	sst s0;
	s0 =	simm.s32 @!p2 $0x0  }
0x16: {  	s3 =	sld [smem:$0x3FDB];
	s0 =	simm.s32 @p2 $0x1  }
0x17: {  	s4 =	simm.s32 $0x1BF5;
	[smem:$0x3FA1] =	sst s0  }
0x18: {  	s0 =	sld [smem:$0x3F84];
	_ =	swait.ge [sflag:s4], $0x0  }
0x19: {  	s7 =	sld [smem:$0x3F85]  }
0x1a: {  	s8 =	sadd.s32 $0xFFFFE003, lr  }
0x1b: {  	s9 =	sadd.s32 $0xFFFFFEF7, lr;
	s5 =	simm.s32 $0xFFFFFFFF;
	p2 =	slt.u32 s8, $0xFFFFF086  }
0x1c: {  	p1 =	slt.u32 s9, $0xF7A;
	s5 =	simm.s32 @!p2 $0x0  }
0x1d: {  	s5 =	simm.s32 @p1 $0x1;
	p0 =	seq.s32 s7, s2  }
0x1e: {  	s7 =	smul.u32 @!p0 $0xF7A, s2;
	p2 =	seq.s32 @!p0 s5, $0x0  }
0x1f: {  	s9 =	smul.u32 $0xF7A, s1;
	s8 =	simm.s32 @!p0 $0x1BF5;
	p2 =	por !p2, p0  }
0x20: {  	[sflag:s8] =	ssyncset.s32 @!p0 $0xFFFFF086;
	s6 =	sadd.s32 @!p0 s3, s7;
	s7 =	simm.s32 @!p0 $0x108  }
0x21: {  	s3 =	sadd.s32 s3, s9;
	s6 =	sadd.s32 @!p0 $0x88, s6;
	s7 =	simm.s32 @p2 $0x1082  }
0x22: {  	[simem:s7], [sflag:s8] =	dma.local @!p0 [hbm:s6], $0xF7A  }
0x23: {  	s9 =	sor.u32 $0xD0000000, s2;
	s6 =	simm.s32 $0x108;
	_ =	swait.ge @!p0 [sflag:s8], $0x0  }
0x24: {  	s3 =	sadd.s32 $0x88, s3;
	s6 =	simm.s32 @!p1 $0x1082;
	[sflag:s4] =	ssyncset.s32 $0xFFFFF086  }
0x25: {  	[simem:s6], [sflag:s4] =	dma.local [hbm:s3], $0xF7A  }
0x26: {  	[smem:$0x3F85] =	sst s1;
	(tag) =	ssettag s2;
	_ =	strace s9  }
0x27: {  	s1 =	sld [smem:$0x3F95]  }
0x28: {  	s2 =	sld [smem:$0x3F96]  }
0x29: {  	s4 =	sld [smem:$0x3F98]  }
0x2a: {  	p0 =	seq.s32 s5, $0x0;
	s5 =	sld [smem:$0x3F99]  }
0x2b: {  	s6 =	sld [smem:$0x3F9A]  }
0x2c: {  	s7 =	sld [smem:$0x3F9B]  }
0x2d: {  	s3 =	simm.s32 $0x108;
	s8 =	sld [smem:$0x3F9C]  }
0x2e: {  	s3 =	simm.s32 @!p0 $0x1082;
	s9 =	sld [smem:$0x3F9D]  }
0x2f: {  	lr =	sadd.s32 s0, s3;
	s0 =	sld [smem:$0x3F94]  }
0x30: {  	s3 =	sld [smem:$0x3F97]  }
0x31: {  	[smem:$0x3FA0] =	sst s10  }
0x32: {  	s10 =	sld [smem:$0x3F9E];
	_ =	sdelay $0x3  }
0x33: {  	p0 =	seq.s32 s10, $0x1;
	s10 =	sld [smem:$0x3FA0];
	_ =	sdelay $0x3  }
0x34: {  	[smem:$0x3FA0] =	sst s10  }
0x35: {  	s10 =	sld [smem:$0x3F9F];
	_ =	sdelay $0x3  }
0x36: {  	p1 =	seq.s32 s10, $0x1;
	s10 =	sld [smem:$0x3FA0];
	_ =	sdelay $0x3  }
0x37: {  	[smem:$0x3FA0] =	sst s10  }
0x38: {  	s10 =	sld [smem:$0x3FA1]  }
0x39: {  	_ = 	snop;
	(pc) =	sbr.ind lr, $3  }
0x3a: {  	_ = 	snop  }
0x3b: {  	_ = 	snop  }
0x3c: {  	p2 =	seq.s32 s10, $0x1;
	s10 =	sld [smem:$0x3FA0]  }
0x3d: {  	_ =	shalt  }
0x3e: {  	_ =	shalt  }
0x3f: {  	_ =	shalt  }
0x40: {  	_ =	shalt  }
0x41: {  	_ =	shalt  }
0x42: {  	_ =	shalt  }
0x43: {  	_ =	shalt  }
0x44: {  	_ =	shalt  }
0x45: {  	_ =	shalt  }
0x46: {  	_ =	shalt  }
0x47: {  	_ =	shalt  }
0x48: {  	_ =	shalt  }
0x49: {  	_ =	shalt  }
0x4a: {  	_ =	shalt  }
0x4b: {  	_ =	shalt  }
0x4c: {  	_ =	shalt  }
0x4d: {  	_ =	shalt  }
0x4e: {  	_ =	shalt  }
0x4f: {  	_ =	shalt  }
0x50: {  	_ =	shalt  }
0x51: {  	_ =	shalt  }
0x52: {  	_ =	shalt  }
0x53: {  	_ =	shalt  }
0x54: {  	_ =	shalt  }
0x55: {  	_ =	shalt  }
0x56: {  	_ =	shalt  }
0x57: {  	_ =	shalt  }
0x58: {  	_ =	shalt  }
0x59: {  	_ =	shalt  }
0x5a: {  	_ =	shalt  }
0x5b: {  	_ =	shalt  }
0x5c: {  	_ =	shalt  }
0x5d: {  	_ =	shalt  }
0x5e: {  	_ =	shalt  }
0x5f: {  	_ =	shalt  }
0x60: {  	_ =	shalt  }
0x61: {  	_ =	shalt  }
0x62: {  	_ =	shalt  }
0x63: {  	_ =	shalt  }
0x64: {  	_ =	shalt  }
0x65: {  	_ =	shalt  }
0x66: {  	_ =	shalt  }
0x67: {  	_ =	shalt  }
0x68: {  	_ =	shalt  }
0x69: {  	_ =	shalt  }
0x6a: {  	_ =	shalt  }
0x6b: {  	_ =	shalt  }
0x6c: {  	_ =	shalt  }
0x6d: {  	_ =	shalt  }
0x6e: {  	_ =	shalt  }
0x6f: {  	_ =	shalt  }
0x70: {  	_ =	shalt  }
0x71: {  	_ =	shalt  }
0x72: {  	_ =	shalt  }
0x73: {  	_ =	shalt  }
0x74: {  	_ =	shalt  }
0x75: {  	_ =	shalt  }
0x76: {  	_ =	shalt  }
0x77: {  	_ =	shalt  }
0x78: {  	_ =	shalt  }
0x79: {  	_ =	shalt  }
0x7a: {  	_ =	shalt  }
0x7b: {  	_ =	shalt  }
0x7c: {  	_ =	shalt  }
0x7d: {  	_ =	shalt  }
0x7e: {  	_ =	shalt  }
0x7f: {  	_ =	shalt  }
0x80: {  	_ =	shalt  }
0x81: {  	_ =	shalt  }
0x82: {  	_ =	shalt  }
0x83: {  	_ =	shalt  }
0x84: {  	_ =	shalt  }
0x85: {  	_ =	shalt  }
0x86: {  	_ =	shalt  }
0x87: {  	_ =	shalt  }
.Lfunc_end0:
.L_simem_size_0:
called_computation.1_lowered:
.L_overlay_start_0:
0x88: {  	s2 =	sld [smem:$0x3FD9]  }
0x89: {  	s3 =	sld [smem:$0x3FFE];
	_ =	sdelay $0x1  }
0x8a: {  	s1 =	srdreg.scid  }
0x8b: {  	s0 =	sand.u32 $0x1, s1  }
0x8c: {  	s17 =	sshll.u32 s0, $0xA;
	s2 =	sadd.s32 s3, s2  }
0x8d: {  	s2 =	sadd.s32 s2, s17  }
0x8e: {  	[smem:$0x3FAC] =	sst s2  }
0x8f: {  	_ = 	snop  }
0x90: {  	(tm) =	ssettm $0x1  }
0x91: {  	s18 =	sld [smem:$0x3FFB];
	_ =	sdelay $0x3  }
0x92: {  	_ =	strace s18  }
0x93: {  	s2 =	sld [smem:$0x3FFC];
	_ =	sdelay $0x3  }
0x94: {  	_ =	strace s2  }
0x95: {  	s2 =	sld [smem:$0x3FFD];
	_ =	sdelay $0x3  }
0x96: {  	_ =	strace s2  }
0x97: {  	_ =	strace $0x8FFFFFFF  }
0x98: {  	s19 =	sld [smem:$0x3FDB];
	_ =	sdelay $0x1  }
0x99: {  	s20 =	simm.s32 $_scs_section_size  }
0x9a: {  	s4 =	simm.s32 $_size__tile_overlayer_lowered;
	s5 =	simm.s32 $_tile_overlayer_lowered  }
0x9b: {  	s6 =	simm.s32 $0x1BFF;
	s21 =	sshll.u32 s5, $0x1;
	s3 =	sadd.s32 s20, s19  }
0x9c: {  	s22 =	simm.s32 $0x0;
	s4 =	sshll.u32 s4, $0x1;
	s5 =	sadd.s32 s21, s3  }
0x9d: {  	[timem:s22], [sflag:s6] =	dma.local [hbm:s5], s4  }
0x9e: {  	_ =	swait.ge [sflag:s6], s4  }
0x9f: {  	s4 =	ssub.s32 $0x0, s4;
	[sflag:s6] =	ssyncset.done $0x0  }
0xa0: {  	[sflag:s6] =	ssyncadd.s32 s4;
	_ =	sdelay $0x1  }
0xa1: {  	s23 =	simm.s32 $0x1B8B  }
0xa2: {  	_ =	swait.ge [sflag:s23], $0x1  }
0xa3: {  	[sflag:s23] =	ssyncset.done $0x0  }
0xa4: {  	[sflag:s23] =	ssyncadd.s32 $0xFFFFFFFF  }
0xa5: {  	s4 =	sld [smem:$0x0]  }
0xa6: {  	s5 =	sand.u32 $0xFFFFFFFE, s1  }
0xa7: {  	p0 =	sne.s32 s1, s5  }
0xa8: {  	s5 =	sshll.u32 @p0 s5, $0xE  }
0xa9: {  	s5 =	sadd.s32 @p0 $0x11B8D, s5;
	s6 =	sshll.u32 @p0 s4, $0x11  }
0xaa: {  	s5 =	sor.u32 @p0 s6, s5  }
0xab: {  	[sflag:s5] =	ssyncadd.remote.s32 @p0 $0x1;
	_ =	sdelay $0x1  }
0xac: {  	s5 =	simm.s32 @p0 $0x1B8D  }
0xad: {  	_ =	swait.eq @p0 [sflag:s5], $0x1  }
0xae: {  	[sflag:s5] =	ssyncadd.s32 @p0 $0xFFFFFFFF  }
0xaf: {  	s6 =	sshll.u32 @!p0 s1, $0xE  }
0xb0: {  	s6 =	sor.u32 @!p0 $0x4000, s6;
	s5 =	simm.s32 @!p0 $0x1B8D  }
0xb1: {  	s4 =	sshll.u32 @!p0 s4, $0x11;
	s6 =	sadd.s32 @!p0 $0x11B8D, s6;
	_ =	swait.eq @!p0 [sflag:s5], $0x1  }
0xb2: {  	s4 =	sor.u32 @!p0 s4, s6;
	[sflag:s5] =	ssyncadd.s32 @!p0 $0xFFFFFFFF  }
0xb3: {  	s25 =	simm.s32 $0x1B8E;
	s24 =	sld [smem:$0x3FFE];
	[sflag:s4] =	ssyncadd.remote.s32 @!p0 $0x1  }
0xb4: {  	s26 =	simm.s32 $execute0_lowered;
	[smem:$0x3FD2] =	sst s25  }
0xb5: {  	s5 =	sshll.u32 s26, $0x1;
	_ =	strace $0x8000004C;
	[dreg:$0x1] =	wrdreg $0xFFFFFFFF  }
0xb6: {  	s28 =	simm.s32 $_size_execute0_lowered;
	s3 =	sadd.s32 s3, s5;
	[dreg:$0x0] =	wrdreg $0x0  }
0xb7: {  	s5 =	sshll.u32 s28, $0x1;
	[dreg:$0x2] =	wrdreg s3  }
0xb8: {  	[dreg:$0x3] =	wrdreg s5  }
0xb9: {  	[dreg:$0x4] =	wrdreg $0xC0  }
0xba: {  	_ =	task [dreg:s22], $0x5FFFF  }
0xbb: {  	[dreg:$0x1] =	wrdreg $0xFFFFFFFF  }
0xbc: {  	[dreg:$0x0] =	wrdreg $0x60  }
0xbd: {  	[dreg:$0x2] =	wrdreg s24  }
0xbe: {  	[dreg:$0x3] =	wrdreg $0x9  }
0xbf: {  	_ =	task.clear_ibuf [dreg:s22], $0x4FFFF;
	_ =	strace $0x9000004C  }
0xc0: {  	s29 =	simm.s32 $0x9;
	_ =	strace $0x8000004E  }
0xc1: {  	_ =	swait.ge [sflag:s29], $0x1  }
0xc2: {  	[sflag:s29] =	ssyncadd.s32 $0xFFFFFFFF  }
0xc3: {  	_ =	strace $0x9000004E  }
0xc4: {  	_ =	sfence  }
0xc5: {  	s30 =	sld [smem:$0x0];
	_ =	sdelay $0x2  }
0xc6: {  	s31 =	sshll.u32 s1, $0xD;
	s1 =	sshrl.u32 s1, $0x2  }
0xc7: {  	s4 =	sand.u32 $0x4000, s31;
	s1 =	sadd.s32 s1, s30  }
0xc8: {  	s0 =	sor.u32 s4, s0;
	s1 =	sshll.u32 s1, $0x11  }
0xc9: {  	s0 =	sor.u32 s1, s0  }
0xca: {  	s0 =	sadd.s32 $0x8F2B, s0  }
0xcb: {  	[sflag:s0] =	ssyncadd.remote.s32 $0x1  }
0xcc: {  	_ =	sfence.sel $0xFFFF  }
0xcd: {  	[dreg:$0x0] =	wrdreg $0xFFFFFFFF;
	(pc) =	sbr.abs _section_cstart, $3  }
0xce: {  	[dreg:$0x1] =	wrdreg $0xFFFFFFFF  }
0xcf: {  	_ =	task.clear_ibuf [dreg:s22], $0x2FFFF;
	_ =	strace $0x9FFFFFFF  }
0xd0: {  	(tm) =	ssettm $0x7FFFFFFF  }
0xd1: {  	_ =	shalt  }
tec
execute0_lowered:
.L_overlay_start_1:
0x0: {  	(tag) =	ssettag $0x1  }
0x1: {  	s8 =	rddreg [dreg:$0x0]  }
0x2: {  	s0 =	rddreg [dreg:$0x1];
	_ =	strace $0x8000004D;
	s1 =	stileid.u32  }
0x3: {  	s3 =	srdreg.scid;
	s4 =	simm.s32 $0x1;
	s7 =	simm.s32 $0x1  }
0x4: {  	s9 =	simm.s32 $0x1;
	s10 =	simm.s32 $0x3;
	s13 =	simm.s32 $0x0  }
0x5: {  	s12 =	simm.s32 $0x0;
	s5 =	sand.u32 $0x1, s3;
	s6 =	sshll.u32 s1, $0x1  }
0x6: {  	s2 =	sadd.s32 $0x38800, s8;
	s3 =	sadd.s32 $0x4C400, s8;
	s5 =	sor.u32 s6, s5  }
.Ltmp0:
0x7: {  	[sflag:s4] =	ssyncpa.u1 $0x0;
	p0 =	slt.u32 s5, $0x9;
	(pc) =	sbr.rel .LBB2_1-.Ltmp0, $4  }
0x8: {  	s6 =	simm.s32 $0x2;
	s7 =	simm.s32 @!p0 $0x0;
	p0 =	sne.s32 s5, $0x8  }
0x9: {  	[sflag:s6] =	ssyncpa.u1 $0x0;
	s5 =	smul.u32 $0x1F40, s5;
	s9 =	simm.s32 @!p0 $0x0  }
0xa: {  	s8 =	sadd.s32 $0x10600, s8;
	[sflag:s10] =	ssyncpa.u1 $0x0;
	s7 =	sadd.s32 s9, s7  }
0xb: {  	vm0 =	vmmov $0xffff;
	s10 =	simm.s32 $0x0;
	s11 =	smov.u32 s5;
	s9 =	sadd.s32 $0x1, s7  }
.LBB2_4:
0xc: {  	v2 =	vnsel vm1, $0x0, v2  }
0xd: {  	vm1 =	vgt.s32 v0, $0x0;
	v2 =	vmin.u32 v2, $0x4E1FF  }
0xe: {  	v0 =	vnsel vm1, $0x0, v0  }
0xf: {  	v0 =	vmin.u32 v0, $0x4E1FF  }
0x10: {  	[tilespmem:s18], [sflag:$0x1] =	stream.indirect_vreg.gather [hbm4b:s2+s10], $0x1, v1, vm0, $0x4038;
	[tilespmem:$0x7D00] =	vst v63  }
0x11: {  	(ifvalue) =	ssetifvalue $0x7FFFFFFF  }
0x12: {  	[tilespmem:s15], [sflag:$0x1] =	stream.indirect_vreg.gather [hbm4b:s2+s10], $0x1, v2, vm0, $0x4038;
	[tilespmem:$0x7D00] =	vst v63  }
0x13: {  	s29 =	sadd.s32 $0x10, s15;
	(ifvalue) =	ssetifvalue $0x7FFFFFFF  }
0x14: {  	[tilespmem:s29], [sflag:$0x1] =	stream.indirect_vreg.gather [hbm4b:s2+s10], $0x1, v0, vm0, $0x4038;
	[tilespmem:$0x7D00] =	vst v63  }
0x15: {  	_ =	swait.ge [sflag:s4], $0x1F40  }
0x16: {  	s30 =	sshrl.u32 s13, $0x3;
	[sflag:s4] =	ssyncset.done $0x0  }
0x17: {  	s31 =	sand.u32 $0x7, s13;
	s15 =	sadd.s32 s8, s30;
	[sflag:s4] =	ssyncadd.s32 $0xFFFFE0C0  }
0x18: {  	[hbm4b:s15+s31] =	stream.linear.scatter [tilespmem:s14], [sflag:$0x3], $0x1F40, $0x38;
	[tilespmem:$0x7D00] =	vst v63  }
.LBB2_5:
0x19: {  	s15 =	sadd.s32 $0x3E800, s11  }
0x1a: {  	p1 =	sgt.s32 s15, $0x4E1FF  }
0x1b: {  	s15 =	smov.u32 @p1 s5;
	p1 =	sne.s32 s12, s9  }
.Ltmp1:
0x1c: {  	p0 =	slt.u32 s12, $0x2;
	(pc) =	sbr.rel @!p1 .LBB2_6-.Ltmp1, $4  }
0x1d: {  	s14 =	simm.s32 @!p0 $0x3  }
0x1e: {  	_ =	swait.ge @!p0 [sflag:s14], $0x1F40  }
0x1f: {  	s16 =	sadd.s32 $0x1, s12;
	s13 =	smov.u32 s11;
	[sflag:s14] =	ssyncset.done @!p0 $0x0  }
0x20: {  	s12 =	smov.u32 s16;
	s11 =	smov.u32 s15;
	[sflag:s14] =	ssyncadd.s32 @!p0 $0xFFFFE0C0  }
.LBB2_1:
0x21: {  	p0 =	sge.u32 s12, s7  }
0x22: {  	s14 =	sxor.u32 @!p0 $0x1, s12  }
0x23: {  	s14 =	smul.u32 @!p0 $0x7D00, s14  }
0x24: {  	s31 =	sadd.s32 $0xFFFFFFFF, s12;
	s15 =	sshrl.u32 @!p0 s11, $0x3  }
0x25: {  	s16 =	sand.u32 @!p0 $0x7, s11;
	s15 =	sadd.s32 @!p0 s3, s15;
	s14 =	sshra.s32 @!p0 s14, $0x2  }
0x26: {  	[tilespmem:s14], [sflag:$0x2] =	stream.linear.gather @!p0 [hbm4b:s15+s16], $0x1F40, $0x38;
	[tilespmem:$0x7D00] =	vst v63  }
0x27: {  	p0 =	sge.u32 s31, s7  }
.Ltmp2:
0x28: {  	_ = 	snop;
	(pc) =	sbr.rel @p0 .LBB2_5-.Ltmp2, $1  }
0x29: {  	_ =	sdelay $0x3  }
0x2a: {  	s14 =	sand.u32 $0x1, s12  }
0x2b: {  	_ =	swait.ge [sflag:s6], $0x1F40;
	p0 =	seq.s32 s14, $0x1;
	s14 =	simm.s32 $0x1F40  }
0x2c: {  	[sflag:s6] =	ssyncset.done $0x0;
	s14 =	simm.s32 @!p0 $0x0  }
0x2d: {  	[sflag:s6] =	ssyncadd.s32 $0xFFFFE0C0;
	(ifvalue) =	ssetifvalue $0x7FFFFFFF;
	v0 =	vld.msk [tilespmem:s14+$0x0 ss:$0x1], $0xffff;
	_ =	sdelay $0x4  }
0x2e: {  	s15 =	sadd.s32 $0x10, s14;
	vm1 =	vgt.s32 v0, $0x0  }
0x2f: {  	v2 =	vld.msk [tilespmem:s15+$0x0 ss:$0x1], $0xffff;
	v1 =	vnsel vm1, $0x0, v0  }
0x30: {  	v1 =	vmin.u32 v1, $0x4E1FF;
	_ =	sdelay $0x2  }
0x31: {  	s17 =	simm.s32 $0x20;
	s14 =	sadd.s32 $0x3E80, s14;
	s16 =	sadd.s32 $0x10, s15  }
0x32: {  	s15 =	sadd.s32 $0x10, s14;
	s18 =	smov.u32 s14;
	v0 =	vld.msk [tilespmem:s16+$0x0 ss:$0x1], $0xffff;
	vm1 =	vgt.s32 v2, $0x0;
	(ifvalue) =	ssetifvalue $0x7FFFFFFF  }
.LBB2_3:
0x33: {  	[tilespmem:s18], [sflag:$0x1] =	stream.indirect_vreg.gather [hbm4b:s2+s10], $0x1, v1, vm0, $0x4038;
	[tilespmem:$0x7D00] =	vst v63  }
0x34: {  	s17 =	sadd.s32 $0x10, s17  }
0x35: {  	v2 =	vnsel vm1, $0x0, v2;
	p0 =	slt.u32 s17, $0x1F30  }
.Ltmp3:
0x36: {  	s18 =	smov.u32 s15;
	v1 =	vmin.u32 v2, $0x4E1FF;
	(pc) =	sbr.rel @p0 .LBB2_3-.Ltmp3, $3  }
0x37: {  	_ =	sdelay $0x1  }
0x38: {  	s16 =	sadd.s32 $0x10, s16  }
0x39: {  	vm1 =	vgt.s32 v0, $0x0;
	s15 =	sadd.s32 $0x10, s15;
	v2 =	vmov v0;
	(ifvalue) =	ssetifvalue $0x7FFFFFFF;
	v0 =	vld.msk [tilespmem:s16+$0x0 ss:$0x1], $0xffff  }
.Ltmp4:
0x3a: {  	_ = 	snop;
	(pc) =	sbr.rel .LBB2_4-.Ltmp4, $1  }
0x3b: {  	_ =	sdelay $0x3  }
.LBB2_6:
0x3c: {  	_ =	sfence.sel $0x180000  }
0x3d: {  	s2 =	simm.s32 $0x2;
	[bflag:$0x0] =	sbarrier.arrive $0xFFFF  }
0x3e: {  	s30 =	simm.s32 $0x3;
	[sflag:s2] =	ssyncpa.u1 $0x1  }
0x3f: {  	s31 =	simm.s32 $0x1;
	[sflag:s30] =	ssyncpa.u1 $0x1  }
0x40: {  	[sflag:s31] =	ssyncpa.u1 $0x1  }
0x41: {  	p0 =	sne.s32 s1, $0x0;
	_ =	strace $0x9000004D  }
0x42: {  	s0 =	sadd.s32 @!p0 $0x100000, s0;
	[bflag:$0x2] =	sbarrier.arrive $0xFFFF  }
0x43: {  	[sflag:s0] =	ssyncadd.tile.s32 @!p0 $0x1;
	_ =	shalt  }
.Lfunc_end2:
_tile_overlayer_lowered:
.L_overlay_start_2:
0x44: {  	(tag) =	ssettag $0x2  }
0x45: {  	s0 =	rddreg [dreg:$0x0];
	s2 =	stileid.u32  }
0x46: {  	s1 =	rddreg [dreg:$0x1];
	p0 =	sne.s32 s2, $0x0  }
0x47: {  	s3 =	rddreg [dreg:$0x2];
	[bflag:$0x3] =	sbarrier.arrive $0xFFFF;
	s2 =	simm.s32 @!p0 $0x1C01  }
0x48: {  	[timem:s3], [sflag:s2] =	dma.local @!p0 [hbm:s0], s1  }
0x49: {  	s0 =	simm.s32 @!p0 $0x1  }
0x4a: {  	_ =	swait.ge @!p0 [sflag:s0], s1  }
0x4b: {  	s1 =	ssub.s32 @!p0 $0x0, s1;
	[sflag:s0] =	ssyncset.done @!p0 $0x0  }
0x4c: {  	[sflag:s0] =	ssyncadd.s32 @!p0 s1  }
0x4d: {  	[bflag:$0x3] =	sbarrier.arrive $0xFFFF  }
0x4e: {  	_ =	shalt  }

// kernel: gather_offload_async_start.2
scs
__scs_entry_jumppad:
0x0: {  	(pc) =	sbr.rel $0x88, $3  }
0x1: {  	(tag) =	ssettag $0x0;
	lr =	simm.s32 $0x1  }
0x2: {  	[smem:$0x3F85] =	sst lr;
	_ =	strace $0xD0000000  }
0x3: {  	_ = 	snop  }
0x4: {  	_ = 	snop  }
0x5: {  	_ = 	snop  }
0x6: {  	_ = 	snop  }
0x7: {  	_ = 	snop  }
__scs_overlays_trampoline_lowered:
0x8: {  	[smem:$0x3F94] =	sst s0  }
0x9: {  	[smem:$0x3F95] =	sst s1  }
0xa: {  	[smem:$0x3F96] =	sst s2  }
0xb: {  	[smem:$0x3F97] =	sst s3  }
0xc: {  	[smem:$0x3F98] =	sst s4  }
0xd: {  	[smem:$0x3F99] =	sst s5  }
0xe: {  	[smem:$0x3F9A] =	sst s6  }
0xf: {  	[smem:$0x3F9B] =	sst s7  }
0x10: {  	[smem:$0x3F9C] =	sst s8  }
0x11: {  	[smem:$0x3F9D] =	sst s9;
	s0 =	simm.s32 @!p0 $0x0  }
0x12: {  	s1 =	sld [smem:$0x3F83];
	s0 =	simm.s32 @p0 $0x1  }
0x13: {  	[smem:$0x3F9E] =	sst s0;
	s0 =	simm.s32 @!p1 $0x0  }
0x14: {  	s2 =	sld [smem:$0x3F82];
	s0 =	simm.s32 @p1 $0x1  }
0x15: {  	[smem:$0x3F9F] =	sst s0;
	s0 =	simm.s32 @!p2 $0x0  }
0x16: {  	s3 =	sld [smem:$0x3FDB];
	s0 =	simm.s32 @p2 $0x1  }
0x17: {  	s4 =	simm.s32 $0x1BF5;
	[smem:$0x3FA1] =	sst s0  }
0x18: {  	s0 =	sld [smem:$0x3F84];
	_ =	swait.ge [sflag:s4], $0x0  }
0x19: {  	s7 =	sld [smem:$0x3F85]  }
0x1a: {  	s8 =	sadd.s32 $0xFFFFE003, lr  }
0x1b: {  	s9 =	sadd.s32 $0xFFFFFEF7, lr;
	s5 =	simm.s32 $0xFFFFFFFF;
	p2 =	slt.u32 s8, $0xFFFFF086  }
0x1c: {  	p1 =	slt.u32 s9, $0xF7A;
	s5 =	simm.s32 @!p2 $0x0  }
0x1d: {  	s5 =	simm.s32 @p1 $0x1;
	p0 =	seq.s32 s7, s2  }
0x1e: {  	s7 =	smul.u32 @!p0 $0xF7A, s2;
	p2 =	seq.s32 @!p0 s5, $0x0  }
0x1f: {  	s9 =	smul.u32 $0xF7A, s1;
	s8 =	simm.s32 @!p0 $0x1BF5;
	p2 =	por !p2, p0  }
0x20: {  	[sflag:s8] =	ssyncset.s32 @!p0 $0xFFFFF086;
	s6 =	sadd.s32 @!p0 s3, s7;
	s7 =	simm.s32 @!p0 $0x108  }
0x21: {  	s3 =	sadd.s32 s3, s9;
	s6 =	sadd.s32 @!p0 $0x88, s6;
	s7 =	simm.s32 @p2 $0x1082  }
0x22: {  	[simem:s7], [sflag:s8] =	dma.local @!p0 [hbm:s6], $0xF7A  }
0x23: {  	s9 =	sor.u32 $0xD0000000, s2;
	s6 =	simm.s32 $0x108;
	_ =	swait.ge @!p0 [sflag:s8], $0x0  }
0x24: {  	s3 =	sadd.s32 $0x88, s3;
	s6 =	simm.s32 @!p1 $0x1082;
	[sflag:s4] =	ssyncset.s32 $0xFFFFF086  }
0x25: {  	[simem:s6], [sflag:s4] =	dma.local [hbm:s3], $0xF7A  }
0x26: {  	[smem:$0x3F85] =	sst s1;
	(tag) =	ssettag s2;
	_ =	strace s9  }
0x27: {  	s1 =	sld [smem:$0x3F95]  }
0x28: {  	s2 =	sld [smem:$0x3F96]  }
0x29: {  	s4 =	sld [smem:$0x3F98]  }
0x2a: {  	p0 =	seq.s32 s5, $0x0;
	s5 =	sld [smem:$0x3F99]  }
0x2b: {  	s6 =	sld [smem:$0x3F9A]  }
0x2c: {  	s7 =	sld [smem:$0x3F9B]  }
0x2d: {  	s3 =	simm.s32 $0x108;
	s8 =	sld [smem:$0x3F9C]  }
0x2e: {  	s3 =	simm.s32 @!p0 $0x1082;
	s9 =	sld [smem:$0x3F9D]  }
0x2f: {  	lr =	sadd.s32 s0, s3;
	s0 =	sld [smem:$0x3F94]  }
0x30: {  	s3 =	sld [smem:$0x3F97]  }
0x31: {  	[smem:$0x3FA0] =	sst s10  }
0x32: {  	s10 =	sld [smem:$0x3F9E];
	_ =	sdelay $0x3  }
0x33: {  	p0 =	seq.s32 s10, $0x1;
	s10 =	sld [smem:$0x3FA0];
	_ =	sdelay $0x3  }
0x34: {  	[smem:$0x3FA0] =	sst s10  }
0x35: {  	s10 =	sld [smem:$0x3F9F];
	_ =	sdelay $0x3  }
0x36: {  	p1 =	seq.s32 s10, $0x1;
	s10 =	sld [smem:$0x3FA0];
	_ =	sdelay $0x3  }
0x37: {  	[smem:$0x3FA0] =	sst s10  }
0x38: {  	s10 =	sld [smem:$0x3FA1]  }
0x39: {  	_ = 	snop;
	(pc) =	sbr.ind lr, $3  }
0x3a: {  	_ = 	snop  }
0x3b: {  	_ = 	snop  }
0x3c: {  	p2 =	seq.s32 s10, $0x1;
	s10 =	sld [smem:$0x3FA0]  }
0x3d: {  	_ =	shalt  }
0x3e: {  	_ =	shalt  }
0x3f: {  	_ =	shalt  }
0x40: {  	_ =	shalt  }
0x41: {  	_ =	shalt  }
0x42: {  	_ =	shalt  }
0x43: {  	_ =	shalt  }
0x44: {  	_ =	shalt  }
0x45: {  	_ =	shalt  }
0x46: {  	_ =	shalt  }
0x47: {  	_ =	shalt  }
0x48: {  	_ =	shalt  }
0x49: {  	_ =	shalt  }
0x4a: {  	_ =	shalt  }
0x4b: {  	_ =	shalt  }
0x4c: {  	_ =	shalt  }
0x4d: {  	_ =	shalt  }
0x4e: {  	_ =	shalt  }
0x4f: {  	_ =	shalt  }
0x50: {  	_ =	shalt  }
0x51: {  	_ =	shalt  }
0x52: {  	_ =	shalt  }
0x53: {  	_ =	shalt  }
0x54: {  	_ =	shalt  }
0x55: {  	_ =	shalt  }
0x56: {  	_ =	shalt  }
0x57: {  	_ =	shalt  }
0x58: {  	_ =	shalt  }
0x59: {  	_ =	shalt  }
0x5a: {  	_ =	shalt  }
0x5b: {  	_ =	shalt  }
0x5c: {  	_ =	shalt  }
0x5d: {  	_ =	shalt  }
0x5e: {  	_ =	shalt  }
0x5f: {  	_ =	shalt  }
0x60: {  	_ =	shalt  }
0x61: {  	_ =	shalt  }
0x62: {  	_ =	shalt  }
0x63: {  	_ =	shalt  }
0x64: {  	_ =	shalt  }
0x65: {  	_ =	shalt  }
0x66: {  	_ =	shalt  }
0x67: {  	_ =	shalt  }
0x68: {  	_ =	shalt  }
0x69: {  	_ =	shalt  }
0x6a: {  	_ =	shalt  }
0x6b: {  	_ =	shalt  }
0x6c: {  	_ =	shalt  }
0x6d: {  	_ =	shalt  }
0x6e: {  	_ =	shalt  }
0x6f: {  	_ =	shalt  }
0x70: {  	_ =	shalt  }
0x71: {  	_ =	shalt  }
0x72: {  	_ =	shalt  }
0x73: {  	_ =	shalt  }
0x74: {  	_ =	shalt  }
0x75: {  	_ =	shalt  }
0x76: {  	_ =	shalt  }
0x77: {  	_ =	shalt  }
0x78: {  	_ =	shalt  }
0x79: {  	_ =	shalt  }
0x7a: {  	_ =	shalt  }
0x7b: {  	_ =	shalt  }
0x7c: {  	_ =	shalt  }
0x7d: {  	_ =	shalt  }
0x7e: {  	_ =	shalt  }
0x7f: {  	_ =	shalt  }
0x80: {  	_ =	shalt  }
0x81: {  	_ =	shalt  }
0x82: {  	_ =	shalt  }
0x83: {  	_ =	shalt  }
0x84: {  	_ =	shalt  }
0x85: {  	_ =	shalt  }
0x86: {  	_ =	shalt  }
0x87: {  	_ =	shalt  }
.Lfunc_end0:
.L_simem_size_0:
called_computation.2_lowered:
.L_overlay_start_0:
0x88: {  	s2 =	sld [smem:$0x3FD9]  }
0x89: {  	s3 =	sld [smem:$0x3FFE];
	_ =	sdelay $0x1  }
0x8a: {  	s1 =	srdreg.scid  }
0x8b: {  	s0 =	sand.u32 $0x1, s1  }
0x8c: {  	s17 =	sshll.u32 s0, $0xA;
	s2 =	sadd.s32 s3, s2  }
0x8d: {  	s2 =	sadd.s32 s2, s17  }
0x8e: {  	[smem:$0x3FAC] =	sst s2  }
0x8f: {  	_ = 	snop  }
0x90: {  	s2 =	sld [smem:$0x3FC7];
	(tm) =	ssettm $0x1  }
0x91: {  	s18 =	sld [smem:$0x3FFB];
	_ =	sdelay $0x3  }
0x92: {  	_ =	strace s18  }
0x93: {  	s3 =	sld [smem:$0x3FFC];
	_ =	sdelay $0x3  }
0x94: {  	_ =	strace s3  }
0x95: {  	s3 =	sld [smem:$0x3FFD];
	_ =	sdelay $0x3  }
0x96: {  	_ =	strace s3  }
0x97: {  	_ =	strace $0x8FFFFFFF  }
0x98: {  	s19 =	sld [smem:$0x3FDB];
	_ =	sdelay $0x1  }
0x99: {  	s4 =	simm.s32 $_scs_section_size  }
0x9a: {  	s5 =	simm.s32 $_size__tile_overlayer_lowered;
	s6 =	simm.s32 $_tile_overlayer_lowered  }
0x9b: {  	s22 =	simm.s32 $0x1BFF;
	s21 =	sshll.u32 s6, $0x1;
	s3 =	sadd.s32 s4, s19  }
0x9c: {  	s7 =	simm.s32 $0x0;
	s20 =	sshll.u32 s5, $0x1;
	s5 =	sadd.s32 s21, s3  }
0x9d: {  	[timem:s7], [sflag:s22] =	dma.local [hbm:s5], s20  }
0x9e: {  	_ =	swait.ge [sflag:s22], s20  }
0x9f: {  	s4 =	ssub.s32 $0x0, s20;
	[sflag:s22] =	ssyncset.done $0x0  }
0xa0: {  	[sflag:s22] =	ssyncadd.s32 s4;
	_ =	sdelay $0x1  }
0xa1: {  	s23 =	simm.s32 $0x1B8B  }
0xa2: {  	_ =	swait.ge [sflag:s23], $0x1  }
0xa3: {  	[sflag:s23] =	ssyncset.done $0x0  }
0xa4: {  	s25 =	simm.s32 $0x1B8E;
	s24 =	sld [smem:$0x3FFE];
	[sflag:s23] =	ssyncadd.s32 $0xFFFFFFFF  }
0xa5: {  	s26 =	simm.s32 $execute0_lowered;
	[smem:$0x3FD2] =	sst s25  }
0xa6: {  	s5 =	sshll.u32 s26, $0x1;
	_ =	strace $0x80000049;
	[dreg:$0x1] =	wrdreg $0xFFFFFFFF  }
0xa7: {  	s28 =	simm.s32 $_size_execute0_lowered;
	s3 =	sadd.s32 s3, s5;
	[dreg:$0x0] =	wrdreg $0x0  }
0xa8: {  	s5 =	sshll.u32 s28, $0x1;
	[dreg:$0x2] =	wrdreg s3  }
0xa9: {  	[dreg:$0x3] =	wrdreg s5  }
0xaa: {  	[dreg:$0x4] =	wrdreg $0xC0  }
0xab: {  	_ =	task [dreg:s7], $0x5FFFF  }
0xac: {  	[dreg:$0x1] =	wrdreg $0xFFFFFFFF  }
0xad: {  	[dreg:$0x0] =	wrdreg $0x60  }
0xae: {  	[dreg:$0x2] =	wrdreg s2  }
0xaf: {  	[dreg:$0x3] =	wrdreg s24  }
0xb0: {  	[dreg:$0x4] =	wrdreg $0xA  }
0xb1: {  	_ =	task.clear_ibuf [dreg:s7], $0x5FFFF;
	_ =	strace $0x90000049  }
0xb2: {  	s29 =	simm.s32 $0xA;
	_ =	strace $0x8000004B  }
0xb3: {  	_ =	swait.ge [sflag:s29], $0x1  }
0xb4: {  	[sflag:s29] =	ssyncadd.s32 $0xFFFFFFFF  }
0xb5: {  	_ =	strace $0x9000004B  }
0xb6: {  	_ =	sfence  }
0xb7: {  	s30 =	sld [smem:$0x0];
	_ =	sdelay $0x2  }
0xb8: {  	s31 =	sshll.u32 s1, $0xD;
	s1 =	sshrl.u32 s1, $0x2  }
0xb9: {  	s3 =	sand.u32 $0x4000, s31;
	s1 =	sadd.s32 s1, s30  }
0xba: {  	s0 =	sor.u32 s3, s0;
	s1 =	sshll.u32 s1, $0x11  }
0xbb: {  	s0 =	sor.u32 s1, s0  }
0xbc: {  	s0 =	sadd.s32 $0x8F2B, s0  }
0xbd: {  	[sflag:s0] =	ssyncadd.remote.s32 $0x1  }
0xbe: {  	_ =	sfence.sel $0xFFFF  }
0xbf: {  	[dreg:$0x0] =	wrdreg $0xFFFFFFFF;
	(pc) =	sbr.abs _section_cstart, $3  }
0xc0: {  	[dreg:$0x1] =	wrdreg $0xFFFFFFFF  }
0xc1: {  	_ =	task.clear_ibuf [dreg:s7], $0x2FFFF;
	_ =	strace $0x9FFFFFFF  }
0xc2: {  	(tm) =	ssettm $0x7FFFFFFF  }
0xc3: {  	_ =	shalt  }
tec
execute0_lowered:
.L_overlay_start_1:
0x0: {  	(tag) =	ssettag $0x1  }
0x1: {  	s2 =	rddreg [dreg:$0x0]  }
0x2: {  	s8 =	rddreg [dreg:$0x1]  }
0x3: {  	s0 =	rddreg [dreg:$0x2];
	s1 =	stileid.u32  }
0x4: {  	s3 =	srdreg.scid;
	_ =	strace $0x8000004A;
	s4 =	simm.s32 $0x1  }
0x5: {  	s7 =	simm.s32 $0x1;
	s9 =	simm.s32 $0x1;
	s10 =	simm.s32 $0x3  }
0x6: {  	s13 =	simm.s32 $0x0;
	s5 =	sand.u32 $0x1, s3;
	s6 =	sshll.u32 s1, $0x1  }
0x7: {  	s12 =	simm.s32 $0x0;
	s3 =	sadd.s32 $0x4C400, s8;
	s5 =	sor.u32 s6, s5  }
.Ltmp0:
0x8: {  	[sflag:s4] =	ssyncpa.u1 $0x0;
	p0 =	slt.u32 s5, $0x9;
	(pc) =	sbr.rel .LBB2_1-.Ltmp0, $4  }
0x9: {  	s6 =	simm.s32 $0x2;
	s7 =	simm.s32 @!p0 $0x0;
	p0 =	sne.s32 s5, $0x8  }
0xa: {  	[sflag:s6] =	ssyncpa.u1 $0x0;
	s5 =	smul.u32 $0x1F40, s5;
	s9 =	simm.s32 @!p0 $0x0  }
0xb: {  	s8 =	sadd.s32 $0x42600, s8;
	[sflag:s10] =	ssyncpa.u1 $0x0;
	s7 =	sadd.s32 s9, s7  }
0xc: {  	vm0 =	vmmov $0xffff;
	s10 =	simm.s32 $0x0;
	s11 =	smov.u32 s5;
	s9 =	sadd.s32 $0x1, s7  }
.LBB2_4:
0xd: {  	v2 =	vnsel vm1, $0x0, v2  }
0xe: {  	vm1 =	vgt.s32 v0, $0x0;
	v2 =	vmin.u32 v2, $0x4E1FF  }
0xf: {  	v0 =	vnsel vm1, $0x0, v0  }
0x10: {  	v0 =	vmin.u32 v0, $0x4E1FF  }
0x11: {  	[tilespmem:s18], [sflag:$0x1] =	stream.indirect_vreg.gather [hbm4b:s2+s10], $0x1, v1, vm0, $0x4038;
	[tilespmem:$0x7D00] =	vst v63  }
0x12: {  	(ifvalue) =	ssetifvalue $0x7FFFFFFF  }
0x13: {  	[tilespmem:s15], [sflag:$0x1] =	stream.indirect_vreg.gather [hbm4b:s2+s10], $0x1, v2, vm0, $0x4038;
	[tilespmem:$0x7D00] =	vst v63  }
0x14: {  	s29 =	sadd.s32 $0x10, s15;
	(ifvalue) =	ssetifvalue $0x7FFFFFFF  }
0x15: {  	[tilespmem:s29], [sflag:$0x1] =	stream.indirect_vreg.gather [hbm4b:s2+s10], $0x1, v0, vm0, $0x4038;
	[tilespmem:$0x7D00] =	vst v63  }
0x16: {  	_ =	swait.ge [sflag:s4], $0x1F40  }
0x17: {  	s30 =	sshrl.u32 s13, $0x3;
	[sflag:s4] =	ssyncset.done $0x0  }
0x18: {  	s31 =	sand.u32 $0x7, s13;
	s15 =	sadd.s32 s8, s30;
	[sflag:s4] =	ssyncadd.s32 $0xFFFFE0C0  }
0x19: {  	[hbm4b:s15+s31] =	stream.linear.scatter [tilespmem:s14], [sflag:$0x3], $0x1F40, $0x38;
	[tilespmem:$0x7D00] =	vst v63  }
.LBB2_5:
0x1a: {  	s15 =	sadd.s32 $0x3E800, s11  }
0x1b: {  	p1 =	sgt.s32 s15, $0x4E1FF  }
0x1c: {  	s15 =	smov.u32 @p1 s5;
	p1 =	sne.s32 s12, s9  }
.Ltmp1:
0x1d: {  	p0 =	slt.u32 s12, $0x2;
	(pc) =	sbr.rel @!p1 .LBB2_6-.Ltmp1, $4  }
0x1e: {  	s14 =	simm.s32 @!p0 $0x3  }
0x1f: {  	_ =	swait.ge @!p0 [sflag:s14], $0x1F40  }
0x20: {  	s16 =	sadd.s32 $0x1, s12;
	s13 =	smov.u32 s11;
	[sflag:s14] =	ssyncset.done @!p0 $0x0  }
0x21: {  	s12 =	smov.u32 s16;
	s11 =	smov.u32 s15;
	[sflag:s14] =	ssyncadd.s32 @!p0 $0xFFFFE0C0  }
.LBB2_1:
0x22: {  	p0 =	sge.u32 s12, s7  }
0x23: {  	s14 =	sxor.u32 @!p0 $0x1, s12  }
0x24: {  	s14 =	smul.u32 @!p0 $0x7D00, s14  }
0x25: {  	s31 =	sadd.s32 $0xFFFFFFFF, s12;
	s15 =	sshrl.u32 @!p0 s11, $0x3  }
0x26: {  	s16 =	sand.u32 @!p0 $0x7, s11;
	s15 =	sadd.s32 @!p0 s3, s15;
	s14 =	sshra.s32 @!p0 s14, $0x2  }
0x27: {  	[tilespmem:s14], [sflag:$0x2] =	stream.linear.gather @!p0 [hbm4b:s15+s16], $0x1F40, $0x38;
	[tilespmem:$0x7D00] =	vst v63  }
0x28: {  	p0 =	sge.u32 s31, s7  }
.Ltmp2:
0x29: {  	_ = 	snop;
	(pc) =	sbr.rel @p0 .LBB2_5-.Ltmp2, $1  }
0x2a: {  	_ =	sdelay $0x3  }
0x2b: {  	s14 =	sand.u32 $0x1, s12  }
0x2c: {  	_ =	swait.ge [sflag:s6], $0x1F40;
	p0 =	seq.s32 s14, $0x1;
	s14 =	simm.s32 $0x1F40  }
0x2d: {  	[sflag:s6] =	ssyncset.done $0x0;
	s14 =	simm.s32 @!p0 $0x0  }
0x2e: {  	[sflag:s6] =	ssyncadd.s32 $0xFFFFE0C0;
	(ifvalue) =	ssetifvalue $0x7FFFFFFF;
	v0 =	vld.msk [tilespmem:s14+$0x0 ss:$0x1], $0xffff;
	_ =	sdelay $0x4  }
0x2f: {  	s15 =	sadd.s32 $0x10, s14;
	vm1 =	vgt.s32 v0, $0x0  }
0x30: {  	v2 =	vld.msk [tilespmem:s15+$0x0 ss:$0x1], $0xffff;
	v1 =	vnsel vm1, $0x0, v0  }
0x31: {  	v1 =	vmin.u32 v1, $0x4E1FF;
	_ =	sdelay $0x2  }
0x32: {  	s17 =	simm.s32 $0x20;
	s14 =	sadd.s32 $0x3E80, s14;
	s16 =	sadd.s32 $0x10, s15  }
0x33: {  	s15 =	sadd.s32 $0x10, s14;
	s18 =	smov.u32 s14;
	v0 =	vld.msk [tilespmem:s16+$0x0 ss:$0x1], $0xffff;
	vm1 =	vgt.s32 v2, $0x0;
	(ifvalue) =	ssetifvalue $0x7FFFFFFF  }
.LBB2_3:
0x34: {  	[tilespmem:s18], [sflag:$0x1] =	stream.indirect_vreg.gather [hbm4b:s2+s10], $0x1, v1, vm0, $0x4038;
	[tilespmem:$0x7D00] =	vst v63  }
0x35: {  	s17 =	sadd.s32 $0x10, s17  }
0x36: {  	v2 =	vnsel vm1, $0x0, v2;
	p0 =	slt.u32 s17, $0x1F30  }
.Ltmp3:
0x37: {  	s18 =	smov.u32 s15;
	v1 =	vmin.u32 v2, $0x4E1FF;
	(pc) =	sbr.rel @p0 .LBB2_3-.Ltmp3, $3  }
0x38: {  	_ =	sdelay $0x1  }
0x39: {  	s16 =	sadd.s32 $0x10, s16  }
0x3a: {  	vm1 =	vgt.s32 v0, $0x0;
	s15 =	sadd.s32 $0x10, s15;
	v2 =	vmov v0;
	(ifvalue) =	ssetifvalue $0x7FFFFFFF;
	v0 =	vld.msk [tilespmem:s16+$0x0 ss:$0x1], $0xffff  }
.Ltmp4:
0x3b: {  	_ = 	snop;
	(pc) =	sbr.rel .LBB2_4-.Ltmp4, $1  }
0x3c: {  	_ =	sdelay $0x3  }
.LBB2_6:
0x3d: {  	_ =	sfence.sel $0x180000  }
0x3e: {  	s2 =	simm.s32 $0x2;
	[bflag:$0x0] =	sbarrier.arrive $0xFFFF  }
0x3f: {  	s30 =	simm.s32 $0x3;
	[sflag:s2] =	ssyncpa.u1 $0x1  }
0x40: {  	s31 =	simm.s32 $0x1;
	[sflag:s30] =	ssyncpa.u1 $0x1  }
0x41: {  	[sflag:s31] =	ssyncpa.u1 $0x1  }
0x42: {  	p0 =	sne.s32 s1, $0x0;
	_ =	strace $0x9000004A  }
0x43: {  	s0 =	sadd.s32 @!p0 $0x100000, s0;
	[bflag:$0x2] =	sbarrier.arrive $0xFFFF  }
0x44: {  	[sflag:s0] =	ssyncadd.tile.s32 @!p0 $0x1;
	_ =	shalt  }
.Lfunc_end2:
_tile_overlayer_lowered:
.L_overlay_start_2:
0x45: {  	(tag) =	ssettag $0x2  }
0x46: {  	s0 =	rddreg [dreg:$0x0];
	s2 =	stileid.u32  }
0x47: {  	s1 =	rddreg [dreg:$0x1];
	p0 =	sne.s32 s2, $0x0  }
0x48: {  	s3 =	rddreg [dreg:$0x2];
	[bflag:$0x3] =	sbarrier.arrive $0xFFFF;
	s2 =	simm.s32 @!p0 $0x1C01  }
0x49: {  	[timem:s3], [sflag:s2] =	dma.local @!p0 [hbm:s0], s1  }
0x4a: {  	s0 =	simm.s32 @!p0 $0x1  }
0x4b: {  	_ =	swait.ge @!p0 [sflag:s0], s1  }
0x4c: {  	s1 =	ssub.s32 @!p0 $0x0, s1;
	[sflag:s0] =	ssyncset.done @!p0 $0x0  }
0x4d: {  	[sflag:s0] =	ssyncadd.s32 @!p0 s1  }
0x4e: {  	[bflag:$0x3] =	sbarrier.arrive $0xFFFF  }
0x4f: {  	_ =	shalt  }

// kernel: gather_offload_async_start
scs
__scs_entry_jumppad:
0x0: {  	(pc) =	sbr.rel $0x88, $3  }
0x1: {  	(tag) =	ssettag $0x0;
	lr =	simm.s32 $0x1  }
0x2: {  	[smem:$0x3F85] =	sst lr;
	_ =	strace $0xD0000000  }
0x3: {  	_ = 	snop  }
0x4: {  	_ = 	snop  }
0x5: {  	_ = 	snop  }
0x6: {  	_ = 	snop  }
0x7: {  	_ = 	snop  }
__scs_overlays_trampoline_lowered:
0x8: {  	[smem:$0x3F94] =	sst s0  }
0x9: {  	[smem:$0x3F95] =	sst s1  }
0xa: {  	[smem:$0x3F96] =	sst s2  }
0xb: {  	[smem:$0x3F97] =	sst s3  }
0xc: {  	[smem:$0x3F98] =	sst s4  }
0xd: {  	[smem:$0x3F99] =	sst s5  }
0xe: {  	[smem:$0x3F9A] =	sst s6  }
0xf: {  	[smem:$0x3F9B] =	sst s7  }
0x10: {  	[smem:$0x3F9C] =	sst s8  }
0x11: {  	[smem:$0x3F9D] =	sst s9;
	s0 =	simm.s32 @!p0 $0x0  }
0x12: {  	s1 =	sld [smem:$0x3F83];
	s0 =	simm.s32 @p0 $0x1  }
0x13: {  	[smem:$0x3F9E] =	sst s0;
	s0 =	simm.s32 @!p1 $0x0  }
0x14: {  	s2 =	sld [smem:$0x3F82];
	s0 =	simm.s32 @p1 $0x1  }
0x15: {  	[smem:$0x3F9F] =	sst s0;
	s0 =	simm.s32 @!p2 $0x0  }
0x16: {  	s3 =	sld [smem:$0x3FDB];
	s0 =	simm.s32 @p2 $0x1  }
0x17: {  	s4 =	simm.s32 $0x1BF5;
	[smem:$0x3FA1] =	sst s0  }
0x18: {  	s0 =	sld [smem:$0x3F84];
	_ =	swait.ge [sflag:s4], $0x0  }
0x19: {  	s7 =	sld [smem:$0x3F85]  }
0x1a: {  	s8 =	sadd.s32 $0xFFFFE003, lr  }
0x1b: {  	s9 =	sadd.s32 $0xFFFFFEF7, lr;
	s5 =	simm.s32 $0xFFFFFFFF;
	p2 =	slt.u32 s8, $0xFFFFF086  }
0x1c: {  	p1 =	slt.u32 s9, $0xF7A;
	s5 =	simm.s32 @!p2 $0x0  }
0x1d: {  	s5 =	simm.s32 @p1 $0x1;
	p0 =	seq.s32 s7, s2  }
0x1e: {  	s7 =	smul.u32 @!p0 $0xF7A, s2;
	p2 =	seq.s32 @!p0 s5, $0x0  }
0x1f: {  	s9 =	smul.u32 $0xF7A, s1;
	s8 =	simm.s32 @!p0 $0x1BF5;
	p2 =	por !p2, p0  }
0x20: {  	[sflag:s8] =	ssyncset.s32 @!p0 $0xFFFFF086;
	s6 =	sadd.s32 @!p0 s3, s7;
	s7 =	simm.s32 @!p0 $0x108  }
0x21: {  	s3 =	sadd.s32 s3, s9;
	s6 =	sadd.s32 @!p0 $0x88, s6;
	s7 =	simm.s32 @p2 $0x1082  }
0x22: {  	[simem:s7], [sflag:s8] =	dma.local @!p0 [hbm:s6], $0xF7A  }
0x23: {  	s9 =	sor.u32 $0xD0000000, s2;
	s6 =	simm.s32 $0x108;
	_ =	swait.ge @!p0 [sflag:s8], $0x0  }
0x24: {  	s3 =	sadd.s32 $0x88, s3;
	s6 =	simm.s32 @!p1 $0x1082;
	[sflag:s4] =	ssyncset.s32 $0xFFFFF086  }
0x25: {  	[simem:s6], [sflag:s4] =	dma.local [hbm:s3], $0xF7A  }
0x26: {  	[smem:$0x3F85] =	sst s1;
	(tag) =	ssettag s2;
	_ =	strace s9  }
0x27: {  	s1 =	sld [smem:$0x3F95]  }
0x28: {  	s2 =	sld [smem:$0x3F96]  }
0x29: {  	s4 =	sld [smem:$0x3F98]  }
0x2a: {  	p0 =	seq.s32 s5, $0x0;
	s5 =	sld [smem:$0x3F99]  }
0x2b: {  	s6 =	sld [smem:$0x3F9A]  }
0x2c: {  	s7 =	sld [smem:$0x3F9B]  }
0x2d: {  	s3 =	simm.s32 $0x108;
	s8 =	sld [smem:$0x3F9C]  }
0x2e: {  	s3 =	simm.s32 @!p0 $0x1082;
	s9 =	sld [smem:$0x3F9D]  }
0x2f: {  	lr =	sadd.s32 s0, s3;
	s0 =	sld [smem:$0x3F94]  }
0x30: {  	s3 =	sld [smem:$0x3F97]  }
0x31: {  	[smem:$0x3FA0] =	sst s10  }
0x32: {  	s10 =	sld [smem:$0x3F9E];
	_ =	sdelay $0x3  }
0x33: {  	p0 =	seq.s32 s10, $0x1;
	s10 =	sld [smem:$0x3FA0];
	_ =	sdelay $0x3  }
0x34: {  	[smem:$0x3FA0] =	sst s10  }
0x35: {  	s10 =	sld [smem:$0x3F9F];
	_ =	sdelay $0x3  }
0x36: {  	p1 =	seq.s32 s10, $0x1;
	s10 =	sld [smem:$0x3FA0];
	_ =	sdelay $0x3  }
0x37: {  	[smem:$0x3FA0] =	sst s10  }
0x38: {  	s10 =	sld [smem:$0x3FA1]  }
0x39: {  	_ = 	snop;
	(pc) =	sbr.ind lr, $3  }
0x3a: {  	_ = 	snop  }
0x3b: {  	_ = 	snop  }
0x3c: {  	p2 =	seq.s32 s10, $0x1;
	s10 =	sld [smem:$0x3FA0]  }
0x3d: {  	_ =	shalt  }
0x3e: {  	_ =	shalt  }
0x3f: {  	_ =	shalt  }
0x40: {  	_ =	shalt  }
0x41: {  	_ =	shalt  }
0x42: {  	_ =	shalt  }
0x43: {  	_ =	shalt  }
0x44: {  	_ =	shalt  }
0x45: {  	_ =	shalt  }
0x46: {  	_ =	shalt  }
0x47: {  	_ =	shalt  }
0x48: {  	_ =	shalt  }
0x49: {  	_ =	shalt  }
0x4a: {  	_ =	shalt  }
0x4b: {  	_ =	shalt  }
0x4c: {  	_ =	shalt  }
0x4d: {  	_ =	shalt  }
0x4e: {  	_ =	shalt  }
0x4f: {  	_ =	shalt  }
0x50: {  	_ =	shalt  }
0x51: {  	_ =	shalt  }
0x52: {  	_ =	shalt  }
0x53: {  	_ =	shalt  }
0x54: {  	_ =	shalt  }
0x55: {  	_ =	shalt  }
0x56: {  	_ =	shalt  }
0x57: {  	_ =	shalt  }
0x58: {  	_ =	shalt  }
0x59: {  	_ =	shalt  }
0x5a: {  	_ =	shalt  }
0x5b: {  	_ =	shalt  }
0x5c: {  	_ =	shalt  }
0x5d: {  	_ =	shalt  }
0x5e: {  	_ =	shalt  }
0x5f: {  	_ =	shalt  }
0x60: {  	_ =	shalt  }
0x61: {  	_ =	shalt  }
0x62: {  	_ =	shalt  }
0x63: {  	_ =	shalt  }
0x64: {  	_ =	shalt  }
0x65: {  	_ =	shalt  }
0x66: {  	_ =	shalt  }
0x67: {  	_ =	shalt  }
0x68: {  	_ =	shalt  }
0x69: {  	_ =	shalt  }
0x6a: {  	_ =	shalt  }
0x6b: {  	_ =	shalt  }
0x6c: {  	_ =	shalt  }
0x6d: {  	_ =	shalt  }
0x6e: {  	_ =	shalt  }
0x6f: {  	_ =	shalt  }
0x70: {  	_ =	shalt  }
0x71: {  	_ =	shalt  }
0x72: {  	_ =	shalt  }
0x73: {  	_ =	shalt  }
0x74: {  	_ =	shalt  }
0x75: {  	_ =	shalt  }
0x76: {  	_ =	shalt  }
0x77: {  	_ =	shalt  }
0x78: {  	_ =	shalt  }
0x79: {  	_ =	shalt  }
0x7a: {  	_ =	shalt  }
0x7b: {  	_ =	shalt  }
0x7c: {  	_ =	shalt  }
0x7d: {  	_ =	shalt  }
0x7e: {  	_ =	shalt  }
0x7f: {  	_ =	shalt  }
0x80: {  	_ =	shalt  }
0x81: {  	_ =	shalt  }
0x82: {  	_ =	shalt  }
0x83: {  	_ =	shalt  }
0x84: {  	_ =	shalt  }
0x85: {  	_ =	shalt  }
0x86: {  	_ =	shalt  }
0x87: {  	_ =	shalt  }
.Lfunc_end0:
.L_simem_size_0:
called_computation_lowered:
.L_overlay_start_0:
0x88: {  	s2 =	sld [smem:$0x3FD9]  }
0x89: {  	s3 =	sld [smem:$0x3FFE];
	_ =	sdelay $0x1  }
0x8a: {  	s1 =	srdreg.scid  }
0x8b: {  	s0 =	sand.u32 $0x1, s1  }
0x8c: {  	s16 =	sshll.u32 s0, $0xA;
	s2 =	sadd.s32 s3, s2  }
0x8d: {  	s2 =	sadd.s32 s2, s16  }
0x8e: {  	[smem:$0x3FAC] =	sst s2  }
0x8f: {  	_ = 	snop  }
0x90: {  	(tm) =	ssettm $0x1  }
0x91: {  	s17 =	sld [smem:$0x3FFB];
	_ =	sdelay $0x3  }
0x92: {  	_ =	strace s17  }
0x93: {  	s2 =	sld [smem:$0x3FFC];
	_ =	sdelay $0x3  }
0x94: {  	_ =	strace s2  }
0x95: {  	s2 =	sld [smem:$0x3FFD];
	_ =	sdelay $0x3  }
0x96: {  	_ =	strace s2  }
0x97: {  	_ =	strace $0x8FFFFFFF  }
0x98: {  	s18 =	sld [smem:$0x3FDB];
	_ =	sdelay $0x1  }
0x99: {  	s19 =	simm.s32 $_scs_section_size  }
0x9a: {  	s4 =	simm.s32 $_size__tile_overlayer_lowered;
	s5 =	simm.s32 $_tile_overlayer_lowered  }
0x9b: {  	s22 =	simm.s32 $0x1BFF;
	s21 =	sshll.u32 s5, $0x1;
	s2 =	sadd.s32 s19, s18  }
0x9c: {  	s6 =	simm.s32 $0x0;
	s20 =	sshll.u32 s4, $0x1;
	s4 =	sadd.s32 s21, s2  }
0x9d: {  	[timem:s6], [sflag:s22] =	dma.local [hbm:s4], s20  }
0x9e: {  	_ =	swait.ge [sflag:s22], s20  }
0x9f: {  	s3 =	ssub.s32 $0x0, s20;
	[sflag:s22] =	ssyncset.done $0x0  }
0xa0: {  	[sflag:s22] =	ssyncadd.s32 s3;
	_ =	sdelay $0x1  }
0xa1: {  	s23 =	simm.s32 $0x1B8B  }
0xa2: {  	_ =	swait.ge [sflag:s23], $0x1  }
0xa3: {  	[sflag:s23] =	ssyncset.done $0x0  }
0xa4: {  	s25 =	simm.s32 $0x1B8E;
	s24 =	sld [smem:$0x3FFE];
	[sflag:s23] =	ssyncadd.s32 $0xFFFFFFFF  }
0xa5: {  	s26 =	simm.s32 $execute0_lowered;
	[smem:$0x3FD2] =	sst s25  }
0xa6: {  	s4 =	sshll.u32 s26, $0x1;
	_ =	strace $0x80000046;
	[dreg:$0x1] =	wrdreg $0xFFFFFFFF  }
0xa7: {  	s28 =	simm.s32 $_size_execute0_lowered;
	s2 =	sadd.s32 s2, s4;
	[dreg:$0x0] =	wrdreg $0x0  }
0xa8: {  	s4 =	sshll.u32 s28, $0x1;
	[dreg:$0x2] =	wrdreg s2  }
0xa9: {  	[dreg:$0x3] =	wrdreg s4  }
0xaa: {  	[dreg:$0x4] =	wrdreg $0xC0  }
0xab: {  	_ =	task [dreg:s6], $0x5FFFF  }
0xac: {  	[dreg:$0x1] =	wrdreg $0xFFFFFFFF  }
0xad: {  	[dreg:$0x0] =	wrdreg $0x60  }
0xae: {  	[dreg:$0x2] =	wrdreg s24  }
0xaf: {  	[dreg:$0x3] =	wrdreg $0x9  }
0xb0: {  	_ =	task.clear_ibuf [dreg:s6], $0x4FFFF;
	_ =	strace $0x90000046  }
0xb1: {  	s29 =	simm.s32 $0x9;
	_ =	strace $0x80000048  }
0xb2: {  	_ =	swait.ge [sflag:s29], $0x1  }
0xb3: {  	[sflag:s29] =	ssyncadd.s32 $0xFFFFFFFF  }
0xb4: {  	_ =	strace $0x90000048  }
0xb5: {  	_ =	sfence  }
0xb6: {  	s30 =	sld [smem:$0x0];
	_ =	sdelay $0x2  }
0xb7: {  	s31 =	sshll.u32 s1, $0xD;
	s1 =	sshrl.u32 s1, $0x2  }
0xb8: {  	s3 =	sand.u32 $0x4000, s31;
	s1 =	sadd.s32 s1, s30  }
0xb9: {  	s0 =	sor.u32 s3, s0;
	s1 =	sshll.u32 s1, $0x11  }
0xba: {  	s0 =	sor.u32 s1, s0  }
0xbb: {  	s0 =	sadd.s32 $0x8F2B, s0  }
0xbc: {  	[sflag:s0] =	ssyncadd.remote.s32 $0x1  }
0xbd: {  	_ =	sfence.sel $0xFFFF  }
0xbe: {  	[dreg:$0x0] =	wrdreg $0xFFFFFFFF;
	(pc) =	sbr.abs _section_cstart, $3  }
0xbf: {  	[dreg:$0x1] =	wrdreg $0xFFFFFFFF  }
0xc0: {  	_ =	task.clear_ibuf [dreg:s6], $0x2FFFF;
	_ =	strace $0x9FFFFFFF  }
0xc1: {  	(tm) =	ssettm $0x7FFFFFFF  }
tec
execute0_lowered:
.L_overlay_start_1:
0x0: {  	(tag) =	ssettag $0x1  }
0x1: {  	s8 =	rddreg [dreg:$0x0]  }
0x2: {  	s0 =	rddreg [dreg:$0x1];
	_ =	strace $0x80000047;
	s1 =	stileid.u32  }
0x3: {  	s3 =	srdreg.scid;
	s4 =	simm.s32 $0x1;
	s7 =	simm.s32 $0x1  }
0x4: {  	s9 =	simm.s32 $0x1;
	s10 =	simm.s32 $0x3;
	s13 =	simm.s32 $0x0  }
0x5: {  	s12 =	simm.s32 $0x0;
	s5 =	sand.u32 $0x1, s3;
	s6 =	sshll.u32 s1, $0x1  }
0x6: {  	s2 =	sadd.s32 $0x42600, s8;
	s3 =	sadd.s32 $0x4C400, s8;
	s5 =	sor.u32 s6, s5  }
.Ltmp0:
0x7: {  	[sflag:s4] =	ssyncpa.u1 $0x0;
	p0 =	slt.u32 s5, $0x9;
	(pc) =	sbr.rel .LBB2_1-.Ltmp0, $4  }
0x8: {  	s6 =	simm.s32 $0x2;
	s7 =	simm.s32 @!p0 $0x0;
	p0 =	sne.s32 s5, $0x8  }
0x9: {  	[sflag:s6] =	ssyncpa.u1 $0x0;
	s5 =	smul.u32 $0x1F40, s5;
	s9 =	simm.s32 @!p0 $0x0  }
0xa: {  	s8 =	sadd.s32 $0x7D600, s8;
	[sflag:s10] =	ssyncpa.u1 $0x0;
	s7 =	sadd.s32 s9, s7  }
0xb: {  	vm0 =	vmmov $0xffff;
	s10 =	simm.s32 $0x0;
	s11 =	smov.u32 s5;
	s9 =	sadd.s32 $0x1, s7  }
.LBB2_4:
0xc: {  	v2 =	vnsel vm1, $0x0, v2  }
0xd: {  	vm1 =	vgt.s32 v0, $0x0;
	v2 =	vmin.u32 v2, $0x4E1FF  }
0xe: {  	v0 =	vnsel vm1, $0x0, v0  }
0xf: {  	v0 =	vmin.u32 v0, $0x4E1FF  }
0x10: {  	[tilespmem:s18], [sflag:$0x1] =	stream.indirect_vreg.gather [hbm4b:s2+s10], $0x1, v1, vm0, $0x4038;
	[tilespmem:$0x7D00] =	vst v63  }
0x11: {  	(ifvalue) =	ssetifvalue $0x7FFFFFFF  }
0x12: {  	[tilespmem:s15], [sflag:$0x1] =	stream.indirect_vreg.gather [hbm4b:s2+s10], $0x1, v2, vm0, $0x4038;
	[tilespmem:$0x7D00] =	vst v63  }
0x13: {  	s29 =	sadd.s32 $0x10, s15;
	(ifvalue) =	ssetifvalue $0x7FFFFFFF  }
0x14: {  	[tilespmem:s29], [sflag:$0x1] =	stream.indirect_vreg.gather [hbm4b:s2+s10], $0x1, v0, vm0, $0x4038;
	[tilespmem:$0x7D00] =	vst v63  }
0x15: {  	_ =	swait.ge [sflag:s4], $0x1F40  }
0x16: {  	s30 =	sshrl.u32 s13, $0x3;
	[sflag:s4] =	ssyncset.done $0x0  }
0x17: {  	s31 =	sand.u32 $0x7, s13;
	s15 =	sadd.s32 s8, s30;
	[sflag:s4] =	ssyncadd.s32 $0xFFFFE0C0  }
0x18: {  	[hbm4b:s15+s31] =	stream.linear.scatter [tilespmem:s14], [sflag:$0x3], $0x1F40, $0x38;
	[tilespmem:$0x7D00] =	vst v63  }
.LBB2_5:
0x19: {  	s15 =	sadd.s32 $0x3E800, s11  }
0x1a: {  	p1 =	sgt.s32 s15, $0x4E1FF  }
0x1b: {  	s15 =	smov.u32 @p1 s5;
	p1 =	sne.s32 s12, s9  }
.Ltmp1:
0x1c: {  	p0 =	slt.u32 s12, $0x2;
	(pc) =	sbr.rel @!p1 .LBB2_6-.Ltmp1, $4  }
0x1d: {  	s14 =	simm.s32 @!p0 $0x3  }
0x1e: {  	_ =	swait.ge @!p0 [sflag:s14], $0x1F40  }
0x1f: {  	s16 =	sadd.s32 $0x1, s12;
	s13 =	smov.u32 s11;
	[sflag:s14] =	ssyncset.done @!p0 $0x0  }
0x20: {  	s12 =	smov.u32 s16;
	s11 =	smov.u32 s15;
	[sflag:s14] =	ssyncadd.s32 @!p0 $0xFFFFE0C0  }
.LBB2_1:
0x21: {  	p0 =	sge.u32 s12, s7  }
0x22: {  	s14 =	sxor.u32 @!p0 $0x1, s12  }
0x23: {  	s14 =	smul.u32 @!p0 $0x7D00, s14  }
0x24: {  	s31 =	sadd.s32 $0xFFFFFFFF, s12;
	s15 =	sshrl.u32 @!p0 s11, $0x3  }
0x25: {  	s16 =	sand.u32 @!p0 $0x7, s11;
	s15 =	sadd.s32 @!p0 s3, s15;
	s14 =	sshra.s32 @!p0 s14, $0x2  }
0x26: {  	[tilespmem:s14], [sflag:$0x2] =	stream.linear.gather @!p0 [hbm4b:s15+s16], $0x1F40, $0x38;
	[tilespmem:$0x7D00] =	vst v63  }
0x27: {  	p0 =	sge.u32 s31, s7  }
.Ltmp2:
0x28: {  	_ = 	snop;
	(pc) =	sbr.rel @p0 .LBB2_5-.Ltmp2, $1  }
0x29: {  	_ =	sdelay $0x3  }
0x2a: {  	s14 =	sand.u32 $0x1, s12  }
0x2b: {  	_ =	swait.ge [sflag:s6], $0x1F40;
	p0 =	seq.s32 s14, $0x1;
	s14 =	simm.s32 $0x1F40  }
0x2c: {  	[sflag:s6] =	ssyncset.done $0x0;
	s14 =	simm.s32 @!p0 $0x0  }
0x2d: {  	[sflag:s6] =	ssyncadd.s32 $0xFFFFE0C0;
	(ifvalue) =	ssetifvalue $0x7FFFFFFF;
	v0 =	vld.msk [tilespmem:s14+$0x0 ss:$0x1], $0xffff;
	_ =	sdelay $0x4  }
0x2e: {  	s15 =	sadd.s32 $0x10, s14;
	vm1 =	vgt.s32 v0, $0x0  }
0x2f: {  	v2 =	vld.msk [tilespmem:s15+$0x0 ss:$0x1], $0xffff;
	v1 =	vnsel vm1, $0x0, v0  }
0x30: {  	v1 =	vmin.u32 v1, $0x4E1FF;
	_ =	sdelay $0x2  }
0x31: {  	s17 =	simm.s32 $0x20;
	s14 =	sadd.s32 $0x3E80, s14;
	s16 =	sadd.s32 $0x10, s15  }
0x32: {  	s15 =	sadd.s32 $0x10, s14;
	s18 =	smov.u32 s14;
	v0 =	vld.msk [tilespmem:s16+$0x0 ss:$0x1], $0xffff;
	vm1 =	vgt.s32 v2, $0x0;
	(ifvalue) =	ssetifvalue $0x7FFFFFFF  }
.LBB2_3:
0x33: {  	[tilespmem:s18], [sflag:$0x1] =	stream.indirect_vreg.gather [hbm4b:s2+s10], $0x1, v1, vm0, $0x4038;
	[tilespmem:$0x7D00] =	vst v63  }
0x34: {  	s17 =	sadd.s32 $0x10, s17  }
0x35: {  	v2 =	vnsel vm1, $0x0, v2;
	p0 =	slt.u32 s17, $0x1F30  }
.Ltmp3:
0x36: {  	s18 =	smov.u32 s15;
	v1 =	vmin.u32 v2, $0x4E1FF;
	(pc) =	sbr.rel @p0 .LBB2_3-.Ltmp3, $3  }
0x37: {  	_ =	sdelay $0x1  }
0x38: {  	s16 =	sadd.s32 $0x10, s16  }
0x39: {  	vm1 =	vgt.s32 v0, $0x0;
	s15 =	sadd.s32 $0x10, s15;
	v2 =	vmov v0;
	(ifvalue) =	ssetifvalue $0x7FFFFFFF;
	v0 =	vld.msk [tilespmem:s16+$0x0 ss:$0x1], $0xffff  }
.Ltmp4:
0x3a: {  	_ = 	snop;
	(pc) =	sbr.rel .LBB2_4-.Ltmp4, $1  }
0x3b: {  	_ =	sdelay $0x3  }
.LBB2_6:
0x3c: {  	_ =	sfence.sel $0x180000  }
0x3d: {  	s2 =	simm.s32 $0x2;
	[bflag:$0x0] =	sbarrier.arrive $0xFFFF  }
0x3e: {  	s30 =	simm.s32 $0x3;
	[sflag:s2] =	ssyncpa.u1 $0x1  }
0x3f: {  	s31 =	simm.s32 $0x1;
	[sflag:s30] =	ssyncpa.u1 $0x1  }
0x40: {  	[sflag:s31] =	ssyncpa.u1 $0x1  }
0x41: {  	p0 =	sne.s32 s1, $0x0;
	_ =	strace $0x90000047  }
0x42: {  	s0 =	sadd.s32 @!p0 $0x100000, s0;
	[bflag:$0x2] =	sbarrier.arrive $0xFFFF  }
0x43: {  	[sflag:s0] =	ssyncadd.tile.s32 @!p0 $0x1;
	_ =	shalt  }
.Lfunc_end2:
_tile_overlayer_lowered:
.L_overlay_start_2:
0x44: {  	(tag) =	ssettag $0x2  }
0x45: {  	s0 =	rddreg [dreg:$0x0];
	s2 =	stileid.u32  }
0x46: {  	s1 =	rddreg [dreg:$0x1];
	p0 =	sne.s32 s2, $0x0  }
0x47: {  	s3 =	rddreg [dreg:$0x2];
	[bflag:$0x3] =	sbarrier.arrive $0xFFFF;
	s2 =	simm.s32 @!p0 $0x1C01  }
0x48: {  	[timem:s3], [sflag:s2] =	dma.local @!p0 [hbm:s0], s1  }
0x49: {  	s0 =	simm.s32 @!p0 $0x1  }
0x4a: {  	_ =	swait.ge @!p0 [sflag:s0], s1  }
0x4b: {  	s1 =	ssub.s32 @!p0 $0x0, s1;
	[sflag:s0] =	ssyncset.done @!p0 $0x0  }
0x4c: {  	[sflag:s0] =	ssyncadd.s32 @!p0 s1  }
0x4d: {  	[bflag:$0x3] =	sbarrier.arrive $0xFFFF  }
0x4e: {  	_ =	shalt  }

// kernel: kernel.14.cloned.1.call-start
scs
__scs_entry_jumppad:
0x0: {  	(pc) =	sbr.rel $0x88, $3  }
0x1: {  	(tag) =	ssettag $0x0;
	lr =	simm.s32 $0x1  }
0x2: {  	[smem:$0x3F85] =	sst lr;
	_ =	strace $0xD0000000  }
0x3: {  	_ = 	snop  }
0x4: {  	_ = 	snop  }
0x5: {  	_ = 	snop  }
0x6: {  	_ = 	snop  }
0x7: {  	_ = 	snop  }
__scs_overlays_trampoline_lowered:
0x8: {  	[smem:$0x3F94] =	sst s0  }
0x9: {  	[smem:$0x3F95] =	sst s1  }
0xa: {  	[smem:$0x3F96] =	sst s2  }
0xb: {  	[smem:$0x3F97] =	sst s3  }
0xc: {  	[smem:$0x3F98] =	sst s4  }
0xd: {  	[smem:$0x3F99] =	sst s5  }
0xe: {  	[smem:$0x3F9A] =	sst s6  }
0xf: {  	[smem:$0x3F9B] =	sst s7  }
0x10: {  	[smem:$0x3F9C] =	sst s8  }
0x11: {  	[smem:$0x3F9D] =	sst s9;
	s0 =	simm.s32 @!p0 $0x0  }
0x12: {  	s1 =	sld [smem:$0x3F83];
	s0 =	simm.s32 @p0 $0x1  }
0x13: {  	[smem:$0x3F9E] =	sst s0;
	s0 =	simm.s32 @!p1 $0x0  }
0x14: {  	s2 =	sld [smem:$0x3F82];
	s0 =	simm.s32 @p1 $0x1  }
0x15: {  	[smem:$0x3F9F] =	sst s0;
	s0 =	simm.s32 @!p2 $0x0  }
0x16: {  	s3 =	sld [smem:$0x3FDB];
	s0 =	simm.s32 @p2 $0x1  }
0x17: {  	s4 =	simm.s32 $0x1BF5;
	[smem:$0x3FA1] =	sst s0  }
0x18: {  	s0 =	sld [smem:$0x3F84];
	_ =	swait.ge [sflag:s4], $0x0  }
0x19: {  	s7 =	sld [smem:$0x3F85]  }
0x1a: {  	s8 =	sadd.s32 $0xFFFFE003, lr  }
0x1b: {  	s9 =	sadd.s32 $0xFFFFFEF7, lr;
	s5 =	simm.s32 $0xFFFFFFFF;
	p2 =	slt.u32 s8, $0xFFFFF086  }
0x1c: {  	p1 =	slt.u32 s9, $0xF7A;
	s5 =	simm.s32 @!p2 $0x0  }
0x1d: {  	s5 =	simm.s32 @p1 $0x1;
	p0 =	seq.s32 s7, s2  }
0x1e: {  	s7 =	smul.u32 @!p0 $0xF7A, s2;
	p2 =	seq.s32 @!p0 s5, $0x0  }
0x1f: {  	s9 =	smul.u32 $0xF7A, s1;
	s8 =	simm.s32 @!p0 $0x1BF5;
	p2 =	por !p2, p0  }
0x20: {  	[sflag:s8] =	ssyncset.s32 @!p0 $0xFFFFF086;
	s6 =	sadd.s32 @!p0 s3, s7;
	s7 =	simm.s32 @!p0 $0x108  }
0x21: {  	s3 =	sadd.s32 s3, s9;
	s6 =	sadd.s32 @!p0 $0x88, s6;
	s7 =	simm.s32 @p2 $0x1082  }
0x22: {  	[simem:s7], [sflag:s8] =	dma.local @!p0 [hbm:s6], $0xF7A  }
0x23: {  	s9 =	sor.u32 $0xD0000000, s2;
	s6 =	simm.s32 $0x108;
	_ =	swait.ge @!p0 [sflag:s8], $0x0  }
0x24: {  	s3 =	sadd.s32 $0x88, s3;
	s6 =	simm.s32 @!p1 $0x1082;
	[sflag:s4] =	ssyncset.s32 $0xFFFFF086  }
0x25: {  	[simem:s6], [sflag:s4] =	dma.local [hbm:s3], $0xF7A  }
0x26: {  	[smem:$0x3F85] =	sst s1;
	(tag) =	ssettag s2;
	_ =	strace s9  }
0x27: {  	s1 =	sld [smem:$0x3F95]  }
0x28: {  	s2 =	sld [smem:$0x3F96]  }
0x29: {  	s4 =	sld [smem:$0x3F98]  }
0x2a: {  	p0 =	seq.s32 s5, $0x0;
	s5 =	sld [smem:$0x3F99]  }
0x2b: {  	s6 =	sld [smem:$0x3F9A]  }
0x2c: {  	s7 =	sld [smem:$0x3F9B]  }
0x2d: {  	s3 =	simm.s32 $0x108;
	s8 =	sld [smem:$0x3F9C]  }
0x2e: {  	s3 =	simm.s32 @!p0 $0x1082;
	s9 =	sld [smem:$0x3F9D]  }
0x2f: {  	lr =	sadd.s32 s0, s3;
	s0 =	sld [smem:$0x3F94]  }
0x30: {  	s3 =	sld [smem:$0x3F97]  }
0x31: {  	[smem:$0x3FA0] =	sst s10  }
0x32: {  	s10 =	sld [smem:$0x3F9E];
	_ =	sdelay $0x3  }
0x33: {  	p0 =	seq.s32 s10, $0x1;
	s10 =	sld [smem:$0x3FA0];
	_ =	sdelay $0x3  }
0x34: {  	[smem:$0x3FA0] =	sst s10  }
0x35: {  	s10 =	sld [smem:$0x3F9F];
	_ =	sdelay $0x3  }
0x36: {  	p1 =	seq.s32 s10, $0x1;
	s10 =	sld [smem:$0x3FA0];
	_ =	sdelay $0x3  }
0x37: {  	[smem:$0x3FA0] =	sst s10  }
0x38: {  	s10 =	sld [smem:$0x3FA1]  }
0x39: {  	_ = 	snop;
	(pc) =	sbr.ind lr, $3  }
0x3a: {  	_ = 	snop  }
0x3b: {  	_ = 	snop  }
0x3c: {  	p2 =	seq.s32 s10, $0x1;
	s10 =	sld [smem:$0x3FA0]  }
0x3d: {  	_ =	shalt  }
0x3e: {  	_ =	shalt  }
0x3f: {  	_ =	shalt  }
0x40: {  	_ =	shalt  }
0x41: {  	_ =	shalt  }
0x42: {  	_ =	shalt  }
0x43: {  	_ =	shalt  }
0x44: {  	_ =	shalt  }
0x45: {  	_ =	shalt  }
0x46: {  	_ =	shalt  }
0x47: {  	_ =	shalt  }
0x48: {  	_ =	shalt  }
0x49: {  	_ =	shalt  }
0x4a: {  	_ =	shalt  }
0x4b: {  	_ =	shalt  }
0x4c: {  	_ =	shalt  }
0x4d: {  	_ =	shalt  }
0x4e: {  	_ =	shalt  }
0x4f: {  	_ =	shalt  }
0x50: {  	_ =	shalt  }
0x51: {  	_ =	shalt  }
0x52: {  	_ =	shalt  }
0x53: {  	_ =	shalt  }
0x54: {  	_ =	shalt  }
0x55: {  	_ =	shalt  }
0x56: {  	_ =	shalt  }
0x57: {  	_ =	shalt  }
0x58: {  	_ =	shalt  }
0x59: {  	_ =	shalt  }
0x5a: {  	_ =	shalt  }
0x5b: {  	_ =	shalt  }
0x5c: {  	_ =	shalt  }
0x5d: {  	_ =	shalt  }
0x5e: {  	_ =	shalt  }
0x5f: {  	_ =	shalt  }
0x60: {  	_ =	shalt  }
0x61: {  	_ =	shalt  }
0x62: {  	_ =	shalt  }
0x63: {  	_ =	shalt  }
0x64: {  	_ =	shalt  }
0x65: {  	_ =	shalt  }
0x66: {  	_ =	shalt  }
0x67: {  	_ =	shalt  }
0x68: {  	_ =	shalt  }
0x69: {  	_ =	shalt  }
0x6a: {  	_ =	shalt  }
0x6b: {  	_ =	shalt  }
0x6c: {  	_ =	shalt  }
0x6d: {  	_ =	shalt  }
0x6e: {  	_ =	shalt  }
0x6f: {  	_ =	shalt  }
0x70: {  	_ =	shalt  }
0x71: {  	_ =	shalt  }
0x72: {  	_ =	shalt  }
0x73: {  	_ =	shalt  }
0x74: {  	_ =	shalt  }
0x75: {  	_ =	shalt  }
0x76: {  	_ =	shalt  }
0x77: {  	_ =	shalt  }
0x78: {  	_ =	shalt  }
0x79: {  	_ =	shalt  }
0x7a: {  	_ =	shalt  }
0x7b: {  	_ =	shalt  }
0x7c: {  	_ =	shalt  }
0x7d: {  	_ =	shalt  }
0x7e: {  	_ =	shalt  }
0x7f: {  	_ =	shalt  }
0x80: {  	_ =	shalt  }
0x81: {  	_ =	shalt  }
0x82: {  	_ =	shalt  }
0x83: {  	_ =	shalt  }
0x84: {  	_ =	shalt  }
0x85: {  	_ =	shalt  }
0x86: {  	_ =	shalt  }
0x87: {  	_ =	shalt  }
.Lfunc_end0:
.L_simem_size_0:
called_computation.3_lowered:
.L_overlay_start_0:
0x88: {  	s2 =	sld [smem:$0x3FD9]  }
0x89: {  	s3 =	sld [smem:$0x3FFE];
	_ =	sdelay $0x1  }
0x8a: {  	s1 =	srdreg.scid  }
0x8b: {  	s0 =	sand.u32 $0x1, s1  }
0x8c: {  	s16 =	sshll.u32 s0, $0xA;
	s2 =	sadd.s32 s3, s2  }
0x8d: {  	s2 =	sadd.s32 s2, s16  }
0x8e: {  	[smem:$0x3FAC] =	sst s2  }
0x8f: {  	_ = 	snop  }
0x90: {  	(tm) =	ssettm $0x1  }
0x91: {  	s17 =	sld [smem:$0x3FFB];
	_ =	sdelay $0x3  }
0x92: {  	_ =	strace s17  }
0x93: {  	s2 =	sld [smem:$0x3FFC];
	_ =	sdelay $0x3  }
0x94: {  	_ =	strace s2  }
0x95: {  	s2 =	sld [smem:$0x3FFD];
	_ =	sdelay $0x3  }
0x96: {  	_ =	strace s2  }
0x97: {  	_ =	strace $0x8FFFFFFF  }
0x98: {  	s18 =	sld [smem:$0x3FDB];
	_ =	sdelay $0x1  }
0x99: {  	s19 =	simm.s32 $_scs_section_size  }
0x9a: {  	s4 =	simm.s32 $_size__tile_overlayer_lowered;
	s5 =	simm.s32 $_tile_overlayer_lowered  }
0x9b: {  	s22 =	simm.s32 $0x1BFF;
	s21 =	sshll.u32 s5, $0x1;
	s2 =	sadd.s32 s19, s18  }
0x9c: {  	s6 =	simm.s32 $0x0;
	s20 =	sshll.u32 s4, $0x1;
	s4 =	sadd.s32 s21, s2  }
0x9d: {  	[timem:s6], [sflag:s22] =	dma.local [hbm:s4], s20  }
0x9e: {  	_ =	swait.ge [sflag:s22], s20  }
0x9f: {  	s3 =	ssub.s32 $0x0, s20;
	[sflag:s22] =	ssyncset.done $0x0  }
0xa0: {  	[sflag:s22] =	ssyncadd.s32 s3;
	_ =	sdelay $0x1  }
0xa1: {  	s23 =	simm.s32 $0x1B8B  }
0xa2: {  	_ =	swait.ge [sflag:s23], $0x1  }
0xa3: {  	[sflag:s23] =	ssyncset.done $0x0  }
0xa4: {  	s25 =	simm.s32 $0x1B8E;
	s24 =	sld [smem:$0x3FFE];
	[sflag:s23] =	ssyncadd.s32 $0xFFFFFFFF  }
0xa5: {  	s26 =	simm.s32 $execute0_lowered;
	[smem:$0x3FD2] =	sst s25  }
0xa6: {  	s4 =	sshll.u32 s26, $0x1;
	_ =	strace $0x8000004F;
	[dreg:$0x1] =	wrdreg $0xFFFFFFFF  }
0xa7: {  	s28 =	simm.s32 $_size_execute0_lowered;
	s2 =	sadd.s32 s2, s4;
	[dreg:$0x0] =	wrdreg $0x0  }
0xa8: {  	s4 =	sshll.u32 s28, $0x1;
	[dreg:$0x2] =	wrdreg s2  }
0xa9: {  	[dreg:$0x3] =	wrdreg s4  }
0xaa: {  	[dreg:$0x4] =	wrdreg $0xC0  }
0xab: {  	_ =	task [dreg:s6], $0x5FFFF  }
0xac: {  	[dreg:$0x1] =	wrdreg $0xFFFFFFFF  }
0xad: {  	[dreg:$0x0] =	wrdreg $0x60  }
0xae: {  	[dreg:$0x2] =	wrdreg s24  }
0xaf: {  	[dreg:$0x3] =	wrdreg $0x98000  }
0xb0: {  	[dreg:$0x4] =	wrdreg $0x1D7000  }
0xb1: {  	[dreg:$0x5] =	wrdreg $0x9  }
0xb2: {  	_ =	task.clear_ibuf [dreg:s6], $0x6FFFF;
	_ =	strace $0x9000004F  }
0xb3: {  	s29 =	simm.s32 $0x9;
	_ =	strace $0x80000051  }
0xb4: {  	_ =	swait.ge [sflag:s29], $0x1  }
0xb5: {  	[sflag:s29] =	ssyncadd.s32 $0xFFFFFFFF  }
0xb6: {  	_ =	strace $0x90000051  }
0xb7: {  	_ =	sfence  }
0xb8: {  	s30 =	sld [smem:$0x0];
	_ =	sdelay $0x2  }
0xb9: {  	s31 =	sshll.u32 s1, $0xD;
	s1 =	sshrl.u32 s1, $0x2  }
0xba: {  	s3 =	sand.u32 $0x4000, s31;
	s1 =	sadd.s32 s1, s30  }
0xbb: {  	s0 =	sor.u32 s3, s0;
	s1 =	sshll.u32 s1, $0x11  }
0xbc: {  	s0 =	sor.u32 s1, s0  }
0xbd: {  	s0 =	sadd.s32 $0x8F2B, s0  }
0xbe: {  	[sflag:s0] =	ssyncadd.remote.s32 $0x1  }
0xbf: {  	_ =	sfence.sel $0xFFFF  }
0xc0: {  	[dreg:$0x0] =	wrdreg $0xFFFFFFFF;
	(pc) =	sbr.abs _section_cstart, $3  }
0xc1: {  	[dreg:$0x1] =	wrdreg $0xFFFFFFFF  }
0xc2: {  	_ =	task.clear_ibuf [dreg:s6], $0x2FFFF;
	_ =	strace $0x9FFFFFFF  }
0xc3: {  	(tm) =	ssettm $0x7FFFFFFF  }
tec
execute0_lowered:
.L_overlay_start_1:
0x0: {  	(tag) =	ssettag $0x1  }
0x1: {  	s0 =	rddreg [dreg:$0x0]  }
0x2: {  	s1 =	rddreg [dreg:$0x1]  }
0x3: {  	s3 =	rddreg [dreg:$0x2];
	s4 =	simm.s32 $0x0;
	s2 =	srdreg.scid  }
0x4: {  	s16 =	stileid.u32;
	s29 =	simm.s32 $0x80;
	s30 =	simm.s32 $0x1  }
0x5: {  	s31 =	simm.s32 $0x2;
	[smem:$0x7FF] =	sst s4;
	s9 =	smul.u32 $0x13F00, s16  }
0x6: {  	s2 =	sand.u32 $0x1, s2;
	s5 =	sadd.s32 $0x12D400, s0;
	s11 =	smul.u32 $0x27E0, s16  }
0x7: {  	s6 =	sadd.s32 $0x119A00, s0;
	s7 =	sadd.s32 $0x6400, s0;
	s13 =	smul.u32 $0x27E, s16  }
0x8: {  	s8 =	sadd.s32 $0x10400, s0;
	s17 =	sshll.u32 s16, $0x1;
	s10 =	smul.u32 $0x13F000, s2  }
0x9: {  	_ =	strace $0x80000050;
	s12 =	smul.u32 $0x27E00, s2;
	s14 =	ssub.s32 $0x2, s2  }
0xa: {  	s2 =	sor.u32 s2, s17;
	s28 =	sshrl.u32 s14, $0x1;
	s15 =	sadd.s32 $0x80, s13  }
0xb: {  	s20 =	sadd.s32 $0x100, s13;
	s17 =	sadd.s32 $0x180, s13;
	s26 =	smul.u32 $0x500, s2  }
0xc: {  	s13 =	sadd.s32 $0x200, s13;
	s2 =	smul.u32 $0x2800, s2;
	s10 =	sadd.s32 s9, s10  }
0xd: {  	s12 =	sadd.s32 s11, s12;
	s18 =	sshll.u32 s15, $0x7;
	s9 =	sadd.s32 s9, s1  }
0xe: {  	s21 =	sshll.u32 s20, $0x7;
	s24 =	sshll.u32 s15, $0x4;
	s16 =	sshll.u32 s20, $0x4  }
0xf: {  	s10 =	sshrl.u32 s10, $0x3;
	s12 =	sshrl.u32 s12, $0x3;
	s19 =	sadd.s32 s18, s1  }
0x10: {  	s18 =	sshll.u32 s17, $0x7;
	s25 =	sadd.s32 s16, s3;
	s17 =	sshll.u32 s17, $0x4  }
0x11: {  	s20 =	sadd.s32 s8, s26;
	[dreg:$0x4] =	wrdreg s2;
	s10 =	sadd.s32 s10, s0  }
0x12: {  	s0 =	sadd.s32 s12, s0;
	s12 =	ssub.s32 s14, s28;
	[dreg:$0x5] =	wrdreg s19  }
0x13: {  	s19 =	sshll.u32 s13, $0x7;
	s14 =	sadd.s32 s21, s1;
	[dreg:$0xa] =	wrdreg s25  }
0x14: {  	s22 =	sadd.s32 s18, s1;
	s13 =	sshll.u32 s13, $0x4;
	[dreg:$0x6] =	wrdreg s14  }
0x15: {  	s28 =	sadd.s32 s17, s3;
	s25 =	simm.s32 $0x3;
	[dreg:$0x7] =	wrdreg s22  }
0x16: {  	s23 =	sadd.s32 s19, s1;
	s14 =	sadd.s32 s11, s3;
	s11 =	sadd.s32 s24, s3  }
0x17: {  	[dreg:$0xb] =	wrdreg s28;
	s13 =	sadd.s32 s13, s3;
	s19 =	sadd.s32 s7, s26  }
0x18: {  	s21 =	sadd.s32 $0x7D600, s10;
	s22 =	sadd.s32 $0x1A400, s0;
	[dreg:$0x8] =	wrdreg s23  }
0x19: {  	s24 =	simm.s32 $0x800;
	s26 =	simm.s32 $0x8800;
	[dreg:$0x9] =	wrdreg s11  }
0x1a: {  	v0 =	vimm.f32 $0.0e+00;
	s0 =	simm.s32 $0x780;
	[dreg:$0xc] =	wrdreg s13;
	s23 =	smax.u32 s12, $0x1  }
.LBB2_1:
0x1b: {  	s2 =	simm.s32 $0x0;
	s10 =	simm.s32 $0x200  }
.LBB2_2:
0x1c: {  	p0 =	sne.s32 s10, $0xFE00;
	[tilespmem:s2+$0x870] =	vst v0  }
0x1d: {  	[tilespmem:s2+$0x800] =	vst v0  }
0x1e: {  	[tilespmem:s2+$0x810] =	vst v0  }
.Ltmp0:
0x1f: {  	[tilespmem:s2+$0x820] =	vst v0;
	(pc) =	sbr.rel @p0 .LBB2_2-.Ltmp0, $4  }
0x20: {  	[tilespmem:s2+$0x830] =	vst v0  }
0x21: {  	[tilespmem:s2+$0x840] =	vst v0  }
0x22: {  	[tilespmem:s2+$0x850] =	vst v0  }
0x23: {  	[tilespmem:s2+$0x860] =	vst v0;
	s2 =	sshra.s32 s10, $0x2;
	s10 =	sadd.s32 $0x200, s10  }
0x24: {  	[tilespmem:s2+$0x870] =	vst v0  }
0x25: {  	[tilespmem:s2+$0x800] =	vst v0  }
0x26: {  	[tilespmem:s2+$0x810] =	vst v0  }
0x27: {  	[tilespmem:s2+$0x820] =	vst v0  }
0x28: {  	[tilespmem:s2+$0x830] =	vst v0  }
0x29: {  	[tilespmem:s2+$0x840] =	vst v0  }
0x2a: {  	[tilespmem:s2+$0x850] =	vst v0  }
0x2b: {  	[tilespmem:s2+$0x860] =	vst v0  }
0x2c: {  	[spmem:s9] =	stream.linear.scatter [tilespmem:s24], [sflag:$0x3], $0x4000, $0x38;
	[tilespmem:$0x1FEE0] =	vst v63  }
0x2d: {  	_ =	swait.ge [sflag:s25], $0x4000  }
0x2e: {  	[sflag:s25] =	ssyncset.done $0x0  }
0x2f: {  	s16 =	rddreg [dreg:$0x5];
	[sflag:s25] =	ssyncadd.s32 $0xFFFFC000  }
0x30: {  	[spmem:s16] =	stream.linear.scatter [tilespmem:s24], [sflag:$0x3], $0x4000, $0x38;
	[tilespmem:$0x1FEE0] =	vst v63  }
0x31: {  	_ =	swait.ge [sflag:s25], $0x4000  }
0x32: {  	[sflag:s25] =	ssyncset.done $0x0  }
0x33: {  	s17 =	rddreg [dreg:$0x6];
	[sflag:s25] =	ssyncadd.s32 $0xFFFFC000  }
0x34: {  	[spmem:s17] =	stream.linear.scatter [tilespmem:s24], [sflag:$0x3], $0x4000, $0x38;
	[tilespmem:$0x1FEE0] =	vst v63  }
0x35: {  	_ =	swait.ge [sflag:s25], $0x4000  }
0x36: {  	[sflag:s25] =	ssyncset.done $0x0  }
0x37: {  	s18 =	rddreg [dreg:$0x7];
	[sflag:s25] =	ssyncadd.s32 $0xFFFFC000  }
0x38: {  	[spmem:s18] =	stream.linear.scatter [tilespmem:s24], [sflag:$0x3], $0x4000, $0x38;
	[tilespmem:$0x1FEE0] =	vst v63  }
0x39: {  	_ =	swait.ge [sflag:s25], $0x4000  }
0x3a: {  	[sflag:s25] =	ssyncset.done $0x0  }
0x3b: {  	s28 =	rddreg [dreg:$0x8];
	[sflag:s25] =	ssyncadd.s32 $0xFFFFC000  }
0x3c: {  	[spmem:s28] =	stream.linear.scatter [tilespmem:s24], [sflag:$0x3], $0x3F00, $0x38;
	[tilespmem:$0x1FEE0] =	vst v63  }
0x3d: {  	_ =	swait.ge [sflag:s25], $0x3F00  }
0x3e: {  	[sflag:s25] =	ssyncset.done $0x0  }
0x3f: {  	s2 =	simm.s32 $0x40;
	s10 =	simm.s32 $0x0;
	[sflag:s25] =	ssyncadd.s32 $0xFFFFC100  }
.LBB2_4:
0x40: {  	p0 =	sne.s32 s2, $0x1FC0;
	[tilespmem:s10+$0x8800] =	vst v0;
	s10 =	smov.u32 s2;
	s2 =	sadd.s32 $0x40, s2  }
.Ltmp1:
0x41: {  	(pc) =	sbr.rel @p0 .LBB2_4-.Ltmp1, $2  }
0x42: {  	_ =	sdelay $0x2  }
0x43: {  	s10 =	sshra.s32 s10, $0x2  }
0x44: {  	[tilespmem:s10+$0x8800] =	vst v0  }
0x45: {  	[spmem:s14] =	stream.linear.scatter [tilespmem:s26], [sflag:$0x3], $0x800, $0x38;
	[tilespmem:$0x1FEE0] =	vst v63  }
0x46: {  	_ =	swait.ge [sflag:s25], $0x800  }
0x47: {  	[sflag:s25] =	ssyncset.done $0x0  }
0x48: {  	s2 =	rddreg [dreg:$0x9];
	[sflag:s25] =	ssyncadd.s32 $0xFFFFF800  }
0x49: {  	[spmem:s2] =	stream.linear.scatter [tilespmem:s26], [sflag:$0x3], $0x800, $0x38;
	[tilespmem:$0x1FEE0] =	vst v63  }
0x4a: {  	_ =	swait.ge [sflag:s25], $0x800  }
0x4b: {  	[sflag:s25] =	ssyncset.done $0x0  }
0x4c: {  	s15 =	rddreg [dreg:$0xa];
	[sflag:s25] =	ssyncadd.s32 $0xFFFFF800  }
0x4d: {  	[spmem:s15] =	stream.linear.scatter [tilespmem:s26], [sflag:$0x3], $0x800, $0x38;
	[tilespmem:$0x1FEE0] =	vst v63  }
0x4e: {  	_ =	swait.ge [sflag:s25], $0x800  }
0x4f: {  	[sflag:s25] =	ssyncset.done $0x0  }
0x50: {  	s16 =	rddreg [dreg:$0xb];
	[sflag:s25] =	ssyncadd.s32 $0xFFFFF800  }
0x51: {  	[spmem:s16] =	stream.linear.scatter [tilespmem:s26], [sflag:$0x3], $0x800, $0x38;
	[tilespmem:$0x1FEE0] =	vst v63  }
0x52: {  	_ =	swait.ge [sflag:s25], $0x800  }
0x53: {  	[sflag:s25] =	ssyncset.done $0x0  }
0x54: {  	s17 =	rddreg [dreg:$0xc];
	[sflag:s25] =	ssyncadd.s32 $0xFFFFF800  }
0x55: {  	[spmem:s17] =	stream.linear.scatter [tilespmem:s26], [sflag:$0x3], $0x7E0, $0x38;
	[tilespmem:$0x1FEE0] =	vst v63  }
0x56: {  	_ =	swait.ge [sflag:s25], $0x7E0  }
0x57: {  	[sflag:s25] =	ssyncset.done $0x0  }
0x58: {  	[sflag:s25] =	ssyncadd.s32 $0xFFFFF820  }
0x59: {  	s18 =	simm.s32 $0x0;
	[bflag:$0x0] =	sbarrier.arrive $0xFFFF  }
0x5a: {  	[tilespmem:s18], [sflag:$0x3] =	stream.linear.gather [hbm4b:s19+s18], $0x200, $0x38;
	[tilespmem:$0x1FEE0] =	vst v63  }
0x5b: {  	_ =	swait.ge [sflag:s25], $0x200  }
0x5c: {  	p0 =	por $0x0, $0x0;
	[sflag:s25] =	ssyncset.done $0x0  }
0x5d: {  	s10 =	sand.u32 $0x3, s18;
	s15 =	simm.s32 $0x400;
	[sflag:s25] =	ssyncadd.s32 $0xFFFFFE00  }
0x5e: {  	[tilespmem:s15], [sflag:$0x3] =	stream.linear.gather [hbm4b:s20+s18], $0x200, $0x38;
	[tilespmem:$0x1FEE0] =	vst v63  }
0x5f: {  	p1 =	sne.s32 @!p0 s10, $0x0;
	_ =	swait.ge [sflag:s25], $0x200  }
0x60: {  	p0 =	por p1, p0;
	[sflag:s25] =	ssyncset.done $0x0;
	s11 =	rddreg [dreg:$0x4]  }
0x61: {  	[sflag:s25] =	ssyncadd.s32 $0xFFFFFE00;
	s11 =	sadd.s32 @!p0 $0x200, s11  }
0x62: {  	[tilespmem:s24], [sflag:$0x1] =	stream.indirect.gather [hbm4b:s5+s29], $0x80, s18, s29, $0xb8;
	[tilespmem:$0x1FEE0] =	vst v63  }
0x63: {  	s12 =	simm.s32 @!p0 $0x200;
	s11 =	sshrl.u32 @!p0 s11, $0x3  }
0x64: {  	[tilespmem:s26], [sflag:$0x2] =	stream.indirect.gather [hbm4b:s6+s29], $0x10, s18, s29, $0xb8;
	[tilespmem:$0x1FEE0] =	vst v63  }
0x65: {  	s28 =	simm.s32 @!p0 $0x0;
	s12 =	sand.u32 @!p0 $0x200, s12;
	s13 =	sadd.s32 @!p0 s7, s11  }
0x66: {  	[tilespmem:s12], [sflag:$0x3] =	stream.linear.gather @!p0 [hbm4b:s13+s28], $0x200, $0x38;
	[tilespmem:$0x1FEE0] =	vst v63  }
0x67: {  	s13 =	simm.s32 @!p0 $0x3  }
0x68: {  	_ =	swait.ge @!p0 [sflag:s13], $0x200  }
0x69: {  	[sflag:s13] =	ssyncset.done @!p0 $0x0  }
0x6a: {  	s11 =	sadd.s32 @!p0 s8, s11;
	s12 =	sor.u32 @!p0 $0x400, s12;
	[sflag:s13] =	ssyncadd.s32 @!p0 $0xFFFFFE00  }
0x6b: {  	[tilespmem:s12], [sflag:$0x3] =	stream.linear.gather @!p0 [hbm4b:s11+s28], $0x200, $0x38;
	[tilespmem:$0x1FEE0] =	vst v63  }
0x6c: {  	_ =	swait.ge @!p0 [sflag:s13], $0x200  }
0x6d: {  	[sflag:s13] =	ssyncset.done @!p0 $0x0  }
0x6e: {  	[sflag:s13] =	ssyncadd.s32 @!p0 $0xFFFFFE00  }
0x6f: {  	_ =	swait.ge [sflag:s30], $0x4000  }
0x70: {  	s10 =	sshll.u32 s10, $0x7;
	s2 =	sand.u32 $0x1, s18;
	[sflag:s30] =	ssyncset.done $0x0  }
0x71: {  	s16 =	simm.s32 $0x0;
	s17 =	simm.s32 $0x80;
	[sflag:s30] =	ssyncadd.s32 $0xFFFFC000  }
0x72: {  	s18 =	sxor.u32 $0x1, s2;
	s11 =	sand.u32 $0x200, s16;
	_ =	swait.ge [sflag:s31], $0x800  }
0x73: {  	s28 =	sshll.u32 s18, $0xE;
	s12 =	sand.u32 $0x380, s17;
	[sflag:s31] =	ssyncset.done $0x0  }
0x74: {  	s28 =	sor.u32 $0x800, s28;
	s13 =	sshll.u32 s18, $0xB;
	[sflag:s31] =	ssyncadd.s32 $0xFFFFF800  }
0x75: {  	[tilespmem:s28], [sflag:$0x1] =	stream.indirect.gather [hbm4b:s5+s29], $0x80, s12, s29, $0xb8;
	[tilespmem:$0x1FEE0] =	vst v63  }
0x76: {  	s15 =	sshll.u32 s2, $0xE;
	s10 =	sor.u32 s10, s11;
	s13 =	sadd.s32 $0x8800, s13  }
0x77: {  	[tilespmem:s13], [sflag:$0x2] =	stream.indirect.gather [hbm4b:s6+s29], $0x10, s12, s29, $0xb8;
	[tilespmem:$0x1FEE0] =	vst v63  }
0x78: {  	s17 =	sshll.u32 s2, $0xB;
	s11 =	sor.u32 $0x800, s15;
	s16 =	sor.u32 $0x400, s10  }
0x79: {  	[spmem:s1] =	stream.indirect.scatter.add.f32 [tilespmem:s11], [sflag:$0x3], $0x80, s16, s29, $0xb8;
	[tilespmem:$0x1FEE0] =	vst v63  }
0x7a: {  	s2 =	simm.s32 $0x1;
	s10 =	simm.s32 $0x600;
	_ =	swait.ge [sflag:s25], $0x4000  }
0x7b: {  	s18 =	sadd.s32 $0x8800, s17;
	p0 =	por $0x0, $0x0;
	[sflag:s25] =	ssyncset.done $0x0  }
0x7c: {  	s28 =	simm.s32 $0x400;
	s11 =	sand.u32 $0x3, s2;
	[sflag:s25] =	ssyncadd.s32 $0xFFFFC000  }
0x7d: {  	[spmem:s3] =	stream.indirect.scatter.add.f32 [tilespmem:s18], [sflag:$0x3], $0x10, s16, s29, $0xb8;
	[tilespmem:$0x1FEE0] =	vst v63  }
0x7e: {  	s12 =	simm.s32 $0x0;
	p1 =	sne.s32 @!p0 s11, $0x0;
	_ =	swait.ge [sflag:s25], $0x800  }
0x7f: {  	p0 =	por p1, p0;
	s13 =	rddreg [dreg:$0x4];
	[sflag:s25] =	ssyncset.done $0x0  }
.LBB2_6:
0x80: {  	s15 =	sshll.u32 @!p0 s12, $0x9  }
0x81: {  	s16 =	sshll.u32 s12, $0x9;
	[sflag:s25] =	ssyncadd.s32 $0xFFFFF800;
	s15 =	sadd.s32 @!p0 $0x200, s15  }
0x82: {  	s11 =	sshll.u32 s11, $0x7;
	s12 =	sand.u32 $0x200, s16;
	s13 =	sadd.s32 @!p0 s13, s15  }
0x83: {  	s18 =	simm.s32 @!p0 $0x0;
	s11 =	sor.u32 s11, s12;
	s12 =	sshrl.u32 @!p0 s13, $0x3  }
0x84: {  	s15 =	sand.u32 @!p0 $0x200, s15;
	s13 =	simm.s32 @!p0 $0x3;
	s17 =	sadd.s32 @!p0 s7, s12  }
0x85: {  	[tilespmem:s15], [sflag:$0x3] =	stream.linear.gather @!p0 [hbm4b:s17+s18], $0x200, $0x38;
	[tilespmem:$0x1FEE0] =	vst v63  }
0x86: {  	_ =	swait.ge @!p0 [sflag:s13], $0x200  }
0x87: {  	[sflag:s13] =	ssyncset.done @!p0 $0x0  }
0x88: {  	s16 =	sor.u32 @!p0 $0x400, s15;
	s12 =	sadd.s32 @!p0 s8, s12;
	[sflag:s13] =	ssyncadd.s32 @!p0 $0xFFFFFE00  }
0x89: {  	[tilespmem:s16], [sflag:$0x3] =	stream.linear.gather @!p0 [hbm4b:s12+s18], $0x200, $0x38;
	[tilespmem:$0x1FEE0] =	vst v63  }
0x8a: {  	_ =	swait.ge @!p0 [sflag:s13], $0x200  }
0x8b: {  	[sflag:s13] =	ssyncset.done @!p0 $0x0  }
0x8c: {  	[sflag:s13] =	ssyncadd.s32 @!p0 $0xFFFFFE00  }
0x8d: {  	_ =	swait.ge [sflag:s30], $0x4000  }
0x8e: {  	s12 =	sand.u32 $0x1, s2;
	[sflag:s30] =	ssyncset.done $0x0  }
0x8f: {  	s15 =	smov.u32 s10;
	s17 =	sxor.u32 $0x1, s12;
	[sflag:s30] =	ssyncadd.s32 $0xFFFFC000  }
0x90: {  	s10 =	sadd.s32 $0x200, s10;
	s18 =	sshll.u32 s17, $0xE;
	_ =	swait.ge [sflag:s31], $0x800  }
0x91: {  	s17 =	sshll.u32 s17, $0xB;
	s13 =	sshrl.u32 s28, $0x2;
	[sflag:s31] =	ssyncset.done $0x0  }
0x92: {  	s18 =	sor.u32 $0x800, s18;
	s13 =	sand.u32 $0x380, s13;
	[sflag:s31] =	ssyncadd.s32 $0xFFFFF800  }
0x93: {  	[tilespmem:s18], [sflag:$0x1] =	stream.indirect.gather [hbm4b:s5+s29], $0x80, s13, s29, $0xb8;
	[tilespmem:$0x1FEE0] =	vst v63  }
0x94: {  	s16 =	sshll.u32 s12, $0xB;
	s12 =	sshll.u32 s12, $0xE;
	s17 =	sadd.s32 $0x8800, s17  }
0x95: {  	[tilespmem:s17], [sflag:$0x2] =	stream.indirect.gather [hbm4b:s6+s29], $0x10, s13, s29, $0xb8;
	[tilespmem:$0x1FEE0] =	vst v63  }
0x96: {  	p1 =	sne.s32 s10, $0xA000;
	s12 =	sor.u32 $0x800, s12;
	s17 =	sor.u32 $0x400, s11  }
0x97: {  	[spmem:s1] =	stream.indirect.scatter.add.f32 [tilespmem:s12], [sflag:$0x3], $0x80, s17, s29, $0xb8;
	[tilespmem:$0x1FEE0] =	vst v63  }
0x98: {  	s2 =	sadd.s32 $0x1, s2;
	s28 =	smov.u32 s15;
	_ =	swait.ge [sflag:s25], $0x4000  }
.Ltmp2:
0x99: {  	p0 =	sgt.u32 s2, $0x4B;
	[sflag:s25] =	ssyncset.done $0x0;
	(pc) =	sbr.rel @p1 .LBB2_6-.Ltmp2, $4  }
0x9a: {  	s18 =	sadd.s32 $0x8800, s16;
	s11 =	sand.u32 $0x3, s2;
	[sflag:s25] =	ssyncadd.s32 $0xFFFFC000  }
0x9b: {  	[spmem:s3] =	stream.indirect.scatter.add.f32 [tilespmem:s18], [sflag:$0x3], $0x10, s17, s29, $0xb8;
	[tilespmem:$0x1FEE0] =	vst v63  }
0x9c: {  	p2 =	sne.s32 @!p0 s11, $0x0;
	s12 =	sshrl.u32 s2, $0x2;
	_ =	swait.ge [sflag:s25], $0x800  }
0x9d: {  	p0 =	por p2, p0;
	s13 =	rddreg [dreg:$0x4];
	[sflag:s25] =	ssyncset.done $0x0  }
0x9e: {  	s10 =	sshll.u32 @!p0 s12, $0x9  }
0x9f: {  	s10 =	sadd.s32 @!p0 $0x200, s10  }
0xa0: {  	s13 =	sadd.s32 @!p0 s13, s10  }
0xa1: {  	[sflag:s25] =	ssyncadd.s32 $0xFFFFF800;
	s13 =	sshrl.u32 @!p0 s13, $0x3  }
0xa2: {  	s16 =	simm.s32 @!p0 $0x0;
	s10 =	sand.u32 @!p0 $0x200, s10;
	s15 =	sadd.s32 @!p0 s7, s13  }
0xa3: {  	[tilespmem:s10], [sflag:$0x3] =	stream.linear.gather @!p0 [hbm4b:s15+s16], $0x200, $0x38;
	[tilespmem:$0x1FEE0] =	vst v63  }
0xa4: {  	s15 =	simm.s32 @!p0 $0x3  }
0xa5: {  	_ =	swait.ge @!p0 [sflag:s15], $0x200  }
0xa6: {  	[sflag:s15] =	ssyncset.done @!p0 $0x0  }
0xa7: {  	s13 =	sadd.s32 @!p0 s8, s13;
	s10 =	sor.u32 @!p0 $0x400, s10;
	[sflag:s15] =	ssyncadd.s32 @!p0 $0xFFFFFE00  }
0xa8: {  	[tilespmem:s10], [sflag:$0x3] =	stream.linear.gather @!p0 [hbm4b:s13+s16], $0x200, $0x38;
	[tilespmem:$0x1FEE0] =	vst v63  }
0xa9: {  	_ =	swait.ge @!p0 [sflag:s15], $0x200  }
0xaa: {  	[sflag:s15] =	ssyncset.done @!p0 $0x0  }
0xab: {  	[sflag:s15] =	ssyncadd.s32 @!p0 $0xFFFFFE00  }
0xac: {  	_ =	swait.ge [sflag:s30], $0x4000  }
0xad: {  	[sflag:s30] =	ssyncset.done $0x0  }
0xae: {  	s2 =	sand.u32 $0x1, s2;
	[sflag:s30] =	ssyncadd.s32 $0xFFFFC000  }
0xaf: {  	s18 =	sshrl.u32 s28, $0x2;
	s17 =	sxor.u32 $0x1, s2;
	_ =	swait.ge [sflag:s31], $0x800  }
0xb0: {  	s28 =	sshll.u32 s17, $0xE;
	s13 =	sand.u32 $0x380, s18;
	[sflag:s31] =	ssyncset.done $0x0  }
0xb1: {  	s10 =	sshll.u32 s17, $0xB;
	s15 =	sor.u32 $0x800, s28;
	[sflag:s31] =	ssyncadd.s32 $0xFFFFF800  }
0xb2: {  	[tilespmem:s15], [sflag:$0x1] =	stream.indirect.gather [hbm4b:s5+s29], $0x80, s13, s29, $0xb8;
	[tilespmem:$0x1FEE0] =	vst v63  }
0xb3: {  	s12 =	sshll.u32 s12, $0x9;
	s10 =	sadd.s32 $0x8800, s10  }
0xb4: {  	[tilespmem:s10], [sflag:$0x2] =	stream.indirect.gather [hbm4b:s6+s29], $0x10, s13, s29, $0xb8;
	[tilespmem:$0x1FEE0] =	vst v63  }
0xb5: {  	s11 =	sshll.u32 s11, $0x7;
	s10 =	sand.u32 $0x200, s12  }
0xb6: {  	s13 =	sshll.u32 s2, $0xE;
	s10 =	sor.u32 s11, s10  }
0xb7: {  	s11 =	sor.u32 $0x800, s13;
	s10 =	sor.u32 $0x400, s10  }
0xb8: {  	[spmem:s1] =	stream.indirect.scatter.add.f32 [tilespmem:s11], [sflag:$0x3], $0x80, s10, s29, $0xb8;
	[tilespmem:$0x1FEE0] =	vst v63  }
0xb9: {  	_ =	swait.ge [sflag:s25], $0x4000  }
0xba: {  	s2 =	sshll.u32 s2, $0xB;
	[sflag:s25] =	ssyncset.done $0x0  }
0xbb: {  	s2 =	sadd.s32 $0x8800, s2;
	[sflag:s25] =	ssyncadd.s32 $0xFFFFC000  }
0xbc: {  	[spmem:s3] =	stream.indirect.scatter.add.f32 [tilespmem:s2], [sflag:$0x3], $0x10, s10, s29, $0xb8;
	[tilespmem:$0x1FEE0] =	vst v63  }
0xbd: {  	_ =	swait.ge [sflag:s25], $0x800  }
0xbe: {  	[sflag:s25] =	ssyncset.done $0x0  }
0xbf: {  	[sflag:s25] =	ssyncadd.s32 $0xFFFFF800  }
0xc0: {  	_ =	swait.ge [sflag:s30], $0x4000  }
0xc1: {  	[sflag:s30] =	ssyncset.done $0x0  }
0xc2: {  	[sflag:s30] =	ssyncadd.s32 $0xFFFFC000  }
0xc3: {  	_ =	swait.ge [sflag:s31], $0x800  }
0xc4: {  	[sflag:s31] =	ssyncset.done $0x0  }
0xc5: {  	s15 =	simm.s32 $0x4800;
	[sflag:s31] =	ssyncadd.s32 $0xFFFFF800  }
0xc6: {  	[spmem:s1] =	stream.indirect.scatter.add.f32 [tilespmem:s15], [sflag:$0x3], $0x80, s0, s29, $0xb8;
	[tilespmem:$0x1FEE0] =	vst v63  }
0xc7: {  	_ =	swait.ge [sflag:s25], $0x4000  }
0xc8: {  	[sflag:s25] =	ssyncset.done $0x0  }
0xc9: {  	s16 =	simm.s32 $0x9000;
	[sflag:s25] =	ssyncadd.s32 $0xFFFFC000  }
0xca: {  	[spmem:s3] =	stream.indirect.scatter.add.f32 [tilespmem:s16], [sflag:$0x3], $0x10, s0, s29, $0xb8;
	[tilespmem:$0x1FEE0] =	vst v63  }
0xcb: {  	_ =	swait.ge [sflag:s25], $0x800  }
0xcc: {  	s17 =	stileid.u32;
	[sflag:s25] =	ssyncset.done $0x0  }
0xcd: {  	s2 =	sshll.u32 s17, $0x6;
	[sflag:s25] =	ssyncadd.s32 $0xFFFFF800  }
0xce: {  	s18 =	sshrl.u32 s9, $0x3;
	s2 =	sor.u32 $0x1C03, s2;
	[bflag:$0x0] =	sbarrier.arrive $0xFFFF  }
0xcf: {  	[hbm:s21], [sflag:s2] =	dma.local [spmem:s18], $0x27E0  }
0xd0: {  	s4 =	sadd.s32 $0x1, s4;
	_ =	swait.ge [sflag:s25], $0x27E0  }
0xd1: {  	p0 =	sne.s32 s4, s23;
	[sflag:s25] =	ssyncset.done $0x0  }
.Ltmp3:
0xd2: {  	s28 =	sshrl.u32 s14, $0x3;
	[sflag:s25] =	ssyncadd.s32 $0xFFFFD820;
	(pc) =	sbr.rel @p0 .LBB2_1-.Ltmp3, $4  }
0xd3: {  	[hbm:s22], [sflag:s2] =	dma.local [spmem:s28], $0x4FC  }
0xd4: {  	_ =	swait.ge [sflag:s25], $0x4FC  }
0xd5: {  	[sflag:s25] =	ssyncset.done $0x0  }
0xd6: {  	[sflag:s25] =	ssyncadd.s32 $0xFFFFFB04  }
0xd7: {  	_ =	sfence.sel $0x180000  }
0xd8: {  	[bflag:$0x0] =	sbarrier.arrive $0xFFFF  }
0xd9: {  	_ =	strace $0x90000050  }
0xda: {  	s0 =	stileid.u32;
	[bflag:$0x2] =	sbarrier.arrive $0xFFFF  }
0xdb: {  	p0 =	sne.s32 s0, $0x0;
	s0 =	rddreg [dreg:$0x3]  }
0xdc: {  	s0 =	sadd.s32 @!p0 $0x100000, s0  }
0xdd: {  	[sflag:s0] =	ssyncadd.tile.s32 @!p0 $0x1;
	_ =	shalt  }
.Lfunc_end2:
_tile_overlayer_lowered:
.L_overlay_start_2:
0xde: {  	(tag) =	ssettag $0x2  }
0xdf: {  	s0 =	rddreg [dreg:$0x0];
	s2 =	stileid.u32  }
0xe0: {  	s1 =	rddreg [dreg:$0x1];
	p0 =	sne.s32 s2, $0x0  }
0xe1: {  	s3 =	rddreg [dreg:$0x2];
	[bflag:$0x3] =	sbarrier.arrive $0xFFFF;
	s2 =	simm.s32 @!p0 $0x1C03  }
0xe2: {  	[timem:s3], [sflag:s2] =	dma.local @!p0 [hbm:s0], s1  }
0xe3: {  	s0 =	simm.s32 @!p0 $0x3  }
0xe4: {  	_ =	swait.ge @!p0 [sflag:s0], s1  }
0xe5: {  	s1 =	ssub.s32 @!p0 $0x0, s1;
	[sflag:s0] =	ssyncset.done @!p0 $0x0  }
0xe6: {  	[sflag:s0] =	ssyncadd.s32 @!p0 s1  }
0xe7: {  	[bflag:$0x3] =	sbarrier.arrive $0xFFFF  }
0xe8: {  	_ =	shalt  }

// kernel: kernel.17.cloned.1.call-start
scs
__scs_entry_jumppad:
0x0: {  	(pc) =	sbr.rel $0x88, $3  }
0x1: {  	(tag) =	ssettag $0x0;
	lr =	simm.s32 $0x1  }
0x2: {  	[smem:$0x3F85] =	sst lr;
	_ =	strace $0xD0000000  }
0x3: {  	_ = 	snop  }
0x4: {  	_ = 	snop  }
0x5: {  	_ = 	snop  }
0x6: {  	_ = 	snop  }
0x7: {  	_ = 	snop  }
__scs_overlays_trampoline_lowered:
0x8: {  	[smem:$0x3F94] =	sst s0  }
0x9: {  	[smem:$0x3F95] =	sst s1  }
0xa: {  	[smem:$0x3F96] =	sst s2  }
0xb: {  	[smem:$0x3F97] =	sst s3  }
0xc: {  	[smem:$0x3F98] =	sst s4  }
0xd: {  	[smem:$0x3F99] =	sst s5  }
0xe: {  	[smem:$0x3F9A] =	sst s6  }
0xf: {  	[smem:$0x3F9B] =	sst s7  }
0x10: {  	[smem:$0x3F9C] =	sst s8  }
0x11: {  	[smem:$0x3F9D] =	sst s9;
	s0 =	simm.s32 @!p0 $0x0  }
0x12: {  	s1 =	sld [smem:$0x3F83];
	s0 =	simm.s32 @p0 $0x1  }
0x13: {  	[smem:$0x3F9E] =	sst s0;
	s0 =	simm.s32 @!p1 $0x0  }
0x14: {  	s2 =	sld [smem:$0x3F82];
	s0 =	simm.s32 @p1 $0x1  }
0x15: {  	[smem:$0x3F9F] =	sst s0;
	s0 =	simm.s32 @!p2 $0x0  }
0x16: {  	s3 =	sld [smem:$0x3FDB];
	s0 =	simm.s32 @p2 $0x1  }
0x17: {  	s4 =	simm.s32 $0x1BF5;
	[smem:$0x3FA1] =	sst s0  }
0x18: {  	s0 =	sld [smem:$0x3F84];
	_ =	swait.ge [sflag:s4], $0x0  }
0x19: {  	s7 =	sld [smem:$0x3F85]  }
0x1a: {  	s8 =	sadd.s32 $0xFFFFE003, lr  }
0x1b: {  	s9 =	sadd.s32 $0xFFFFFEF7, lr;
	s5 =	simm.s32 $0xFFFFFFFF;
	p2 =	slt.u32 s8, $0xFFFFF086  }
0x1c: {  	p1 =	slt.u32 s9, $0xF7A;
	s5 =	simm.s32 @!p2 $0x0  }
0x1d: {  	s5 =	simm.s32 @p1 $0x1;
	p0 =	seq.s32 s7, s2  }
0x1e: {  	s7 =	smul.u32 @!p0 $0xF7A, s2;
	p2 =	seq.s32 @!p0 s5, $0x0  }
0x1f: {  	s9 =	smul.u32 $0xF7A, s1;
	s8 =	simm.s32 @!p0 $0x1BF5;
	p2 =	por !p2, p0  }
0x20: {  	[sflag:s8] =	ssyncset.s32 @!p0 $0xFFFFF086;
	s6 =	sadd.s32 @!p0 s3, s7;
	s7 =	simm.s32 @!p0 $0x108  }
0x21: {  	s3 =	sadd.s32 s3, s9;
	s6 =	sadd.s32 @!p0 $0x88, s6;
	s7 =	simm.s32 @p2 $0x1082  }
0x22: {  	[simem:s7], [sflag:s8] =	dma.local @!p0 [hbm:s6], $0xF7A  }
0x23: {  	s9 =	sor.u32 $0xD0000000, s2;
	s6 =	simm.s32 $0x108;
	_ =	swait.ge @!p0 [sflag:s8], $0x0  }
0x24: {  	s3 =	sadd.s32 $0x88, s3;
	s6 =	simm.s32 @!p1 $0x1082;
	[sflag:s4] =	ssyncset.s32 $0xFFFFF086  }
0x25: {  	[simem:s6], [sflag:s4] =	dma.local [hbm:s3], $0xF7A  }
0x26: {  	[smem:$0x3F85] =	sst s1;
	(tag) =	ssettag s2;
	_ =	strace s9  }
0x27: {  	s1 =	sld [smem:$0x3F95]  }
0x28: {  	s2 =	sld [smem:$0x3F96]  }
0x29: {  	s4 =	sld [smem:$0x3F98]  }
0x2a: {  	p0 =	seq.s32 s5, $0x0;
	s5 =	sld [smem:$0x3F99]  }
0x2b: {  	s6 =	sld [smem:$0x3F9A]  }
0x2c: {  	s7 =	sld [smem:$0x3F9B]  }
0x2d: {  	s3 =	simm.s32 $0x108;
	s8 =	sld [smem:$0x3F9C]  }
0x2e: {  	s3 =	simm.s32 @!p0 $0x1082;
	s9 =	sld [smem:$0x3F9D]  }
0x2f: {  	lr =	sadd.s32 s0, s3;
	s0 =	sld [smem:$0x3F94]  }
0x30: {  	s3 =	sld [smem:$0x3F97]  }
0x31: {  	[smem:$0x3FA0] =	sst s10  }
0x32: {  	s10 =	sld [smem:$0x3F9E];
	_ =	sdelay $0x3  }
0x33: {  	p0 =	seq.s32 s10, $0x1;
	s10 =	sld [smem:$0x3FA0];
	_ =	sdelay $0x3  }
0x34: {  	[smem:$0x3FA0] =	sst s10  }
0x35: {  	s10 =	sld [smem:$0x3F9F];
	_ =	sdelay $0x3  }
0x36: {  	p1 =	seq.s32 s10, $0x1;
	s10 =	sld [smem:$0x3FA0];
	_ =	sdelay $0x3  }
0x37: {  	[smem:$0x3FA0] =	sst s10  }
0x38: {  	s10 =	sld [smem:$0x3FA1]  }
0x39: {  	_ = 	snop;
	(pc) =	sbr.ind lr, $3  }
0x3a: {  	_ = 	snop  }
0x3b: {  	_ = 	snop  }
0x3c: {  	p2 =	seq.s32 s10, $0x1;
	s10 =	sld [smem:$0x3FA0]  }
0x3d: {  	_ =	shalt  }
0x3e: {  	_ =	shalt  }
0x3f: {  	_ =	shalt  }
0x40: {  	_ =	shalt  }
0x41: {  	_ =	shalt  }
0x42: {  	_ =	shalt  }
0x43: {  	_ =	shalt  }
0x44: {  	_ =	shalt  }
0x45: {  	_ =	shalt  }
0x46: {  	_ =	shalt  }
0x47: {  	_ =	shalt  }
0x48: {  	_ =	shalt  }
0x49: {  	_ =	shalt  }
0x4a: {  	_ =	shalt  }
0x4b: {  	_ =	shalt  }
0x4c: {  	_ =	shalt  }
0x4d: {  	_ =	shalt  }
0x4e: {  	_ =	shalt  }
0x4f: {  	_ =	shalt  }
0x50: {  	_ =	shalt  }
0x51: {  	_ =	shalt  }
0x52: {  	_ =	shalt  }
0x53: {  	_ =	shalt  }
0x54: {  	_ =	shalt  }
0x55: {  	_ =	shalt  }
0x56: {  	_ =	shalt  }
0x57: {  	_ =	shalt  }
0x58: {  	_ =	shalt  }
0x59: {  	_ =	shalt  }
0x5a: {  	_ =	shalt  }
0x5b: {  	_ =	shalt  }
0x5c: {  	_ =	shalt  }
0x5d: {  	_ =	shalt  }
0x5e: {  	_ =	shalt  }
0x5f: {  	_ =	shalt  }
0x60: {  	_ =	shalt  }
0x61: {  	_ =	shalt  }
0x62: {  	_ =	shalt  }
0x63: {  	_ =	shalt  }
0x64: {  	_ =	shalt  }
0x65: {  	_ =	shalt  }
0x66: {  	_ =	shalt  }
0x67: {  	_ =	shalt  }
0x68: {  	_ =	shalt  }
0x69: {  	_ =	shalt  }
0x6a: {  	_ =	shalt  }
0x6b: {  	_ =	shalt  }
0x6c: {  	_ =	shalt  }
0x6d: {  	_ =	shalt  }
0x6e: {  	_ =	shalt  }
0x6f: {  	_ =	shalt  }
0x70: {  	_ =	shalt  }
0x71: {  	_ =	shalt  }
0x72: {  	_ =	shalt  }
0x73: {  	_ =	shalt  }
0x74: {  	_ =	shalt  }
0x75: {  	_ =	shalt  }
0x76: {  	_ =	shalt  }
0x77: {  	_ =	shalt  }
0x78: {  	_ =	shalt  }
0x79: {  	_ =	shalt  }
0x7a: {  	_ =	shalt  }
0x7b: {  	_ =	shalt  }
0x7c: {  	_ =	shalt  }
0x7d: {  	_ =	shalt  }
0x7e: {  	_ =	shalt  }
0x7f: {  	_ =	shalt  }
0x80: {  	_ =	shalt  }
0x81: {  	_ =	shalt  }
0x82: {  	_ =	shalt  }
0x83: {  	_ =	shalt  }
0x84: {  	_ =	shalt  }
0x85: {  	_ =	shalt  }
0x86: {  	_ =	shalt  }
0x87: {  	_ =	shalt  }
.Lfunc_end0:
.L_simem_size_0:
called_computation.4_lowered:
.L_overlay_start_0:
0x88: {  	s2 =	sld [smem:$0x3FD9]  }
0x89: {  	s3 =	sld [smem:$0x3FFE];
	_ =	sdelay $0x1  }
0x8a: {  	s1 =	srdreg.scid  }
0x8b: {  	s0 =	sand.u32 $0x1, s1  }
0x8c: {  	s16 =	sshll.u32 s0, $0xA;
	s2 =	sadd.s32 s3, s2  }
0x8d: {  	s2 =	sadd.s32 s2, s16  }
0x8e: {  	[smem:$0x3FAC] =	sst s2  }
0x8f: {  	_ = 	snop  }
0x90: {  	(tm) =	ssettm $0x1  }
0x91: {  	s17 =	sld [smem:$0x3FFB];
	_ =	sdelay $0x3  }
0x92: {  	_ =	strace s17  }
0x93: {  	s2 =	sld [smem:$0x3FFC];
	_ =	sdelay $0x3  }
0x94: {  	_ =	strace s2  }
0x95: {  	s2 =	sld [smem:$0x3FFD];
	_ =	sdelay $0x3  }
0x96: {  	_ =	strace s2  }
0x97: {  	_ =	strace $0x8FFFFFFF  }
0x98: {  	s18 =	sld [smem:$0x3FDB];
	_ =	sdelay $0x1  }
0x99: {  	s19 =	simm.s32 $_scs_section_size  }
0x9a: {  	s4 =	simm.s32 $_size__tile_overlayer_lowered;
	s5 =	simm.s32 $_tile_overlayer_lowered  }
0x9b: {  	s22 =	simm.s32 $0x1BFF;
	s21 =	sshll.u32 s5, $0x1;
	s2 =	sadd.s32 s19, s18  }
0x9c: {  	s6 =	simm.s32 $0x0;
	s20 =	sshll.u32 s4, $0x1;
	s4 =	sadd.s32 s21, s2  }
0x9d: {  	[timem:s6], [sflag:s22] =	dma.local [hbm:s4], s20  }
0x9e: {  	_ =	swait.ge [sflag:s22], s20  }
0x9f: {  	s3 =	ssub.s32 $0x0, s20;
	[sflag:s22] =	ssyncset.done $0x0  }
0xa0: {  	[sflag:s22] =	ssyncadd.s32 s3;
	_ =	sdelay $0x1  }
0xa1: {  	s23 =	simm.s32 $0x1B8B  }
0xa2: {  	_ =	swait.ge [sflag:s23], $0x1  }
0xa3: {  	[sflag:s23] =	ssyncset.done $0x0  }
0xa4: {  	s25 =	simm.s32 $0x1B8E;
	s24 =	sld [smem:$0x3FFE];
	[sflag:s23] =	ssyncadd.s32 $0xFFFFFFFF  }
0xa5: {  	s26 =	simm.s32 $execute0_lowered;
	[smem:$0x3FD2] =	sst s25  }
0xa6: {  	s4 =	sshll.u32 s26, $0x1;
	_ =	strace $0x80000052;
	[dreg:$0x1] =	wrdreg $0xFFFFFFFF  }
0xa7: {  	s28 =	simm.s32 $_size_execute0_lowered;
	s2 =	sadd.s32 s2, s4;
	[dreg:$0x0] =	wrdreg $0x0  }
0xa8: {  	s4 =	sshll.u32 s28, $0x1;
	[dreg:$0x2] =	wrdreg s2  }
0xa9: {  	[dreg:$0x3] =	wrdreg s4  }
0xaa: {  	[dreg:$0x4] =	wrdreg $0xC0  }
0xab: {  	_ =	task [dreg:s6], $0x5FFFF  }
0xac: {  	[dreg:$0x1] =	wrdreg $0xFFFFFFFF  }
0xad: {  	[dreg:$0x0] =	wrdreg $0x60  }
0xae: {  	[dreg:$0x2] =	wrdreg s24  }
0xaf: {  	[dreg:$0x3] =	wrdreg $0x88000  }
0xb0: {  	[dreg:$0x4] =	wrdreg $0x9  }
0xb1: {  	_ =	task.clear_ibuf [dreg:s6], $0x5FFFF;
	_ =	strace $0x90000052  }
0xb2: {  	s29 =	simm.s32 $0x9;
	_ =	strace $0x80000054  }
0xb3: {  	_ =	swait.ge [sflag:s29], $0x1  }
0xb4: {  	[sflag:s29] =	ssyncadd.s32 $0xFFFFFFFF  }
0xb5: {  	_ =	strace $0x90000054  }
0xb6: {  	_ =	sfence  }
0xb7: {  	s30 =	sld [smem:$0x0];
	_ =	sdelay $0x2  }
0xb8: {  	s31 =	sshll.u32 s1, $0xD;
	s1 =	sshrl.u32 s1, $0x2  }
0xb9: {  	s3 =	sand.u32 $0x4000, s31;
	s1 =	sadd.s32 s1, s30  }
0xba: {  	s0 =	sor.u32 s3, s0;
	s1 =	sshll.u32 s1, $0x11  }
0xbb: {  	s0 =	sor.u32 s1, s0  }
0xbc: {  	s0 =	sadd.s32 $0x8F2B, s0  }
0xbd: {  	[sflag:s0] =	ssyncadd.remote.s32 $0x1  }
0xbe: {  	_ =	sfence.sel $0xFFFF  }
0xbf: {  	[dreg:$0x0] =	wrdreg $0xFFFFFFFF;
	(pc) =	sbr.abs _section_cstart, $3  }
0xc0: {  	[dreg:$0x1] =	wrdreg $0xFFFFFFFF  }
0xc1: {  	_ =	task.clear_ibuf [dreg:s6], $0x2FFFF;
	_ =	strace $0x9FFFFFFF  }
0xc2: {  	(tm) =	ssettm $0x7FFFFFFF  }
0xc3: {  	_ =	shalt  }
tec
execute0_lowered:
.L_overlay_start_1:
0x0: {  	(tag) =	ssettag $0x1  }
0x1: {  	s0 =	rddreg [dreg:$0x0];
	s1 =	srdreg.scid  }
0x2: {  	s11 =	stileid.u32;
	s2 =	rddreg [dreg:$0x1]  }
0x3: {  	s3 =	simm.s32 $0x0;
	s17 =	simm.s32 $0x800;
	s18 =	simm.s32 $0x2  }
0x4: {  	s20 =	simm.s32 $0x80;
	s21 =	simm.s32 $0x1;
	s7 =	smul.u32 $0x13F00, s11  }
0x5: {  	s1 =	sand.u32 $0x1, s1;
	[smem:$0x7FF] =	sst s3;
	s9 =	smul.u32 $0x4FC00, s11  }
0x6: {  	s4 =	sadd.s32 $0x1A400, s0;
	s11 =	sshll.u32 s11, $0x1;
	s5 =	smul.u32 $0x13F000, s1  }
0x7: {  	_ =	strace $0x80000053;
	s29 =	ssub.s32 $0x2, s1;
	s1 =	sor.u32 s1, s11  }
0x8: {  	s10 =	sshrl.u32 s29, $0x1;
	s9 =	sshrl.u32 s9, $0x2;
	s13 =	smul.u32 $0x500, s1  }
0x9: {  	s14 =	smul.u32 $0x2800, s1;
	s6 =	sadd.s32 s7, s5;
	s5 =	sadd.s32 $0x6400, s0  }
0xa: {  	s16 =	ssub.s32 s29, s10;
	s30 =	sadd.s32 s9, s2;
	s7 =	sadd.s32 s7, s2  }
0xb: {  	s8 =	sshrl.u32 s6, $0x3;
	s6 =	sadd.s32 $0x10400, s0;
	s31 =	sadd.s32 $0x4000, s30  }
0xc: {  	s9 =	sadd.s32 $0x8000, s30;
	s10 =	sadd.s32 $0xC000, s30;
	s11 =	sadd.s32 $0x10000, s30  }
0xd: {  	s12 =	sadd.s32 s5, s13;
	s16 =	smax.u32 s16, $0x1;
	s0 =	sadd.s32 s8, s0  }
0xe: {  	v0 =	vimm.f32 $0.0e+00;
	[dreg:$0x3] =	wrdreg s31;
	s13 =	sadd.s32 s6, s13;
	s15 =	sadd.s32 $0xB6800, s0  }
.LBB2_1:
0xf: {  	s0 =	simm.s32 $0x0;
	s1 =	simm.s32 $0x200  }
.LBB2_2:
0x10: {  	p0 =	sne.s32 s1, $0xFE00;
	[tilespmem:s0+$0x870] =	vst v0  }
0x11: {  	[tilespmem:s0+$0x800] =	vst v0  }
0x12: {  	[tilespmem:s0+$0x810] =	vst v0  }
.Ltmp0:
0x13: {  	[tilespmem:s0+$0x820] =	vst v0;
	(pc) =	sbr.rel @p0 .LBB2_2-.Ltmp0, $4  }
0x14: {  	[tilespmem:s0+$0x830] =	vst v0  }
0x15: {  	[tilespmem:s0+$0x840] =	vst v0  }
0x16: {  	[tilespmem:s0+$0x850] =	vst v0  }
0x17: {  	[tilespmem:s0+$0x860] =	vst v0;
	s0 =	sshra.s32 s1, $0x2;
	s1 =	sadd.s32 $0x200, s1  }
0x18: {  	[tilespmem:s0+$0x870] =	vst v0  }
0x19: {  	[tilespmem:s0+$0x800] =	vst v0  }
0x1a: {  	[tilespmem:s0+$0x810] =	vst v0  }
0x1b: {  	[tilespmem:s0+$0x820] =	vst v0  }
0x1c: {  	[tilespmem:s0+$0x830] =	vst v0  }
0x1d: {  	[tilespmem:s0+$0x840] =	vst v0  }
0x1e: {  	[tilespmem:s0+$0x850] =	vst v0  }
0x1f: {  	[tilespmem:s0+$0x860] =	vst v0  }
0x20: {  	[spmem:s7] =	stream.linear.scatter [tilespmem:s17], [sflag:$0x2], $0x4000, $0x38;
	[tilespmem:$0x1C700] =	vst v63  }
0x21: {  	_ =	swait.ge [sflag:s18], $0x4000  }
0x22: {  	[sflag:s18] =	ssyncset.done $0x0  }
0x23: {  	s22 =	rddreg [dreg:$0x3];
	[sflag:s18] =	ssyncadd.s32 $0xFFFFC000  }
0x24: {  	[spmem:s22] =	stream.linear.scatter [tilespmem:s17], [sflag:$0x2], $0x4000, $0x38;
	[tilespmem:$0x1C700] =	vst v63  }
0x25: {  	_ =	swait.ge [sflag:s18], $0x4000  }
0x26: {  	[sflag:s18] =	ssyncset.done $0x0  }
0x27: {  	[sflag:s18] =	ssyncadd.s32 $0xFFFFC000  }
0x28: {  	[spmem:s9] =	stream.linear.scatter [tilespmem:s17], [sflag:$0x2], $0x4000, $0x38;
	[tilespmem:$0x1C700] =	vst v63  }
0x29: {  	_ =	swait.ge [sflag:s18], $0x4000  }
0x2a: {  	[sflag:s18] =	ssyncset.done $0x0  }
0x2b: {  	[sflag:s18] =	ssyncadd.s32 $0xFFFFC000  }
0x2c: {  	[spmem:s10] =	stream.linear.scatter [tilespmem:s17], [sflag:$0x2], $0x4000, $0x38;
	[tilespmem:$0x1C700] =	vst v63  }
0x2d: {  	_ =	swait.ge [sflag:s18], $0x4000  }
0x2e: {  	[sflag:s18] =	ssyncset.done $0x0  }
0x2f: {  	[sflag:s18] =	ssyncadd.s32 $0xFFFFC000  }
0x30: {  	[spmem:s11] =	stream.linear.scatter [tilespmem:s17], [sflag:$0x2], $0x3F00, $0x38;
	[tilespmem:$0x1C700] =	vst v63  }
0x31: {  	_ =	swait.ge [sflag:s18], $0x3F00  }
0x32: {  	[sflag:s18] =	ssyncset.done $0x0  }
0x33: {  	[sflag:s18] =	ssyncadd.s32 $0xFFFFC100  }
0x34: {  	s23 =	simm.s32 $0x0;
	[bflag:$0x0] =	sbarrier.arrive $0xFFFF  }
0x35: {  	[tilespmem:s23], [sflag:$0x2] =	stream.linear.gather [hbm4b:s12+s23], $0x200, $0x38;
	[tilespmem:$0x1C700] =	vst v63  }
0x36: {  	_ =	swait.ge [sflag:s18], $0x200  }
0x37: {  	s1 =	simm.s32 $0x400;
	p0 =	por $0x0, $0x0;
	[sflag:s18] =	ssyncset.done $0x0  }
0x38: {  	s19 =	simm.s32 $0x200;
	s24 =	simm.s32 $0x400;
	[sflag:s18] =	ssyncadd.s32 $0xFFFFFE00  }
0x39: {  	[tilespmem:s1], [sflag:$0x2] =	stream.linear.gather [hbm4b:s13+s23], $0x200, $0x38;
	[tilespmem:$0x1C700] =	vst v63  }
0x3a: {  	s25 =	simm.s32 $0x0;
	s0 =	sand.u32 $0x1, s23;
	s1 =	sand.u32 $0x3, s23  }
0x3b: {  	s25 =	sand.u32 $0x200, s25;
	_ =	swait.ge [sflag:s18], $0x200;
	p1 =	sne.s32 @!p0 s1, $0x0  }
0x3c: {  	s8 =	sand.u32 $0xE00, s19;
	[sflag:s18] =	ssyncset.done $0x0;
	p0 =	por p1, p0  }
0x3d: {  	s1 =	sshll.u32 s1, $0x7;
	[sflag:s18] =	ssyncadd.s32 $0xFFFFFE00;
	s22 =	sadd.s32 @!p0 $0x200, s14  }
0x3e: {  	[tilespmem:s17], [sflag:$0x1] =	stream.indirect.gather [hbm4b:s4+s20], $0x80, s23, s20, $0xb8;
	[tilespmem:$0x1C700] =	vst v63  }
0x3f: {  	s26 =	simm.s32 @!p0 $0x200;
	s30 =	simm.s32 @!p0 $0x2;
	s22 =	sshrl.u32 @!p0 s22, $0x3  }
0x40: {  	s31 =	simm.s32 @!p0 $0x0;
	s26 =	sand.u32 @!p0 $0x200, s26;
	s28 =	sadd.s32 @!p0 s5, s22  }
0x41: {  	[tilespmem:s26], [sflag:$0x2] =	stream.linear.gather @!p0 [hbm4b:s28+s31], $0x200, $0x38;
	[tilespmem:$0x1C700] =	vst v63  }
0x42: {  	s29 =	sshll.u32 s0, $0xE;
	s25 =	sor.u32 s1, s25;
	_ =	swait.ge @!p0 [sflag:s30], $0x200  }
0x43: {  	p1 =	por $0x0, $0x0;
	s23 =	simm.s32 $0x0;
	[sflag:s30] =	ssyncset.done @!p0 $0x0  }
0x44: {  	s0 =	sadd.s32 @!p0 s6, s22;
	s1 =	sor.u32 @!p0 $0x400, s26;
	[sflag:s30] =	ssyncadd.s32 @!p0 $0xFFFFFE00  }
0x45: {  	[tilespmem:s1], [sflag:$0x2] =	stream.linear.gather @!p0 [hbm4b:s0+s31], $0x200, $0x38;
	[tilespmem:$0x1C700] =	vst v63  }
0x46: {  	s22 =	sxor.u32 $0x4800, s29;
	s28 =	simm.s32 $0x1;
	_ =	swait.ge @!p0 [sflag:s30], $0x200  }
0x47: {  	s26 =	simm.s32 $0x600;
	s19 =	sand.u32 $0x3, s28;
	[sflag:s30] =	ssyncset.done @!p0 $0x0  }
0x48: {  	p2 =	sne.s32 @!p1 s19, $0x0;
	s1 =	sshrl.u32 s8, $0x2;
	[sflag:s30] =	ssyncadd.s32 @!p0 $0xFFFFFE00  }
0x49: {  	s31 =	sshll.u32 s19, $0x7;
	s19 =	sand.u32 $0x1, s28;
	_ =	swait.ge [sflag:s21], $0x4000  }
0x4a: {  	s0 =	sand.u32 $0x200, s23;
	p0 =	por p2, p1;
	[sflag:s21] =	ssyncset.done $0x0  }
0x4b: {  	s30 =	sshll.u32 s19, $0xE;
	s19 =	simm.s32 @!p0 $0x200;
	[sflag:s21] =	ssyncadd.s32 $0xFFFFC000  }
.LBB2_4:
0x4c: {  	[tilespmem:s22], [sflag:$0x1] =	stream.indirect.gather [hbm4b:s4+s20], $0x80, s1, s20, $0xb8;
	[tilespmem:$0x1C700] =	vst v63  }
0x4d: {  	s1 =	smov.u32 s26;
	s22 =	sadd.s32 @!p0 s14, s19  }
0x4e: {  	s23 =	sor.u32 $0x400, s25;
	s25 =	sor.u32 s31, s0;
	s26 =	sadd.s32 $0x200, s26  }
0x4f: {  	s19 =	sand.u32 @!p0 $0x200, s19;
	s0 =	sshrl.u32 @!p0 s22, $0x3;
	s22 =	sor.u32 $0x800, s29  }
0x50: {  	[spmem:s2] =	stream.indirect.scatter.add.f32 [tilespmem:s22], [sflag:$0x2], $0x80, s23, s20, $0xb8;
	[tilespmem:$0x1C700] =	vst v63  }
0x51: {  	s22 =	sadd.s32 @!p0 s5, s0;
	s0 =	sadd.s32 @!p0 s6, s0;
	_ =	swait.ge [sflag:s18], $0x4000  }
0x52: {  	s31 =	simm.s32 @!p0 $0x0;
	s23 =	simm.s32 @!p0 $0x2;
	[sflag:s18] =	ssyncset.done $0x0  }
0x53: {  	s28 =	sadd.s32 $0x1, s28;
	s8 =	sor.u32 @!p0 $0x400, s19;
	[sflag:s18] =	ssyncadd.s32 $0xFFFFC000  }
0x54: {  	[tilespmem:s19], [sflag:$0x2] =	stream.linear.gather @!p0 [hbm4b:s22+s31], $0x200, $0x38;
	[tilespmem:$0x1C700] =	vst v63  }
0x55: {  	p1 =	sne.s32 s26, $0xA000;
	s29 =	smov.u32 s30;
	_ =	swait.ge @!p0 [sflag:s23], $0x200  }
0x56: {  	p2 =	sgt.u32 s28, $0x4B;
	[sflag:s23] =	ssyncset.done @!p0 $0x0  }
0x57: {  	s19 =	sand.u32 $0xE00, s24;
	s24 =	smov.u32 s1;
	[sflag:s23] =	ssyncadd.s32 @!p0 $0xFFFFFE00  }
0x58: {  	[tilespmem:s8], [sflag:$0x2] =	stream.linear.gather @!p0 [hbm4b:s0+s31], $0x200, $0x38;
	[tilespmem:$0x1C700] =	vst v63  }
0x59: {  	s1 =	sshrl.u32 s19, $0x2;
	s0 =	sand.u32 $0x3, s28;
	_ =	swait.ge @!p0 [sflag:s23], $0x200  }
0x5a: {  	p3 =	sne.s32 @!p2 s0, $0x0;
	[sflag:s23] =	ssyncset.done @!p0 $0x0  }
.Ltmp1:
0x5b: {  	s31 =	sshll.u32 s0, $0x7;
	[sflag:s23] =	ssyncadd.s32 @!p0 $0xFFFFFE00;
	(pc) =	sbr.rel @p1 .LBB2_4-.Ltmp1, $4  }
0x5c: {  	s22 =	sxor.u32 $0x4800, s29;
	s0 =	sand.u32 $0x1, s28;
	p0 =	por p3, p2  }
0x5d: {  	s8 =	sshrl.u32 s28, $0x2;
	s30 =	sshll.u32 s0, $0xE;
	_ =	swait.ge [sflag:s21], $0x4000  }
0x5e: {  	s0 =	sshll.u32 @!p0 s8, $0x9;
	s8 =	sshll.u32 s8, $0x9;
	[sflag:s21] =	ssyncset.done $0x0  }
0x5f: {  	s19 =	sadd.s32 @!p0 $0x200, s0;
	s0 =	sand.u32 $0x200, s8;
	[sflag:s21] =	ssyncadd.s32 $0xFFFFC000  }
0x60: {  	[tilespmem:s22], [sflag:$0x1] =	stream.indirect.gather [hbm4b:s4+s20], $0x80, s1, s20, $0xb8;
	[tilespmem:$0x1C700] =	vst v63  }
0x61: {  	s8 =	sor.u32 $0x400, s25;
	s23 =	sor.u32 $0x800, s29  }
0x62: {  	[spmem:s2] =	stream.indirect.scatter.add.f32 [tilespmem:s23], [sflag:$0x2], $0x80, s8, s20, $0xb8;
	[tilespmem:$0x1C700] =	vst v63  }
0x63: {  	s1 =	sadd.s32 @!p0 s14, s19;
	s19 =	sand.u32 @!p0 $0x200, s19;
	_ =	swait.ge [sflag:s18], $0x4000  }
0x64: {  	s22 =	simm.s32 @!p0 $0x2;
	s1 =	sshrl.u32 @!p0 s1, $0x3;
	[sflag:s18] =	ssyncset.done $0x0  }
0x65: {  	s8 =	sadd.s32 @!p0 s5, s1;
	s23 =	simm.s32 @!p0 $0x0;
	[sflag:s18] =	ssyncadd.s32 $0xFFFFC000  }
0x66: {  	[tilespmem:s19], [sflag:$0x2] =	stream.linear.gather @!p0 [hbm4b:s8+s23], $0x200, $0x38;
	[tilespmem:$0x1C700] =	vst v63  }
0x67: {  	_ =	swait.ge @!p0 [sflag:s22], $0x200  }
0x68: {  	[sflag:s22] =	ssyncset.done @!p0 $0x0  }
0x69: {  	s1 =	sadd.s32 @!p0 s6, s1;
	s8 =	sor.u32 @!p0 $0x400, s19;
	[sflag:s22] =	ssyncadd.s32 @!p0 $0xFFFFFE00  }
0x6a: {  	[tilespmem:s8], [sflag:$0x2] =	stream.linear.gather @!p0 [hbm4b:s1+s23], $0x200, $0x38;
	[tilespmem:$0x1C700] =	vst v63  }
0x6b: {  	_ =	swait.ge @!p0 [sflag:s22], $0x200  }
0x6c: {  	[sflag:s22] =	ssyncset.done @!p0 $0x0  }
0x6d: {  	[sflag:s22] =	ssyncadd.s32 @!p0 $0xFFFFFE00  }
0x6e: {  	_ =	swait.ge [sflag:s21], $0x4000  }
0x6f: {  	s0 =	sor.u32 s31, s0;
	s24 =	sand.u32 $0xE00, s24;
	[sflag:s21] =	ssyncset.done $0x0  }
0x70: {  	s25 =	sxor.u32 $0x4800, s30;
	s1 =	sshrl.u32 s24, $0x2;
	[sflag:s21] =	ssyncadd.s32 $0xFFFFC000  }
0x71: {  	[tilespmem:s25], [sflag:$0x1] =	stream.indirect.gather [hbm4b:s4+s20], $0x80, s1, s20, $0xb8;
	[tilespmem:$0x1C700] =	vst v63  }
0x72: {  	s26 =	sor.u32 $0x800, s30;
	s0 =	sor.u32 $0x400, s0  }
0x73: {  	[spmem:s2] =	stream.indirect.scatter.add.f32 [tilespmem:s26], [sflag:$0x2], $0x80, s0, s20, $0xb8;
	[tilespmem:$0x1C700] =	vst v63  }
0x74: {  	_ =	swait.ge [sflag:s18], $0x4000  }
0x75: {  	[sflag:s18] =	ssyncset.done $0x0  }
0x76: {  	[sflag:s18] =	ssyncadd.s32 $0xFFFFC000  }
0x77: {  	_ =	swait.ge [sflag:s21], $0x4000  }
0x78: {  	[sflag:s21] =	ssyncset.done $0x0  }
0x79: {  	s28 =	simm.s32 $0x780;
	s29 =	simm.s32 $0x4800;
	[sflag:s21] =	ssyncadd.s32 $0xFFFFC000  }
0x7a: {  	[spmem:s2] =	stream.indirect.scatter.add.f32 [tilespmem:s29], [sflag:$0x2], $0x80, s28, s20, $0xb8;
	[tilespmem:$0x1C700] =	vst v63  }
0x7b: {  	s30 =	stileid.u32;
	_ =	swait.ge [sflag:s18], $0x4000  }
0x7c: {  	s31 =	sshrl.u32 s7, $0x3;
	s3 =	sadd.s32 $0x1, s3;
	[sflag:s18] =	ssyncset.done $0x0  }
0x7d: {  	p0 =	sne.s32 s3, s16;
	s0 =	sshll.u32 s30, $0x6;
	[sflag:s18] =	ssyncadd.s32 $0xFFFFC000  }
.Ltmp2:
0x7e: {  	s0 =	sor.u32 $0x1C02, s0;
	[bflag:$0x0] =	sbarrier.arrive $0xFFFF;
	(pc) =	sbr.rel @p0 .LBB2_1-.Ltmp2, $4  }
0x7f: {  	[hbm:s15], [sflag:s0] =	dma.local [spmem:s31], $0x27E0  }
0x80: {  	_ =	swait.ge [sflag:s18], $0x27E0  }
0x81: {  	[sflag:s18] =	ssyncset.done $0x0  }
0x82: {  	[sflag:s18] =	ssyncadd.s32 $0xFFFFD820  }
0x83: {  	_ =	sfence.sel $0x180000  }
0x84: {  	[bflag:$0x0] =	sbarrier.arrive $0xFFFF  }
0x85: {  	_ =	strace $0x90000053  }
0x86: {  	s0 =	stileid.u32;
	[bflag:$0x2] =	sbarrier.arrive $0xFFFF  }
0x87: {  	p0 =	sne.s32 s0, $0x0;
	s0 =	rddreg [dreg:$0x2]  }
0x88: {  	s0 =	sadd.s32 @!p0 $0x100000, s0  }
0x89: {  	[sflag:s0] =	ssyncadd.tile.s32 @!p0 $0x1;
	_ =	shalt  }
.Lfunc_end2:
_tile_overlayer_lowered:
.L_overlay_start_2:
0x8a: {  	(tag) =	ssettag $0x2  }
0x8b: {  	s0 =	rddreg [dreg:$0x0];
	s2 =	stileid.u32  }
0x8c: {  	s1 =	rddreg [dreg:$0x1];
	p0 =	sne.s32 s2, $0x0  }
0x8d: {  	s3 =	rddreg [dreg:$0x2];
	[bflag:$0x3] =	sbarrier.arrive $0xFFFF;
	s2 =	simm.s32 @!p0 $0x1C02  }
0x8e: {  	[timem:s3], [sflag:s2] =	dma.local @!p0 [hbm:s0], s1  }
0x8f: {  	s0 =	simm.s32 @!p0 $0x2  }
0x90: {  	_ =	swait.ge @!p0 [sflag:s0], s1  }
0x91: {  	s1 =	ssub.s32 @!p0 $0x0, s1;
	[sflag:s0] =	ssyncset.done @!p0 $0x0  }
0x92: {  	[sflag:s0] =	ssyncadd.s32 @!p0 s1  }
0x93: {  	[bflag:$0x3] =	sbarrier.arrive $0xFFFF  }
0x94: {  	_ =	shalt  }

// kernel: kernel.20.cloned.1.call-start
scs
__scs_entry_jumppad:
0x0: {  	(pc) =	sbr.rel $0x88, $3  }
0x1: {  	(tag) =	ssettag $0x0;
	lr =	simm.s32 $0x1  }
0x2: {  	[smem:$0x3F85] =	sst lr;
	_ =	strace $0xD0000000  }
0x3: {  	_ = 	snop  }
0x4: {  	_ = 	snop  }
0x5: {  	_ = 	snop  }
0x6: {  	_ = 	snop  }
0x7: {  	_ = 	snop  }
__scs_overlays_trampoline_lowered:
0x8: {  	[smem:$0x3F94] =	sst s0  }
0x9: {  	[smem:$0x3F95] =	sst s1  }
0xa: {  	[smem:$0x3F96] =	sst s2  }
0xb: {  	[smem:$0x3F97] =	sst s3  }
0xc: {  	[smem:$0x3F98] =	sst s4  }
0xd: {  	[smem:$0x3F99] =	sst s5  }
0xe: {  	[smem:$0x3F9A] =	sst s6  }
0xf: {  	[smem:$0x3F9B] =	sst s7  }
0x10: {  	[smem:$0x3F9C] =	sst s8  }
0x11: {  	[smem:$0x3F9D] =	sst s9;
	s0 =	simm.s32 @!p0 $0x0  }
0x12: {  	s1 =	sld [smem:$0x3F83];
	s0 =	simm.s32 @p0 $0x1  }
0x13: {  	[smem:$0x3F9E] =	sst s0;
	s0 =	simm.s32 @!p1 $0x0  }
0x14: {  	s2 =	sld [smem:$0x3F82];
	s0 =	simm.s32 @p1 $0x1  }
0x15: {  	[smem:$0x3F9F] =	sst s0;
	s0 =	simm.s32 @!p2 $0x0  }
0x16: {  	s3 =	sld [smem:$0x3FDB];
	s0 =	simm.s32 @p2 $0x1  }
0x17: {  	s4 =	simm.s32 $0x1BF5;
	[smem:$0x3FA1] =	sst s0  }
0x18: {  	s0 =	sld [smem:$0x3F84];
	_ =	swait.ge [sflag:s4], $0x0  }
0x19: {  	s7 =	sld [smem:$0x3F85]  }
0x1a: {  	s8 =	sadd.s32 $0xFFFFE003, lr  }
0x1b: {  	s9 =	sadd.s32 $0xFFFFFEF7, lr;
	s5 =	simm.s32 $0xFFFFFFFF;
	p2 =	slt.u32 s8, $0xFFFFF086  }
0x1c: {  	p1 =	slt.u32 s9, $0xF7A;
	s5 =	simm.s32 @!p2 $0x0  }
0x1d: {  	s5 =	simm.s32 @p1 $0x1;
	p0 =	seq.s32 s7, s2  }
0x1e: {  	s7 =	smul.u32 @!p0 $0xF7A, s2;
	p2 =	seq.s32 @!p0 s5, $0x0  }
0x1f: {  	s9 =	smul.u32 $0xF7A, s1;
	s8 =	simm.s32 @!p0 $0x1BF5;
	p2 =	por !p2, p0  }
0x20: {  	[sflag:s8] =	ssyncset.s32 @!p0 $0xFFFFF086;
	s6 =	sadd.s32 @!p0 s3, s7;
	s7 =	simm.s32 @!p0 $0x108  }
0x21: {  	s3 =	sadd.s32 s3, s9;
	s6 =	sadd.s32 @!p0 $0x88, s6;
	s7 =	simm.s32 @p2 $0x1082  }
0x22: {  	[simem:s7], [sflag:s8] =	dma.local @!p0 [hbm:s6], $0xF7A  }
0x23: {  	s9 =	sor.u32 $0xD0000000, s2;
	s6 =	simm.s32 $0x108;
	_ =	swait.ge @!p0 [sflag:s8], $0x0  }
0x24: {  	s3 =	sadd.s32 $0x88, s3;
	s6 =	simm.s32 @!p1 $0x1082;
	[sflag:s4] =	ssyncset.s32 $0xFFFFF086  }
0x25: {  	[simem:s6], [sflag:s4] =	dma.local [hbm:s3], $0xF7A  }
0x26: {  	[smem:$0x3F85] =	sst s1;
	(tag) =	ssettag s2;
	_ =	strace s9  }
0x27: {  	s1 =	sld [smem:$0x3F95]  }
0x28: {  	s2 =	sld [smem:$0x3F96]  }
0x29: {  	s4 =	sld [smem:$0x3F98]  }
0x2a: {  	p0 =	seq.s32 s5, $0x0;
	s5 =	sld [smem:$0x3F99]  }
0x2b: {  	s6 =	sld [smem:$0x3F9A]  }
0x2c: {  	s7 =	sld [smem:$0x3F9B]  }
0x2d: {  	s3 =	simm.s32 $0x108;
	s8 =	sld [smem:$0x3F9C]  }
0x2e: {  	s3 =	simm.s32 @!p0 $0x1082;
	s9 =	sld [smem:$0x3F9D]  }
0x2f: {  	lr =	sadd.s32 s0, s3;
	s0 =	sld [smem:$0x3F94]  }
0x30: {  	s3 =	sld [smem:$0x3F97]  }
0x31: {  	[smem:$0x3FA0] =	sst s10  }
0x32: {  	s10 =	sld [smem:$0x3F9E];
	_ =	sdelay $0x3  }
0x33: {  	p0 =	seq.s32 s10, $0x1;
	s10 =	sld [smem:$0x3FA0];
	_ =	sdelay $0x3  }
0x34: {  	[smem:$0x3FA0] =	sst s10  }
0x35: {  	s10 =	sld [smem:$0x3F9F];
	_ =	sdelay $0x3  }
0x36: {  	p1 =	seq.s32 s10, $0x1;
	s10 =	sld [smem:$0x3FA0];
	_ =	sdelay $0x3  }
0x37: {  	[smem:$0x3FA0] =	sst s10  }
0x38: {  	s10 =	sld [smem:$0x3FA1]  }
0x39: {  	_ = 	snop;
	(pc) =	sbr.ind lr, $3  }
0x3a: {  	_ = 	snop  }
0x3b: {  	_ = 	snop  }
0x3c: {  	p2 =	seq.s32 s10, $0x1;
	s10 =	sld [smem:$0x3FA0]  }
0x3d: {  	_ =	shalt  }
0x3e: {  	_ =	shalt  }
0x3f: {  	_ =	shalt  }
0x40: {  	_ =	shalt  }
0x41: {  	_ =	shalt  }
0x42: {  	_ =	shalt  }
0x43: {  	_ =	shalt  }
0x44: {  	_ =	shalt  }
0x45: {  	_ =	shalt  }
0x46: {  	_ =	shalt  }
0x47: {  	_ =	shalt  }
0x48: {  	_ =	shalt  }
0x49: {  	_ =	shalt  }
0x4a: {  	_ =	shalt  }
0x4b: {  	_ =	shalt  }
0x4c: {  	_ =	shalt  }
0x4d: {  	_ =	shalt  }
0x4e: {  	_ =	shalt  }
0x4f: {  	_ =	shalt  }
0x50: {  	_ =	shalt  }
0x51: {  	_ =	shalt  }
0x52: {  	_ =	shalt  }
0x53: {  	_ =	shalt  }
0x54: {  	_ =	shalt  }
0x55: {  	_ =	shalt  }
0x56: {  	_ =	shalt  }
0x57: {  	_ =	shalt  }
0x58: {  	_ =	shalt  }
0x59: {  	_ =	shalt  }
0x5a: {  	_ =	shalt  }
0x5b: {  	_ =	shalt  }
0x5c: {  	_ =	shalt  }
0x5d: {  	_ =	shalt  }
0x5e: {  	_ =	shalt  }
0x5f: {  	_ =	shalt  }
0x60: {  	_ =	shalt  }
0x61: {  	_ =	shalt  }
0x62: {  	_ =	shalt  }
0x63: {  	_ =	shalt  }
0x64: {  	_ =	shalt  }
0x65: {  	_ =	shalt  }
0x66: {  	_ =	shalt  }
0x67: {  	_ =	shalt  }
0x68: {  	_ =	shalt  }
0x69: {  	_ =	shalt  }
0x6a: {  	_ =	shalt  }
0x6b: {  	_ =	shalt  }
0x6c: {  	_ =	shalt  }
0x6d: {  	_ =	shalt  }
0x6e: {  	_ =	shalt  }
0x6f: {  	_ =	shalt  }
0x70: {  	_ =	shalt  }
0x71: {  	_ =	shalt  }
0x72: {  	_ =	shalt  }
0x73: {  	_ =	shalt  }
0x74: {  	_ =	shalt  }
0x75: {  	_ =	shalt  }
0x76: {  	_ =	shalt  }
0x77: {  	_ =	shalt  }
0x78: {  	_ =	shalt  }
0x79: {  	_ =	shalt  }
0x7a: {  	_ =	shalt  }
0x7b: {  	_ =	shalt  }
0x7c: {  	_ =	shalt  }
0x7d: {  	_ =	shalt  }
0x7e: {  	_ =	shalt  }
0x7f: {  	_ =	shalt  }
0x80: {  	_ =	shalt  }
0x81: {  	_ =	shalt  }
0x82: {  	_ =	shalt  }
0x83: {  	_ =	shalt  }
0x84: {  	_ =	shalt  }
0x85: {  	_ =	shalt  }
0x86: {  	_ =	shalt  }
0x87: {  	_ =	shalt  }
.Lfunc_end0:
.L_simem_size_0:
called_computation.5_lowered:
.L_overlay_start_0:
0x88: {  	s2 =	sld [smem:$0x3FD9]  }
0x89: {  	s3 =	sld [smem:$0x3FFE];
	_ =	sdelay $0x1  }
0x8a: {  	s1 =	srdreg.scid  }
0x8b: {  	s0 =	sand.u32 $0x1, s1  }
0x8c: {  	s16 =	sshll.u32 s0, $0xA;
	s2 =	sadd.s32 s3, s2  }
0x8d: {  	s2 =	sadd.s32 s2, s16  }
0x8e: {  	[smem:$0x3FAC] =	sst s2  }
0x8f: {  	_ = 	snop  }
0x90: {  	(tm) =	ssettm $0x1  }
0x91: {  	s17 =	sld [smem:$0x3FFB];
	_ =	sdelay $0x3  }
0x92: {  	_ =	strace s17  }
0x93: {  	s2 =	sld [smem:$0x3FFC];
	_ =	sdelay $0x3  }
0x94: {  	_ =	strace s2  }
0x95: {  	s2 =	sld [smem:$0x3FFD];
	_ =	sdelay $0x3  }
0x96: {  	_ =	strace s2  }
0x97: {  	_ =	strace $0x8FFFFFFF  }
0x98: {  	s18 =	sld [smem:$0x3FDB];
	_ =	sdelay $0x1  }
0x99: {  	s19 =	simm.s32 $_scs_section_size  }
0x9a: {  	s4 =	simm.s32 $_size__tile_overlayer_lowered;
	s5 =	simm.s32 $_tile_overlayer_lowered  }
0x9b: {  	s22 =	simm.s32 $0x1BFF;
	s21 =	sshll.u32 s5, $0x1;
	s2 =	sadd.s32 s19, s18  }
0x9c: {  	s6 =	simm.s32 $0x0;
	s20 =	sshll.u32 s4, $0x1;
	s4 =	sadd.s32 s21, s2  }
0x9d: {  	[timem:s6], [sflag:s22] =	dma.local [hbm:s4], s20  }
0x9e: {  	_ =	swait.ge [sflag:s22], s20  }
0x9f: {  	s3 =	ssub.s32 $0x0, s20;
	[sflag:s22] =	ssyncset.done $0x0  }
0xa0: {  	[sflag:s22] =	ssyncadd.s32 s3;
	_ =	sdelay $0x1  }
0xa1: {  	s23 =	simm.s32 $0x1B8B  }
0xa2: {  	_ =	swait.ge [sflag:s23], $0x1  }
0xa3: {  	[sflag:s23] =	ssyncset.done $0x0  }
0xa4: {  	s25 =	simm.s32 $0x1B8E;
	s24 =	sld [smem:$0x3FFE];
	[sflag:s23] =	ssyncadd.s32 $0xFFFFFFFF  }
0xa5: {  	s26 =	simm.s32 $execute0_lowered;
	[smem:$0x3FD2] =	sst s25  }
0xa6: {  	s4 =	sshll.u32 s26, $0x1;
	_ =	strace $0x80000055;
	[dreg:$0x1] =	wrdreg $0xFFFFFFFF  }
0xa7: {  	s28 =	simm.s32 $_size_execute0_lowered;
	s2 =	sadd.s32 s2, s4;
	[dreg:$0x0] =	wrdreg $0x0  }
0xa8: {  	s4 =	sshll.u32 s28, $0x1;
	[dreg:$0x2] =	wrdreg s2  }
0xa9: {  	[dreg:$0x3] =	wrdreg s4  }
0xaa: {  	[dreg:$0x4] =	wrdreg $0xC0  }
0xab: {  	_ =	task [dreg:s6], $0x5FFFF  }
0xac: {  	[dreg:$0x1] =	wrdreg $0xFFFFFFFF  }
0xad: {  	[dreg:$0x0] =	wrdreg $0x60  }
0xae: {  	[dreg:$0x2] =	wrdreg s24  }
0xaf: {  	[dreg:$0x3] =	wrdreg $0x88000  }
0xb0: {  	[dreg:$0x4] =	wrdreg $0x9  }
0xb1: {  	_ =	task.clear_ibuf [dreg:s6], $0x5FFFF;
	_ =	strace $0x90000055  }
0xb2: {  	s29 =	simm.s32 $0x9;
	_ =	strace $0x80000057  }
0xb3: {  	_ =	swait.ge [sflag:s29], $0x1  }
0xb4: {  	[sflag:s29] =	ssyncadd.s32 $0xFFFFFFFF  }
0xb5: {  	_ =	strace $0x90000057  }
0xb6: {  	_ =	sfence  }
0xb7: {  	s30 =	sld [smem:$0x0];
	_ =	sdelay $0x2  }
0xb8: {  	s31 =	sshll.u32 s1, $0xD;
	s1 =	sshrl.u32 s1, $0x2  }
0xb9: {  	s3 =	sand.u32 $0x4000, s31;
	s1 =	sadd.s32 s1, s30  }
0xba: {  	s0 =	sor.u32 s3, s0;
	s1 =	sshll.u32 s1, $0x11  }
0xbb: {  	s0 =	sor.u32 s1, s0  }
0xbc: {  	s0 =	sadd.s32 $0x8F2B, s0  }
0xbd: {  	[sflag:s0] =	ssyncadd.remote.s32 $0x1  }
0xbe: {  	_ =	sfence.sel $0xFFFF  }
0xbf: {  	[dreg:$0x0] =	wrdreg $0xFFFFFFFF;
	(pc) =	sbr.abs _section_cstart, $3  }
0xc0: {  	[dreg:$0x1] =	wrdreg $0xFFFFFFFF  }
0xc1: {  	_ =	task.clear_ibuf [dreg:s6], $0x2FFFF;
	_ =	strace $0x9FFFFFFF  }
0xc2: {  	(tm) =	ssettm $0x7FFFFFFF  }
0xc3: {  	_ =	shalt  }
tec
execute0_lowered:
.L_overlay_start_1:
0x0: {  	(tag) =	ssettag $0x1  }
0x1: {  	s0 =	rddreg [dreg:$0x0];
	s1 =	srdreg.scid  }
0x2: {  	s11 =	stileid.u32;
	s2 =	rddreg [dreg:$0x1]  }
0x3: {  	s3 =	simm.s32 $0x0;
	s17 =	simm.s32 $0x800;
	s18 =	simm.s32 $0x2  }
0x4: {  	s20 =	simm.s32 $0x80;
	s21 =	simm.s32 $0x1;
	s7 =	smul.u32 $0x13F00, s11  }
0x5: {  	s1 =	sand.u32 $0x1, s1;
	[smem:$0x7FF] =	sst s3;
	s9 =	smul.u32 $0x4FC00, s11  }
0x6: {  	s4 =	sadd.s32 $0x1A400, s0;
	s11 =	sshll.u32 s11, $0x1;
	s5 =	smul.u32 $0x13F000, s1  }
0x7: {  	_ =	strace $0x80000056;
	s29 =	ssub.s32 $0x2, s1;
	s1 =	sor.u32 s1, s11  }
0x8: {  	s10 =	sshrl.u32 s29, $0x1;
	s9 =	sshrl.u32 s9, $0x2;
	s13 =	smul.u32 $0x500, s1  }
0x9: {  	s14 =	smul.u32 $0x2800, s1;
	s6 =	sadd.s32 s7, s5;
	s5 =	sadd.s32 $0x6400, s0  }
0xa: {  	s16 =	ssub.s32 s29, s10;
	s30 =	sadd.s32 s9, s2;
	s7 =	sadd.s32 s7, s2  }
0xb: {  	s8 =	sshrl.u32 s6, $0x3;
	s6 =	sadd.s32 $0x10400, s0;
	s31 =	sadd.s32 $0x4000, s30  }
0xc: {  	s9 =	sadd.s32 $0x8000, s30;
	s10 =	sadd.s32 $0xC000, s30;
	s11 =	sadd.s32 $0x10000, s30  }
0xd: {  	s12 =	sadd.s32 s5, s13;
	s16 =	smax.u32 s16, $0x1;
	s0 =	sadd.s32 s8, s0  }
0xe: {  	v0 =	vimm.f32 $0.0e+00;
	[dreg:$0x3] =	wrdreg s31;
	s13 =	sadd.s32 s6, s13;
	s15 =	sadd.s32 $0xB6800, s0  }
.LBB2_1:
0xf: {  	s0 =	simm.s32 $0x0;
	s1 =	simm.s32 $0x200  }
.LBB2_2:
0x10: {  	p0 =	sne.s32 s1, $0xFE00;
	[tilespmem:s0+$0x870] =	vst v0  }
0x11: {  	[tilespmem:s0+$0x800] =	vst v0  }
0x12: {  	[tilespmem:s0+$0x810] =	vst v0  }
.Ltmp0:
0x13: {  	[tilespmem:s0+$0x820] =	vst v0;
	(pc) =	sbr.rel @p0 .LBB2_2-.Ltmp0, $4  }
0x14: {  	[tilespmem:s0+$0x830] =	vst v0  }
0x15: {  	[tilespmem:s0+$0x840] =	vst v0  }
0x16: {  	[tilespmem:s0+$0x850] =	vst v0  }
0x17: {  	[tilespmem:s0+$0x860] =	vst v0;
	s0 =	sshra.s32 s1, $0x2;
	s1 =	sadd.s32 $0x200, s1  }
0x18: {  	[tilespmem:s0+$0x870] =	vst v0  }
0x19: {  	[tilespmem:s0+$0x800] =	vst v0  }
0x1a: {  	[tilespmem:s0+$0x810] =	vst v0  }
0x1b: {  	[tilespmem:s0+$0x820] =	vst v0  }
0x1c: {  	[tilespmem:s0+$0x830] =	vst v0  }
0x1d: {  	[tilespmem:s0+$0x840] =	vst v0  }
0x1e: {  	[tilespmem:s0+$0x850] =	vst v0  }
0x1f: {  	[tilespmem:s0+$0x860] =	vst v0  }
0x20: {  	[spmem:s7] =	stream.linear.scatter [tilespmem:s17], [sflag:$0x2], $0x4000, $0x38;
	[tilespmem:$0x1C700] =	vst v63  }
0x21: {  	_ =	swait.ge [sflag:s18], $0x4000  }
0x22: {  	[sflag:s18] =	ssyncset.done $0x0  }
0x23: {  	s22 =	rddreg [dreg:$0x3];
	[sflag:s18] =	ssyncadd.s32 $0xFFFFC000  }
0x24: {  	[spmem:s22] =	stream.linear.scatter [tilespmem:s17], [sflag:$0x2], $0x4000, $0x38;
	[tilespmem:$0x1C700] =	vst v63  }
0x25: {  	_ =	swait.ge [sflag:s18], $0x4000  }
0x26: {  	[sflag:s18] =	ssyncset.done $0x0  }
0x27: {  	[sflag:s18] =	ssyncadd.s32 $0xFFFFC000  }
0x28: {  	[spmem:s9] =	stream.linear.scatter [tilespmem:s17], [sflag:$0x2], $0x4000, $0x38;
	[tilespmem:$0x1C700] =	vst v63  }
0x29: {  	_ =	swait.ge [sflag:s18], $0x4000  }
0x2a: {  	[sflag:s18] =	ssyncset.done $0x0  }
0x2b: {  	[sflag:s18] =	ssyncadd.s32 $0xFFFFC000  }
0x2c: {  	[spmem:s10] =	stream.linear.scatter [tilespmem:s17], [sflag:$0x2], $0x4000, $0x38;
	[tilespmem:$0x1C700] =	vst v63  }
0x2d: {  	_ =	swait.ge [sflag:s18], $0x4000  }
0x2e: {  	[sflag:s18] =	ssyncset.done $0x0  }
0x2f: {  	[sflag:s18] =	ssyncadd.s32 $0xFFFFC000  }
0x30: {  	[spmem:s11] =	stream.linear.scatter [tilespmem:s17], [sflag:$0x2], $0x3F00, $0x38;
	[tilespmem:$0x1C700] =	vst v63  }
0x31: {  	_ =	swait.ge [sflag:s18], $0x3F00  }
0x32: {  	[sflag:s18] =	ssyncset.done $0x0  }
0x33: {  	[sflag:s18] =	ssyncadd.s32 $0xFFFFC100  }
0x34: {  	s23 =	simm.s32 $0x0;
	[bflag:$0x0] =	sbarrier.arrive $0xFFFF  }
0x35: {  	[tilespmem:s23], [sflag:$0x2] =	stream.linear.gather [hbm4b:s12+s23], $0x200, $0x38;
	[tilespmem:$0x1C700] =	vst v63  }
0x36: {  	_ =	swait.ge [sflag:s18], $0x200  }
0x37: {  	s1 =	simm.s32 $0x400;
	p0 =	por $0x0, $0x0;
	[sflag:s18] =	ssyncset.done $0x0  }
0x38: {  	s19 =	simm.s32 $0x200;
	s24 =	simm.s32 $0x400;
	[sflag:s18] =	ssyncadd.s32 $0xFFFFFE00  }
0x39: {  	[tilespmem:s1], [sflag:$0x2] =	stream.linear.gather [hbm4b:s13+s23], $0x200, $0x38;
	[tilespmem:$0x1C700] =	vst v63  }
0x3a: {  	s25 =	simm.s32 $0x0;
	s0 =	sand.u32 $0x1, s23;
	s1 =	sand.u32 $0x3, s23  }
0x3b: {  	s25 =	sand.u32 $0x200, s25;
	_ =	swait.ge [sflag:s18], $0x200;
	p1 =	sne.s32 @!p0 s1, $0x0  }
0x3c: {  	s8 =	sand.u32 $0xE00, s19;
	[sflag:s18] =	ssyncset.done $0x0;
	p0 =	por p1, p0  }
0x3d: {  	s1 =	sshll.u32 s1, $0x7;
	[sflag:s18] =	ssyncadd.s32 $0xFFFFFE00;
	s22 =	sadd.s32 @!p0 $0x200, s14  }
0x3e: {  	[tilespmem:s17], [sflag:$0x1] =	stream.indirect.gather [hbm4b:s4+s20], $0x80, s23, s20, $0xb8;
	[tilespmem:$0x1C700] =	vst v63  }
0x3f: {  	s26 =	simm.s32 @!p0 $0x200;
	s30 =	simm.s32 @!p0 $0x2;
	s22 =	sshrl.u32 @!p0 s22, $0x3  }
0x40: {  	s31 =	simm.s32 @!p0 $0x0;
	s26 =	sand.u32 @!p0 $0x200, s26;
	s28 =	sadd.s32 @!p0 s5, s22  }
0x41: {  	[tilespmem:s26], [sflag:$0x2] =	stream.linear.gather @!p0 [hbm4b:s28+s31], $0x200, $0x38;
	[tilespmem:$0x1C700] =	vst v63  }
0x42: {  	s29 =	sshll.u32 s0, $0xE;
	s25 =	sor.u32 s1, s25;
	_ =	swait.ge @!p0 [sflag:s30], $0x200  }
0x43: {  	p1 =	por $0x0, $0x0;
	s23 =	simm.s32 $0x0;
	[sflag:s30] =	ssyncset.done @!p0 $0x0  }
0x44: {  	s0 =	sadd.s32 @!p0 s6, s22;
	s1 =	sor.u32 @!p0 $0x400, s26;
	[sflag:s30] =	ssyncadd.s32 @!p0 $0xFFFFFE00  }
0x45: {  	[tilespmem:s1], [sflag:$0x2] =	stream.linear.gather @!p0 [hbm4b:s0+s31], $0x200, $0x38;
	[tilespmem:$0x1C700] =	vst v63  }
0x46: {  	s22 =	sxor.u32 $0x4800, s29;
	s28 =	simm.s32 $0x1;
	_ =	swait.ge @!p0 [sflag:s30], $0x200  }
0x47: {  	s26 =	simm.s32 $0x600;
	s19 =	sand.u32 $0x3, s28;
	[sflag:s30] =	ssyncset.done @!p0 $0x0  }
0x48: {  	p2 =	sne.s32 @!p1 s19, $0x0;
	s1 =	sshrl.u32 s8, $0x2;
	[sflag:s30] =	ssyncadd.s32 @!p0 $0xFFFFFE00  }
0x49: {  	s31 =	sshll.u32 s19, $0x7;
	s19 =	sand.u32 $0x1, s28;
	_ =	swait.ge [sflag:s21], $0x4000  }
0x4a: {  	s0 =	sand.u32 $0x200, s23;
	p0 =	por p2, p1;
	[sflag:s21] =	ssyncset.done $0x0  }
0x4b: {  	s30 =	sshll.u32 s19, $0xE;
	s19 =	simm.s32 @!p0 $0x200;
	[sflag:s21] =	ssyncadd.s32 $0xFFFFC000  }
.LBB2_4:
0x4c: {  	[tilespmem:s22], [sflag:$0x1] =	stream.indirect.gather [hbm4b:s4+s20], $0x80, s1, s20, $0xb8;
	[tilespmem:$0x1C700] =	vst v63  }
0x4d: {  	s1 =	smov.u32 s26;
	s22 =	sadd.s32 @!p0 s14, s19  }
0x4e: {  	s23 =	sor.u32 $0x400, s25;
	s25 =	sor.u32 s31, s0;
	s26 =	sadd.s32 $0x200, s26  }
0x4f: {  	s19 =	sand.u32 @!p0 $0x200, s19;
	s0 =	sshrl.u32 @!p0 s22, $0x3;
	s22 =	sor.u32 $0x800, s29  }
0x50: {  	[spmem:s2] =	stream.indirect.scatter.add.f32 [tilespmem:s22], [sflag:$0x2], $0x80, s23, s20, $0xb8;
	[tilespmem:$0x1C700] =	vst v63  }
0x51: {  	s22 =	sadd.s32 @!p0 s5, s0;
	s0 =	sadd.s32 @!p0 s6, s0;
	_ =	swait.ge [sflag:s18], $0x4000  }
0x52: {  	s31 =	simm.s32 @!p0 $0x0;
	s23 =	simm.s32 @!p0 $0x2;
	[sflag:s18] =	ssyncset.done $0x0  }
0x53: {  	s28 =	sadd.s32 $0x1, s28;
	s8 =	sor.u32 @!p0 $0x400, s19;
	[sflag:s18] =	ssyncadd.s32 $0xFFFFC000  }
0x54: {  	[tilespmem:s19], [sflag:$0x2] =	stream.linear.gather @!p0 [hbm4b:s22+s31], $0x200, $0x38;
	[tilespmem:$0x1C700] =	vst v63  }
0x55: {  	p1 =	sne.s32 s26, $0xA000;
	s29 =	smov.u32 s30;
	_ =	swait.ge @!p0 [sflag:s23], $0x200  }
0x56: {  	p2 =	sgt.u32 s28, $0x4B;
	[sflag:s23] =	ssyncset.done @!p0 $0x0  }
0x57: {  	s19 =	sand.u32 $0xE00, s24;
	s24 =	smov.u32 s1;
	[sflag:s23] =	ssyncadd.s32 @!p0 $0xFFFFFE00  }
0x58: {  	[tilespmem:s8], [sflag:$0x2] =	stream.linear.gather @!p0 [hbm4b:s0+s31], $0x200, $0x38;
	[tilespmem:$0x1C700] =	vst v63  }
0x59: {  	s1 =	sshrl.u32 s19, $0x2;
	s0 =	sand.u32 $0x3, s28;
	_ =	swait.ge @!p0 [sflag:s23], $0x200  }
0x5a: {  	p3 =	sne.s32 @!p2 s0, $0x0;
	[sflag:s23] =	ssyncset.done @!p0 $0x0  }
.Ltmp1:
0x5b: {  	s31 =	sshll.u32 s0, $0x7;
	[sflag:s23] =	ssyncadd.s32 @!p0 $0xFFFFFE00;
	(pc) =	sbr.rel @p1 .LBB2_4-.Ltmp1, $4  }
0x5c: {  	s22 =	sxor.u32 $0x4800, s29;
	s0 =	sand.u32 $0x1, s28;
	p0 =	por p3, p2  }
0x5d: {  	s8 =	sshrl.u32 s28, $0x2;
	s30 =	sshll.u32 s0, $0xE;
	_ =	swait.ge [sflag:s21], $0x4000  }
0x5e: {  	s0 =	sshll.u32 @!p0 s8, $0x9;
	s8 =	sshll.u32 s8, $0x9;
	[sflag:s21] =	ssyncset.done $0x0  }
0x5f: {  	s19 =	sadd.s32 @!p0 $0x200, s0;
	s0 =	sand.u32 $0x200, s8;
	[sflag:s21] =	ssyncadd.s32 $0xFFFFC000  }
0x60: {  	[tilespmem:s22], [sflag:$0x1] =	stream.indirect.gather [hbm4b:s4+s20], $0x80, s1, s20, $0xb8;
	[tilespmem:$0x1C700] =	vst v63  }
0x61: {  	s8 =	sor.u32 $0x400, s25;
	s23 =	sor.u32 $0x800, s29  }
0x62: {  	[spmem:s2] =	stream.indirect.scatter.add.f32 [tilespmem:s23], [sflag:$0x2], $0x80, s8, s20, $0xb8;
	[tilespmem:$0x1C700] =	vst v63  }
0x63: {  	s1 =	sadd.s32 @!p0 s14, s19;
	s19 =	sand.u32 @!p0 $0x200, s19;
	_ =	swait.ge [sflag:s18], $0x4000  }
0x64: {  	s22 =	simm.s32 @!p0 $0x2;
	s1 =	sshrl.u32 @!p0 s1, $0x3;
	[sflag:s18] =	ssyncset.done $0x0  }
0x65: {  	s8 =	sadd.s32 @!p0 s5, s1;
	s23 =	simm.s32 @!p0 $0x0;
	[sflag:s18] =	ssyncadd.s32 $0xFFFFC000  }
0x66: {  	[tilespmem:s19], [sflag:$0x2] =	stream.linear.gather @!p0 [hbm4b:s8+s23], $0x200, $0x38;
	[tilespmem:$0x1C700] =	vst v63  }
0x67: {  	_ =	swait.ge @!p0 [sflag:s22], $0x200  }
0x68: {  	[sflag:s22] =	ssyncset.done @!p0 $0x0  }
0x69: {  	s1 =	sadd.s32 @!p0 s6, s1;
	s8 =	sor.u32 @!p0 $0x400, s19;
	[sflag:s22] =	ssyncadd.s32 @!p0 $0xFFFFFE00  }
0x6a: {  	[tilespmem:s8], [sflag:$0x2] =	stream.linear.gather @!p0 [hbm4b:s1+s23], $0x200, $0x38;
	[tilespmem:$0x1C700] =	vst v63  }
0x6b: {  	_ =	swait.ge @!p0 [sflag:s22], $0x200  }
0x6c: {  	[sflag:s22] =	ssyncset.done @!p0 $0x0  }
0x6d: {  	[sflag:s22] =	ssyncadd.s32 @!p0 $0xFFFFFE00  }
0x6e: {  	_ =	swait.ge [sflag:s21], $0x4000  }
0x6f: {  	s0 =	sor.u32 s31, s0;
	s24 =	sand.u32 $0xE00, s24;
	[sflag:s21] =	ssyncset.done $0x0  }
0x70: {  	s25 =	sxor.u32 $0x4800, s30;
	s1 =	sshrl.u32 s24, $0x2;
	[sflag:s21] =	ssyncadd.s32 $0xFFFFC000  }
0x71: {  	[tilespmem:s25], [sflag:$0x1] =	stream.indirect.gather [hbm4b:s4+s20], $0x80, s1, s20, $0xb8;
	[tilespmem:$0x1C700] =	vst v63  }
0x72: {  	s26 =	sor.u32 $0x800, s30;
	s0 =	sor.u32 $0x400, s0  }
0x73: {  	[spmem:s2] =	stream.indirect.scatter.add.f32 [tilespmem:s26], [sflag:$0x2], $0x80, s0, s20, $0xb8;
	[tilespmem:$0x1C700] =	vst v63  }
0x74: {  	_ =	swait.ge [sflag:s18], $0x4000  }
0x75: {  	[sflag:s18] =	ssyncset.done $0x0  }
0x76: {  	[sflag:s18] =	ssyncadd.s32 $0xFFFFC000  }
0x77: {  	_ =	swait.ge [sflag:s21], $0x4000  }
0x78: {  	[sflag:s21] =	ssyncset.done $0x0  }
0x79: {  	s28 =	simm.s32 $0x780;
	s29 =	simm.s32 $0x4800;
	[sflag:s21] =	ssyncadd.s32 $0xFFFFC000  }
0x7a: {  	[spmem:s2] =	stream.indirect.scatter.add.f32 [tilespmem:s29], [sflag:$0x2], $0x80, s28, s20, $0xb8;
	[tilespmem:$0x1C700] =	vst v63  }
0x7b: {  	s30 =	stileid.u32;
	_ =	swait.ge [sflag:s18], $0x4000  }
0x7c: {  	s31 =	sshrl.u32 s7, $0x3;
	s3 =	sadd.s32 $0x1, s3;
	[sflag:s18] =	ssyncset.done $0x0  }
0x7d: {  	p0 =	sne.s32 s3, s16;
	s0 =	sshll.u32 s30, $0x6;
	[sflag:s18] =	ssyncadd.s32 $0xFFFFC000  }
.Ltmp2:
0x7e: {  	s0 =	sor.u32 $0x1C02, s0;
	[bflag:$0x0] =	sbarrier.arrive $0xFFFF;
	(pc) =	sbr.rel @p0 .LBB2_1-.Ltmp2, $4  }
0x7f: {  	[hbm:s15], [sflag:s0] =	dma.local [spmem:s31], $0x27E0  }
0x80: {  	_ =	swait.ge [sflag:s18], $0x27E0  }
0x81: {  	[sflag:s18] =	ssyncset.done $0x0  }
0x82: {  	[sflag:s18] =	ssyncadd.s32 $0xFFFFD820  }
0x83: {  	_ =	sfence.sel $0x180000  }
0x84: {  	[bflag:$0x0] =	sbarrier.arrive $0xFFFF  }
0x85: {  	_ =	strace $0x90000056  }
0x86: {  	s0 =	stileid.u32;
	[bflag:$0x2] =	sbarrier.arrive $0xFFFF  }
0x87: {  	p0 =	sne.s32 s0, $0x0;
	s0 =	rddreg [dreg:$0x2]  }
0x88: {  	s0 =	sadd.s32 @!p0 $0x100000, s0  }
0x89: {  	[sflag:s0] =	ssyncadd.tile.s32 @!p0 $0x1;
	_ =	shalt  }
.Lfunc_end2:
_tile_overlayer_lowered:
.L_overlay_start_2:
0x8a: {  	(tag) =	ssettag $0x2  }
0x8b: {  	s0 =	rddreg [dreg:$0x0];
	s2 =	stileid.u32  }
0x8c: {  	s1 =	rddreg [dreg:$0x1];
	p0 =	sne.s32 s2, $0x0  }
0x8d: {  	s3 =	rddreg [dreg:$0x2];
	[bflag:$0x3] =	sbarrier.arrive $0xFFFF;
	s2 =	simm.s32 @!p0 $0x1C02  }
0x8e: {  	[timem:s3], [sflag:s2] =	dma.local @!p0 [hbm:s0], s1  }
0x8f: {  	s0 =	simm.s32 @!p0 $0x2  }
0x90: {  	_ =	swait.ge @!p0 [sflag:s0], s1  }
0x91: {  	s1 =	ssub.s32 @!p0 $0x0, s1;
	[sflag:s0] =	ssyncset.done @!p0 $0x0  }
0x92: {  	[sflag:s0] =	ssyncadd.s32 @!p0 s1  }
0x93: {  	[bflag:$0x3] =	sbarrier.arrive $0xFFFF  }
0x94: {  	_ =	shalt  }

</sc_bundles>
